<compile_context>
chip_gen: v7x
topology: tpu7x:2x2x1
jax: 0.10.2.dev20260603
libtpu: 0.0.44.dev20260713+nightly
codegen_flags: <defaults>
</compile_context>

<pallas_src>
import functools

import jax
import jax.numpy as jnp
from jax import lax
from jax.experimental import pallas as pl
from jax.experimental.pallas import tpu as pltpu
from jax.experimental.pallas import tpu_sc as plsc

N = 16777216
NUM_BINS = 15
NC = 2
NS = 16
NW = NC * NS
LANES = 16
PER_W = N // NW
CHUNK = 16384
NCHUNK = PER_W // CHUNK
VREGS = CHUNK // LANES
PHASES = 8


def _sc_body(pred_hbm, conf_hbm, targ_hbm, out_hbm,
             conf0, conf1, pred0, pred1, targ0, targ1,
             acc_cc, acc_cnf, res_v,
             sem0, sem1):
    wid = lax.axis_index("s") * NC + lax.axis_index("c")
    base = wid * PER_W
    sems = (sem0, sem1)
    confs = (conf0, conf1)
    preds = (pred0, pred1)
    targs = (targ0, targ1)

    lane = lax.iota(jnp.int32, LANES)
    lane_j = [lane + j * (LANES * LANES) for j in range(PHASES)]
    zeros = jnp.zeros((LANES,), jnp.float32)
    zeros_i = jnp.zeros((LANES,), jnp.int32)

    for l in range(PHASES * LANES):
        acc_cc[pl.ds(l * LANES, LANES)] = zeros_i
        acc_cnf[pl.ds(l * LANES, LANES)] = zeros

    def start_chunk(k, slot):
        off = base + k * CHUNK
        pltpu.async_copy(conf_hbm.at[pl.ds(off, CHUNK)], confs[slot], sems[slot])
        pltpu.async_copy(pred_hbm.at[pl.ds(off, CHUNK)], preds[slot], sems[slot])
        pltpu.async_copy(targ_hbm.at[pl.ds(off, CHUNK)], targs[slot], sems[slot])

    def wait_chunk(k, slot):
        off = base + k * CHUNK
        pltpu.make_async_copy(conf_hbm.at[pl.ds(off, CHUNK)], confs[slot], sems[slot]).wait()
        pltpu.make_async_copy(pred_hbm.at[pl.ds(off, CHUNK)], preds[slot], sems[slot]).wait()
        pltpu.make_async_copy(targ_hbm.at[pl.ds(off, CHUNK)], targs[slot], sems[slot]).wait()

    def compute_chunk(slot):
        conf_r = confs[slot]
        pred_r = preds[slot]
        targ_r = targs[slot]

        @plsc.parallel_loop(0, VREGS, step=PHASES, unroll=8)
        def _inner(i):
            for j in range(PHASES):
                off = (i + j) * LANES
                conf = conf_r[pl.ds(off, LANES)]
                pred = pred_r[pl.ds(off, LANES)]
                targ = targ_r[pl.ds(off, LANES)]
                t = (conf * jnp.float32(NUM_BINS * LANES)).astype(jnp.int32)
                idx = (t & -LANES) | lane_j[j]
                cc = jnp.where(pred == targ, jnp.int32(65537), jnp.int32(65536))
                plsc.addupdate_scatter(acc_cc, [idx], cc)
                plsc.addupdate_scatter(acc_cnf, [idx], conf)

    start_chunk(0, 0)

    @pl.loop(0, NCHUNK // 2)
    def _outer(kk):
        for s in (0, 1):
            k = kk * 2 + s

            @pl.when(k + 1 < NCHUNK)
            def _():
                start_chunk(k + 1, 1 - s)

            wait_chunk(k, s)
            compute_chunk(s)

    TB = LANES * LANES
    for v in range(LANES):
        cc_tot = zeros_i
        cnf_tot = zeros
        for j in range(PHASES):
            cc_tot = cc_tot + acc_cc[pl.ds(j * TB + v * LANES, LANES)]
            cnf_tot = cnf_tot + acc_cnf[pl.ds(j * TB + v * LANES, LANES)]
        res_v[0, v, :] = (cc_tot >> 16).astype(jnp.float32)
        res_v[1, v, :] = (cc_tot & 0xFFFF).astype(jnp.float32)
        res_v[2, v, :] = cnf_tot
    pltpu.sync_copy(res_v, out_hbm.at[wid])


_TB = LANES * LANES
_sc_hist = functools.partial(
    pl.kernel,
    out_type=jax.ShapeDtypeStruct((NW, 3, LANES, LANES), jnp.float32),
    mesh=plsc.VectorSubcoreMesh(core_axis_name="c", subcore_axis_name="s", num_cores=NC, num_subcores=NS),
    compiler_params=pltpu.CompilerParams(needs_layout_passes=False),
    scratch_types=[
        pltpu.VMEM((CHUNK,), jnp.float32),
        pltpu.VMEM((CHUNK,), jnp.float32),
        pltpu.VMEM((CHUNK,), jnp.int32),
        pltpu.VMEM((CHUNK,), jnp.int32),
        pltpu.VMEM((CHUNK,), jnp.int32),
        pltpu.VMEM((CHUNK,), jnp.int32),
        pltpu.VMEM((PHASES * _TB,), jnp.int32),
        pltpu.VMEM((PHASES * _TB,), jnp.float32),
        pltpu.VMEM((3, LANES, LANES), jnp.float32),
        pltpu.SemaphoreType.DMA,
        pltpu.SemaphoreType.DMA,
    ],
)(_sc_body)


def _combine_body(p_ref, o_ref):
    p = p_ref[...]
    cnt = jnp.sum(p[:, 0, :, :], axis=(0, 2))
    cor = jnp.sum(p[:, 1, :, :], axis=(0, 2))
    cnf = jnp.sum(p[:, 2, :, :], axis=(0, 2))
    safe = jnp.maximum(cnt, 1.0)
    contrib = (cnt / jnp.float32(N)) * jnp.abs(cor / safe - cnf / safe)
    valid = (jnp.arange(LANES) < NUM_BINS) & (cnt > 0)
    ece = jnp.sum(jnp.where(valid, contrib, 0.0))
    o_ref[0, 0] = ece


def _combine(partials):
    return pl.pallas_call(
        _combine_body,
        out_shape=jax.ShapeDtypeStruct((1, 1), jnp.float32),
        out_specs=pl.BlockSpec(memory_space=pltpu.SMEM),
    )(partials)


def kernel(predictions, confidences, targets):
    partials = _sc_hist(predictions, confidences, targets)
    ece = _combine(partials)
    return ece[0, 0]

# --- scband reference (transcript-rebuilt; emitter-appended) ---
"""Pipeline reference for scband-calibration-loss-64596308132163 (READ-ONLY COPY).

The authoritative reference and input builder live on the scoring server;
editing this copy changes nothing except your own understanding.
"""

import jax, jax.numpy as jnp
import numpy as np

NUM_BINS = 15
N = 16777216
NUM_CLASSES = 1000


def setup_inputs(seed: int = 0) -> dict:
    key = jax.random.key(seed)
    k1, k2, k3 = jax.random.split(key, 3)
    predictions = jax.random.randint(k1, (N,), 0, NUM_CLASSES, dtype=jnp.int32)
    confidences = jax.random.uniform(k2, (N,), dtype=jnp.float32)
    targets = jax.random.randint(k3, (N,), 0, NUM_CLASSES, dtype=jnp.int32)
    return {"predictions": predictions, "confidences": confidences, "targets": targets}


def reference(predictions, confidences, targets):
    batch_size = predictions.shape[0]
    bin_boundaries = jnp.linspace(0.0, 1.0, NUM_BINS + 1)
    correct = (predictions == targets).astype(jnp.float32)
    ece = jnp.asarray(0.0, dtype=jnp.float32)
    for i in range(NUM_BINS):
        mask = (confidences >= bin_boundaries[i]) & (confidences < bin_boundaries[i + 1])
        maskf = mask.astype(jnp.float32)
        cnt = maskf.sum()
        safe = jnp.maximum(cnt, 1.0)
        bin_accuracy = (maskf * correct).sum() / safe
        bin_confidence = (maskf * confidences).sum() / safe
        contrib = (cnt / batch_size) * jnp.abs(bin_accuracy - bin_confidence)
        ece = ece + jnp.where(cnt > 0, contrib, 0.0)
    return ece

if __name__ == "__main__":
    import jax
    _d = setup_inputs()
    print(jax.jit(kernel)(*tuple(_d.values())))

</pallas_src>

<mosaic_0001>
#map = affine_map<(d0, d1) -> (0)>
#map1 = affine_map<(d0, d1) -> (0, 0, 0, 0)>
module attributes {stable_mosaic.version = 14 : i64} {
  func.func @_sc_body(%arg0: i32, %arg1: i32, %arg2: memref<16777216xi32, #tpu.memory_space<hbm>>, %arg3: memref<16777216xf32, #tpu.memory_space<hbm>>, %arg4: memref<16777216xi32, #tpu.memory_space<hbm>>, %arg5: memref<32x3x16x16xf32, #tpu.memory_space<hbm>>, %arg6: memref<16384xf32, #tpu.memory_space<vmem>>, %arg7: memref<16384xf32, #tpu.memory_space<vmem>>, %arg8: memref<16384xi32, #tpu.memory_space<vmem>>, %arg9: memref<16384xi32, #tpu.memory_space<vmem>>, %arg10: memref<16384xi32, #tpu.memory_space<vmem>>, %arg11: memref<16384xi32, #tpu.memory_space<vmem>>, %arg12: memref<2048xi32, #tpu.memory_space<vmem>>, %arg13: memref<2048xf32, #tpu.memory_space<vmem>>, %arg14: memref<3x16x16xf32, #tpu.memory_space<vmem>>, %arg15: memref<!tpu.dma_semaphore, #tpu.memory_space<semaphore_mem>>, %arg16: memref<!tpu.dma_semaphore, #tpu.memory_space<semaphore_mem>>) attributes {dimension_semantics = [#tpu.dimension_semantics<core_parallel>, #tpu.dimension_semantics<subcore_parallel>], iteration_bounds = array<i64: 2, 16>, scalar_prefetch = 0 : i64, scratch_operands = 11 : i64, tpu.core_type = #tpu.core_type<sc_vector_subcore>, window_params = [{transform_indices = #map}, {transform_indices = #map}, {transform_indices = #map}, {transform_indices = #map1}]} {
    %mul3A = arith.constant 2 : i32
    %mul3A_0 = arith.muli %arg1, %mul3A : i32
    %add3A = arith.addi %mul3A_0, %arg0 : i32
    %mul3A_1 = arith.constant 524288 : i32
    %mul3A_2 = arith.muli %add3A, %mul3A_1 : i32
    %iota3A = tpu.iota {dimensions = array<i32: 0>} : vector<16xi32>
    %add3A_3 = arith.constant 0 : i32
    %add3A_4 = vector.broadcast %add3A_3 : i32 to vector<16xi32>
    %add3A_5 = arith.addi %iota3A, %add3A_4 : vector<16xi32>
    %add3A_6 = arith.constant 256 : i32
    %add3A_7 = vector.broadcast %add3A_6 : i32 to vector<16xi32>
    %add3A_8 = arith.addi %iota3A, %add3A_7 : vector<16xi32>
    %add3A_9 = arith.constant 512 : i32
    %add3A_10 = vector.broadcast %add3A_9 : i32 to vector<16xi32>
    %add3A_11 = arith.addi %iota3A, %add3A_10 : vector<16xi32>
    %add3A_12 = arith.constant 768 : i32
    %add3A_13 = vector.broadcast %add3A_12 : i32 to vector<16xi32>
    %add3A_14 = arith.addi %iota3A, %add3A_13 : vector<16xi32>
    %add3A_15 = arith.constant 1024 : i32
    %add3A_16 = vector.broadcast %add3A_15 : i32 to vector<16xi32>
    %add3A_17 = arith.addi %iota3A, %add3A_16 : vector<16xi32>
    %add3A_18 = arith.constant 1280 : i32
    %add3A_19 = vector.broadcast %add3A_18 : i32 to vector<16xi32>
    %add3A_20 = arith.addi %iota3A, %add3A_19 : vector<16xi32>
    %add3A_21 = arith.constant 1536 : i32
    %add3A_22 = vector.broadcast %add3A_21 : i32 to vector<16xi32>
    %add3A_23 = arith.addi %iota3A, %add3A_22 : vector<16xi32>
    %add3A_24 = arith.constant 1792 : i32
    %add3A_25 = vector.broadcast %add3A_24 : i32 to vector<16xi32>
    %add3A_26 = arith.addi %iota3A, %add3A_25 : vector<16xi32>
    %broadcast_in_dim3A = arith.constant 0.000000e+00 : f32
    %broadcast_in_dim3A_27 = vector.broadcast %broadcast_in_dim3A : f32 to vector<16xf32>
    %broadcast_in_dim3A_28 = arith.constant 0 : i32
    %broadcast_in_dim3A_29 = vector.broadcast %broadcast_in_dim3A_28 : i32 to vector<16xi32>
    %swap3A = arith.constant 0 : index
    %swap3A_30 = tpu.vector_load %arg12[%swap3A] {strides = array<i32>} : memref<2048xi32, #tpu.memory_space<vmem>>, vector<16xi32>,
    tpu.vector_store %arg12[%swap3A], %broadcast_in_dim3A_29 {strides = array<i32>} : memref<2048xi32, #tpu.memory_space<vmem>>, vector<16xi32>,
    %swap3A_31 = arith.constant 0 : index
    %swap3A_32 = tpu.vector_load %arg13[%swap3A_31] {strides = array<i32>} : memref<2048xf32, #tpu.memory_space<vmem>>, vector<16xf32>,
    tpu.vector_store %arg13[%swap3A_31], %broadcast_in_dim3A_27 {strides = array<i32>} : memref<2048xf32, #tpu.memory_space<vmem>>, vector<16xf32>,
    %swap3A_33 = arith.constant 16 : index
    %swap3A_34 = tpu.vector_load %arg12[%swap3A_33] {strides = array<i32>} : memref<2048xi32, #tpu.memory_space<vmem>>, vector<16xi32>,
    tpu.vector_store %arg12[%swap3A_33], %broadcast_in_dim3A_29 {strides = array<i32>} : memref<2048xi32, #tpu.memory_space<vmem>>, vector<16xi32>,
    %swap3A_35 = arith.constant 16 : index
    %swap3A_36 = tpu.vector_load %arg13[%swap3A_35] {strides = array<i32>} : memref<2048xf32, #tpu.memory_space<vmem>>, vector<16xf32>,
    tpu.vector_store %arg13[%swap3A_35], %broadcast_in_dim3A_27 {strides = array<i32>} : memref<2048xf32, #tpu.memory_space<vmem>>, vector<16xf32>,
    %swap3A_37 = arith.constant 32 : index
    %swap3A_38 = tpu.vector_load %arg12[%swap3A_37] {strides = array<i32>} : memref<2048xi32, #tpu.memory_space<vmem>>, vector<16xi32>,
    tpu.vector_store %arg12[%swap3A_37], %broadcast_in_dim3A_29 {strides = array<i32>} : memref<2048xi32, #tpu.memory_space<vmem>>, vector<16xi32>,
    %swap3A_39 = arith.constant 32 : index
    %swap3A_40 = tpu.vector_load %arg13[%swap3A_39] {strides = array<i32>} : memref<2048xf32, #tpu.memory_space<vmem>>, vector<16xf32>,
    tpu.vector_store %arg13[%swap3A_39], %broadcast_in_dim3A_27 {strides = array<i32>} : memref<2048xf32, #tpu.memory_space<vmem>>, vector<16xf32>,
    %swap3A_41 = arith.constant 48 : index
    %swap3A_42 = tpu.vector_load %arg12[%swap3A_41] {strides = array<i32>} : memref<2048xi32, #tpu.memory_space<vmem>>, vector<16xi32>,
    tpu.vector_store %arg12[%swap3A_41], %broadcast_in_dim3A_29 {strides = array<i32>} : memref<2048xi32, #tpu.memory_space<vmem>>, vector<16xi32>,
    %swap3A_43 = arith.constant 48 : index
    %swap3A_44 = tpu.vector_load %arg13[%swap3A_43] {strides = array<i32>} : memref<2048xf32, #tpu.memory_space<vmem>>, vector<16xf32>,
    tpu.vector_store %arg13[%swap3A_43], %broadcast_in_dim3A_27 {strides = array<i32>} : memref<2048xf32, #tpu.memory_space<vmem>>, vector<16xf32>,
    %swap3A_45 = arith.constant 64 : index
    %swap3A_46 = tpu.vector_load %arg12[%swap3A_45] {strides = array<i32>} : memref<2048xi32, #tpu.memory_space<vmem>>, vector<16xi32>,
    tpu.vector_store %arg12[%swap3A_45], %broadcast_in_dim3A_29 {strides = array<i32>} : memref<2048xi32, #tpu.memory_space<vmem>>, vector<16xi32>,
    %swap3A_47 = arith.constant 64 : index
    %swap3A_48 = tpu.vector_load %arg13[%swap3A_47] {strides = array<i32>} : memref<2048xf32, #tpu.memory_space<vmem>>, vector<16xf32>,
    tpu.vector_store %arg13[%swap3A_47], %broadcast_in_dim3A_27 {strides = array<i32>} : memref<2048xf32, #tpu.memory_space<vmem>>, vector<16xf32>,
    %swap3A_49 = arith.constant 80 : index
    %swap3A_50 = tpu.vector_load %arg12[%swap3A_49] {strides = array<i32>} : memref<2048xi32, #tpu.memory_space<vmem>>, vector<16xi32>,
    tpu.vector_store %arg12[%swap3A_49], %broadcast_in_dim3A_29 {strides = array<i32>} : memref<2048xi32, #tpu.memory_space<vmem>>, vector<16xi32>,
    %swap3A_51 = arith.constant 80 : index
    %swap3A_52 = tpu.vector_load %arg13[%swap3A_51] {strides = array<i32>} : memref<2048xf32, #tpu.memory_space<vmem>>, vector<16xf32>,
    tpu.vector_store %arg13[%swap3A_51], %broadcast_in_dim3A_27 {strides = array<i32>} : memref<2048xf32, #tpu.memory_space<vmem>>, vector<16xf32>,
    %swap3A_53 = arith.constant 96 : index
    %swap3A_54 = tpu.vector_load %arg12[%swap3A_53] {strides = array<i32>} : memref<2048xi32, #tpu.memory_space<vmem>>, vector<16xi32>,
    tpu.vector_store %arg12[%swap3A_53], %broadcast_in_dim3A_29 {strides = array<i32>} : memref<2048xi32, #tpu.memory_space<vmem>>, vector<16xi32>,
    %swap3A_55 = arith.constant 96 : index
    %swap3A_56 = tpu.vector_load %arg13[%swap3A_55] {strides = array<i32>} : memref<2048xf32, #tpu.memory_space<vmem>>, vector<16xf32>,
    tpu.vector_store %arg13[%swap3A_55], %broadcast_in_dim3A_27 {strides = array<i32>} : memref<2048xf32, #tpu.memory_space<vmem>>, vector<16xf32>,
    %swap3A_57 = arith.constant 112 : index
    %swap3A_58 = tpu.vector_load %arg12[%swap3A_57] {strides = array<i32>} : memref<2048xi32, #tpu.memory_space<vmem>>, vector<16xi32>,
    tpu.vector_store %arg12[%swap3A_57], %broadcast_in_dim3A_29 {strides = array<i32>} : memref<2048xi32, #tpu.memory_space<vmem>>, vector<16xi32>,
    %swap3A_59 = arith.constant 112 : index
    %swap3A_60 = tpu.vector_load %arg13[%swap3A_59] {strides = array<i32>} : memref<2048xf32, #tpu.memory_space<vmem>>, vector<16xf32>,
    tpu.vector_store %arg13[%swap3A_59], %broadcast_in_dim3A_27 {strides = array<i32>} : memref<2048xf32, #tpu.memory_space<vmem>>, vector<16xf32>,
    %swap3A_61 = arith.constant 128 : index
    %swap3A_62 = tpu.vector_load %arg12[%swap3A_61] {strides = array<i32>} : memref<2048xi32, #tpu.memory_space<vmem>>, vector<16xi32>,
    tpu.vector_store %arg12[%swap3A_61], %broadcast_in_dim3A_29 {strides = array<i32>} : memref<2048xi32, #tpu.memory_space<vmem>>, vector<16xi32>,
    %swap3A_63 = arith.constant 128 : index
    %swap3A_64 = tpu.vector_load %arg13[%swap3A_63] {strides = array<i32>} : memref<2048xf32, #tpu.memory_space<vmem>>, vector<16xf32>,
    tpu.vector_store %arg13[%swap3A_63], %broadcast_in_dim3A_27 {strides = array<i32>} : memref<2048xf32, #tpu.memory_space<vmem>>, vector<16xf32>,
    %swap3A_65 = arith.constant 144 : index
    %swap3A_66 = tpu.vector_load %arg12[%swap3A_65] {strides = array<i32>} : memref<2048xi32, #tpu.memory_space<vmem>>, vector<16xi32>,
    tpu.vector_store %arg12[%swap3A_65], %broadcast_in_dim3A_29 {strides = array<i32>} : memref<2048xi32, #tpu.memory_space<vmem>>, vector<16xi32>,
    %swap3A_67 = arith.constant 144 : index
    %swap3A_68 = tpu.vector_load %arg13[%swap3A_67] {strides = array<i32>} : memref<2048xf32, #tpu.memory_space<vmem>>, vector<16xf32>,
    tpu.vector_store %arg13[%swap3A_67], %broadcast_in_dim3A_27 {strides = array<i32>} : memref<2048xf32, #tpu.memory_space<vmem>>, vector<16xf32>,
    %swap3A_69 = arith.constant 160 : index
    %swap3A_70 = tpu.vector_load %arg12[%swap3A_69] {strides = array<i32>} : memref<2048xi32, #tpu.memory_space<vmem>>, vector<16xi32>,
    tpu.vector_store %arg12[%swap3A_69], %broadcast_in_dim3A_29 {strides = array<i32>} : memref<2048xi32, #tpu.memory_space<vmem>>, vector<16xi32>,
    %swap3A_71 = arith.constant 160 : index
    %swap3A_72 = tpu.vector_load %arg13[%swap3A_71] {strides = array<i32>} : memref<2048xf32, #tpu.memory_space<vmem>>, vector<16xf32>,
    tpu.vector_store %arg13[%swap3A_71], %broadcast_in_dim3A_27 {strides = array<i32>} : memref<2048xf32, #tpu.memory_space<vmem>>, vector<16xf32>,
    %swap3A_73 = arith.constant 176 : index
    %swap3A_74 = tpu.vector_load %arg12[%swap3A_73] {strides = array<i32>} : memref<2048xi32, #tpu.memory_space<vmem>>, vector<16xi32>,
    tpu.vector_store %arg12[%swap3A_73], %broadcast_in_dim3A_29 {strides = array<i32>} : memref<2048xi32, #tpu.memory_space<vmem>>, vector<16xi32>,
    %swap3A_75 = arith.constant 176 : index
    %swap3A_76 = tpu.vector_load %arg13[%swap3A_75] {strides = array<i32>} : memref<2048xf32, #tpu.memory_space<vmem>>, vector<16xf32>,
    tpu.vector_store %arg13[%swap3A_75], %broadcast_in_dim3A_27 {strides = array<i32>} : memref<2048xf32, #tpu.memory_space<vmem>>, vector<16xf32>,
    %swap3A_77 = arith.constant 192 : index
    %swap3A_78 = tpu.vector_load %arg12[%swap3A_77] {strides = array<i32>} : memref<2048xi32, #tpu.memory_space<vmem>>, vector<16xi32>,
    tpu.vector_store %arg12[%swap3A_77], %broadcast_in_dim3A_29 {strides = array<i32>} : memref<2048xi32, #tpu.memory_space<vmem>>, vector<16xi32>,
    %swap3A_79 = arith.constant 192 : index
    %swap3A_80 = tpu.vector_load %arg13[%swap3A_79] {strides = array<i32>} : memref<2048xf32, #tpu.memory_space<vmem>>, vector<16xf32>,
    tpu.vector_store %arg13[%swap3A_79], %broadcast_in_dim3A_27 {strides = array<i32>} : memref<2048xf32, #tpu.memory_space<vmem>>, vector<16xf32>,
    %swap3A_81 = arith.constant 208 : index
    %swap3A_82 = tpu.vector_load %arg12[%swap3A_81] {strides = array<i32>} : memref<2048xi32, #tpu.memory_space<vmem>>, vector<16xi32>,
    tpu.vector_store %arg12[%swap3A_81], %broadcast_in_dim3A_29 {strides = array<i32>} : memref<2048xi32, #tpu.memory_space<vmem>>, vector<16xi32>,
    %swap3A_83 = arith.constant 208 : index
    %swap3A_84 = tpu.vector_load %arg13[%swap3A_83] {strides = array<i32>} : memref<2048xf32, #tpu.memory_space<vmem>>, vector<16xf32>,
    tpu.vector_store %arg13[%swap3A_83], %broadcast_in_dim3A_27 {strides = array<i32>} : memref<2048xf32, #tpu.memory_space<vmem>>, vector<16xf32>,
    %swap3A_85 = arith.constant 224 : index
    %swap3A_86 = tpu.vector_load %arg12[%swap3A_85] {strides = array<i32>} : memref<2048xi32, #tpu.memory_space<vmem>>, vector<16xi32>,
    tpu.vector_store %arg12[%swap3A_85], %broadcast_in_dim3A_29 {strides = array<i32>} : memref<2048xi32, #tpu.memory_space<vmem>>, vector<16xi32>,
    %swap3A_87 = arith.constant 224 : index
    %swap3A_88 = tpu.vector_load %arg13[%swap3A_87] {strides = array<i32>} : memref<2048xf32, #tpu.memory_space<vmem>>, vector<16xf32>,
    tpu.vector_store %arg13[%swap3A_87], %broadcast_in_dim3A_27 {strides = array<i32>} : memref<2048xf32, #tpu.memory_space<vmem>>, vector<16xf32>,
    %swap3A_89 = arith.constant 240 : index
    %swap3A_90 = tpu.vector_load %arg12[%swap3A_89] {strides = array<i32>} : memref<2048xi32, #tpu.memory_space<vmem>>, vector<16xi32>,
    tpu.vector_store %arg12[%swap3A_89], %broadcast_in_dim3A_29 {strides = array<i32>} : memref<2048xi32, #tpu.memory_space<vmem>>, vector<16xi32>,
    %swap3A_91 = arith.constant 240 : index
    %swap3A_92 = tpu.vector_load %arg13[%swap3A_91] {strides = array<i32>} : memref<2048xf32, #tpu.memory_space<vmem>>, vector<16xf32>,
    tpu.vector_store %arg13[%swap3A_91], %broadcast_in_dim3A_27 {strides = array<i32>} : memref<2048xf32, #tpu.memory_space<vmem>>, vector<16xf32>,
    %swap3A_93 = arith.constant 256 : index
    %swap3A_94 = tpu.vector_load %arg12[%swap3A_93] {strides = array<i32>} : memref<2048xi32, #tpu.memory_space<vmem>>, vector<16xi32>,
    tpu.vector_store %arg12[%swap3A_93], %broadcast_in_dim3A_29 {strides = array<i32>} : memref<2048xi32, #tpu.memory_space<vmem>>, vector<16xi32>,
    %swap3A_95 = arith.constant 256 : index
    %swap3A_96 = tpu.vector_load %arg13[%swap3A_95] {strides = array<i32>} : memref<2048xf32, #tpu.memory_space<vmem>>, vector<16xf32>,
    tpu.vector_store %arg13[%swap3A_95], %broadcast_in_dim3A_27 {strides = array<i32>} : memref<2048xf32, #tpu.memory_space<vmem>>, vector<16xf32>,
    %swap3A_97 = arith.constant 272 : index
    %swap3A_98 = tpu.vector_load %arg12[%swap3A_97] {strides = array<i32>} : memref<2048xi32, #tpu.memory_space<vmem>>, vector<16xi32>,
    tpu.vector_store %arg12[%swap3A_97], %broadcast_in_dim3A_29 {strides = array<i32>} : memref<2048xi32, #tpu.memory_space<vmem>>, vector<16xi32>,
    %swap3A_99 = arith.constant 272 : index
    %swap3A_100 = tpu.vector_load %arg13[%swap3A_99] {strides = array<i32>} : memref<2048xf32, #tpu.memory_space<vmem>>, vector<16xf32>,
    tpu.vector_store %arg13[%swap3A_99], %broadcast_in_dim3A_27 {strides = array<i32>} : memref<2048xf32, #tpu.memory_space<vmem>>, vector<16xf32>,
    %swap3A_101 = arith.constant 288 : index
    %swap3A_102 = tpu.vector_load %arg12[%swap3A_101] {strides = array<i32>} : memref<2048xi32, #tpu.memory_space<vmem>>, vector<16xi32>,
    tpu.vector_store %arg12[%swap3A_101], %broadcast_in_dim3A_29 {strides = array<i32>} : memref<2048xi32, #tpu.memory_space<vmem>>, vector<16xi32>,
    %swap3A_103 = arith.constant 288 : index
    %swap3A_104 = tpu.vector_load %arg13[%swap3A_103] {strides = array<i32>} : memref<2048xf32, #tpu.memory_space<vmem>>, vector<16xf32>,
    tpu.vector_store %arg13[%swap3A_103], %broadcast_in_dim3A_27 {strides = array<i32>} : memref<2048xf32, #tpu.memory_space<vmem>>, vector<16xf32>,
    %swap3A_105 = arith.constant 304 : index
    %swap3A_106 = tpu.vector_load %arg12[%swap3A_105] {strides = array<i32>} : memref<2048xi32, #tpu.memory_space<vmem>>, vector<16xi32>,
    tpu.vector_store %arg12[%swap3A_105], %broadcast_in_dim3A_29 {strides = array<i32>} : memref<2048xi32, #tpu.memory_space<vmem>>, vector<16xi32>,
    %swap3A_107 = arith.constant 304 : index
    %swap3A_108 = tpu.vector_load %arg13[%swap3A_107] {strides = array<i32>} : memref<2048xf32, #tpu.memory_space<vmem>>, vector<16xf32>,
    tpu.vector_store %arg13[%swap3A_107], %broadcast_in_dim3A_27 {strides = array<i32>} : memref<2048xf32, #tpu.memory_space<vmem>>, vector<16xf32>,
    %swap3A_109 = arith.constant 320 : index
    %swap3A_110 = tpu.vector_load %arg12[%swap3A_109] {strides = array<i32>} : memref<2048xi32, #tpu.memory_space<vmem>>, vector<16xi32>,
    tpu.vector_store %arg12[%swap3A_109], %broadcast_in_dim3A_29 {strides = array<i32>} : memref<2048xi32, #tpu.memory_space<vmem>>, vector<16xi32>,
    %swap3A_111 = arith.constant 320 : index
    %swap3A_112 = tpu.vector_load %arg13[%swap3A_111] {strides = array<i32>} : memref<2048xf32, #tpu.memory_space<vmem>>, vector<16xf32>,
    tpu.vector_store %arg13[%swap3A_111], %broadcast_in_dim3A_27 {strides = array<i32>} : memref<2048xf32, #tpu.memory_space<vmem>>, vector<16xf32>,
    %swap3A_113 = arith.constant 336 : index
    %swap3A_114 = tpu.vector_load %arg12[%swap3A_113] {strides = array<i32>} : memref<2048xi32, #tpu.memory_space<vmem>>, vector<16xi32>,
    tpu.vector_store %arg12[%swap3A_113], %broadcast_in_dim3A_29 {strides = array<i32>} : memref<2048xi32, #tpu.memory_space<vmem>>, vector<16xi32>,
    %swap3A_115 = arith.constant 336 : index
    %swap3A_116 = tpu.vector_load %arg13[%swap3A_115] {strides = array<i32>} : memref<2048xf32, #tpu.memory_space<vmem>>, vector<16xf32>,
    tpu.vector_store %arg13[%swap3A_115], %broadcast_in_dim3A_27 {strides = array<i32>} : memref<2048xf32, #tpu.memory_space<vmem>>, vector<16xf32>,
    %swap3A_117 = arith.constant 352 : index
    %swap3A_118 = tpu.vector_load %arg12[%swap3A_117] {strides = array<i32>} : memref<2048xi32, #tpu.memory_space<vmem>>, vector<16xi32>,
    tpu.vector_store %arg12[%swap3A_117], %broadcast_in_dim3A_29 {strides = array<i32>} : memref<2048xi32, #tpu.memory_space<vmem>>, vector<16xi32>,
    %swap3A_119 = arith.constant 352 : index
    %swap3A_120 = tpu.vector_load %arg13[%swap3A_119] {strides = array<i32>} : memref<2048xf32, #tpu.memory_space<vmem>>, vector<16xf32>,
    tpu.vector_store %arg13[%swap3A_119], %broadcast_in_dim3A_27 {strides = array<i32>} : memref<2048xf32, #tpu.memory_space<vmem>>, vector<16xf32>,
    %swap3A_121 = arith.constant 368 : index
    %swap3A_122 = tpu.vector_load %arg12[%swap3A_121] {strides = array<i32>} : memref<2048xi32, #tpu.memory_space<vmem>>, vector<16xi32>,
    tpu.vector_store %arg12[%swap3A_121], %broadcast_in_dim3A_29 {strides = array<i32>} : memref<2048xi32, #tpu.memory_space<vmem>>, vector<16xi32>,
    %swap3A_123 = arith.constant 368 : index
    %swap3A_124 = tpu.vector_load %arg13[%swap3A_123] {strides = array<i32>} : memref<2048xf32, #tpu.memory_space<vmem>>, vector<16xf32>,
    tpu.vector_store %arg13[%swap3A_123], %broadcast_in_dim3A_27 {strides = array<i32>} : memref<2048xf32, #tpu.memory_space<vmem>>, vector<16xf32>,
    %swap3A_125 = arith.constant 384 : index
    %swap3A_126 = tpu.vector_load %arg12[%swap3A_125] {strides = array<i32>} : memref<2048xi32, #tpu.memory_space<vmem>>, vector<16xi32>,
    tpu.vector_store %arg12[%swap3A_125], %broadcast_in_dim3A_29 {strides = array<i32>} : memref<2048xi32, #tpu.memory_space<vmem>>, vector<16xi32>,
    %swap3A_127 = arith.constant 384 : index
    %swap3A_128 = tpu.vector_load %arg13[%swap3A_127] {strides = array<i32>} : memref<2048xf32, #tpu.memory_space<vmem>>, vector<16xf32>,
    tpu.vector_store %arg13[%swap3A_127], %broadcast_in_dim3A_27 {strides = array<i32>} : memref<2048xf32, #tpu.memory_space<vmem>>, vector<16xf32>,
    %swap3A_129 = arith.constant 400 : index
    %swap3A_130 = tpu.vector_load %arg12[%swap3A_129] {strides = array<i32>} : memref<2048xi32, #tpu.memory_space<vmem>>, vector<16xi32>,
    tpu.vector_store %arg12[%swap3A_129], %broadcast_in_dim3A_29 {strides = array<i32>} : memref<2048xi32, #tpu.memory_space<vmem>>, vector<16xi32>,
    %swap3A_131 = arith.constant 400 : index
    %swap3A_132 = tpu.vector_load %arg13[%swap3A_131] {strides = array<i32>} : memref<2048xf32, #tpu.memory_space<vmem>>, vector<16xf32>,
    tpu.vector_store %arg13[%swap3A_131], %broadcast_in_dim3A_27 {strides = array<i32>} : memref<2048xf32, #tpu.memory_space<vmem>>, vector<16xf32>,
    %swap3A_133 = arith.constant 416 : index
    %swap3A_134 = tpu.vector_load %arg12[%swap3A_133] {strides = array<i32>} : memref<2048xi32, #tpu.memory_space<vmem>>, vector<16xi32>,
    tpu.vector_store %arg12[%swap3A_133], %broadcast_in_dim3A_29 {strides = array<i32>} : memref<2048xi32, #tpu.memory_space<vmem>>, vector<16xi32>,
    %swap3A_135 = arith.constant 416 : index
    %swap3A_136 = tpu.vector_load %arg13[%swap3A_135] {strides = array<i32>} : memref<2048xf32, #tpu.memory_space<vmem>>, vector<16xf32>,
    tpu.vector_store %arg13[%swap3A_135], %broadcast_in_dim3A_27 {strides = array<i32>} : memref<2048xf32, #tpu.memory_space<vmem>>, vector<16xf32>,
    %swap3A_137 = arith.constant 432 : index
    %swap3A_138 = tpu.vector_load %arg12[%swap3A_137] {strides = array<i32>} : memref<2048xi32, #tpu.memory_space<vmem>>, vector<16xi32>,
    tpu.vector_store %arg12[%swap3A_137], %broadcast_in_dim3A_29 {strides = array<i32>} : memref<2048xi32, #tpu.memory_space<vmem>>, vector<16xi32>,
    %swap3A_139 = arith.constant 432 : index
    %swap3A_140 = tpu.vector_load %arg13[%swap3A_139] {strides = array<i32>} : memref<2048xf32, #tpu.memory_space<vmem>>, vector<16xf32>,
    tpu.vector_store %arg13[%swap3A_139], %broadcast_in_dim3A_27 {strides = array<i32>} : memref<2048xf32, #tpu.memory_space<vmem>>, vector<16xf32>,
    %swap3A_141 = arith.constant 448 : index
    %swap3A_142 = tpu.vector_load %arg12[%swap3A_141] {strides = array<i32>} : memref<2048xi32, #tpu.memory_space<vmem>>, vector<16xi32>,
    tpu.vector_store %arg12[%swap3A_141], %broadcast_in_dim3A_29 {strides = array<i32>} : memref<2048xi32, #tpu.memory_space<vmem>>, vector<16xi32>,
    %swap3A_143 = arith.constant 448 : index
    %swap3A_144 = tpu.vector_load %arg13[%swap3A_143] {strides = array<i32>} : memref<2048xf32, #tpu.memory_space<vmem>>, vector<16xf32>,
    tpu.vector_store %arg13[%swap3A_143], %broadcast_in_dim3A_27 {strides = array<i32>} : memref<2048xf32, #tpu.memory_space<vmem>>, vector<16xf32>,
    %swap3A_145 = arith.constant 464 : index
    %swap3A_146 = tpu.vector_load %arg12[%swap3A_145] {strides = array<i32>} : memref<2048xi32, #tpu.memory_space<vmem>>, vector<16xi32>,
    tpu.vector_store %arg12[%swap3A_145], %broadcast_in_dim3A_29 {strides = array<i32>} : memref<2048xi32, #tpu.memory_space<vmem>>, vector<16xi32>,
    %swap3A_147 = arith.constant 464 : index
    %swap3A_148 = tpu.vector_load %arg13[%swap3A_147] {strides = array<i32>} : memref<2048xf32, #tpu.memory_space<vmem>>, vector<16xf32>,
    tpu.vector_store %arg13[%swap3A_147], %broadcast_in_dim3A_27 {strides = array<i32>} : memref<2048xf32, #tpu.memory_space<vmem>>, vector<16xf32>,
    %swap3A_149 = arith.constant 480 : index
    %swap3A_150 = tpu.vector_load %arg12[%swap3A_149] {strides = array<i32>} : memref<2048xi32, #tpu.memory_space<vmem>>, vector<16xi32>,
    tpu.vector_store %arg12[%swap3A_149], %broadcast_in_dim3A_29 {strides = array<i32>} : memref<2048xi32, #tpu.memory_space<vmem>>, vector<16xi32>,
    %swap3A_151 = arith.constant 480 : index
    %swap3A_152 = tpu.vector_load %arg13[%swap3A_151] {strides = array<i32>} : memref<2048xf32, #tpu.memory_space<vmem>>, vector<16xf32>,
    tpu.vector_store %arg13[%swap3A_151], %broadcast_in_dim3A_27 {strides = array<i32>} : memref<2048xf32, #tpu.memory_space<vmem>>, vector<16xf32>,
    %swap3A_153 = arith.constant 496 : index
    %swap3A_154 = tpu.vector_load %arg12[%swap3A_153] {strides = array<i32>} : memref<2048xi32, #tpu.memory_space<vmem>>, vector<16xi32>,
    tpu.vector_store %arg12[%swap3A_153], %broadcast_in_dim3A_29 {strides = array<i32>} : memref<2048xi32, #tpu.memory_space<vmem>>, vector<16xi32>,
    %swap3A_155 = arith.constant 496 : index
    %swap3A_156 = tpu.vector_load %arg13[%swap3A_155] {strides = array<i32>} : memref<2048xf32, #tpu.memory_space<vmem>>, vector<16xf32>,
    tpu.vector_store %arg13[%swap3A_155], %broadcast_in_dim3A_27 {strides = array<i32>} : memref<2048xf32, #tpu.memory_space<vmem>>, vector<16xf32>,
    %swap3A_157 = arith.constant 512 : index
    %swap3A_158 = tpu.vector_load %arg12[%swap3A_157] {strides = array<i32>} : memref<2048xi32, #tpu.memory_space<vmem>>, vector<16xi32>,
    tpu.vector_store %arg12[%swap3A_157], %broadcast_in_dim3A_29 {strides = array<i32>} : memref<2048xi32, #tpu.memory_space<vmem>>, vector<16xi32>,
    %swap3A_159 = arith.constant 512 : index
    %swap3A_160 = tpu.vector_load %arg13[%swap3A_159] {strides = array<i32>} : memref<2048xf32, #tpu.memory_space<vmem>>, vector<16xf32>,
    tpu.vector_store %arg13[%swap3A_159], %broadcast_in_dim3A_27 {strides = array<i32>} : memref<2048xf32, #tpu.memory_space<vmem>>, vector<16xf32>,
    %swap3A_161 = arith.constant 528 : index
    %swap3A_162 = tpu.vector_load %arg12[%swap3A_161] {strides = array<i32>} : memref<2048xi32, #tpu.memory_space<vmem>>, vector<16xi32>,
    tpu.vector_store %arg12[%swap3A_161], %broadcast_in_dim3A_29 {strides = array<i32>} : memref<2048xi32, #tpu.memory_space<vmem>>, vector<16xi32>,
    %swap3A_163 = arith.constant 528 : index
    %swap3A_164 = tpu.vector_load %arg13[%swap3A_163] {strides = array<i32>} : memref<2048xf32, #tpu.memory_space<vmem>>, vector<16xf32>,
    tpu.vector_store %arg13[%swap3A_163], %broadcast_in_dim3A_27 {strides = array<i32>} : memref<2048xf32, #tpu.memory_space<vmem>>, vector<16xf32>,
    %swap3A_165 = arith.constant 544 : index
    %swap3A_166 = tpu.vector_load %arg12[%swap3A_165] {strides = array<i32>} : memref<2048xi32, #tpu.memory_space<vmem>>, vector<16xi32>,
    tpu.vector_store %arg12[%swap3A_165], %broadcast_in_dim3A_29 {strides = array<i32>} : memref<2048xi32, #tpu.memory_space<vmem>>, vector<16xi32>,
    %swap3A_167 = arith.constant 544 : index
    %swap3A_168 = tpu.vector_load %arg13[%swap3A_167] {strides = array<i32>} : memref<2048xf32, #tpu.memory_space<vmem>>, vector<16xf32>,
    tpu.vector_store %arg13[%swap3A_167], %broadcast_in_dim3A_27 {strides = array<i32>} : memref<2048xf32, #tpu.memory_space<vmem>>, vector<16xf32>,
    %swap3A_169 = arith.constant 560 : index
    %swap3A_170 = tpu.vector_load %arg12[%swap3A_169] {strides = array<i32>} : memref<2048xi32, #tpu.memory_space<vmem>>, vector<16xi32>,
    tpu.vector_store %arg12[%swap3A_169], %broadcast_in_dim3A_29 {strides = array<i32>} : memref<2048xi32, #tpu.memory_space<vmem>>, vector<16xi32>,
    %swap3A_171 = arith.constant 560 : index
    %swap3A_172 = tpu.vector_load %arg13[%swap3A_171] {strides = array<i32>} : memref<2048xf32, #tpu.memory_space<vmem>>, vector<16xf32>,
    tpu.vector_store %arg13[%swap3A_171], %broadcast_in_dim3A_27 {strides = array<i32>} : memref<2048xf32, #tpu.memory_space<vmem>>, vector<16xf32>,
    %swap3A_173 = arith.constant 576 : index
    %swap3A_174 = tpu.vector_load %arg12[%swap3A_173] {strides = array<i32>} : memref<2048xi32, #tpu.memory_space<vmem>>, vector<16xi32>,
    tpu.vector_store %arg12[%swap3A_173], %broadcast_in_dim3A_29 {strides = array<i32>} : memref<2048xi32, #tpu.memory_space<vmem>>, vector<16xi32>,
    %swap3A_175 = arith.constant 576 : index
    %swap3A_176 = tpu.vector_load %arg13[%swap3A_175] {strides = array<i32>} : memref<2048xf32, #tpu.memory_space<vmem>>, vector<16xf32>,
    tpu.vector_store %arg13[%swap3A_175], %broadcast_in_dim3A_27 {strides = array<i32>} : memref<2048xf32, #tpu.memory_space<vmem>>, vector<16xf32>,
    %swap3A_177 = arith.constant 592 : index
    %swap3A_178 = tpu.vector_load %arg12[%swap3A_177] {strides = array<i32>} : memref<2048xi32, #tpu.memory_space<vmem>>, vector<16xi32>,
    tpu.vector_store %arg12[%swap3A_177], %broadcast_in_dim3A_29 {strides = array<i32>} : memref<2048xi32, #tpu.memory_space<vmem>>, vector<16xi32>,
    %swap3A_179 = arith.constant 592 : index
    %swap3A_180 = tpu.vector_load %arg13[%swap3A_179] {strides = array<i32>} : memref<2048xf32, #tpu.memory_space<vmem>>, vector<16xf32>,
    tpu.vector_store %arg13[%swap3A_179], %broadcast_in_dim3A_27 {strides = array<i32>} : memref<2048xf32, #tpu.memory_space<vmem>>, vector<16xf32>,
    %swap3A_181 = arith.constant 608 : index
    %swap3A_182 = tpu.vector_load %arg12[%swap3A_181] {strides = array<i32>} : memref<2048xi32, #tpu.memory_space<vmem>>, vector<16xi32>,
    tpu.vector_store %arg12[%swap3A_181], %broadcast_in_dim3A_29 {strides = array<i32>} : memref<2048xi32, #tpu.memory_space<vmem>>, vector<16xi32>,
    %swap3A_183 = arith.constant 608 : index
    %swap3A_184 = tpu.vector_load %arg13[%swap3A_183] {strides = array<i32>} : memref<2048xf32, #tpu.memory_space<vmem>>, vector<16xf32>,
    tpu.vector_store %arg13[%swap3A_183], %broadcast_in_dim3A_27 {strides = array<i32>} : memref<2048xf32, #tpu.memory_space<vmem>>, vector<16xf32>,
    %swap3A_185 = arith.constant 624 : index
    %swap3A_186 = tpu.vector_load %arg12[%swap3A_185] {strides = array<i32>} : memref<2048xi32, #tpu.memory_space<vmem>>, vector<16xi32>,
    tpu.vector_store %arg12[%swap3A_185], %broadcast_in_dim3A_29 {strides = array<i32>} : memref<2048xi32, #tpu.memory_space<vmem>>, vector<16xi32>,
    %swap3A_187 = arith.constant 624 : index
    %swap3A_188 = tpu.vector_load %arg13[%swap3A_187] {strides = array<i32>} : memref<2048xf32, #tpu.memory_space<vmem>>, vector<16xf32>,
    tpu.vector_store %arg13[%swap3A_187], %broadcast_in_dim3A_27 {strides = array<i32>} : memref<2048xf32, #tpu.memory_space<vmem>>, vector<16xf32>,
    %swap3A_189 = arith.constant 640 : index
    %swap3A_190 = tpu.vector_load %arg12[%swap3A_189] {strides = array<i32>} : memref<2048xi32, #tpu.memory_space<vmem>>, vector<16xi32>,
    tpu.vector_store %arg12[%swap3A_189], %broadcast_in_dim3A_29 {strides = array<i32>} : memref<2048xi32, #tpu.memory_space<vmem>>, vector<16xi32>,
    %swap3A_191 = arith.constant 640 : index
    %swap3A_192 = tpu.vector_load %arg13[%swap3A_191] {strides = array<i32>} : memref<2048xf32, #tpu.memory_space<vmem>>, vector<16xf32>,
    tpu.vector_store %arg13[%swap3A_191], %broadcast_in_dim3A_27 {strides = array<i32>} : memref<2048xf32, #tpu.memory_space<vmem>>, vector<16xf32>,
    %swap3A_193 = arith.constant 656 : index
    %swap3A_194 = tpu.vector_load %arg12[%swap3A_193] {strides = array<i32>} : memref<2048xi32, #tpu.memory_space<vmem>>, vector<16xi32>,
    tpu.vector_store %arg12[%swap3A_193], %broadcast_in_dim3A_29 {strides = array<i32>} : memref<2048xi32, #tpu.memory_space<vmem>>, vector<16xi32>,
    %swap3A_195 = arith.constant 656 : index
    %swap3A_196 = tpu.vector_load %arg13[%swap3A_195] {strides = array<i32>} : memref<2048xf32, #tpu.memory_space<vmem>>, vector<16xf32>,
    tpu.vector_store %arg13[%swap3A_195], %broadcast_in_dim3A_27 {strides = array<i32>} : memref<2048xf32, #tpu.memory_space<vmem>>, vector<16xf32>,
    %swap3A_197 = arith.constant 672 : index
    %swap3A_198 = tpu.vector_load %arg12[%swap3A_197] {strides = array<i32>} : memref<2048xi32, #tpu.memory_space<vmem>>, vector<16xi32>,
    tpu.vector_store %arg12[%swap3A_197], %broadcast_in_dim3A_29 {strides = array<i32>} : memref<2048xi32, #tpu.memory_space<vmem>>, vector<16xi32>,
    %swap3A_199 = arith.constant 672 : index
    %swap3A_200 = tpu.vector_load %arg13[%swap3A_199] {strides = array<i32>} : memref<2048xf32, #tpu.memory_space<vmem>>, vector<16xf32>,
    tpu.vector_store %arg13[%swap3A_199], %broadcast_in_dim3A_27 {strides = array<i32>} : memref<2048xf32, #tpu.memory_space<vmem>>, vector<16xf32>,
    %swap3A_201 = arith.constant 688 : index
    %swap3A_202 = tpu.vector_load %arg12[%swap3A_201] {strides = array<i32>} : memref<2048xi32, #tpu.memory_space<vmem>>, vector<16xi32>,
    tpu.vector_store %arg12[%swap3A_201], %broadcast_in_dim3A_29 {strides = array<i32>} : memref<2048xi32, #tpu.memory_space<vmem>>, vector<16xi32>,
    %swap3A_203 = arith.constant 688 : index
    %swap3A_204 = tpu.vector_load %arg13[%swap3A_203] {strides = array<i32>} : memref<2048xf32, #tpu.memory_space<vmem>>, vector<16xf32>,
    tpu.vector_store %arg13[%swap3A_203], %broadcast_in_dim3A_27 {strides = array<i32>} : memref<2048xf32, #tpu.memory_space<vmem>>, vector<16xf32>,
    %swap3A_205 = arith.constant 704 : index
    %swap3A_206 = tpu.vector_load %arg12[%swap3A_205] {strides = array<i32>} : memref<2048xi32, #tpu.memory_space<vmem>>, vector<16xi32>,
    tpu.vector_store %arg12[%swap3A_205], %broadcast_in_dim3A_29 {strides = array<i32>} : memref<2048xi32, #tpu.memory_space<vmem>>, vector<16xi32>,
    %swap3A_207 = arith.constant 704 : index
    %swap3A_208 = tpu.vector_load %arg13[%swap3A_207] {strides = array<i32>} : memref<2048xf32, #tpu.memory_space<vmem>>, vector<16xf32>,
    tpu.vector_store %arg13[%swap3A_207], %broadcast_in_dim3A_27 {strides = array<i32>} : memref<2048xf32, #tpu.memory_space<vmem>>, vector<16xf32>,
    %swap3A_209 = arith.constant 720 : index
    %swap3A_210 = tpu.vector_load %arg12[%swap3A_209] {strides = array<i32>} : memref<2048xi32, #tpu.memory_space<vmem>>, vector<16xi32>,
    tpu.vector_store %arg12[%swap3A_209], %broadcast_in_dim3A_29 {strides = array<i32>} : memref<2048xi32, #tpu.memory_space<vmem>>, vector<16xi32>,
    %swap3A_211 = arith.constant 720 : index
    %swap3A_212 = tpu.vector_load %arg13[%swap3A_211] {strides = array<i32>} : memref<2048xf32, #tpu.memory_space<vmem>>, vector<16xf32>,
    tpu.vector_store %arg13[%swap3A_211], %broadcast_in_dim3A_27 {strides = array<i32>} : memref<2048xf32, #tpu.memory_space<vmem>>, vector<16xf32>,
    %swap3A_213 = arith.constant 736 : index
    %swap3A_214 = tpu.vector_load %arg12[%swap3A_213] {strides = array<i32>} : memref<2048xi32, #tpu.memory_space<vmem>>, vector<16xi32>,
    tpu.vector_store %arg12[%swap3A_213], %broadcast_in_dim3A_29 {strides = array<i32>} : memref<2048xi32, #tpu.memory_space<vmem>>, vector<16xi32>,
    %swap3A_215 = arith.constant 736 : index
    %swap3A_216 = tpu.vector_load %arg13[%swap3A_215] {strides = array<i32>} : memref<2048xf32, #tpu.memory_space<vmem>>, vector<16xf32>,
    tpu.vector_store %arg13[%swap3A_215], %broadcast_in_dim3A_27 {strides = array<i32>} : memref<2048xf32, #tpu.memory_space<vmem>>, vector<16xf32>,
    %swap3A_217 = arith.constant 752 : index
    %swap3A_218 = tpu.vector_load %arg12[%swap3A_217] {strides = array<i32>} : memref<2048xi32, #tpu.memory_space<vmem>>, vector<16xi32>,
    tpu.vector_store %arg12[%swap3A_217], %broadcast_in_dim3A_29 {strides = array<i32>} : memref<2048xi32, #tpu.memory_space<vmem>>, vector<16xi32>,
    %swap3A_219 = arith.constant 752 : index
    %swap3A_220 = tpu.vector_load %arg13[%swap3A_219] {strides = array<i32>} : memref<2048xf32, #tpu.memory_space<vmem>>, vector<16xf32>,
    tpu.vector_store %arg13[%swap3A_219], %broadcast_in_dim3A_27 {strides = array<i32>} : memref<2048xf32, #tpu.memory_space<vmem>>, vector<16xf32>,
    %swap3A_221 = arith.constant 768 : index
    %swap3A_222 = tpu.vector_load %arg12[%swap3A_221] {strides = array<i32>} : memref<2048xi32, #tpu.memory_space<vmem>>, vector<16xi32>,
    tpu.vector_store %arg12[%swap3A_221], %broadcast_in_dim3A_29 {strides = array<i32>} : memref<2048xi32, #tpu.memory_space<vmem>>, vector<16xi32>,
    %swap3A_223 = arith.constant 768 : index
    %swap3A_224 = tpu.vector_load %arg13[%swap3A_223] {strides = array<i32>} : memref<2048xf32, #tpu.memory_space<vmem>>, vector<16xf32>,
    tpu.vector_store %arg13[%swap3A_223], %broadcast_in_dim3A_27 {strides = array<i32>} : memref<2048xf32, #tpu.memory_space<vmem>>, vector<16xf32>,
    %swap3A_225 = arith.constant 784 : index
    %swap3A_226 = tpu.vector_load %arg12[%swap3A_225] {strides = array<i32>} : memref<2048xi32, #tpu.memory_space<vmem>>, vector<16xi32>,
    tpu.vector_store %arg12[%swap3A_225], %broadcast_in_dim3A_29 {strides = array<i32>} : memref<2048xi32, #tpu.memory_space<vmem>>, vector<16xi32>,
    %swap3A_227 = arith.constant 784 : index
    %swap3A_228 = tpu.vector_load %arg13[%swap3A_227] {strides = array<i32>} : memref<2048xf32, #tpu.memory_space<vmem>>, vector<16xf32>,
    tpu.vector_store %arg13[%swap3A_227], %broadcast_in_dim3A_27 {strides = array<i32>} : memref<2048xf32, #tpu.memory_space<vmem>>, vector<16xf32>,
    %swap3A_229 = arith.constant 800 : index
    %swap3A_230 = tpu.vector_load %arg12[%swap3A_229] {strides = array<i32>} : memref<2048xi32, #tpu.memory_space<vmem>>, vector<16xi32>,
    tpu.vector_store %arg12[%swap3A_229], %broadcast_in_dim3A_29 {strides = array<i32>} : memref<2048xi32, #tpu.memory_space<vmem>>, vector<16xi32>,
    %swap3A_231 = arith.constant 800 : index
    %swap3A_232 = tpu.vector_load %arg13[%swap3A_231] {strides = array<i32>} : memref<2048xf32, #tpu.memory_space<vmem>>, vector<16xf32>,
    tpu.vector_store %arg13[%swap3A_231], %broadcast_in_dim3A_27 {strides = array<i32>} : memref<2048xf32, #tpu.memory_space<vmem>>, vector<16xf32>,
    %swap3A_233 = arith.constant 816 : index
    %swap3A_234 = tpu.vector_load %arg12[%swap3A_233] {strides = array<i32>} : memref<2048xi32, #tpu.memory_space<vmem>>, vector<16xi32>,
    tpu.vector_store %arg12[%swap3A_233], %broadcast_in_dim3A_29 {strides = array<i32>} : memref<2048xi32, #tpu.memory_space<vmem>>, vector<16xi32>,
    %swap3A_235 = arith.constant 816 : index
    %swap3A_236 = tpu.vector_load %arg13[%swap3A_235] {strides = array<i32>} : memref<2048xf32, #tpu.memory_space<vmem>>, vector<16xf32>,
    tpu.vector_store %arg13[%swap3A_235], %broadcast_in_dim3A_27 {strides = array<i32>} : memref<2048xf32, #tpu.memory_space<vmem>>, vector<16xf32>,
    %swap3A_237 = arith.constant 832 : index
    %swap3A_238 = tpu.vector_load %arg12[%swap3A_237] {strides = array<i32>} : memref<2048xi32, #tpu.memory_space<vmem>>, vector<16xi32>,
    tpu.vector_store %arg12[%swap3A_237], %broadcast_in_dim3A_29 {strides = array<i32>} : memref<2048xi32, #tpu.memory_space<vmem>>, vector<16xi32>,
    %swap3A_239 = arith.constant 832 : index
    %swap3A_240 = tpu.vector_load %arg13[%swap3A_239] {strides = array<i32>} : memref<2048xf32, #tpu.memory_space<vmem>>, vector<16xf32>,
    tpu.vector_store %arg13[%swap3A_239], %broadcast_in_dim3A_27 {strides = array<i32>} : memref<2048xf32, #tpu.memory_space<vmem>>, vector<16xf32>,
    %swap3A_241 = arith.constant 848 : index
    %swap3A_242 = tpu.vector_load %arg12[%swap3A_241] {strides = array<i32>} : memref<2048xi32, #tpu.memory_space<vmem>>, vector<16xi32>,
    tpu.vector_store %arg12[%swap3A_241], %broadcast_in_dim3A_29 {strides = array<i32>} : memref<2048xi32, #tpu.memory_space<vmem>>, vector<16xi32>,
    %swap3A_243 = arith.constant 848 : index
    %swap3A_244 = tpu.vector_load %arg13[%swap3A_243] {strides = array<i32>} : memref<2048xf32, #tpu.memory_space<vmem>>, vector<16xf32>,
    tpu.vector_store %arg13[%swap3A_243], %broadcast_in_dim3A_27 {strides = array<i32>} : memref<2048xf32, #tpu.memory_space<vmem>>, vector<16xf32>,
    %swap3A_245 = arith.constant 864 : index
    %swap3A_246 = tpu.vector_load %arg12[%swap3A_245] {strides = array<i32>} : memref<2048xi32, #tpu.memory_space<vmem>>, vector<16xi32>,
    tpu.vector_store %arg12[%swap3A_245], %broadcast_in_dim3A_29 {strides = array<i32>} : memref<2048xi32, #tpu.memory_space<vmem>>, vector<16xi32>,
    %swap3A_247 = arith.constant 864 : index
    %swap3A_248 = tpu.vector_load %arg13[%swap3A_247] {strides = array<i32>} : memref<2048xf32, #tpu.memory_space<vmem>>, vector<16xf32>,
    tpu.vector_store %arg13[%swap3A_247], %broadcast_in_dim3A_27 {strides = array<i32>} : memref<2048xf32, #tpu.memory_space<vmem>>, vector<16xf32>,
    %swap3A_249 = arith.constant 880 : index
    %swap3A_250 = tpu.vector_load %arg12[%swap3A_249] {strides = array<i32>} : memref<2048xi32, #tpu.memory_space<vmem>>, vector<16xi32>,
    tpu.vector_store %arg12[%swap3A_249], %broadcast_in_dim3A_29 {strides = array<i32>} : memref<2048xi32, #tpu.memory_space<vmem>>, vector<16xi32>,
    %swap3A_251 = arith.constant 880 : index
    %swap3A_252 = tpu.vector_load %arg13[%swap3A_251] {strides = array<i32>} : memref<2048xf32, #tpu.memory_space<vmem>>, vector<16xf32>,
    tpu.vector_store %arg13[%swap3A_251], %broadcast_in_dim3A_27 {strides = array<i32>} : memref<2048xf32, #tpu.memory_space<vmem>>, vector<16xf32>,
    %swap3A_253 = arith.constant 896 : index
    %swap3A_254 = tpu.vector_load %arg12[%swap3A_253] {strides = array<i32>} : memref<2048xi32, #tpu.memory_space<vmem>>, vector<16xi32>,
    tpu.vector_store %arg12[%swap3A_253], %broadcast_in_dim3A_29 {strides = array<i32>} : memref<2048xi32, #tpu.memory_space<vmem>>, vector<16xi32>,
    %swap3A_255 = arith.constant 896 : index
    %swap3A_256 = tpu.vector_load %arg13[%swap3A_255] {strides = array<i32>} : memref<2048xf32, #tpu.memory_space<vmem>>, vector<16xf32>,
    tpu.vector_store %arg13[%swap3A_255], %broadcast_in_dim3A_27 {strides = array<i32>} : memref<2048xf32, #tpu.memory_space<vmem>>, vector<16xf32>,
    %swap3A_257 = arith.constant 912 : index
    %swap3A_258 = tpu.vector_load %arg12[%swap3A_257] {strides = array<i32>} : memref<2048xi32, #tpu.memory_space<vmem>>, vector<16xi32>,
    tpu.vector_store %arg12[%swap3A_257], %broadcast_in_dim3A_29 {strides = array<i32>} : memref<2048xi32, #tpu.memory_space<vmem>>, vector<16xi32>,
    %swap3A_259 = arith.constant 912 : index
    %swap3A_260 = tpu.vector_load %arg13[%swap3A_259] {strides = array<i32>} : memref<2048xf32, #tpu.memory_space<vmem>>, vector<16xf32>,
    tpu.vector_store %arg13[%swap3A_259], %broadcast_in_dim3A_27 {strides = array<i32>} : memref<2048xf32, #tpu.memory_space<vmem>>, vector<16xf32>,
    %swap3A_261 = arith.constant 928 : index
    %swap3A_262 = tpu.vector_load %arg12[%swap3A_261] {strides = array<i32>} : memref<2048xi32, #tpu.memory_space<vmem>>, vector<16xi32>,
    tpu.vector_store %arg12[%swap3A_261], %broadcast_in_dim3A_29 {strides = array<i32>} : memref<2048xi32, #tpu.memory_space<vmem>>, vector<16xi32>,
    %swap3A_263 = arith.constant 928 : index
    %swap3A_264 = tpu.vector_load %arg13[%swap3A_263] {strides = array<i32>} : memref<2048xf32, #tpu.memory_space<vmem>>, vector<16xf32>,
    tpu.vector_store %arg13[%swap3A_263], %broadcast_in_dim3A_27 {strides = array<i32>} : memref<2048xf32, #tpu.memory_space<vmem>>, vector<16xf32>,
    %swap3A_265 = arith.constant 944 : index
    %swap3A_266 = tpu.vector_load %arg12[%swap3A_265] {strides = array<i32>} : memref<2048xi32, #tpu.memory_space<vmem>>, vector<16xi32>,
    tpu.vector_store %arg12[%swap3A_265], %broadcast_in_dim3A_29 {strides = array<i32>} : memref<2048xi32, #tpu.memory_space<vmem>>, vector<16xi32>,
    %swap3A_267 = arith.constant 944 : index
    %swap3A_268 = tpu.vector_load %arg13[%swap3A_267] {strides = array<i32>} : memref<2048xf32, #tpu.memory_space<vmem>>, vector<16xf32>,
    tpu.vector_store %arg13[%swap3A_267], %broadcast_in_dim3A_27 {strides = array<i32>} : memref<2048xf32, #tpu.memory_space<vmem>>, vector<16xf32>,
    %swap3A_269 = arith.constant 960 : index
    %swap3A_270 = tpu.vector_load %arg12[%swap3A_269] {strides = array<i32>} : memref<2048xi32, #tpu.memory_space<vmem>>, vector<16xi32>,
    tpu.vector_store %arg12[%swap3A_269], %broadcast_in_dim3A_29 {strides = array<i32>} : memref<2048xi32, #tpu.memory_space<vmem>>, vector<16xi32>,
    %swap3A_271 = arith.constant 960 : index
    %swap3A_272 = tpu.vector_load %arg13[%swap3A_271] {strides = array<i32>} : memref<2048xf32, #tpu.memory_space<vmem>>, vector<16xf32>,
    tpu.vector_store %arg13[%swap3A_271], %broadcast_in_dim3A_27 {strides = array<i32>} : memref<2048xf32, #tpu.memory_space<vmem>>, vector<16xf32>,
    %swap3A_273 = arith.constant 976 : index
    %swap3A_274 = tpu.vector_load %arg12[%swap3A_273] {strides = array<i32>} : memref<2048xi32, #tpu.memory_space<vmem>>, vector<16xi32>,
    tpu.vector_store %arg12[%swap3A_273], %broadcast_in_dim3A_29 {strides = array<i32>} : memref<2048xi32, #tpu.memory_space<vmem>>, vector<16xi32>,
    %swap3A_275 = arith.constant 976 : index
    %swap3A_276 = tpu.vector_load %arg13[%swap3A_275] {strides = array<i32>} : memref<2048xf32, #tpu.memory_space<vmem>>, vector<16xf32>,
    tpu.vector_store %arg13[%swap3A_275], %broadcast_in_dim3A_27 {strides = array<i32>} : memref<2048xf32, #tpu.memory_space<vmem>>, vector<16xf32>,
    %swap3A_277 = arith.constant 992 : index
    %swap3A_278 = tpu.vector_load %arg12[%swap3A_277] {strides = array<i32>} : memref<2048xi32, #tpu.memory_space<vmem>>, vector<16xi32>,
    tpu.vector_store %arg12[%swap3A_277], %broadcast_in_dim3A_29 {strides = array<i32>} : memref<2048xi32, #tpu.memory_space<vmem>>, vector<16xi32>,
    %swap3A_279 = arith.constant 992 : index
    %swap3A_280 = tpu.vector_load %arg13[%swap3A_279] {strides = array<i32>} : memref<2048xf32, #tpu.memory_space<vmem>>, vector<16xf32>,
    tpu.vector_store %arg13[%swap3A_279], %broadcast_in_dim3A_27 {strides = array<i32>} : memref<2048xf32, #tpu.memory_space<vmem>>, vector<16xf32>,
    %swap3A_281 = arith.constant 1008 : index
    %swap3A_282 = tpu.vector_load %arg12[%swap3A_281] {strides = array<i32>} : memref<2048xi32, #tpu.memory_space<vmem>>, vector<16xi32>,
    tpu.vector_store %arg12[%swap3A_281], %broadcast_in_dim3A_29 {strides = array<i32>} : memref<2048xi32, #tpu.memory_space<vmem>>, vector<16xi32>,
    %swap3A_283 = arith.constant 1008 : index
    %swap3A_284 = tpu.vector_load %arg13[%swap3A_283] {strides = array<i32>} : memref<2048xf32, #tpu.memory_space<vmem>>, vector<16xf32>,
    tpu.vector_store %arg13[%swap3A_283], %broadcast_in_dim3A_27 {strides = array<i32>} : memref<2048xf32, #tpu.memory_space<vmem>>, vector<16xf32>,
    %swap3A_285 = arith.constant 1024 : index
    %swap3A_286 = tpu.vector_load %arg12[%swap3A_285] {strides = array<i32>} : memref<2048xi32, #tpu.memory_space<vmem>>, vector<16xi32>,
    tpu.vector_store %arg12[%swap3A_285], %broadcast_in_dim3A_29 {strides = array<i32>} : memref<2048xi32, #tpu.memory_space<vmem>>, vector<16xi32>,
    %swap3A_287 = arith.constant 1024 : index
    %swap3A_288 = tpu.vector_load %arg13[%swap3A_287] {strides = array<i32>} : memref<2048xf32, #tpu.memory_space<vmem>>, vector<16xf32>,
    tpu.vector_store %arg13[%swap3A_287], %broadcast_in_dim3A_27 {strides = array<i32>} : memref<2048xf32, #tpu.memory_space<vmem>>, vector<16xf32>,
    %swap3A_289 = arith.constant 1040 : index
    %swap3A_290 = tpu.vector_load %arg12[%swap3A_289] {strides = array<i32>} : memref<2048xi32, #tpu.memory_space<vmem>>, vector<16xi32>,
    tpu.vector_store %arg12[%swap3A_289], %broadcast_in_dim3A_29 {strides = array<i32>} : memref<2048xi32, #tpu.memory_space<vmem>>, vector<16xi32>,
    %swap3A_291 = arith.constant 1040 : index
    %swap3A_292 = tpu.vector_load %arg13[%swap3A_291] {strides = array<i32>} : memref<2048xf32, #tpu.memory_space<vmem>>, vector<16xf32>,
    tpu.vector_store %arg13[%swap3A_291], %broadcast_in_dim3A_27 {strides = array<i32>} : memref<2048xf32, #tpu.memory_space<vmem>>, vector<16xf32>,
    %swap3A_293 = arith.constant 1056 : index
    %swap3A_294 = tpu.vector_load %arg12[%swap3A_293] {strides = array<i32>} : memref<2048xi32, #tpu.memory_space<vmem>>, vector<16xi32>,
    tpu.vector_store %arg12[%swap3A_293], %broadcast_in_dim3A_29 {strides = array<i32>} : memref<2048xi32, #tpu.memory_space<vmem>>, vector<16xi32>,
    %swap3A_295 = arith.constant 1056 : index
    %swap3A_296 = tpu.vector_load %arg13[%swap3A_295] {strides = array<i32>} : memref<2048xf32, #tpu.memory_space<vmem>>, vector<16xf32>,
    tpu.vector_store %arg13[%swap3A_295], %broadcast_in_dim3A_27 {strides = array<i32>} : memref<2048xf32, #tpu.memory_space<vmem>>, vector<16xf32>,
    %swap3A_297 = arith.constant 1072 : index
    %swap3A_298 = tpu.vector_load %arg12[%swap3A_297] {strides = array<i32>} : memref<2048xi32, #tpu.memory_space<vmem>>, vector<16xi32>,
    tpu.vector_store %arg12[%swap3A_297], %broadcast_in_dim3A_29 {strides = array<i32>} : memref<2048xi32, #tpu.memory_space<vmem>>, vector<16xi32>,
    %swap3A_299 = arith.constant 1072 : index
    %swap3A_300 = tpu.vector_load %arg13[%swap3A_299] {strides = array<i32>} : memref<2048xf32, #tpu.memory_space<vmem>>, vector<16xf32>,
    tpu.vector_store %arg13[%swap3A_299], %broadcast_in_dim3A_27 {strides = array<i32>} : memref<2048xf32, #tpu.memory_space<vmem>>, vector<16xf32>,
    %swap3A_301 = arith.constant 1088 : index
    %swap3A_302 = tpu.vector_load %arg12[%swap3A_301] {strides = array<i32>} : memref<2048xi32, #tpu.memory_space<vmem>>, vector<16xi32>,
    tpu.vector_store %arg12[%swap3A_301], %broadcast_in_dim3A_29 {strides = array<i32>} : memref<2048xi32, #tpu.memory_space<vmem>>, vector<16xi32>,
    %swap3A_303 = arith.constant 1088 : index
    %swap3A_304 = tpu.vector_load %arg13[%swap3A_303] {strides = array<i32>} : memref<2048xf32, #tpu.memory_space<vmem>>, vector<16xf32>,
    tpu.vector_store %arg13[%swap3A_303], %broadcast_in_dim3A_27 {strides = array<i32>} : memref<2048xf32, #tpu.memory_space<vmem>>, vector<16xf32>,
    %swap3A_305 = arith.constant 1104 : index
    %swap3A_306 = tpu.vector_load %arg12[%swap3A_305] {strides = array<i32>} : memref<2048xi32, #tpu.memory_space<vmem>>, vector<16xi32>,
    tpu.vector_store %arg12[%swap3A_305], %broadcast_in_dim3A_29 {strides = array<i32>} : memref<2048xi32, #tpu.memory_space<vmem>>, vector<16xi32>,
    %swap3A_307 = arith.constant 1104 : index
    %swap3A_308 = tpu.vector_load %arg13[%swap3A_307] {strides = array<i32>} : memref<2048xf32, #tpu.memory_space<vmem>>, vector<16xf32>,
    tpu.vector_store %arg13[%swap3A_307], %broadcast_in_dim3A_27 {strides = array<i32>} : memref<2048xf32, #tpu.memory_space<vmem>>, vector<16xf32>,
    %swap3A_309 = arith.constant 1120 : index
    %swap3A_310 = tpu.vector_load %arg12[%swap3A_309] {strides = array<i32>} : memref<2048xi32, #tpu.memory_space<vmem>>, vector<16xi32>,
    tpu.vector_store %arg12[%swap3A_309], %broadcast_in_dim3A_29 {strides = array<i32>} : memref<2048xi32, #tpu.memory_space<vmem>>, vector<16xi32>,
    %swap3A_311 = arith.constant 1120 : index
    %swap3A_312 = tpu.vector_load %arg13[%swap3A_311] {strides = array<i32>} : memref<2048xf32, #tpu.memory_space<vmem>>, vector<16xf32>,
    tpu.vector_store %arg13[%swap3A_311], %broadcast_in_dim3A_27 {strides = array<i32>} : memref<2048xf32, #tpu.memory_space<vmem>>, vector<16xf32>,
    %swap3A_313 = arith.constant 1136 : index
    %swap3A_314 = tpu.vector_load %arg12[%swap3A_313] {strides = array<i32>} : memref<2048xi32, #tpu.memory_space<vmem>>, vector<16xi32>,
    tpu.vector_store %arg12[%swap3A_313], %broadcast_in_dim3A_29 {strides = array<i32>} : memref<2048xi32, #tpu.memory_space<vmem>>, vector<16xi32>,
    %swap3A_315 = arith.constant 1136 : index
    %swap3A_316 = tpu.vector_load %arg13[%swap3A_315] {strides = array<i32>} : memref<2048xf32, #tpu.memory_space<vmem>>, vector<16xf32>,
    tpu.vector_store %arg13[%swap3A_315], %broadcast_in_dim3A_27 {strides = array<i32>} : memref<2048xf32, #tpu.memory_space<vmem>>, vector<16xf32>,
    %swap3A_317 = arith.constant 1152 : index
    %swap3A_318 = tpu.vector_load %arg12[%swap3A_317] {strides = array<i32>} : memref<2048xi32, #tpu.memory_space<vmem>>, vector<16xi32>,
    tpu.vector_store %arg12[%swap3A_317], %broadcast_in_dim3A_29 {strides = array<i32>} : memref<2048xi32, #tpu.memory_space<vmem>>, vector<16xi32>,
    %swap3A_319 = arith.constant 1152 : index
    %swap3A_320 = tpu.vector_load %arg13[%swap3A_319] {strides = array<i32>} : memref<2048xf32, #tpu.memory_space<vmem>>, vector<16xf32>,
    tpu.vector_store %arg13[%swap3A_319], %broadcast_in_dim3A_27 {strides = array<i32>} : memref<2048xf32, #tpu.memory_space<vmem>>, vector<16xf32>,
    %swap3A_321 = arith.constant 1168 : index
    %swap3A_322 = tpu.vector_load %arg12[%swap3A_321] {strides = array<i32>} : memref<2048xi32, #tpu.memory_space<vmem>>, vector<16xi32>,
    tpu.vector_store %arg12[%swap3A_321], %broadcast_in_dim3A_29 {strides = array<i32>} : memref<2048xi32, #tpu.memory_space<vmem>>, vector<16xi32>,
    %swap3A_323 = arith.constant 1168 : index
    %swap3A_324 = tpu.vector_load %arg13[%swap3A_323] {strides = array<i32>} : memref<2048xf32, #tpu.memory_space<vmem>>, vector<16xf32>,
    tpu.vector_store %arg13[%swap3A_323], %broadcast_in_dim3A_27 {strides = array<i32>} : memref<2048xf32, #tpu.memory_space<vmem>>, vector<16xf32>,
    %swap3A_325 = arith.constant 1184 : index
    %swap3A_326 = tpu.vector_load %arg12[%swap3A_325] {strides = array<i32>} : memref<2048xi32, #tpu.memory_space<vmem>>, vector<16xi32>,
    tpu.vector_store %arg12[%swap3A_325], %broadcast_in_dim3A_29 {strides = array<i32>} : memref<2048xi32, #tpu.memory_space<vmem>>, vector<16xi32>,
    %swap3A_327 = arith.constant 1184 : index
    %swap3A_328 = tpu.vector_load %arg13[%swap3A_327] {strides = array<i32>} : memref<2048xf32, #tpu.memory_space<vmem>>, vector<16xf32>,
    tpu.vector_store %arg13[%swap3A_327], %broadcast_in_dim3A_27 {strides = array<i32>} : memref<2048xf32, #tpu.memory_space<vmem>>, vector<16xf32>,
    %swap3A_329 = arith.constant 1200 : index
    %swap3A_330 = tpu.vector_load %arg12[%swap3A_329] {strides = array<i32>} : memref<2048xi32, #tpu.memory_space<vmem>>, vector<16xi32>,
    tpu.vector_store %arg12[%swap3A_329], %broadcast_in_dim3A_29 {strides = array<i32>} : memref<2048xi32, #tpu.memory_space<vmem>>, vector<16xi32>,
    %swap3A_331 = arith.constant 1200 : index
    %swap3A_332 = tpu.vector_load %arg13[%swap3A_331] {strides = array<i32>} : memref<2048xf32, #tpu.memory_space<vmem>>, vector<16xf32>,
    tpu.vector_store %arg13[%swap3A_331], %broadcast_in_dim3A_27 {strides = array<i32>} : memref<2048xf32, #tpu.memory_space<vmem>>, vector<16xf32>,
    %swap3A_333 = arith.constant 1216 : index
    %swap3A_334 = tpu.vector_load %arg12[%swap3A_333] {strides = array<i32>} : memref<2048xi32, #tpu.memory_space<vmem>>, vector<16xi32>,
    tpu.vector_store %arg12[%swap3A_333], %broadcast_in_dim3A_29 {strides = array<i32>} : memref<2048xi32, #tpu.memory_space<vmem>>, vector<16xi32>,
    %swap3A_335 = arith.constant 1216 : index
    %swap3A_336 = tpu.vector_load %arg13[%swap3A_335] {strides = array<i32>} : memref<2048xf32, #tpu.memory_space<vmem>>, vector<16xf32>,
    tpu.vector_store %arg13[%swap3A_335], %broadcast_in_dim3A_27 {strides = array<i32>} : memref<2048xf32, #tpu.memory_space<vmem>>, vector<16xf32>,
    %swap3A_337 = arith.constant 1232 : index
    %swap3A_338 = tpu.vector_load %arg12[%swap3A_337] {strides = array<i32>} : memref<2048xi32, #tpu.memory_space<vmem>>, vector<16xi32>,
    tpu.vector_store %arg12[%swap3A_337], %broadcast_in_dim3A_29 {strides = array<i32>} : memref<2048xi32, #tpu.memory_space<vmem>>, vector<16xi32>,
    %swap3A_339 = arith.constant 1232 : index
    %swap3A_340 = tpu.vector_load %arg13[%swap3A_339] {strides = array<i32>} : memref<2048xf32, #tpu.memory_space<vmem>>, vector<16xf32>,
    tpu.vector_store %arg13[%swap3A_339], %broadcast_in_dim3A_27 {strides = array<i32>} : memref<2048xf32, #tpu.memory_space<vmem>>, vector<16xf32>,
    %swap3A_341 = arith.constant 1248 : index
    %swap3A_342 = tpu.vector_load %arg12[%swap3A_341] {strides = array<i32>} : memref<2048xi32, #tpu.memory_space<vmem>>, vector<16xi32>,
    tpu.vector_store %arg12[%swap3A_341], %broadcast_in_dim3A_29 {strides = array<i32>} : memref<2048xi32, #tpu.memory_space<vmem>>, vector<16xi32>,
    %swap3A_343 = arith.constant 1248 : index
    %swap3A_344 = tpu.vector_load %arg13[%swap3A_343] {strides = array<i32>} : memref<2048xf32, #tpu.memory_space<vmem>>, vector<16xf32>,
    tpu.vector_store %arg13[%swap3A_343], %broadcast_in_dim3A_27 {strides = array<i32>} : memref<2048xf32, #tpu.memory_space<vmem>>, vector<16xf32>,
    %swap3A_345 = arith.constant 1264 : index
    %swap3A_346 = tpu.vector_load %arg12[%swap3A_345] {strides = array<i32>} : memref<2048xi32, #tpu.memory_space<vmem>>, vector<16xi32>,
    tpu.vector_store %arg12[%swap3A_345], %broadcast_in_dim3A_29 {strides = array<i32>} : memref<2048xi32, #tpu.memory_space<vmem>>, vector<16xi32>,
    %swap3A_347 = arith.constant 1264 : index
    %swap3A_348 = tpu.vector_load %arg13[%swap3A_347] {strides = array<i32>} : memref<2048xf32, #tpu.memory_space<vmem>>, vector<16xf32>,
    tpu.vector_store %arg13[%swap3A_347], %broadcast_in_dim3A_27 {strides = array<i32>} : memref<2048xf32, #tpu.memory_space<vmem>>, vector<16xf32>,
    %swap3A_349 = arith.constant 1280 : index
    %swap3A_350 = tpu.vector_load %arg12[%swap3A_349] {strides = array<i32>} : memref<2048xi32, #tpu.memory_space<vmem>>, vector<16xi32>,
    tpu.vector_store %arg12[%swap3A_349], %broadcast_in_dim3A_29 {strides = array<i32>} : memref<2048xi32, #tpu.memory_space<vmem>>, vector<16xi32>,
    %swap3A_351 = arith.constant 1280 : index
    %swap3A_352 = tpu.vector_load %arg13[%swap3A_351] {strides = array<i32>} : memref<2048xf32, #tpu.memory_space<vmem>>, vector<16xf32>,
    tpu.vector_store %arg13[%swap3A_351], %broadcast_in_dim3A_27 {strides = array<i32>} : memref<2048xf32, #tpu.memory_space<vmem>>, vector<16xf32>,
    %swap3A_353 = arith.constant 1296 : index
    %swap3A_354 = tpu.vector_load %arg12[%swap3A_353] {strides = array<i32>} : memref<2048xi32, #tpu.memory_space<vmem>>, vector<16xi32>,
    tpu.vector_store %arg12[%swap3A_353], %broadcast_in_dim3A_29 {strides = array<i32>} : memref<2048xi32, #tpu.memory_space<vmem>>, vector<16xi32>,
    %swap3A_355 = arith.constant 1296 : index
    %swap3A_356 = tpu.vector_load %arg13[%swap3A_355] {strides = array<i32>} : memref<2048xf32, #tpu.memory_space<vmem>>, vector<16xf32>,
    tpu.vector_store %arg13[%swap3A_355], %broadcast_in_dim3A_27 {strides = array<i32>} : memref<2048xf32, #tpu.memory_space<vmem>>, vector<16xf32>,
    %swap3A_357 = arith.constant 1312 : index
    %swap3A_358 = tpu.vector_load %arg12[%swap3A_357] {strides = array<i32>} : memref<2048xi32, #tpu.memory_space<vmem>>, vector<16xi32>,
    tpu.vector_store %arg12[%swap3A_357], %broadcast_in_dim3A_29 {strides = array<i32>} : memref<2048xi32, #tpu.memory_space<vmem>>, vector<16xi32>,
    %swap3A_359 = arith.constant 1312 : index
    %swap3A_360 = tpu.vector_load %arg13[%swap3A_359] {strides = array<i32>} : memref<2048xf32, #tpu.memory_space<vmem>>, vector<16xf32>,
    tpu.vector_store %arg13[%swap3A_359], %broadcast_in_dim3A_27 {strides = array<i32>} : memref<2048xf32, #tpu.memory_space<vmem>>, vector<16xf32>,
    %swap3A_361 = arith.constant 1328 : index
    %swap3A_362 = tpu.vector_load %arg12[%swap3A_361] {strides = array<i32>} : memref<2048xi32, #tpu.memory_space<vmem>>, vector<16xi32>,
    tpu.vector_store %arg12[%swap3A_361], %broadcast_in_dim3A_29 {strides = array<i32>} : memref<2048xi32, #tpu.memory_space<vmem>>, vector<16xi32>,
    %swap3A_363 = arith.constant 1328 : index
    %swap3A_364 = tpu.vector_load %arg13[%swap3A_363] {strides = array<i32>} : memref<2048xf32, #tpu.memory_space<vmem>>, vector<16xf32>,
    tpu.vector_store %arg13[%swap3A_363], %broadcast_in_dim3A_27 {strides = array<i32>} : memref<2048xf32, #tpu.memory_space<vmem>>, vector<16xf32>,
    %swap3A_365 = arith.constant 1344 : index
    %swap3A_366 = tpu.vector_load %arg12[%swap3A_365] {strides = array<i32>} : memref<2048xi32, #tpu.memory_space<vmem>>, vector<16xi32>,
    tpu.vector_store %arg12[%swap3A_365], %broadcast_in_dim3A_29 {strides = array<i32>} : memref<2048xi32, #tpu.memory_space<vmem>>, vector<16xi32>,
    %swap3A_367 = arith.constant 1344 : index
    %swap3A_368 = tpu.vector_load %arg13[%swap3A_367] {strides = array<i32>} : memref<2048xf32, #tpu.memory_space<vmem>>, vector<16xf32>,
    tpu.vector_store %arg13[%swap3A_367], %broadcast_in_dim3A_27 {strides = array<i32>} : memref<2048xf32, #tpu.memory_space<vmem>>, vector<16xf32>,
    %swap3A_369 = arith.constant 1360 : index
    %swap3A_370 = tpu.vector_load %arg12[%swap3A_369] {strides = array<i32>} : memref<2048xi32, #tpu.memory_space<vmem>>, vector<16xi32>,
    tpu.vector_store %arg12[%swap3A_369], %broadcast_in_dim3A_29 {strides = array<i32>} : memref<2048xi32, #tpu.memory_space<vmem>>, vector<16xi32>,
    %swap3A_371 = arith.constant 1360 : index
    %swap3A_372 = tpu.vector_load %arg13[%swap3A_371] {strides = array<i32>} : memref<2048xf32, #tpu.memory_space<vmem>>, vector<16xf32>,
    tpu.vector_store %arg13[%swap3A_371], %broadcast_in_dim3A_27 {strides = array<i32>} : memref<2048xf32, #tpu.memory_space<vmem>>, vector<16xf32>,
    %swap3A_373 = arith.constant 1376 : index
    %swap3A_374 = tpu.vector_load %arg12[%swap3A_373] {strides = array<i32>} : memref<2048xi32, #tpu.memory_space<vmem>>, vector<16xi32>,
    tpu.vector_store %arg12[%swap3A_373], %broadcast_in_dim3A_29 {strides = array<i32>} : memref<2048xi32, #tpu.memory_space<vmem>>, vector<16xi32>,
    %swap3A_375 = arith.constant 1376 : index
    %swap3A_376 = tpu.vector_load %arg13[%swap3A_375] {strides = array<i32>} : memref<2048xf32, #tpu.memory_space<vmem>>, vector<16xf32>,
    tpu.vector_store %arg13[%swap3A_375], %broadcast_in_dim3A_27 {strides = array<i32>} : memref<2048xf32, #tpu.memory_space<vmem>>, vector<16xf32>,
    %swap3A_377 = arith.constant 1392 : index
    %swap3A_378 = tpu.vector_load %arg12[%swap3A_377] {strides = array<i32>} : memref<2048xi32, #tpu.memory_space<vmem>>, vector<16xi32>,
    tpu.vector_store %arg12[%swap3A_377], %broadcast_in_dim3A_29 {strides = array<i32>} : memref<2048xi32, #tpu.memory_space<vmem>>, vector<16xi32>,
    %swap3A_379 = arith.constant 1392 : index
    %swap3A_380 = tpu.vector_load %arg13[%swap3A_379] {strides = array<i32>} : memref<2048xf32, #tpu.memory_space<vmem>>, vector<16xf32>,
    tpu.vector_store %arg13[%swap3A_379], %broadcast_in_dim3A_27 {strides = array<i32>} : memref<2048xf32, #tpu.memory_space<vmem>>, vector<16xf32>,
    %swap3A_381 = arith.constant 1408 : index
    %swap3A_382 = tpu.vector_load %arg12[%swap3A_381] {strides = array<i32>} : memref<2048xi32, #tpu.memory_space<vmem>>, vector<16xi32>,
    tpu.vector_store %arg12[%swap3A_381], %broadcast_in_dim3A_29 {strides = array<i32>} : memref<2048xi32, #tpu.memory_space<vmem>>, vector<16xi32>,
    %swap3A_383 = arith.constant 1408 : index
    %swap3A_384 = tpu.vector_load %arg13[%swap3A_383] {strides = array<i32>} : memref<2048xf32, #tpu.memory_space<vmem>>, vector<16xf32>,
    tpu.vector_store %arg13[%swap3A_383], %broadcast_in_dim3A_27 {strides = array<i32>} : memref<2048xf32, #tpu.memory_space<vmem>>, vector<16xf32>,
    %swap3A_385 = arith.constant 1424 : index
    %swap3A_386 = tpu.vector_load %arg12[%swap3A_385] {strides = array<i32>} : memref<2048xi32, #tpu.memory_space<vmem>>, vector<16xi32>,
    tpu.vector_store %arg12[%swap3A_385], %broadcast_in_dim3A_29 {strides = array<i32>} : memref<2048xi32, #tpu.memory_space<vmem>>, vector<16xi32>,
    %swap3A_387 = arith.constant 1424 : index
    %swap3A_388 = tpu.vector_load %arg13[%swap3A_387] {strides = array<i32>} : memref<2048xf32, #tpu.memory_space<vmem>>, vector<16xf32>,
    tpu.vector_store %arg13[%swap3A_387], %broadcast_in_dim3A_27 {strides = array<i32>} : memref<2048xf32, #tpu.memory_space<vmem>>, vector<16xf32>,
    %swap3A_389 = arith.constant 1440 : index
    %swap3A_390 = tpu.vector_load %arg12[%swap3A_389] {strides = array<i32>} : memref<2048xi32, #tpu.memory_space<vmem>>, vector<16xi32>,
    tpu.vector_store %arg12[%swap3A_389], %broadcast_in_dim3A_29 {strides = array<i32>} : memref<2048xi32, #tpu.memory_space<vmem>>, vector<16xi32>,
    %swap3A_391 = arith.constant 1440 : index
    %swap3A_392 = tpu.vector_load %arg13[%swap3A_391] {strides = array<i32>} : memref<2048xf32, #tpu.memory_space<vmem>>, vector<16xf32>,
    tpu.vector_store %arg13[%swap3A_391], %broadcast_in_dim3A_27 {strides = array<i32>} : memref<2048xf32, #tpu.memory_space<vmem>>, vector<16xf32>,
    %swap3A_393 = arith.constant 1456 : index
    %swap3A_394 = tpu.vector_load %arg12[%swap3A_393] {strides = array<i32>} : memref<2048xi32, #tpu.memory_space<vmem>>, vector<16xi32>,
    tpu.vector_store %arg12[%swap3A_393], %broadcast_in_dim3A_29 {strides = array<i32>} : memref<2048xi32, #tpu.memory_space<vmem>>, vector<16xi32>,
    %swap3A_395 = arith.constant 1456 : index
    %swap3A_396 = tpu.vector_load %arg13[%swap3A_395] {strides = array<i32>} : memref<2048xf32, #tpu.memory_space<vmem>>, vector<16xf32>,
    tpu.vector_store %arg13[%swap3A_395], %broadcast_in_dim3A_27 {strides = array<i32>} : memref<2048xf32, #tpu.memory_space<vmem>>, vector<16xf32>,
    %swap3A_397 = arith.constant 1472 : index
    %swap3A_398 = tpu.vector_load %arg12[%swap3A_397] {strides = array<i32>} : memref<2048xi32, #tpu.memory_space<vmem>>, vector<16xi32>,
    tpu.vector_store %arg12[%swap3A_397], %broadcast_in_dim3A_29 {strides = array<i32>} : memref<2048xi32, #tpu.memory_space<vmem>>, vector<16xi32>,
    %swap3A_399 = arith.constant 1472 : index
    %swap3A_400 = tpu.vector_load %arg13[%swap3A_399] {strides = array<i32>} : memref<2048xf32, #tpu.memory_space<vmem>>, vector<16xf32>,
    tpu.vector_store %arg13[%swap3A_399], %broadcast_in_dim3A_27 {strides = array<i32>} : memref<2048xf32, #tpu.memory_space<vmem>>, vector<16xf32>,
    %swap3A_401 = arith.constant 1488 : index
    %swap3A_402 = tpu.vector_load %arg12[%swap3A_401] {strides = array<i32>} : memref<2048xi32, #tpu.memory_space<vmem>>, vector<16xi32>,
    tpu.vector_store %arg12[%swap3A_401], %broadcast_in_dim3A_29 {strides = array<i32>} : memref<2048xi32, #tpu.memory_space<vmem>>, vector<16xi32>,
    %swap3A_403 = arith.constant 1488 : index
    %swap3A_404 = tpu.vector_load %arg13[%swap3A_403] {strides = array<i32>} : memref<2048xf32, #tpu.memory_space<vmem>>, vector<16xf32>,
    tpu.vector_store %arg13[%swap3A_403], %broadcast_in_dim3A_27 {strides = array<i32>} : memref<2048xf32, #tpu.memory_space<vmem>>, vector<16xf32>,
    %swap3A_405 = arith.constant 1504 : index
    %swap3A_406 = tpu.vector_load %arg12[%swap3A_405] {strides = array<i32>} : memref<2048xi32, #tpu.memory_space<vmem>>, vector<16xi32>,
    tpu.vector_store %arg12[%swap3A_405], %broadcast_in_dim3A_29 {strides = array<i32>} : memref<2048xi32, #tpu.memory_space<vmem>>, vector<16xi32>,
    %swap3A_407 = arith.constant 1504 : index
    %swap3A_408 = tpu.vector_load %arg13[%swap3A_407] {strides = array<i32>} : memref<2048xf32, #tpu.memory_space<vmem>>, vector<16xf32>,
    tpu.vector_store %arg13[%swap3A_407], %broadcast_in_dim3A_27 {strides = array<i32>} : memref<2048xf32, #tpu.memory_space<vmem>>, vector<16xf32>,
    %swap3A_409 = arith.constant 1520 : index
    %swap3A_410 = tpu.vector_load %arg12[%swap3A_409] {strides = array<i32>} : memref<2048xi32, #tpu.memory_space<vmem>>, vector<16xi32>,
    tpu.vector_store %arg12[%swap3A_409], %broadcast_in_dim3A_29 {strides = array<i32>} : memref<2048xi32, #tpu.memory_space<vmem>>, vector<16xi32>,
    %swap3A_411 = arith.constant 1520 : index
    %swap3A_412 = tpu.vector_load %arg13[%swap3A_411] {strides = array<i32>} : memref<2048xf32, #tpu.memory_space<vmem>>, vector<16xf32>,
    tpu.vector_store %arg13[%swap3A_411], %broadcast_in_dim3A_27 {strides = array<i32>} : memref<2048xf32, #tpu.memory_space<vmem>>, vector<16xf32>,
    %swap3A_413 = arith.constant 1536 : index
    %swap3A_414 = tpu.vector_load %arg12[%swap3A_413] {strides = array<i32>} : memref<2048xi32, #tpu.memory_space<vmem>>, vector<16xi32>,
    tpu.vector_store %arg12[%swap3A_413], %broadcast_in_dim3A_29 {strides = array<i32>} : memref<2048xi32, #tpu.memory_space<vmem>>, vector<16xi32>,
    %swap3A_415 = arith.constant 1536 : index
    %swap3A_416 = tpu.vector_load %arg13[%swap3A_415] {strides = array<i32>} : memref<2048xf32, #tpu.memory_space<vmem>>, vector<16xf32>,
    tpu.vector_store %arg13[%swap3A_415], %broadcast_in_dim3A_27 {strides = array<i32>} : memref<2048xf32, #tpu.memory_space<vmem>>, vector<16xf32>,
    %swap3A_417 = arith.constant 1552 : index
    %swap3A_418 = tpu.vector_load %arg12[%swap3A_417] {strides = array<i32>} : memref<2048xi32, #tpu.memory_space<vmem>>, vector<16xi32>,
    tpu.vector_store %arg12[%swap3A_417], %broadcast_in_dim3A_29 {strides = array<i32>} : memref<2048xi32, #tpu.memory_space<vmem>>, vector<16xi32>,
    %swap3A_419 = arith.constant 1552 : index
    %swap3A_420 = tpu.vector_load %arg13[%swap3A_419] {strides = array<i32>} : memref<2048xf32, #tpu.memory_space<vmem>>, vector<16xf32>,
    tpu.vector_store %arg13[%swap3A_419], %broadcast_in_dim3A_27 {strides = array<i32>} : memref<2048xf32, #tpu.memory_space<vmem>>, vector<16xf32>,
    %swap3A_421 = arith.constant 1568 : index
    %swap3A_422 = tpu.vector_load %arg12[%swap3A_421] {strides = array<i32>} : memref<2048xi32, #tpu.memory_space<vmem>>, vector<16xi32>,
    tpu.vector_store %arg12[%swap3A_421], %broadcast_in_dim3A_29 {strides = array<i32>} : memref<2048xi32, #tpu.memory_space<vmem>>, vector<16xi32>,
    %swap3A_423 = arith.constant 1568 : index
    %swap3A_424 = tpu.vector_load %arg13[%swap3A_423] {strides = array<i32>} : memref<2048xf32, #tpu.memory_space<vmem>>, vector<16xf32>,
    tpu.vector_store %arg13[%swap3A_423], %broadcast_in_dim3A_27 {strides = array<i32>} : memref<2048xf32, #tpu.memory_space<vmem>>, vector<16xf32>,
    %swap3A_425 = arith.constant 1584 : index
    %swap3A_426 = tpu.vector_load %arg12[%swap3A_425] {strides = array<i32>} : memref<2048xi32, #tpu.memory_space<vmem>>, vector<16xi32>,
    tpu.vector_store %arg12[%swap3A_425], %broadcast_in_dim3A_29 {strides = array<i32>} : memref<2048xi32, #tpu.memory_space<vmem>>, vector<16xi32>,
    %swap3A_427 = arith.constant 1584 : index
    %swap3A_428 = tpu.vector_load %arg13[%swap3A_427] {strides = array<i32>} : memref<2048xf32, #tpu.memory_space<vmem>>, vector<16xf32>,
    tpu.vector_store %arg13[%swap3A_427], %broadcast_in_dim3A_27 {strides = array<i32>} : memref<2048xf32, #tpu.memory_space<vmem>>, vector<16xf32>,
    %swap3A_429 = arith.constant 1600 : index
    %swap3A_430 = tpu.vector_load %arg12[%swap3A_429] {strides = array<i32>} : memref<2048xi32, #tpu.memory_space<vmem>>, vector<16xi32>,
    tpu.vector_store %arg12[%swap3A_429], %broadcast_in_dim3A_29 {strides = array<i32>} : memref<2048xi32, #tpu.memory_space<vmem>>, vector<16xi32>,
    %swap3A_431 = arith.constant 1600 : index
    %swap3A_432 = tpu.vector_load %arg13[%swap3A_431] {strides = array<i32>} : memref<2048xf32, #tpu.memory_space<vmem>>, vector<16xf32>,
    tpu.vector_store %arg13[%swap3A_431], %broadcast_in_dim3A_27 {strides = array<i32>} : memref<2048xf32, #tpu.memory_space<vmem>>, vector<16xf32>,
    %swap3A_433 = arith.constant 1616 : index
    %swap3A_434 = tpu.vector_load %arg12[%swap3A_433] {strides = array<i32>} : memref<2048xi32, #tpu.memory_space<vmem>>, vector<16xi32>,
    tpu.vector_store %arg12[%swap3A_433], %broadcast_in_dim3A_29 {strides = array<i32>} : memref<2048xi32, #tpu.memory_space<vmem>>, vector<16xi32>,
    %swap3A_435 = arith.constant 1616 : index
    %swap3A_436 = tpu.vector_load %arg13[%swap3A_435] {strides = array<i32>} : memref<2048xf32, #tpu.memory_space<vmem>>, vector<16xf32>,
    tpu.vector_store %arg13[%swap3A_435], %broadcast_in_dim3A_27 {strides = array<i32>} : memref<2048xf32, #tpu.memory_space<vmem>>, vector<16xf32>,
    %swap3A_437 = arith.constant 1632 : index
    %swap3A_438 = tpu.vector_load %arg12[%swap3A_437] {strides = array<i32>} : memref<2048xi32, #tpu.memory_space<vmem>>, vector<16xi32>,
    tpu.vector_store %arg12[%swap3A_437], %broadcast_in_dim3A_29 {strides = array<i32>} : memref<2048xi32, #tpu.memory_space<vmem>>, vector<16xi32>,
    %swap3A_439 = arith.constant 1632 : index
    %swap3A_440 = tpu.vector_load %arg13[%swap3A_439] {strides = array<i32>} : memref<2048xf32, #tpu.memory_space<vmem>>, vector<16xf32>,
    tpu.vector_store %arg13[%swap3A_439], %broadcast_in_dim3A_27 {strides = array<i32>} : memref<2048xf32, #tpu.memory_space<vmem>>, vector<16xf32>,
    %swap3A_441 = arith.constant 1648 : index
    %swap3A_442 = tpu.vector_load %arg12[%swap3A_441] {strides = array<i32>} : memref<2048xi32, #tpu.memory_space<vmem>>, vector<16xi32>,
    tpu.vector_store %arg12[%swap3A_441], %broadcast_in_dim3A_29 {strides = array<i32>} : memref<2048xi32, #tpu.memory_space<vmem>>, vector<16xi32>,
    %swap3A_443 = arith.constant 1648 : index
    %swap3A_444 = tpu.vector_load %arg13[%swap3A_443] {strides = array<i32>} : memref<2048xf32, #tpu.memory_space<vmem>>, vector<16xf32>,
    tpu.vector_store %arg13[%swap3A_443], %broadcast_in_dim3A_27 {strides = array<i32>} : memref<2048xf32, #tpu.memory_space<vmem>>, vector<16xf32>,
    %swap3A_445 = arith.constant 1664 : index
    %swap3A_446 = tpu.vector_load %arg12[%swap3A_445] {strides = array<i32>} : memref<2048xi32, #tpu.memory_space<vmem>>, vector<16xi32>,
    tpu.vector_store %arg12[%swap3A_445], %broadcast_in_dim3A_29 {strides = array<i32>} : memref<2048xi32, #tpu.memory_space<vmem>>, vector<16xi32>,
    %swap3A_447 = arith.constant 1664 : index
    %swap3A_448 = tpu.vector_load %arg13[%swap3A_447] {strides = array<i32>} : memref<2048xf32, #tpu.memory_space<vmem>>, vector<16xf32>,
    tpu.vector_store %arg13[%swap3A_447], %broadcast_in_dim3A_27 {strides = array<i32>} : memref<2048xf32, #tpu.memory_space<vmem>>, vector<16xf32>,
    %swap3A_449 = arith.constant 1680 : index
    %swap3A_450 = tpu.vector_load %arg12[%swap3A_449] {strides = array<i32>} : memref<2048xi32, #tpu.memory_space<vmem>>, vector<16xi32>,
    tpu.vector_store %arg12[%swap3A_449], %broadcast_in_dim3A_29 {strides = array<i32>} : memref<2048xi32, #tpu.memory_space<vmem>>, vector<16xi32>,
    %swap3A_451 = arith.constant 1680 : index
    %swap3A_452 = tpu.vector_load %arg13[%swap3A_451] {strides = array<i32>} : memref<2048xf32, #tpu.memory_space<vmem>>, vector<16xf32>,
    tpu.vector_store %arg13[%swap3A_451], %broadcast_in_dim3A_27 {strides = array<i32>} : memref<2048xf32, #tpu.memory_space<vmem>>, vector<16xf32>,
    %swap3A_453 = arith.constant 1696 : index
    %swap3A_454 = tpu.vector_load %arg12[%swap3A_453] {strides = array<i32>} : memref<2048xi32, #tpu.memory_space<vmem>>, vector<16xi32>,
    tpu.vector_store %arg12[%swap3A_453], %broadcast_in_dim3A_29 {strides = array<i32>} : memref<2048xi32, #tpu.memory_space<vmem>>, vector<16xi32>,
    %swap3A_455 = arith.constant 1696 : index
    %swap3A_456 = tpu.vector_load %arg13[%swap3A_455] {strides = array<i32>} : memref<2048xf32, #tpu.memory_space<vmem>>, vector<16xf32>,
    tpu.vector_store %arg13[%swap3A_455], %broadcast_in_dim3A_27 {strides = array<i32>} : memref<2048xf32, #tpu.memory_space<vmem>>, vector<16xf32>,
    %swap3A_457 = arith.constant 1712 : index
    %swap3A_458 = tpu.vector_load %arg12[%swap3A_457] {strides = array<i32>} : memref<2048xi32, #tpu.memory_space<vmem>>, vector<16xi32>,
    tpu.vector_store %arg12[%swap3A_457], %broadcast_in_dim3A_29 {strides = array<i32>} : memref<2048xi32, #tpu.memory_space<vmem>>, vector<16xi32>,
    %swap3A_459 = arith.constant 1712 : index
    %swap3A_460 = tpu.vector_load %arg13[%swap3A_459] {strides = array<i32>} : memref<2048xf32, #tpu.memory_space<vmem>>, vector<16xf32>,
    tpu.vector_store %arg13[%swap3A_459], %broadcast_in_dim3A_27 {strides = array<i32>} : memref<2048xf32, #tpu.memory_space<vmem>>, vector<16xf32>,
    %swap3A_461 = arith.constant 1728 : index
    %swap3A_462 = tpu.vector_load %arg12[%swap3A_461] {strides = array<i32>} : memref<2048xi32, #tpu.memory_space<vmem>>, vector<16xi32>,
    tpu.vector_store %arg12[%swap3A_461], %broadcast_in_dim3A_29 {strides = array<i32>} : memref<2048xi32, #tpu.memory_space<vmem>>, vector<16xi32>,
    %swap3A_463 = arith.constant 1728 : index
    %swap3A_464 = tpu.vector_load %arg13[%swap3A_463] {strides = array<i32>} : memref<2048xf32, #tpu.memory_space<vmem>>, vector<16xf32>,
    tpu.vector_store %arg13[%swap3A_463], %broadcast_in_dim3A_27 {strides = array<i32>} : memref<2048xf32, #tpu.memory_space<vmem>>, vector<16xf32>,
    %swap3A_465 = arith.constant 1744 : index
    %swap3A_466 = tpu.vector_load %arg12[%swap3A_465] {strides = array<i32>} : memref<2048xi32, #tpu.memory_space<vmem>>, vector<16xi32>,
    tpu.vector_store %arg12[%swap3A_465], %broadcast_in_dim3A_29 {strides = array<i32>} : memref<2048xi32, #tpu.memory_space<vmem>>, vector<16xi32>,
    %swap3A_467 = arith.constant 1744 : index
    %swap3A_468 = tpu.vector_load %arg13[%swap3A_467] {strides = array<i32>} : memref<2048xf32, #tpu.memory_space<vmem>>, vector<16xf32>,
    tpu.vector_store %arg13[%swap3A_467], %broadcast_in_dim3A_27 {strides = array<i32>} : memref<2048xf32, #tpu.memory_space<vmem>>, vector<16xf32>,
    %swap3A_469 = arith.constant 1760 : index
    %swap3A_470 = tpu.vector_load %arg12[%swap3A_469] {strides = array<i32>} : memref<2048xi32, #tpu.memory_space<vmem>>, vector<16xi32>,
    tpu.vector_store %arg12[%swap3A_469], %broadcast_in_dim3A_29 {strides = array<i32>} : memref<2048xi32, #tpu.memory_space<vmem>>, vector<16xi32>,
    %swap3A_471 = arith.constant 1760 : index
    %swap3A_472 = tpu.vector_load %arg13[%swap3A_471] {strides = array<i32>} : memref<2048xf32, #tpu.memory_space<vmem>>, vector<16xf32>,
    tpu.vector_store %arg13[%swap3A_471], %broadcast_in_dim3A_27 {strides = array<i32>} : memref<2048xf32, #tpu.memory_space<vmem>>, vector<16xf32>,
    %swap3A_473 = arith.constant 1776 : index
    %swap3A_474 = tpu.vector_load %arg12[%swap3A_473] {strides = array<i32>} : memref<2048xi32, #tpu.memory_space<vmem>>, vector<16xi32>,
    tpu.vector_store %arg12[%swap3A_473], %broadcast_in_dim3A_29 {strides = array<i32>} : memref<2048xi32, #tpu.memory_space<vmem>>, vector<16xi32>,
    %swap3A_475 = arith.constant 1776 : index
    %swap3A_476 = tpu.vector_load %arg13[%swap3A_475] {strides = array<i32>} : memref<2048xf32, #tpu.memory_space<vmem>>, vector<16xf32>,
    tpu.vector_store %arg13[%swap3A_475], %broadcast_in_dim3A_27 {strides = array<i32>} : memref<2048xf32, #tpu.memory_space<vmem>>, vector<16xf32>,
    %swap3A_477 = arith.constant 1792 : index
    %swap3A_478 = tpu.vector_load %arg12[%swap3A_477] {strides = array<i32>} : memref<2048xi32, #tpu.memory_space<vmem>>, vector<16xi32>,
    tpu.vector_store %arg12[%swap3A_477], %broadcast_in_dim3A_29 {strides = array<i32>} : memref<2048xi32, #tpu.memory_space<vmem>>, vector<16xi32>,
    %swap3A_479 = arith.constant 1792 : index
    %swap3A_480 = tpu.vector_load %arg13[%swap3A_479] {strides = array<i32>} : memref<2048xf32, #tpu.memory_space<vmem>>, vector<16xf32>,
    tpu.vector_store %arg13[%swap3A_479], %broadcast_in_dim3A_27 {strides = array<i32>} : memref<2048xf32, #tpu.memory_space<vmem>>, vector<16xf32>,
    %swap3A_481 = arith.constant 1808 : index
    %swap3A_482 = tpu.vector_load %arg12[%swap3A_481] {strides = array<i32>} : memref<2048xi32, #tpu.memory_space<vmem>>, vector<16xi32>,
    tpu.vector_store %arg12[%swap3A_481], %broadcast_in_dim3A_29 {strides = array<i32>} : memref<2048xi32, #tpu.memory_space<vmem>>, vector<16xi32>,
    %swap3A_483 = arith.constant 1808 : index
    %swap3A_484 = tpu.vector_load %arg13[%swap3A_483] {strides = array<i32>} : memref<2048xf32, #tpu.memory_space<vmem>>, vector<16xf32>,
    tpu.vector_store %arg13[%swap3A_483], %broadcast_in_dim3A_27 {strides = array<i32>} : memref<2048xf32, #tpu.memory_space<vmem>>, vector<16xf32>,
    %swap3A_485 = arith.constant 1824 : index
    %swap3A_486 = tpu.vector_load %arg12[%swap3A_485] {strides = array<i32>} : memref<2048xi32, #tpu.memory_space<vmem>>, vector<16xi32>,
    tpu.vector_store %arg12[%swap3A_485], %broadcast_in_dim3A_29 {strides = array<i32>} : memref<2048xi32, #tpu.memory_space<vmem>>, vector<16xi32>,
    %swap3A_487 = arith.constant 1824 : index
    %swap3A_488 = tpu.vector_load %arg13[%swap3A_487] {strides = array<i32>} : memref<2048xf32, #tpu.memory_space<vmem>>, vector<16xf32>,
    tpu.vector_store %arg13[%swap3A_487], %broadcast_in_dim3A_27 {strides = array<i32>} : memref<2048xf32, #tpu.memory_space<vmem>>, vector<16xf32>,
    %swap3A_489 = arith.constant 1840 : index
    %swap3A_490 = tpu.vector_load %arg12[%swap3A_489] {strides = array<i32>} : memref<2048xi32, #tpu.memory_space<vmem>>, vector<16xi32>,
    tpu.vector_store %arg12[%swap3A_489], %broadcast_in_dim3A_29 {strides = array<i32>} : memref<2048xi32, #tpu.memory_space<vmem>>, vector<16xi32>,
    %swap3A_491 = arith.constant 1840 : index
    %swap3A_492 = tpu.vector_load %arg13[%swap3A_491] {strides = array<i32>} : memref<2048xf32, #tpu.memory_space<vmem>>, vector<16xf32>,
    tpu.vector_store %arg13[%swap3A_491], %broadcast_in_dim3A_27 {strides = array<i32>} : memref<2048xf32, #tpu.memory_space<vmem>>, vector<16xf32>,
    %swap3A_493 = arith.constant 1856 : index
    %swap3A_494 = tpu.vector_load %arg12[%swap3A_493] {strides = array<i32>} : memref<2048xi32, #tpu.memory_space<vmem>>, vector<16xi32>,
    tpu.vector_store %arg12[%swap3A_493], %broadcast_in_dim3A_29 {strides = array<i32>} : memref<2048xi32, #tpu.memory_space<vmem>>, vector<16xi32>,
    %swap3A_495 = arith.constant 1856 : index
    %swap3A_496 = tpu.vector_load %arg13[%swap3A_495] {strides = array<i32>} : memref<2048xf32, #tpu.memory_space<vmem>>, vector<16xf32>,
    tpu.vector_store %arg13[%swap3A_495], %broadcast_in_dim3A_27 {strides = array<i32>} : memref<2048xf32, #tpu.memory_space<vmem>>, vector<16xf32>,
    %swap3A_497 = arith.constant 1872 : index
    %swap3A_498 = tpu.vector_load %arg12[%swap3A_497] {strides = array<i32>} : memref<2048xi32, #tpu.memory_space<vmem>>, vector<16xi32>,
    tpu.vector_store %arg12[%swap3A_497], %broadcast_in_dim3A_29 {strides = array<i32>} : memref<2048xi32, #tpu.memory_space<vmem>>, vector<16xi32>,
    %swap3A_499 = arith.constant 1872 : index
    %swap3A_500 = tpu.vector_load %arg13[%swap3A_499] {strides = array<i32>} : memref<2048xf32, #tpu.memory_space<vmem>>, vector<16xf32>,
    tpu.vector_store %arg13[%swap3A_499], %broadcast_in_dim3A_27 {strides = array<i32>} : memref<2048xf32, #tpu.memory_space<vmem>>, vector<16xf32>,
    %swap3A_501 = arith.constant 1888 : index
    %swap3A_502 = tpu.vector_load %arg12[%swap3A_501] {strides = array<i32>} : memref<2048xi32, #tpu.memory_space<vmem>>, vector<16xi32>,
    tpu.vector_store %arg12[%swap3A_501], %broadcast_in_dim3A_29 {strides = array<i32>} : memref<2048xi32, #tpu.memory_space<vmem>>, vector<16xi32>,
    %swap3A_503 = arith.constant 1888 : index
    %swap3A_504 = tpu.vector_load %arg13[%swap3A_503] {strides = array<i32>} : memref<2048xf32, #tpu.memory_space<vmem>>, vector<16xf32>,
    tpu.vector_store %arg13[%swap3A_503], %broadcast_in_dim3A_27 {strides = array<i32>} : memref<2048xf32, #tpu.memory_space<vmem>>, vector<16xf32>,
    %swap3A_505 = arith.constant 1904 : index
    %swap3A_506 = tpu.vector_load %arg12[%swap3A_505] {strides = array<i32>} : memref<2048xi32, #tpu.memory_space<vmem>>, vector<16xi32>,
    tpu.vector_store %arg12[%swap3A_505], %broadcast_in_dim3A_29 {strides = array<i32>} : memref<2048xi32, #tpu.memory_space<vmem>>, vector<16xi32>,
    %swap3A_507 = arith.constant 1904 : index
    %swap3A_508 = tpu.vector_load %arg13[%swap3A_507] {strides = array<i32>} : memref<2048xf32, #tpu.memory_space<vmem>>, vector<16xf32>,
    tpu.vector_store %arg13[%swap3A_507], %broadcast_in_dim3A_27 {strides = array<i32>} : memref<2048xf32, #tpu.memory_space<vmem>>, vector<16xf32>,
    %swap3A_509 = arith.constant 1920 : index
    %swap3A_510 = tpu.vector_load %arg12[%swap3A_509] {strides = array<i32>} : memref<2048xi32, #tpu.memory_space<vmem>>, vector<16xi32>,
    tpu.vector_store %arg12[%swap3A_509], %broadcast_in_dim3A_29 {strides = array<i32>} : memref<2048xi32, #tpu.memory_space<vmem>>, vector<16xi32>,
    %swap3A_511 = arith.constant 1920 : index
    %swap3A_512 = tpu.vector_load %arg13[%swap3A_511] {strides = array<i32>} : memref<2048xf32, #tpu.memory_space<vmem>>, vector<16xf32>,
    tpu.vector_store %arg13[%swap3A_511], %broadcast_in_dim3A_27 {strides = array<i32>} : memref<2048xf32, #tpu.memory_space<vmem>>, vector<16xf32>,
    %swap3A_513 = arith.constant 1936 : index
    %swap3A_514 = tpu.vector_load %arg12[%swap3A_513] {strides = array<i32>} : memref<2048xi32, #tpu.memory_space<vmem>>, vector<16xi32>,
    tpu.vector_store %arg12[%swap3A_513], %broadcast_in_dim3A_29 {strides = array<i32>} : memref<2048xi32, #tpu.memory_space<vmem>>, vector<16xi32>,
    %swap3A_515 = arith.constant 1936 : index
    %swap3A_516 = tpu.vector_load %arg13[%swap3A_515] {strides = array<i32>} : memref<2048xf32, #tpu.memory_space<vmem>>, vector<16xf32>,
    tpu.vector_store %arg13[%swap3A_515], %broadcast_in_dim3A_27 {strides = array<i32>} : memref<2048xf32, #tpu.memory_space<vmem>>, vector<16xf32>,
    %swap3A_517 = arith.constant 1952 : index
    %swap3A_518 = tpu.vector_load %arg12[%swap3A_517] {strides = array<i32>} : memref<2048xi32, #tpu.memory_space<vmem>>, vector<16xi32>,
    tpu.vector_store %arg12[%swap3A_517], %broadcast_in_dim3A_29 {strides = array<i32>} : memref<2048xi32, #tpu.memory_space<vmem>>, vector<16xi32>,
    %swap3A_519 = arith.constant 1952 : index
    %swap3A_520 = tpu.vector_load %arg13[%swap3A_519] {strides = array<i32>} : memref<2048xf32, #tpu.memory_space<vmem>>, vector<16xf32>,
    tpu.vector_store %arg13[%swap3A_519], %broadcast_in_dim3A_27 {strides = array<i32>} : memref<2048xf32, #tpu.memory_space<vmem>>, vector<16xf32>,
    %swap3A_521 = arith.constant 1968 : index
    %swap3A_522 = tpu.vector_load %arg12[%swap3A_521] {strides = array<i32>} : memref<2048xi32, #tpu.memory_space<vmem>>, vector<16xi32>,
    tpu.vector_store %arg12[%swap3A_521], %broadcast_in_dim3A_29 {strides = array<i32>} : memref<2048xi32, #tpu.memory_space<vmem>>, vector<16xi32>,
    %swap3A_523 = arith.constant 1968 : index
    %swap3A_524 = tpu.vector_load %arg13[%swap3A_523] {strides = array<i32>} : memref<2048xf32, #tpu.memory_space<vmem>>, vector<16xf32>,
    tpu.vector_store %arg13[%swap3A_523], %broadcast_in_dim3A_27 {strides = array<i32>} : memref<2048xf32, #tpu.memory_space<vmem>>, vector<16xf32>,
    %swap3A_525 = arith.constant 1984 : index
    %swap3A_526 = tpu.vector_load %arg12[%swap3A_525] {strides = array<i32>} : memref<2048xi32, #tpu.memory_space<vmem>>, vector<16xi32>,
    tpu.vector_store %arg12[%swap3A_525], %broadcast_in_dim3A_29 {strides = array<i32>} : memref<2048xi32, #tpu.memory_space<vmem>>, vector<16xi32>,
    %swap3A_527 = arith.constant 1984 : index
    %swap3A_528 = tpu.vector_load %arg13[%swap3A_527] {strides = array<i32>} : memref<2048xf32, #tpu.memory_space<vmem>>, vector<16xf32>,
    tpu.vector_store %arg13[%swap3A_527], %broadcast_in_dim3A_27 {strides = array<i32>} : memref<2048xf32, #tpu.memory_space<vmem>>, vector<16xf32>,
    %swap3A_529 = arith.constant 2000 : index
    %swap3A_530 = tpu.vector_load %arg12[%swap3A_529] {strides = array<i32>} : memref<2048xi32, #tpu.memory_space<vmem>>, vector<16xi32>,
    tpu.vector_store %arg12[%swap3A_529], %broadcast_in_dim3A_29 {strides = array<i32>} : memref<2048xi32, #tpu.memory_space<vmem>>, vector<16xi32>,
    %swap3A_531 = arith.constant 2000 : index
    %swap3A_532 = tpu.vector_load %arg13[%swap3A_531] {strides = array<i32>} : memref<2048xf32, #tpu.memory_space<vmem>>, vector<16xf32>,
    tpu.vector_store %arg13[%swap3A_531], %broadcast_in_dim3A_27 {strides = array<i32>} : memref<2048xf32, #tpu.memory_space<vmem>>, vector<16xf32>,
    %swap3A_533 = arith.constant 2016 : index
    %swap3A_534 = tpu.vector_load %arg12[%swap3A_533] {strides = array<i32>} : memref<2048xi32, #tpu.memory_space<vmem>>, vector<16xi32>,
    tpu.vector_store %arg12[%swap3A_533], %broadcast_in_dim3A_29 {strides = array<i32>} : memref<2048xi32, #tpu.memory_space<vmem>>, vector<16xi32>,
    %swap3A_535 = arith.constant 2016 : index
    %swap3A_536 = tpu.vector_load %arg13[%swap3A_535] {strides = array<i32>} : memref<2048xf32, #tpu.memory_space<vmem>>, vector<16xf32>,
    tpu.vector_store %arg13[%swap3A_535], %broadcast_in_dim3A_27 {strides = array<i32>} : memref<2048xf32, #tpu.memory_space<vmem>>, vector<16xf32>,
    %swap3A_537 = arith.constant 2032 : index
    %swap3A_538 = tpu.vector_load %arg12[%swap3A_537] {strides = array<i32>} : memref<2048xi32, #tpu.memory_space<vmem>>, vector<16xi32>,
    tpu.vector_store %arg12[%swap3A_537], %broadcast_in_dim3A_29 {strides = array<i32>} : memref<2048xi32, #tpu.memory_space<vmem>>, vector<16xi32>,
    %swap3A_539 = arith.constant 2032 : index
    %swap3A_540 = tpu.vector_load %arg13[%swap3A_539] {strides = array<i32>} : memref<2048xf32, #tpu.memory_space<vmem>>, vector<16xf32>,
    tpu.vector_store %arg13[%swap3A_539], %broadcast_in_dim3A_27 {strides = array<i32>} : memref<2048xf32, #tpu.memory_space<vmem>>, vector<16xf32>,
    %add3A_541 = arith.constant 0 : i32
    %add3A_542 = arith.addi %mul3A_2, %add3A_541 : i32
    %dma_start3A = tpu.memref_slice %arg3[%add3A_542] : memref<16777216xf32, #tpu.memory_space<hbm>> -> memref<16384xf32, #tpu.memory_space<hbm>>
    %dma_start3A_543 = tpu.memref_slice %arg3[%add3A_542] : memref<16777216xf32, #tpu.memory_space<hbm>> -> memref<16384xf32, #tpu.memory_space<hbm>>
    tpu.enqueue_dma source(%dma_start3A_543 : memref<16384xf32, #tpu.memory_space<hbm>>) target(%arg6 : memref<16384xf32, #tpu.memory_space<vmem>>) target_semaphore(%arg15 : memref<!tpu.dma_semaphore, #tpu.memory_space<semaphore_mem>>)
    %dma_start3A_544 = tpu.memref_slice %arg2[%add3A_542] : memref<16777216xi32, #tpu.memory_space<hbm>> -> memref<16384xi32, #tpu.memory_space<hbm>>
    %dma_start3A_545 = tpu.memref_slice %arg2[%add3A_542] : memref<16777216xi32, #tpu.memory_space<hbm>> -> memref<16384xi32, #tpu.memory_space<hbm>>
    tpu.enqueue_dma source(%dma_start3A_545 : memref<16384xi32, #tpu.memory_space<hbm>>) target(%arg8 : memref<16384xi32, #tpu.memory_space<vmem>>) target_semaphore(%arg15 : memref<!tpu.dma_semaphore, #tpu.memory_space<semaphore_mem>>)
    %dma_start3A_546 = tpu.memref_slice %arg4[%add3A_542] : memref<16777216xi32, #tpu.memory_space<hbm>> -> memref<16384xi32, #tpu.memory_space<hbm>>
    %dma_start3A_547 = tpu.memref_slice %arg4[%add3A_542] : memref<16777216xi32, #tpu.memory_space<hbm>> -> memref<16384xi32, #tpu.memory_space<hbm>>
    tpu.enqueue_dma source(%dma_start3A_547 : memref<16384xi32, #tpu.memory_space<hbm>>) target(%arg10 : memref<16384xi32, #tpu.memory_space<vmem>>) target_semaphore(%arg15 : memref<!tpu.dma_semaphore, #tpu.memory_space<semaphore_mem>>)
    %scan3A = arith.constant 0 : i32
    %scan3A_548 = arith.constant 16 : i32
    %scan3A_549 = arith.addi %scan3A, %scan3A_548 : i32
    %scan3A_550 = arith.constant 1 : i32
    scf.for %scan3A_1732 = %scan3A to %scan3A_549 step %scan3A_550  : i32 {
      %mul3A_1733 = arith.constant 1 : i32
      %mul3A_1734 = arith.muli %scan3A_1732, %mul3A_1733 : i32
      %add3A_1735 = arith.constant 0 : i32
      %add3A_1736 = arith.addi %add3A_1735, %mul3A_1734 : i32
      %mul3A_1737 = arith.constant 2 : i32
      %mul3A_1738 = arith.muli %add3A_1736, %mul3A_1737 : i32
      %add3A_1739 = arith.constant 0 : i32
      %add3A_1740 = arith.addi %mul3A_1738, %add3A_1739 : i32
      %add3A_1741 = arith.constant 1 : i32
      %add3A_1742 = arith.addi %add3A_1740, %add3A_1741 : i32
      %lt3A = arith.constant 32 : i32
      %lt3A_1743 = arith.cmpi slt, %add3A_1742, %lt3A : i32
      %convert_element_type3A_1744 = arith.extui %lt3A_1743 : i1 to i32
      %cond3A = arith.constant 0 : i32
      %cond3A_1745 = arith.cmpi ne, %convert_element_type3A_1744, %cond3A : i32
      scf.if %cond3A_1745 {
        %add3A_1779 = arith.constant 1 : i32
        %add3A_1780 = arith.addi %add3A_1740, %add3A_1779 : i32
        %mul3A_1781 = arith.constant 16384 : i32
        %mul3A_1782 = arith.muli %add3A_1780, %mul3A_1781 : i32
        %add3A_1783 = arith.addi %mul3A_2, %mul3A_1782 : i32
        %dma_start3A_1784 = tpu.memref_slice %arg3[%add3A_1783] : memref<16777216xf32, #tpu.memory_space<hbm>> -> memref<16384xf32, #tpu.memory_space<hbm>>
        %dma_start3A_1785 = tpu.memref_slice %arg3[%add3A_1783] : memref<16777216xf32, #tpu.memory_space<hbm>> -> memref<16384xf32, #tpu.memory_space<hbm>>
        tpu.enqueue_dma source(%dma_start3A_1785 : memref<16384xf32, #tpu.memory_space<hbm>>) target(%arg7 : memref<16384xf32, #tpu.memory_space<vmem>>) target_semaphore(%arg16 : memref<!tpu.dma_semaphore, #tpu.memory_space<semaphore_mem>>)
        %dma_start3A_1786 = tpu.memref_slice %arg2[%add3A_1783] : memref<16777216xi32, #tpu.memory_space<hbm>> -> memref<16384xi32, #tpu.memory_space<hbm>>
        %dma_start3A_1787 = tpu.memref_slice %arg2[%add3A_1783] : memref<16777216xi32, #tpu.memory_space<hbm>> -> memref<16384xi32, #tpu.memory_space<hbm>>
        tpu.enqueue_dma source(%dma_start3A_1787 : memref<16384xi32, #tpu.memory_space<hbm>>) target(%arg9 : memref<16384xi32, #tpu.memory_space<vmem>>) target_semaphore(%arg16 : memref<!tpu.dma_semaphore, #tpu.memory_space<semaphore_mem>>)
        %dma_start3A_1788 = tpu.memref_slice %arg4[%add3A_1783] : memref<16777216xi32, #tpu.memory_space<hbm>> -> memref<16384xi32, #tpu.memory_space<hbm>>
        %dma_start3A_1789 = tpu.memref_slice %arg4[%add3A_1783] : memref<16777216xi32, #tpu.memory_space<hbm>> -> memref<16384xi32, #tpu.memory_space<hbm>>
        tpu.enqueue_dma source(%dma_start3A_1789 : memref<16384xi32, #tpu.memory_space<hbm>>) target(%arg11 : memref<16384xi32, #tpu.memory_space<vmem>>) target_semaphore(%arg16 : memref<!tpu.dma_semaphore, #tpu.memory_space<semaphore_mem>>)
      } else {
      }
      %mul3A_1746 = arith.constant 16384 : i32
      %mul3A_1747 = arith.muli %add3A_1740, %mul3A_1746 : i32
      %add3A_1748 = arith.addi %mul3A_2, %mul3A_1747 : i32
      %dma_wait3A = tpu.memref_slice %arg3[%add3A_1748] : memref<16777216xf32, #tpu.memory_space<hbm>> -> memref<16384xf32, #tpu.memory_space<hbm>>
      %dma_wait3A_1749 = tpu.memref_slice %arg3[%add3A_1748] : memref<16777216xf32, #tpu.memory_space<hbm>> -> memref<16384xf32, #tpu.memory_space<hbm>>
      tpu.wait_dma2 semaphore(%arg15 : memref<!tpu.dma_semaphore, #tpu.memory_space<semaphore_mem>>) src(%dma_wait3A_1749 : memref<16384xf32, #tpu.memory_space<hbm>>) dst(%arg6 : memref<16384xf32, #tpu.memory_space<vmem>>)
      %dma_wait3A_1750 = tpu.memref_slice %arg2[%add3A_1748] : memref<16777216xi32, #tpu.memory_space<hbm>> -> memref<16384xi32, #tpu.memory_space<hbm>>
      %dma_wait3A_1751 = tpu.memref_slice %arg2[%add3A_1748] : memref<16777216xi32, #tpu.memory_space<hbm>> -> memref<16384xi32, #tpu.memory_space<hbm>>
      tpu.wait_dma2 semaphore(%arg15 : memref<!tpu.dma_semaphore, #tpu.memory_space<semaphore_mem>>) src(%dma_wait3A_1751 : memref<16384xi32, #tpu.memory_space<hbm>>) dst(%arg8 : memref<16384xi32, #tpu.memory_space<vmem>>)
      %dma_wait3A_1752 = tpu.memref_slice %arg4[%add3A_1748] : memref<16777216xi32, #tpu.memory_space<hbm>> -> memref<16384xi32, #tpu.memory_space<hbm>>
      %dma_wait3A_1753 = tpu.memref_slice %arg4[%add3A_1748] : memref<16777216xi32, #tpu.memory_space<hbm>> -> memref<16384xi32, #tpu.memory_space<hbm>>
      tpu.wait_dma2 semaphore(%arg15 : memref<!tpu.dma_semaphore, #tpu.memory_space<semaphore_mem>>) src(%dma_wait3A_1753 : memref<16384xi32, #tpu.memory_space<hbm>>) dst(%arg10 : memref<16384xi32, #tpu.memory_space<vmem>>)
      %parallel_loop3A = arith.constant 0 : i32
      %parallel_loop3A_1754 = arith.constant 1024 : i32
      %parallel_loop3A_1755 = arith.constant 8 : i32
      scf.for %parallel_loop3A_1779 = %parallel_loop3A to %parallel_loop3A_1754 step %parallel_loop3A_1755  : i32 {
        %parallel_loop3A_1780 = arith.constant 0 : i32
        %parallel_loop3A_1781 = arith.addi %parallel_loop3A_1779, %parallel_loop3A_1780 : i32
        %parallel_loop3A_1782 = arith.constant 16 : i32
        %parallel_loop3A_1783 = arith.muli %parallel_loop3A_1781, %parallel_loop3A_1782 : i32
        %parallel_loop3A_1784 = arith.index_cast %parallel_loop3A_1783 : i32 to index
        %parallel_loop3A_1785 = tpu.vector_load %arg6[%parallel_loop3A_1784] {strides = array<i32>} : memref<16384xf32, #tpu.memory_space<vmem>>, vector<16xf32>,
        %parallel_loop3A_1786 = arith.index_cast %parallel_loop3A_1783 : i32 to index
        %parallel_loop3A_1787 = tpu.vector_load %arg8[%parallel_loop3A_1786] {strides = array<i32>} : memref<16384xi32, #tpu.memory_space<vmem>>, vector<16xi32>,
        %parallel_loop3A_1788 = arith.index_cast %parallel_loop3A_1783 : i32 to index
        %parallel_loop3A_1789 = tpu.vector_load %arg10[%parallel_loop3A_1788] {strides = array<i32>} : memref<16384xi32, #tpu.memory_space<vmem>>, vector<16xi32>,
        %parallel_loop3A_1790 = arith.constant 2.400000e+02 : f32
        %parallel_loop3A_1791 = vector.broadcast %parallel_loop3A_1790 : f32 to vector<16xf32>
        %parallel_loop3A_1792 = arith.mulf %parallel_loop3A_1785, %parallel_loop3A_1791 : vector<16xf32>
        %parallel_loop3A_1793 = arith.fptosi %parallel_loop3A_1792 : vector<16xf32> to vector<16xi32>
        %parallel_loop3A_1794 = arith.constant -16 : i32
        %parallel_loop3A_1795 = vector.broadcast %parallel_loop3A_1794 : i32 to vector<16xi32>
        %parallel_loop3A_1796 = arith.andi %parallel_loop3A_1793, %parallel_loop3A_1795 : vector<16xi32>
        %parallel_loop3A_1797 = arith.ori %parallel_loop3A_1796, %add3A_5 : vector<16xi32>
        %parallel_loop3A_1798 = arith.cmpi eq, %parallel_loop3A_1787, %parallel_loop3A_1789 : vector<16xi32>
        %parallel_loop3A_1799 = arith.constant 65537 : i32
        %parallel_loop3A_1800 = arith.constant 65536 : i32
        %parallel_loop3A_1801 = vector.broadcast %parallel_loop3A_1799 : i32 to vector<16xi32>
        %parallel_loop3A_1802 = vector.broadcast %parallel_loop3A_1800 : i32 to vector<16xi32>
        %parallel_loop3A_1803 = arith.select %parallel_loop3A_1798, %parallel_loop3A_1801, %parallel_loop3A_1802 : vector<16xi1>, vector<16xi32>
        tpu.vector_store_idx %arg12[%parallel_loop3A_1797], %parallel_loop3A_1803 {add = true} : memref<2048xi32, #tpu.memory_space<vmem>>[vector<16xi32>], vector<16xi32>,
        tpu.vector_store_idx %arg13[%parallel_loop3A_1797], %parallel_loop3A_1785 {add = true} : memref<2048xf32, #tpu.memory_space<vmem>>[vector<16xi32>], vector<16xf32>,
        %parallel_loop3A_1804 = arith.constant 1 : i32
        %parallel_loop3A_1805 = arith.addi %parallel_loop3A_1779, %parallel_loop3A_1804 : i32
        %parallel_loop3A_1806 = arith.constant 16 : i32
        %parallel_loop3A_1807 = arith.muli %parallel_loop3A_1805, %parallel_loop3A_1806 : i32
        %parallel_loop3A_1808 = arith.index_cast %parallel_loop3A_1807 : i32 to index
        %parallel_loop3A_1809 = tpu.vector_load %arg6[%parallel_loop3A_1808] {strides = array<i32>} : memref<16384xf32, #tpu.memory_space<vmem>>, vector<16xf32>,
        %parallel_loop3A_1810 = arith.index_cast %parallel_loop3A_1807 : i32 to index
        %parallel_loop3A_1811 = tpu.vector_load %arg8[%parallel_loop3A_1810] {strides = array<i32>} : memref<16384xi32, #tpu.memory_space<vmem>>, vector<16xi32>,
        %parallel_loop3A_1812 = arith.index_cast %parallel_loop3A_1807 : i32 to index
        %parallel_loop3A_1813 = tpu.vector_load %arg10[%parallel_loop3A_1812] {strides = array<i32>} : memref<16384xi32, #tpu.memory_space<vmem>>, vector<16xi32>,
        %parallel_loop3A_1814 = arith.constant 2.400000e+02 : f32
        %parallel_loop3A_1815 = vector.broadcast %parallel_loop3A_1814 : f32 to vector<16xf32>
        %parallel_loop3A_1816 = arith.mulf %parallel_loop3A_1809, %parallel_loop3A_1815 : vector<16xf32>
        %parallel_loop3A_1817 = arith.fptosi %parallel_loop3A_1816 : vector<16xf32> to vector<16xi32>
        %parallel_loop3A_1818 = arith.constant -16 : i32
        %parallel_loop3A_1819 = vector.broadcast %parallel_loop3A_1818 : i32 to vector<16xi32>
        %parallel_loop3A_1820 = arith.andi %parallel_loop3A_1817, %parallel_loop3A_1819 : vector<16xi32>
        %parallel_loop3A_1821 = arith.ori %parallel_loop3A_1820, %add3A_8 : vector<16xi32>
        %parallel_loop3A_1822 = arith.cmpi eq, %parallel_loop3A_1811, %parallel_loop3A_1813 : vector<16xi32>
        %parallel_loop3A_1823 = arith.constant 65537 : i32
        %parallel_loop3A_1824 = arith.constant 65536 : i32
        %parallel_loop3A_1825 = vector.broadcast %parallel_loop3A_1823 : i32 to vector<16xi32>
        %parallel_loop3A_1826 = vector.broadcast %parallel_loop3A_1824 : i32 to vector<16xi32>
        %parallel_loop3A_1827 = arith.select %parallel_loop3A_1822, %parallel_loop3A_1825, %parallel_loop3A_1826 : vector<16xi1>, vector<16xi32>
        tpu.vector_store_idx %arg12[%parallel_loop3A_1821], %parallel_loop3A_1827 {add = true} : memref<2048xi32, #tpu.memory_space<vmem>>[vector<16xi32>], vector<16xi32>,
        tpu.vector_store_idx %arg13[%parallel_loop3A_1821], %parallel_loop3A_1809 {add = true} : memref<2048xf32, #tpu.memory_space<vmem>>[vector<16xi32>], vector<16xf32>,
        %parallel_loop3A_1828 = arith.constant 2 : i32
        %parallel_loop3A_1829 = arith.addi %parallel_loop3A_1779, %parallel_loop3A_1828 : i32
        %parallel_loop3A_1830 = arith.constant 16 : i32
        %parallel_loop3A_1831 = arith.muli %parallel_loop3A_1829, %parallel_loop3A_1830 : i32
        %parallel_loop3A_1832 = arith.index_cast %parallel_loop3A_1831 : i32 to index
        %parallel_loop3A_1833 = tpu.vector_load %arg6[%parallel_loop3A_1832] {strides = array<i32>} : memref<16384xf32, #tpu.memory_space<vmem>>, vector<16xf32>,
        %parallel_loop3A_1834 = arith.index_cast %parallel_loop3A_1831 : i32 to index
        %parallel_loop3A_1835 = tpu.vector_load %arg8[%parallel_loop3A_1834] {strides = array<i32>} : memref<16384xi32, #tpu.memory_space<vmem>>, vector<16xi32>,
        %parallel_loop3A_1836 = arith.index_cast %parallel_loop3A_1831 : i32 to index
        %parallel_loop3A_1837 = tpu.vector_load %arg10[%parallel_loop3A_1836] {strides = array<i32>} : memref<16384xi32, #tpu.memory_space<vmem>>, vector<16xi32>,
        %parallel_loop3A_1838 = arith.constant 2.400000e+02 : f32
        %parallel_loop3A_1839 = vector.broadcast %parallel_loop3A_1838 : f32 to vector<16xf32>
        %parallel_loop3A_1840 = arith.mulf %parallel_loop3A_1833, %parallel_loop3A_1839 : vector<16xf32>
        %parallel_loop3A_1841 = arith.fptosi %parallel_loop3A_1840 : vector<16xf32> to vector<16xi32>
        %parallel_loop3A_1842 = arith.constant -16 : i32
        %parallel_loop3A_1843 = vector.broadcast %parallel_loop3A_1842 : i32 to vector<16xi32>
        %parallel_loop3A_1844 = arith.andi %parallel_loop3A_1841, %parallel_loop3A_1843 : vector<16xi32>
        %parallel_loop3A_1845 = arith.ori %parallel_loop3A_1844, %add3A_11 : vector<16xi32>
        %parallel_loop3A_1846 = arith.cmpi eq, %parallel_loop3A_1835, %parallel_loop3A_1837 : vector<16xi32>
        %parallel_loop3A_1847 = arith.constant 65537 : i32
        %parallel_loop3A_1848 = arith.constant 65536 : i32
        %parallel_loop3A_1849 = vector.broadcast %parallel_loop3A_1847 : i32 to vector<16xi32>
        %parallel_loop3A_1850 = vector.broadcast %parallel_loop3A_1848 : i32 to vector<16xi32>
        %parallel_loop3A_1851 = arith.select %parallel_loop3A_1846, %parallel_loop3A_1849, %parallel_loop3A_1850 : vector<16xi1>, vector<16xi32>
        tpu.vector_store_idx %arg12[%parallel_loop3A_1845], %parallel_loop3A_1851 {add = true} : memref<2048xi32, #tpu.memory_space<vmem>>[vector<16xi32>], vector<16xi32>,
        tpu.vector_store_idx %arg13[%parallel_loop3A_1845], %parallel_loop3A_1833 {add = true} : memref<2048xf32, #tpu.memory_space<vmem>>[vector<16xi32>], vector<16xf32>,
        %parallel_loop3A_1852 = arith.constant 3 : i32
        %parallel_loop3A_1853 = arith.addi %parallel_loop3A_1779, %parallel_loop3A_1852 : i32
        %parallel_loop3A_1854 = arith.constant 16 : i32
        %parallel_loop3A_1855 = arith.muli %parallel_loop3A_1853, %parallel_loop3A_1854 : i32
        %parallel_loop3A_1856 = arith.index_cast %parallel_loop3A_1855 : i32 to index
        %parallel_loop3A_1857 = tpu.vector_load %arg6[%parallel_loop3A_1856] {strides = array<i32>} : memref<16384xf32, #tpu.memory_space<vmem>>, vector<16xf32>,
        %parallel_loop3A_1858 = arith.index_cast %parallel_loop3A_1855 : i32 to index
        %parallel_loop3A_1859 = tpu.vector_load %arg8[%parallel_loop3A_1858] {strides = array<i32>} : memref<16384xi32, #tpu.memory_space<vmem>>, vector<16xi32>,
        %parallel_loop3A_1860 = arith.index_cast %parallel_loop3A_1855 : i32 to index
        %parallel_loop3A_1861 = tpu.vector_load %arg10[%parallel_loop3A_1860] {strides = array<i32>} : memref<16384xi32, #tpu.memory_space<vmem>>, vector<16xi32>,
        %parallel_loop3A_1862 = arith.constant 2.400000e+02 : f32
        %parallel_loop3A_1863 = vector.broadcast %parallel_loop3A_1862 : f32 to vector<16xf32>
        %parallel_loop3A_1864 = arith.mulf %parallel_loop3A_1857, %parallel_loop3A_1863 : vector<16xf32>
        %parallel_loop3A_1865 = arith.fptosi %parallel_loop3A_1864 : vector<16xf32> to vector<16xi32>
        %parallel_loop3A_1866 = arith.constant -16 : i32
        %parallel_loop3A_1867 = vector.broadcast %parallel_loop3A_1866 : i32 to vector<16xi32>
        %parallel_loop3A_1868 = arith.andi %parallel_loop3A_1865, %parallel_loop3A_1867 : vector<16xi32>
        %parallel_loop3A_1869 = arith.ori %parallel_loop3A_1868, %add3A_14 : vector<16xi32>
        %parallel_loop3A_1870 = arith.cmpi eq, %parallel_loop3A_1859, %parallel_loop3A_1861 : vector<16xi32>
        %parallel_loop3A_1871 = arith.constant 65537 : i32
        %parallel_loop3A_1872 = arith.constant 65536 : i32
        %parallel_loop3A_1873 = vector.broadcast %parallel_loop3A_1871 : i32 to vector<16xi32>
        %parallel_loop3A_1874 = vector.broadcast %parallel_loop3A_1872 : i32 to vector<16xi32>
        %parallel_loop3A_1875 = arith.select %parallel_loop3A_1870, %parallel_loop3A_1873, %parallel_loop3A_1874 : vector<16xi1>, vector<16xi32>
        tpu.vector_store_idx %arg12[%parallel_loop3A_1869], %parallel_loop3A_1875 {add = true} : memref<2048xi32, #tpu.memory_space<vmem>>[vector<16xi32>], vector<16xi32>,
        tpu.vector_store_idx %arg13[%parallel_loop3A_1869], %parallel_loop3A_1857 {add = true} : memref<2048xf32, #tpu.memory_space<vmem>>[vector<16xi32>], vector<16xf32>,
        %parallel_loop3A_1876 = arith.constant 4 : i32
        %parallel_loop3A_1877 = arith.addi %parallel_loop3A_1779, %parallel_loop3A_1876 : i32
        %parallel_loop3A_1878 = arith.constant 16 : i32
        %parallel_loop3A_1879 = arith.muli %parallel_loop3A_1877, %parallel_loop3A_1878 : i32
        %parallel_loop3A_1880 = arith.index_cast %parallel_loop3A_1879 : i32 to index
        %parallel_loop3A_1881 = tpu.vector_load %arg6[%parallel_loop3A_1880] {strides = array<i32>} : memref<16384xf32, #tpu.memory_space<vmem>>, vector<16xf32>,
        %parallel_loop3A_1882 = arith.index_cast %parallel_loop3A_1879 : i32 to index
        %parallel_loop3A_1883 = tpu.vector_load %arg8[%parallel_loop3A_1882] {strides = array<i32>} : memref<16384xi32, #tpu.memory_space<vmem>>, vector<16xi32>,
        %parallel_loop3A_1884 = arith.index_cast %parallel_loop3A_1879 : i32 to index
        %parallel_loop3A_1885 = tpu.vector_load %arg10[%parallel_loop3A_1884] {strides = array<i32>} : memref<16384xi32, #tpu.memory_space<vmem>>, vector<16xi32>,
        %parallel_loop3A_1886 = arith.constant 2.400000e+02 : f32
        %parallel_loop3A_1887 = vector.broadcast %parallel_loop3A_1886 : f32 to vector<16xf32>
        %parallel_loop3A_1888 = arith.mulf %parallel_loop3A_1881, %parallel_loop3A_1887 : vector<16xf32>
        %parallel_loop3A_1889 = arith.fptosi %parallel_loop3A_1888 : vector<16xf32> to vector<16xi32>
        %parallel_loop3A_1890 = arith.constant -16 : i32
        %parallel_loop3A_1891 = vector.broadcast %parallel_loop3A_1890 : i32 to vector<16xi32>
        %parallel_loop3A_1892 = arith.andi %parallel_loop3A_1889, %parallel_loop3A_1891 : vector<16xi32>
        %parallel_loop3A_1893 = arith.ori %parallel_loop3A_1892, %add3A_17 : vector<16xi32>
        %parallel_loop3A_1894 = arith.cmpi eq, %parallel_loop3A_1883, %parallel_loop3A_1885 : vector<16xi32>
        %parallel_loop3A_1895 = arith.constant 65537 : i32
        %parallel_loop3A_1896 = arith.constant 65536 : i32
        %parallel_loop3A_1897 = vector.broadcast %parallel_loop3A_1895 : i32 to vector<16xi32>
        %parallel_loop3A_1898 = vector.broadcast %parallel_loop3A_1896 : i32 to vector<16xi32>
        %parallel_loop3A_1899 = arith.select %parallel_loop3A_1894, %parallel_loop3A_1897, %parallel_loop3A_1898 : vector<16xi1>, vector<16xi32>
        tpu.vector_store_idx %arg12[%parallel_loop3A_1893], %parallel_loop3A_1899 {add = true} : memref<2048xi32, #tpu.memory_space<vmem>>[vector<16xi32>], vector<16xi32>,
        tpu.vector_store_idx %arg13[%parallel_loop3A_1893], %parallel_loop3A_1881 {add = true} : memref<2048xf32, #tpu.memory_space<vmem>>[vector<16xi32>], vector<16xf32>,
        %parallel_loop3A_1900 = arith.constant 5 : i32
        %parallel_loop3A_1901 = arith.addi %parallel_loop3A_1779, %parallel_loop3A_1900 : i32
        %parallel_loop3A_1902 = arith.constant 16 : i32
        %parallel_loop3A_1903 = arith.muli %parallel_loop3A_1901, %parallel_loop3A_1902 : i32
        %parallel_loop3A_1904 = arith.index_cast %parallel_loop3A_1903 : i32 to index
        %parallel_loop3A_1905 = tpu.vector_load %arg6[%parallel_loop3A_1904] {strides = array<i32>} : memref<16384xf32, #tpu.memory_space<vmem>>, vector<16xf32>,
        %parallel_loop3A_1906 = arith.index_cast %parallel_loop3A_1903 : i32 to index
        %parallel_loop3A_1907 = tpu.vector_load %arg8[%parallel_loop3A_1906] {strides = array<i32>} : memref<16384xi32, #tpu.memory_space<vmem>>, vector<16xi32>,
        %parallel_loop3A_1908 = arith.index_cast %parallel_loop3A_1903 : i32 to index
        %parallel_loop3A_1909 = tpu.vector_load %arg10[%parallel_loop3A_1908] {strides = array<i32>} : memref<16384xi32, #tpu.memory_space<vmem>>, vector<16xi32>,
        %parallel_loop3A_1910 = arith.constant 2.400000e+02 : f32
        %parallel_loop3A_1911 = vector.broadcast %parallel_loop3A_1910 : f32 to vector<16xf32>
        %parallel_loop3A_1912 = arith.mulf %parallel_loop3A_1905, %parallel_loop3A_1911 : vector<16xf32>
        %parallel_loop3A_1913 = arith.fptosi %parallel_loop3A_1912 : vector<16xf32> to vector<16xi32>
        %parallel_loop3A_1914 = arith.constant -16 : i32
        %parallel_loop3A_1915 = vector.broadcast %parallel_loop3A_1914 : i32 to vector<16xi32>
        %parallel_loop3A_1916 = arith.andi %parallel_loop3A_1913, %parallel_loop3A_1915 : vector<16xi32>
        %parallel_loop3A_1917 = arith.ori %parallel_loop3A_1916, %add3A_20 : vector<16xi32>
        %parallel_loop3A_1918 = arith.cmpi eq, %parallel_loop3A_1907, %parallel_loop3A_1909 : vector<16xi32>
        %parallel_loop3A_1919 = arith.constant 65537 : i32
        %parallel_loop3A_1920 = arith.constant 65536 : i32
        %parallel_loop3A_1921 = vector.broadcast %parallel_loop3A_1919 : i32 to vector<16xi32>
        %parallel_loop3A_1922 = vector.broadcast %parallel_loop3A_1920 : i32 to vector<16xi32>
        %parallel_loop3A_1923 = arith.select %parallel_loop3A_1918, %parallel_loop3A_1921, %parallel_loop3A_1922 : vector<16xi1>, vector<16xi32>
        tpu.vector_store_idx %arg12[%parallel_loop3A_1917], %parallel_loop3A_1923 {add = true} : memref<2048xi32, #tpu.memory_space<vmem>>[vector<16xi32>], vector<16xi32>,
        tpu.vector_store_idx %arg13[%parallel_loop3A_1917], %parallel_loop3A_1905 {add = true} : memref<2048xf32, #tpu.memory_space<vmem>>[vector<16xi32>], vector<16xf32>,
        %parallel_loop3A_1924 = arith.constant 6 : i32
        %parallel_loop3A_1925 = arith.addi %parallel_loop3A_1779, %parallel_loop3A_1924 : i32
        %parallel_loop3A_1926 = arith.constant 16 : i32
        %parallel_loop3A_1927 = arith.muli %parallel_loop3A_1925, %parallel_loop3A_1926 : i32
        %parallel_loop3A_1928 = arith.index_cast %parallel_loop3A_1927 : i32 to index
        %parallel_loop3A_1929 = tpu.vector_load %arg6[%parallel_loop3A_1928] {strides = array<i32>} : memref<16384xf32, #tpu.memory_space<vmem>>, vector<16xf32>,
        %parallel_loop3A_1930 = arith.index_cast %parallel_loop3A_1927 : i32 to index
        %parallel_loop3A_1931 = tpu.vector_load %arg8[%parallel_loop3A_1930] {strides = array<i32>} : memref<16384xi32, #tpu.memory_space<vmem>>, vector<16xi32>,
        %parallel_loop3A_1932 = arith.index_cast %parallel_loop3A_1927 : i32 to index
        %parallel_loop3A_1933 = tpu.vector_load %arg10[%parallel_loop3A_1932] {strides = array<i32>} : memref<16384xi32, #tpu.memory_space<vmem>>, vector<16xi32>,
        %parallel_loop3A_1934 = arith.constant 2.400000e+02 : f32
        %parallel_loop3A_1935 = vector.broadcast %parallel_loop3A_1934 : f32 to vector<16xf32>
        %parallel_loop3A_1936 = arith.mulf %parallel_loop3A_1929, %parallel_loop3A_1935 : vector<16xf32>
        %parallel_loop3A_1937 = arith.fptosi %parallel_loop3A_1936 : vector<16xf32> to vector<16xi32>
        %parallel_loop3A_1938 = arith.constant -16 : i32
        %parallel_loop3A_1939 = vector.broadcast %parallel_loop3A_1938 : i32 to vector<16xi32>
        %parallel_loop3A_1940 = arith.andi %parallel_loop3A_1937, %parallel_loop3A_1939 : vector<16xi32>
        %parallel_loop3A_1941 = arith.ori %parallel_loop3A_1940, %add3A_23 : vector<16xi32>
        %parallel_loop3A_1942 = arith.cmpi eq, %parallel_loop3A_1931, %parallel_loop3A_1933 : vector<16xi32>
        %parallel_loop3A_1943 = arith.constant 65537 : i32
        %parallel_loop3A_1944 = arith.constant 65536 : i32
        %parallel_loop3A_1945 = vector.broadcast %parallel_loop3A_1943 : i32 to vector<16xi32>
        %parallel_loop3A_1946 = vector.broadcast %parallel_loop3A_1944 : i32 to vector<16xi32>
        %parallel_loop3A_1947 = arith.select %parallel_loop3A_1942, %parallel_loop3A_1945, %parallel_loop3A_1946 : vector<16xi1>, vector<16xi32>
        tpu.vector_store_idx %arg12[%parallel_loop3A_1941], %parallel_loop3A_1947 {add = true} : memref<2048xi32, #tpu.memory_space<vmem>>[vector<16xi32>], vector<16xi32>,
        tpu.vector_store_idx %arg13[%parallel_loop3A_1941], %parallel_loop3A_1929 {add = true} : memref<2048xf32, #tpu.memory_space<vmem>>[vector<16xi32>], vector<16xf32>,
        %parallel_loop3A_1948 = arith.constant 7 : i32
        %parallel_loop3A_1949 = arith.addi %parallel_loop3A_1779, %parallel_loop3A_1948 : i32
        %parallel_loop3A_1950 = arith.constant 16 : i32
        %parallel_loop3A_1951 = arith.muli %parallel_loop3A_1949, %parallel_loop3A_1950 : i32
        %parallel_loop3A_1952 = arith.index_cast %parallel_loop3A_1951 : i32 to index
        %parallel_loop3A_1953 = tpu.vector_load %arg6[%parallel_loop3A_1952] {strides = array<i32>} : memref<16384xf32, #tpu.memory_space<vmem>>, vector<16xf32>,
        %parallel_loop3A_1954 = arith.index_cast %parallel_loop3A_1951 : i32 to index
        %parallel_loop3A_1955 = tpu.vector_load %arg8[%parallel_loop3A_1954] {strides = array<i32>} : memref<16384xi32, #tpu.memory_space<vmem>>, vector<16xi32>,
        %parallel_loop3A_1956 = arith.index_cast %parallel_loop3A_1951 : i32 to index
        %parallel_loop3A_1957 = tpu.vector_load %arg10[%parallel_loop3A_1956] {strides = array<i32>} : memref<16384xi32, #tpu.memory_space<vmem>>, vector<16xi32>,
        %parallel_loop3A_1958 = arith.constant 2.400000e+02 : f32
        %parallel_loop3A_1959 = vector.broadcast %parallel_loop3A_1958 : f32 to vector<16xf32>
        %parallel_loop3A_1960 = arith.mulf %parallel_loop3A_1953, %parallel_loop3A_1959 : vector<16xf32>
        %parallel_loop3A_1961 = arith.fptosi %parallel_loop3A_1960 : vector<16xf32> to vector<16xi32>
        %parallel_loop3A_1962 = arith.constant -16 : i32
        %parallel_loop3A_1963 = vector.broadcast %parallel_loop3A_1962 : i32 to vector<16xi32>
        %parallel_loop3A_1964 = arith.andi %parallel_loop3A_1961, %parallel_loop3A_1963 : vector<16xi32>
        %parallel_loop3A_1965 = arith.ori %parallel_loop3A_1964, %add3A_26 : vector<16xi32>
        %parallel_loop3A_1966 = arith.cmpi eq, %parallel_loop3A_1955, %parallel_loop3A_1957 : vector<16xi32>
        %parallel_loop3A_1967 = arith.constant 65537 : i32
        %parallel_loop3A_1968 = arith.constant 65536 : i32
        %parallel_loop3A_1969 = vector.broadcast %parallel_loop3A_1967 : i32 to vector<16xi32>
        %parallel_loop3A_1970 = vector.broadcast %parallel_loop3A_1968 : i32 to vector<16xi32>
        %parallel_loop3A_1971 = arith.select %parallel_loop3A_1966, %parallel_loop3A_1969, %parallel_loop3A_1970 : vector<16xi1>, vector<16xi32>
        tpu.vector_store_idx %arg12[%parallel_loop3A_1965], %parallel_loop3A_1971 {add = true} : memref<2048xi32, #tpu.memory_space<vmem>>[vector<16xi32>], vector<16xi32>,
        tpu.vector_store_idx %arg13[%parallel_loop3A_1965], %parallel_loop3A_1953 {add = true} : memref<2048xf32, #tpu.memory_space<vmem>>[vector<16xi32>], vector<16xf32>,
      } {sc.loop_unroll_factor = 8 : i64, sc.parallel_access}
      %mul3A_1756 = arith.constant 2 : i32
      %mul3A_1757 = arith.muli %add3A_1736, %mul3A_1756 : i32
      %add3A_1758 = arith.constant 1 : i32
      %add3A_1759 = arith.addi %mul3A_1757, %add3A_1758 : i32
      %add3A_1760 = arith.constant 1 : i32
      %add3A_1761 = arith.addi %add3A_1759, %add3A_1760 : i32
      %lt3A_1762 = arith.constant 32 : i32
      %lt3A_1763 = arith.cmpi slt, %add3A_1761, %lt3A_1762 : i32
      %convert_element_type3A_1764 = arith.extui %lt3A_1763 : i1 to i32
      %cond3A_1765 = arith.constant 0 : i32
      %cond3A_1766 = arith.cmpi ne, %convert_element_type3A_1764, %cond3A_1765 : i32
      scf.if %cond3A_1766 {
        %add3A_1779 = arith.constant 1 : i32
        %add3A_1780 = arith.addi %add3A_1759, %add3A_1779 : i32
        %mul3A_1781 = arith.constant 16384 : i32
        %mul3A_1782 = arith.muli %add3A_1780, %mul3A_1781 : i32
        %add3A_1783 = arith.addi %mul3A_2, %mul3A_1782 : i32
        %dma_start3A_1784 = tpu.memref_slice %arg3[%add3A_1783] : memref<16777216xf32, #tpu.memory_space<hbm>> -> memref<16384xf32, #tpu.memory_space<hbm>>
        %dma_start3A_1785 = tpu.memref_slice %arg3[%add3A_1783] : memref<16777216xf32, #tpu.memory_space<hbm>> -> memref<16384xf32, #tpu.memory_space<hbm>>
        tpu.enqueue_dma source(%dma_start3A_1785 : memref<16384xf32, #tpu.memory_space<hbm>>) target(%arg6 : memref<16384xf32, #tpu.memory_space<vmem>>) target_semaphore(%arg15 : memref<!tpu.dma_semaphore, #tpu.memory_space<semaphore_mem>>)
        %dma_start3A_1786 = tpu.memref_slice %arg2[%add3A_1783] : memref<16777216xi32, #tpu.memory_space<hbm>> -> memref<16384xi32, #tpu.memory_space<hbm>>
        %dma_start3A_1787 = tpu.memref_slice %arg2[%add3A_1783] : memref<16777216xi32, #tpu.memory_space<hbm>> -> memref<16384xi32, #tpu.memory_space<hbm>>
        tpu.enqueue_dma source(%dma_start3A_1787 : memref<16384xi32, #tpu.memory_space<hbm>>) target(%arg8 : memref<16384xi32, #tpu.memory_space<vmem>>) target_semaphore(%arg15 : memref<!tpu.dma_semaphore, #tpu.memory_space<semaphore_mem>>)
        %dma_start3A_1788 = tpu.memref_slice %arg4[%add3A_1783] : memref<16777216xi32, #tpu.memory_space<hbm>> -> memref<16384xi32, #tpu.memory_space<hbm>>
        %dma_start3A_1789 = tpu.memref_slice %arg4[%add3A_1783] : memref<16777216xi32, #tpu.memory_space<hbm>> -> memref<16384xi32, #tpu.memory_space<hbm>>
        tpu.enqueue_dma source(%dma_start3A_1789 : memref<16384xi32, #tpu.memory_space<hbm>>) target(%arg10 : memref<16384xi32, #tpu.memory_space<vmem>>) target_semaphore(%arg15 : memref<!tpu.dma_semaphore, #tpu.memory_space<semaphore_mem>>)
      } else {
      }
      %mul3A_1767 = arith.constant 16384 : i32
      %mul3A_1768 = arith.muli %add3A_1759, %mul3A_1767 : i32
      %add3A_1769 = arith.addi %mul3A_2, %mul3A_1768 : i32
      %dma_wait3A_1770 = tpu.memref_slice %arg3[%add3A_1769] : memref<16777216xf32, #tpu.memory_space<hbm>> -> memref<16384xf32, #tpu.memory_space<hbm>>
      %dma_wait3A_1771 = tpu.memref_slice %arg3[%add3A_1769] : memref<16777216xf32, #tpu.memory_space<hbm>> -> memref<16384xf32, #tpu.memory_space<hbm>>
      tpu.wait_dma2 semaphore(%arg16 : memref<!tpu.dma_semaphore, #tpu.memory_space<semaphore_mem>>) src(%dma_wait3A_1771 : memref<16384xf32, #tpu.memory_space<hbm>>) dst(%arg7 : memref<16384xf32, #tpu.memory_space<vmem>>)
      %dma_wait3A_1772 = tpu.memref_slice %arg2[%add3A_1769] : memref<16777216xi32, #tpu.memory_space<hbm>> -> memref<16384xi32, #tpu.memory_space<hbm>>
      %dma_wait3A_1773 = tpu.memref_slice %arg2[%add3A_1769] : memref<16777216xi32, #tpu.memory_space<hbm>> -> memref<16384xi32, #tpu.memory_space<hbm>>
      tpu.wait_dma2 semaphore(%arg16 : memref<!tpu.dma_semaphore, #tpu.memory_space<semaphore_mem>>) src(%dma_wait3A_1773 : memref<16384xi32, #tpu.memory_space<hbm>>) dst(%arg9 : memref<16384xi32, #tpu.memory_space<vmem>>)
      %dma_wait3A_1774 = tpu.memref_slice %arg4[%add3A_1769] : memref<16777216xi32, #tpu.memory_space<hbm>> -> memref<16384xi32, #tpu.memory_space<hbm>>
      %dma_wait3A_1775 = tpu.memref_slice %arg4[%add3A_1769] : memref<16777216xi32, #tpu.memory_space<hbm>> -> memref<16384xi32, #tpu.memory_space<hbm>>
      tpu.wait_dma2 semaphore(%arg16 : memref<!tpu.dma_semaphore, #tpu.memory_space<semaphore_mem>>) src(%dma_wait3A_1775 : memref<16384xi32, #tpu.memory_space<hbm>>) dst(%arg11 : memref<16384xi32, #tpu.memory_space<vmem>>)
      %parallel_loop3A_1776 = arith.constant 0 : i32
      %parallel_loop3A_1777 = arith.constant 1024 : i32
      %parallel_loop3A_1778 = arith.constant 8 : i32
      scf.for %parallel_loop3A_1779 = %parallel_loop3A_1776 to %parallel_loop3A_1777 step %parallel_loop3A_1778  : i32 {
        %parallel_loop3A_1780 = arith.constant 0 : i32
        %parallel_loop3A_1781 = arith.addi %parallel_loop3A_1779, %parallel_loop3A_1780 : i32
        %parallel_loop3A_1782 = arith.constant 16 : i32
        %parallel_loop3A_1783 = arith.muli %parallel_loop3A_1781, %parallel_loop3A_1782 : i32
        %parallel_loop3A_1784 = arith.index_cast %parallel_loop3A_1783 : i32 to index
        %parallel_loop3A_1785 = tpu.vector_load %arg7[%parallel_loop3A_1784] {strides = array<i32>} : memref<16384xf32, #tpu.memory_space<vmem>>, vector<16xf32>,
        %parallel_loop3A_1786 = arith.index_cast %parallel_loop3A_1783 : i32 to index
        %parallel_loop3A_1787 = tpu.vector_load %arg9[%parallel_loop3A_1786] {strides = array<i32>} : memref<16384xi32, #tpu.memory_space<vmem>>, vector<16xi32>,
        %parallel_loop3A_1788 = arith.index_cast %parallel_loop3A_1783 : i32 to index
        %parallel_loop3A_1789 = tpu.vector_load %arg11[%parallel_loop3A_1788] {strides = array<i32>} : memref<16384xi32, #tpu.memory_space<vmem>>, vector<16xi32>,
        %parallel_loop3A_1790 = arith.constant 2.400000e+02 : f32
        %parallel_loop3A_1791 = vector.broadcast %parallel_loop3A_1790 : f32 to vector<16xf32>
        %parallel_loop3A_1792 = arith.mulf %parallel_loop3A_1785, %parallel_loop3A_1791 : vector<16xf32>
        %parallel_loop3A_1793 = arith.fptosi %parallel_loop3A_1792 : vector<16xf32> to vector<16xi32>
        %parallel_loop3A_1794 = arith.constant -16 : i32
        %parallel_loop3A_1795 = vector.broadcast %parallel_loop3A_1794 : i32 to vector<16xi32>
        %parallel_loop3A_1796 = arith.andi %parallel_loop3A_1793, %parallel_loop3A_1795 : vector<16xi32>
        %parallel_loop3A_1797 = arith.ori %parallel_loop3A_1796, %add3A_5 : vector<16xi32>
        %parallel_loop3A_1798 = arith.cmpi eq, %parallel_loop3A_1787, %parallel_loop3A_1789 : vector<16xi32>
        %parallel_loop3A_1799 = arith.constant 65537 : i32
        %parallel_loop3A_1800 = arith.constant 65536 : i32
        %parallel_loop3A_1801 = vector.broadcast %parallel_loop3A_1799 : i32 to vector<16xi32>
        %parallel_loop3A_1802 = vector.broadcast %parallel_loop3A_1800 : i32 to vector<16xi32>
        %parallel_loop3A_1803 = arith.select %parallel_loop3A_1798, %parallel_loop3A_1801, %parallel_loop3A_1802 : vector<16xi1>, vector<16xi32>
        tpu.vector_store_idx %arg12[%parallel_loop3A_1797], %parallel_loop3A_1803 {add = true} : memref<2048xi32, #tpu.memory_space<vmem>>[vector<16xi32>], vector<16xi32>,
        tpu.vector_store_idx %arg13[%parallel_loop3A_1797], %parallel_loop3A_1785 {add = true} : memref<2048xf32, #tpu.memory_space<vmem>>[vector<16xi32>], vector<16xf32>,
        %parallel_loop3A_1804 = arith.constant 1 : i32
        %parallel_loop3A_1805 = arith.addi %parallel_loop3A_1779, %parallel_loop3A_1804 : i32
        %parallel_loop3A_1806 = arith.constant 16 : i32
        %parallel_loop3A_1807 = arith.muli %parallel_loop3A_1805, %parallel_loop3A_1806 : i32
        %parallel_loop3A_1808 = arith.index_cast %parallel_loop3A_1807 : i32 to index
        %parallel_loop3A_1809 = tpu.vector_load %arg7[%parallel_loop3A_1808] {strides = array<i32>} : memref<16384xf32, #tpu.memory_space<vmem>>, vector<16xf32>,
        %parallel_loop3A_1810 = arith.index_cast %parallel_loop3A_1807 : i32 to index
        %parallel_loop3A_1811 = tpu.vector_load %arg9[%parallel_loop3A_1810] {strides = array<i32>} : memref<16384xi32, #tpu.memory_space<vmem>>, vector<16xi32>,
        %parallel_loop3A_1812 = arith.index_cast %parallel_loop3A_1807 : i32 to index
        %parallel_loop3A_1813 = tpu.vector_load %arg11[%parallel_loop3A_1812] {strides = array<i32>} : memref<16384xi32, #tpu.memory_space<vmem>>, vector<16xi32>,
        %parallel_loop3A_1814 = arith.constant 2.400000e+02 : f32
        %parallel_loop3A_1815 = vector.broadcast %parallel_loop3A_1814 : f32 to vector<16xf32>
        %parallel_loop3A_1816 = arith.mulf %parallel_loop3A_1809, %parallel_loop3A_1815 : vector<16xf32>
        %parallel_loop3A_1817 = arith.fptosi %parallel_loop3A_1816 : vector<16xf32> to vector<16xi32>
        %parallel_loop3A_1818 = arith.constant -16 : i32
        %parallel_loop3A_1819 = vector.broadcast %parallel_loop3A_1818 : i32 to vector<16xi32>
        %parallel_loop3A_1820 = arith.andi %parallel_loop3A_1817, %parallel_loop3A_1819 : vector<16xi32>
        %parallel_loop3A_1821 = arith.ori %parallel_loop3A_1820, %add3A_8 : vector<16xi32>
        %parallel_loop3A_1822 = arith.cmpi eq, %parallel_loop3A_1811, %parallel_loop3A_1813 : vector<16xi32>
        %parallel_loop3A_1823 = arith.constant 65537 : i32
        %parallel_loop3A_1824 = arith.constant 65536 : i32
        %parallel_loop3A_1825 = vector.broadcast %parallel_loop3A_1823 : i32 to vector<16xi32>
        %parallel_loop3A_1826 = vector.broadcast %parallel_loop3A_1824 : i32 to vector<16xi32>
        %parallel_loop3A_1827 = arith.select %parallel_loop3A_1822, %parallel_loop3A_1825, %parallel_loop3A_1826 : vector<16xi1>, vector<16xi32>
        tpu.vector_store_idx %arg12[%parallel_loop3A_1821], %parallel_loop3A_1827 {add = true} : memref<2048xi32, #tpu.memory_space<vmem>>[vector<16xi32>], vector<16xi32>,
        tpu.vector_store_idx %arg13[%parallel_loop3A_1821], %parallel_loop3A_1809 {add = true} : memref<2048xf32, #tpu.memory_space<vmem>>[vector<16xi32>], vector<16xf32>,
        %parallel_loop3A_1828 = arith.constant 2 : i32
        %parallel_loop3A_1829 = arith.addi %parallel_loop3A_1779, %parallel_loop3A_1828 : i32
        %parallel_loop3A_1830 = arith.constant 16 : i32
        %parallel_loop3A_1831 = arith.muli %parallel_loop3A_1829, %parallel_loop3A_1830 : i32
        %parallel_loop3A_1832 = arith.index_cast %parallel_loop3A_1831 : i32 to index
        %parallel_loop3A_1833 = tpu.vector_load %arg7[%parallel_loop3A_1832] {strides = array<i32>} : memref<16384xf32, #tpu.memory_space<vmem>>, vector<16xf32>,
        %parallel_loop3A_1834 = arith.index_cast %parallel_loop3A_1831 : i32 to index
        %parallel_loop3A_1835 = tpu.vector_load %arg9[%parallel_loop3A_1834] {strides = array<i32>} : memref<16384xi32, #tpu.memory_space<vmem>>, vector<16xi32>,
        %parallel_loop3A_1836 = arith.index_cast %parallel_loop3A_1831 : i32 to index
        %parallel_loop3A_1837 = tpu.vector_load %arg11[%parallel_loop3A_1836] {strides = array<i32>} : memref<16384xi32, #tpu.memory_space<vmem>>, vector<16xi32>,
        %parallel_loop3A_1838 = arith.constant 2.400000e+02 : f32
        %parallel_loop3A_1839 = vector.broadcast %parallel_loop3A_1838 : f32 to vector<16xf32>
        %parallel_loop3A_1840 = arith.mulf %parallel_loop3A_1833, %parallel_loop3A_1839 : vector<16xf32>
        %parallel_loop3A_1841 = arith.fptosi %parallel_loop3A_1840 : vector<16xf32> to vector<16xi32>
        %parallel_loop3A_1842 = arith.constant -16 : i32
        %parallel_loop3A_1843 = vector.broadcast %parallel_loop3A_1842 : i32 to vector<16xi32>
        %parallel_loop3A_1844 = arith.andi %parallel_loop3A_1841, %parallel_loop3A_1843 : vector<16xi32>
        %parallel_loop3A_1845 = arith.ori %parallel_loop3A_1844, %add3A_11 : vector<16xi32>
        %parallel_loop3A_1846 = arith.cmpi eq, %parallel_loop3A_1835, %parallel_loop3A_1837 : vector<16xi32>
        %parallel_loop3A_1847 = arith.constant 65537 : i32
        %parallel_loop3A_1848 = arith.constant 65536 : i32
        %parallel_loop3A_1849 = vector.broadcast %parallel_loop3A_1847 : i32 to vector<16xi32>
        %parallel_loop3A_1850 = vector.broadcast %parallel_loop3A_1848 : i32 to vector<16xi32>
        %parallel_loop3A_1851 = arith.select %parallel_loop3A_1846, %parallel_loop3A_1849, %parallel_loop3A_1850 : vector<16xi1>, vector<16xi32>
        tpu.vector_store_idx %arg12[%parallel_loop3A_1845], %parallel_loop3A_1851 {add = true} : memref<2048xi32, #tpu.memory_space<vmem>>[vector<16xi32>], vector<16xi32>,
        tpu.vector_store_idx %arg13[%parallel_loop3A_1845], %parallel_loop3A_1833 {add = true} : memref<2048xf32, #tpu.memory_space<vmem>>[vector<16xi32>], vector<16xf32>,
        %parallel_loop3A_1852 = arith.constant 3 : i32
        %parallel_loop3A_1853 = arith.addi %parallel_loop3A_1779, %parallel_loop3A_1852 : i32
        %parallel_loop3A_1854 = arith.constant 16 : i32
        %parallel_loop3A_1855 = arith.muli %parallel_loop3A_1853, %parallel_loop3A_1854 : i32
        %parallel_loop3A_1856 = arith.index_cast %parallel_loop3A_1855 : i32 to index
        %parallel_loop3A_1857 = tpu.vector_load %arg7[%parallel_loop3A_1856] {strides = array<i32>} : memref<16384xf32, #tpu.memory_space<vmem>>, vector<16xf32>,
        %parallel_loop3A_1858 = arith.index_cast %parallel_loop3A_1855 : i32 to index
        %parallel_loop3A_1859 = tpu.vector_load %arg9[%parallel_loop3A_1858] {strides = array<i32>} : memref<16384xi32, #tpu.memory_space<vmem>>, vector<16xi32>,
        %parallel_loop3A_1860 = arith.index_cast %parallel_loop3A_1855 : i32 to index
        %parallel_loop3A_1861 = tpu.vector_load %arg11[%parallel_loop3A_1860] {strides = array<i32>} : memref<16384xi32, #tpu.memory_space<vmem>>, vector<16xi32>,
        %parallel_loop3A_1862 = arith.constant 2.400000e+02 : f32
        %parallel_loop3A_1863 = vector.broadcast %parallel_loop3A_1862 : f32 to vector<16xf32>
        %parallel_loop3A_1864 = arith.mulf %parallel_loop3A_1857, %parallel_loop3A_1863 : vector<16xf32>
        %parallel_loop3A_1865 = arith.fptosi %parallel_loop3A_1864 : vector<16xf32> to vector<16xi32>
        %parallel_loop3A_1866 = arith.constant -16 : i32
        %parallel_loop3A_1867 = vector.broadcast %parallel_loop3A_1866 : i32 to vector<16xi32>
        %parallel_loop3A_1868 = arith.andi %parallel_loop3A_1865, %parallel_loop3A_1867 : vector<16xi32>
        %parallel_loop3A_1869 = arith.ori %parallel_loop3A_1868, %add3A_14 : vector<16xi32>
        %parallel_loop3A_1870 = arith.cmpi eq, %parallel_loop3A_1859, %parallel_loop3A_1861 : vector<16xi32>
        %parallel_loop3A_1871 = arith.constant 65537 : i32
        %parallel_loop3A_1872 = arith.constant 65536 : i32
        %parallel_loop3A_1873 = vector.broadcast %parallel_loop3A_1871 : i32 to vector<16xi32>
        %parallel_loop3A_1874 = vector.broadcast %parallel_loop3A_1872 : i32 to vector<16xi32>
        %parallel_loop3A_1875 = arith.select %parallel_loop3A_1870, %parallel_loop3A_1873, %parallel_loop3A_1874 : vector<16xi1>, vector<16xi32>
        tpu.vector_store_idx %arg12[%parallel_loop3A_1869], %parallel_loop3A_1875 {add = true} : memref<2048xi32, #tpu.memory_space<vmem>>[vector<16xi32>], vector<16xi32>,
        tpu.vector_store_idx %arg13[%parallel_loop3A_1869], %parallel_loop3A_1857 {add = true} : memref<2048xf32, #tpu.memory_space<vmem>>[vector<16xi32>], vector<16xf32>,
        %parallel_loop3A_1876 = arith.constant 4 : i32
        %parallel_loop3A_1877 = arith.addi %parallel_loop3A_1779, %parallel_loop3A_1876 : i32
        %parallel_loop3A_1878 = arith.constant 16 : i32
        %parallel_loop3A_1879 = arith.muli %parallel_loop3A_1877, %parallel_loop3A_1878 : i32
        %parallel_loop3A_1880 = arith.index_cast %parallel_loop3A_1879 : i32 to index
        %parallel_loop3A_1881 = tpu.vector_load %arg7[%parallel_loop3A_1880] {strides = array<i32>} : memref<16384xf32, #tpu.memory_space<vmem>>, vector<16xf32>,
        %parallel_loop3A_1882 = arith.index_cast %parallel_loop3A_1879 : i32 to index
        %parallel_loop3A_1883 = tpu.vector_load %arg9[%parallel_loop3A_1882] {strides = array<i32>} : memref<16384xi32, #tpu.memory_space<vmem>>, vector<16xi32>,
        %parallel_loop3A_1884 = arith.index_cast %parallel_loop3A_1879 : i32 to index
        %parallel_loop3A_1885 = tpu.vector_load %arg11[%parallel_loop3A_1884] {strides = array<i32>} : memref<16384xi32, #tpu.memory_space<vmem>>, vector<16xi32>,
        %parallel_loop3A_1886 = arith.constant 2.400000e+02 : f32
        %parallel_loop3A_1887 = vector.broadcast %parallel_loop3A_1886 : f32 to vector<16xf32>
        %parallel_loop3A_1888 = arith.mulf %parallel_loop3A_1881, %parallel_loop3A_1887 : vector<16xf32>
        %parallel_loop3A_1889 = arith.fptosi %parallel_loop3A_1888 : vector<16xf32> to vector<16xi32>
        %parallel_loop3A_1890 = arith.constant -16 : i32
        %parallel_loop3A_1891 = vector.broadcast %parallel_loop3A_1890 : i32 to vector<16xi32>
        %parallel_loop3A_1892 = arith.andi %parallel_loop3A_1889, %parallel_loop3A_1891 : vector<16xi32>
        %parallel_loop3A_1893 = arith.ori %parallel_loop3A_1892, %add3A_17 : vector<16xi32>
        %parallel_loop3A_1894 = arith.cmpi eq, %parallel_loop3A_1883, %parallel_loop3A_1885 : vector<16xi32>
        %parallel_loop3A_1895 = arith.constant 65537 : i32
        %parallel_loop3A_1896 = arith.constant 65536 : i32
        %parallel_loop3A_1897 = vector.broadcast %parallel_loop3A_1895 : i32 to vector<16xi32>
        %parallel_loop3A_1898 = vector.broadcast %parallel_loop3A_1896 : i32 to vector<16xi32>
        %parallel_loop3A_1899 = arith.select %parallel_loop3A_1894, %parallel_loop3A_1897, %parallel_loop3A_1898 : vector<16xi1>, vector<16xi32>
        tpu.vector_store_idx %arg12[%parallel_loop3A_1893], %parallel_loop3A_1899 {add = true} : memref<2048xi32, #tpu.memory_space<vmem>>[vector<16xi32>], vector<16xi32>,
        tpu.vector_store_idx %arg13[%parallel_loop3A_1893], %parallel_loop3A_1881 {add = true} : memref<2048xf32, #tpu.memory_space<vmem>>[vector<16xi32>], vector<16xf32>,
        %parallel_loop3A_1900 = arith.constant 5 : i32
        %parallel_loop3A_1901 = arith.addi %parallel_loop3A_1779, %parallel_loop3A_1900 : i32
        %parallel_loop3A_1902 = arith.constant 16 : i32
        %parallel_loop3A_1903 = arith.muli %parallel_loop3A_1901, %parallel_loop3A_1902 : i32
        %parallel_loop3A_1904 = arith.index_cast %parallel_loop3A_1903 : i32 to index
        %parallel_loop3A_1905 = tpu.vector_load %arg7[%parallel_loop3A_1904] {strides = array<i32>} : memref<16384xf32, #tpu.memory_space<vmem>>, vector<16xf32>,
        %parallel_loop3A_1906 = arith.index_cast %parallel_loop3A_1903 : i32 to index
        %parallel_loop3A_1907 = tpu.vector_load %arg9[%parallel_loop3A_1906] {strides = array<i32>} : memref<16384xi32, #tpu.memory_space<vmem>>, vector<16xi32>,
        %parallel_loop3A_1908 = arith.index_cast %parallel_loop3A_1903 : i32 to index
        %parallel_loop3A_1909 = tpu.vector_load %arg11[%parallel_loop3A_1908] {strides = array<i32>} : memref<16384xi32, #tpu.memory_space<vmem>>, vector<16xi32>,
        %parallel_loop3A_1910 = arith.constant 2.400000e+02 : f32
        %parallel_loop3A_1911 = vector.broadcast %parallel_loop3A_1910 : f32 to vector<16xf32>
        %parallel_loop3A_1912 = arith.mulf %parallel_loop3A_1905, %parallel_loop3A_1911 : vector<16xf32>
        %parallel_loop3A_1913 = arith.fptosi %parallel_loop3A_1912 : vector<16xf32> to vector<16xi32>
        %parallel_loop3A_1914 = arith.constant -16 : i32
        %parallel_loop3A_1915 = vector.broadcast %parallel_loop3A_1914 : i32 to vector<16xi32>
        %parallel_loop3A_1916 = arith.andi %parallel_loop3A_1913, %parallel_loop3A_1915 : vector<16xi32>
        %parallel_loop3A_1917 = arith.ori %parallel_loop3A_1916, %add3A_20 : vector<16xi32>
        %parallel_loop3A_1918 = arith.cmpi eq, %parallel_loop3A_1907, %parallel_loop3A_1909 : vector<16xi32>
        %parallel_loop3A_1919 = arith.constant 65537 : i32
        %parallel_loop3A_1920 = arith.constant 65536 : i32
        %parallel_loop3A_1921 = vector.broadcast %parallel_loop3A_1919 : i32 to vector<16xi32>
        %parallel_loop3A_1922 = vector.broadcast %parallel_loop3A_1920 : i32 to vector<16xi32>
        %parallel_loop3A_1923 = arith.select %parallel_loop3A_1918, %parallel_loop3A_1921, %parallel_loop3A_1922 : vector<16xi1>, vector<16xi32>
        tpu.vector_store_idx %arg12[%parallel_loop3A_1917], %parallel_loop3A_1923 {add = true} : memref<2048xi32, #tpu.memory_space<vmem>>[vector<16xi32>], vector<16xi32>,
        tpu.vector_store_idx %arg13[%parallel_loop3A_1917], %parallel_loop3A_1905 {add = true} : memref<2048xf32, #tpu.memory_space<vmem>>[vector<16xi32>], vector<16xf32>,
        %parallel_loop3A_1924 = arith.constant 6 : i32
        %parallel_loop3A_1925 = arith.addi %parallel_loop3A_1779, %parallel_loop3A_1924 : i32
        %parallel_loop3A_1926 = arith.constant 16 : i32
        %parallel_loop3A_1927 = arith.muli %parallel_loop3A_1925, %parallel_loop3A_1926 : i32
        %parallel_loop3A_1928 = arith.index_cast %parallel_loop3A_1927 : i32 to index
        %parallel_loop3A_1929 = tpu.vector_load %arg7[%parallel_loop3A_1928] {strides = array<i32>} : memref<16384xf32, #tpu.memory_space<vmem>>, vector<16xf32>,
        %parallel_loop3A_1930 = arith.index_cast %parallel_loop3A_1927 : i32 to index
        %parallel_loop3A_1931 = tpu.vector_load %arg9[%parallel_loop3A_1930] {strides = array<i32>} : memref<16384xi32, #tpu.memory_space<vmem>>, vector<16xi32>,
        %parallel_loop3A_1932 = arith.index_cast %parallel_loop3A_1927 : i32 to index
        %parallel_loop3A_1933 = tpu.vector_load %arg11[%parallel_loop3A_1932] {strides = array<i32>} : memref<16384xi32, #tpu.memory_space<vmem>>, vector<16xi32>,
        %parallel_loop3A_1934 = arith.constant 2.400000e+02 : f32
        %parallel_loop3A_1935 = vector.broadcast %parallel_loop3A_1934 : f32 to vector<16xf32>
        %parallel_loop3A_1936 = arith.mulf %parallel_loop3A_1929, %parallel_loop3A_1935 : vector<16xf32>
        %parallel_loop3A_1937 = arith.fptosi %parallel_loop3A_1936 : vector<16xf32> to vector<16xi32>
        %parallel_loop3A_1938 = arith.constant -16 : i32
        %parallel_loop3A_1939 = vector.broadcast %parallel_loop3A_1938 : i32 to vector<16xi32>
        %parallel_loop3A_1940 = arith.andi %parallel_loop3A_1937, %parallel_loop3A_1939 : vector<16xi32>
        %parallel_loop3A_1941 = arith.ori %parallel_loop3A_1940, %add3A_23 : vector<16xi32>
        %parallel_loop3A_1942 = arith.cmpi eq, %parallel_loop3A_1931, %parallel_loop3A_1933 : vector<16xi32>
        %parallel_loop3A_1943 = arith.constant 65537 : i32
        %parallel_loop3A_1944 = arith.constant 65536 : i32
        %parallel_loop3A_1945 = vector.broadcast %parallel_loop3A_1943 : i32 to vector<16xi32>
        %parallel_loop3A_1946 = vector.broadcast %parallel_loop3A_1944 : i32 to vector<16xi32>
        %parallel_loop3A_1947 = arith.select %parallel_loop3A_1942, %parallel_loop3A_1945, %parallel_loop3A_1946 : vector<16xi1>, vector<16xi32>
        tpu.vector_store_idx %arg12[%parallel_loop3A_1941], %parallel_loop3A_1947 {add = true} : memref<2048xi32, #tpu.memory_space<vmem>>[vector<16xi32>], vector<16xi32>,
        tpu.vector_store_idx %arg13[%parallel_loop3A_1941], %parallel_loop3A_1929 {add = true} : memref<2048xf32, #tpu.memory_space<vmem>>[vector<16xi32>], vector<16xf32>,
        %parallel_loop3A_1948 = arith.constant 7 : i32
        %parallel_loop3A_1949 = arith.addi %parallel_loop3A_1779, %parallel_loop3A_1948 : i32
        %parallel_loop3A_1950 = arith.constant 16 : i32
        %parallel_loop3A_1951 = arith.muli %parallel_loop3A_1949, %parallel_loop3A_1950 : i32
        %parallel_loop3A_1952 = arith.index_cast %parallel_loop3A_1951 : i32 to index
        %parallel_loop3A_1953 = tpu.vector_load %arg7[%parallel_loop3A_1952] {strides = array<i32>} : memref<16384xf32, #tpu.memory_space<vmem>>, vector<16xf32>,
        %parallel_loop3A_1954 = arith.index_cast %parallel_loop3A_1951 : i32 to index
        %parallel_loop3A_1955 = tpu.vector_load %arg9[%parallel_loop3A_1954] {strides = array<i32>} : memref<16384xi32, #tpu.memory_space<vmem>>, vector<16xi32>,
        %parallel_loop3A_1956 = arith.index_cast %parallel_loop3A_1951 : i32 to index
        %parallel_loop3A_1957 = tpu.vector_load %arg11[%parallel_loop3A_1956] {strides = array<i32>} : memref<16384xi32, #tpu.memory_space<vmem>>, vector<16xi32>,
        %parallel_loop3A_1958 = arith.constant 2.400000e+02 : f32
        %parallel_loop3A_1959 = vector.broadcast %parallel_loop3A_1958 : f32 to vector<16xf32>
        %parallel_loop3A_1960 = arith.mulf %parallel_loop3A_1953, %parallel_loop3A_1959 : vector<16xf32>
        %parallel_loop3A_1961 = arith.fptosi %parallel_loop3A_1960 : vector<16xf32> to vector<16xi32>
        %parallel_loop3A_1962 = arith.constant -16 : i32
        %parallel_loop3A_1963 = vector.broadcast %parallel_loop3A_1962 : i32 to vector<16xi32>
        %parallel_loop3A_1964 = arith.andi %parallel_loop3A_1961, %parallel_loop3A_1963 : vector<16xi32>
        %parallel_loop3A_1965 = arith.ori %parallel_loop3A_1964, %add3A_26 : vector<16xi32>
        %parallel_loop3A_1966 = arith.cmpi eq, %parallel_loop3A_1955, %parallel_loop3A_1957 : vector<16xi32>
        %parallel_loop3A_1967 = arith.constant 65537 : i32
        %parallel_loop3A_1968 = arith.constant 65536 : i32
        %parallel_loop3A_1969 = vector.broadcast %parallel_loop3A_1967 : i32 to vector<16xi32>
        %parallel_loop3A_1970 = vector.broadcast %parallel_loop3A_1968 : i32 to vector<16xi32>
        %parallel_loop3A_1971 = arith.select %parallel_loop3A_1966, %parallel_loop3A_1969, %parallel_loop3A_1970 : vector<16xi1>, vector<16xi32>
        tpu.vector_store_idx %arg12[%parallel_loop3A_1965], %parallel_loop3A_1971 {add = true} : memref<2048xi32, #tpu.memory_space<vmem>>[vector<16xi32>], vector<16xi32>,
        tpu.vector_store_idx %arg13[%parallel_loop3A_1965], %parallel_loop3A_1953 {add = true} : memref<2048xf32, #tpu.memory_space<vmem>>[vector<16xi32>], vector<16xf32>,
      } {sc.loop_unroll_factor = 8 : i64, sc.parallel_access}
    }
    %scan3A_551 = arith.constant 16 : i32
    %get3A = arith.constant 0 : index
    %get3A_552 = tpu.vector_load %arg12[%get3A] {strides = array<i32>} : memref<2048xi32, #tpu.memory_space<vmem>>, vector<16xi32>,
    %add3A_553 = arith.addi %broadcast_in_dim3A_29, %get3A_552 : vector<16xi32>
    %get3A_554 = arith.constant 0 : index
    %get3A_555 = tpu.vector_load %arg13[%get3A_554] {strides = array<i32>} : memref<2048xf32, #tpu.memory_space<vmem>>, vector<16xf32>,
    %add3A_556 = arith.addf %broadcast_in_dim3A_27, %get3A_555 : vector<16xf32>
    %get3A_557 = arith.constant 256 : index
    %get3A_558 = tpu.vector_load %arg12[%get3A_557] {strides = array<i32>} : memref<2048xi32, #tpu.memory_space<vmem>>, vector<16xi32>,
    %add3A_559 = arith.addi %add3A_553, %get3A_558 : vector<16xi32>
    %get3A_560 = arith.constant 256 : index
    %get3A_561 = tpu.vector_load %arg13[%get3A_560] {strides = array<i32>} : memref<2048xf32, #tpu.memory_space<vmem>>, vector<16xf32>,
    %add3A_562 = arith.addf %add3A_556, %get3A_561 : vector<16xf32>
    %get3A_563 = arith.constant 512 : index
    %get3A_564 = tpu.vector_load %arg12[%get3A_563] {strides = array<i32>} : memref<2048xi32, #tpu.memory_space<vmem>>, vector<16xi32>,
    %add3A_565 = arith.addi %add3A_559, %get3A_564 : vector<16xi32>
    %get3A_566 = arith.constant 512 : index
    %get3A_567 = tpu.vector_load %arg13[%get3A_566] {strides = array<i32>} : memref<2048xf32, #tpu.memory_space<vmem>>, vector<16xf32>,
    %add3A_568 = arith.addf %add3A_562, %get3A_567 : vector<16xf32>
    %get3A_569 = arith.constant 768 : index
    %get3A_570 = tpu.vector_load %arg12[%get3A_569] {strides = array<i32>} : memref<2048xi32, #tpu.memory_space<vmem>>, vector<16xi32>,
    %add3A_571 = arith.addi %add3A_565, %get3A_570 : vector<16xi32>
    %get3A_572 = arith.constant 768 : index
    %get3A_573 = tpu.vector_load %arg13[%get3A_572] {strides = array<i32>} : memref<2048xf32, #tpu.memory_space<vmem>>, vector<16xf32>,
    %add3A_574 = arith.addf %add3A_568, %get3A_573 : vector<16xf32>
    %get3A_575 = arith.constant 1024 : index
    %get3A_576 = tpu.vector_load %arg12[%get3A_575] {strides = array<i32>} : memref<2048xi32, #tpu.memory_space<vmem>>, vector<16xi32>,
    %add3A_577 = arith.addi %add3A_571, %get3A_576 : vector<16xi32>
    %get3A_578 = arith.constant 1024 : index
    %get3A_579 = tpu.vector_load %arg13[%get3A_578] {strides = array<i32>} : memref<2048xf32, #tpu.memory_space<vmem>>, vector<16xf32>,
    %add3A_580 = arith.addf %add3A_574, %get3A_579 : vector<16xf32>
    %get3A_581 = arith.constant 1280 : index
    %get3A_582 = tpu.vector_load %arg12[%get3A_581] {strides = array<i32>} : memref<2048xi32, #tpu.memory_space<vmem>>, vector<16xi32>,
    %add3A_583 = arith.addi %add3A_577, %get3A_582 : vector<16xi32>
    %get3A_584 = arith.constant 1280 : index
    %get3A_585 = tpu.vector_load %arg13[%get3A_584] {strides = array<i32>} : memref<2048xf32, #tpu.memory_space<vmem>>, vector<16xf32>,
    %add3A_586 = arith.addf %add3A_580, %get3A_585 : vector<16xf32>
    %get3A_587 = arith.constant 1536 : index
    %get3A_588 = tpu.vector_load %arg12[%get3A_587] {strides = array<i32>} : memref<2048xi32, #tpu.memory_space<vmem>>, vector<16xi32>,
    %add3A_589 = arith.addi %add3A_583, %get3A_588 : vector<16xi32>
    %get3A_590 = arith.constant 1536 : index
    %get3A_591 = tpu.vector_load %arg13[%get3A_590] {strides = array<i32>} : memref<2048xf32, #tpu.memory_space<vmem>>, vector<16xf32>,
    %add3A_592 = arith.addf %add3A_586, %get3A_591 : vector<16xf32>
    %get3A_593 = arith.constant 1792 : index
    %get3A_594 = tpu.vector_load %arg12[%get3A_593] {strides = array<i32>} : memref<2048xi32, #tpu.memory_space<vmem>>, vector<16xi32>,
    %add3A_595 = arith.addi %add3A_589, %get3A_594 : vector<16xi32>
    %get3A_596 = arith.constant 1792 : index
    %get3A_597 = tpu.vector_load %arg13[%get3A_596] {strides = array<i32>} : memref<2048xf32, #tpu.memory_space<vmem>>, vector<16xf32>,
    %add3A_598 = arith.addf %add3A_592, %get3A_597 : vector<16xf32>
    %shift_right_arithmetic3A = arith.constant 16 : i32
    %shift_right_arithmetic3A_599 = vector.broadcast %shift_right_arithmetic3A : i32 to vector<16xi32>
    %shift_right_arithmetic3A_600 = arith.shrsi %add3A_595, %shift_right_arithmetic3A_599 : vector<16xi32>
    %convert_element_type3A = arith.sitofp %shift_right_arithmetic3A_600 : vector<16xi32> to vector<16xf32>
    %swap3A_601 = arith.constant 0 : i32
    %swap3A_602 = arith.constant 0 : i32
    %swap3A_603 = arith.index_cast %swap3A_601 : i32 to index
    %swap3A_604 = arith.index_cast %swap3A_602 : i32 to index
    %swap3A_605 = arith.constant 0 : index
    %swap3A_606 = tpu.vector_load %arg14[%swap3A_603, %swap3A_604, %swap3A_605] {strides = array<i32>} : memref<3x16x16xf32, #tpu.memory_space<vmem>>, vector<16xf32>,
    tpu.vector_store %arg14[%swap3A_603, %swap3A_604, %swap3A_605], %convert_element_type3A {strides = array<i32>} : memref<3x16x16xf32, #tpu.memory_space<vmem>>, vector<16xf32>,
    %and3A = arith.constant 65535 : i32
    %and3A_607 = vector.broadcast %and3A : i32 to vector<16xi32>
    %and3A_608 = arith.andi %add3A_595, %and3A_607 : vector<16xi32>
    %convert_element_type3A_609 = arith.sitofp %and3A_608 : vector<16xi32> to vector<16xf32>
    %swap3A_610 = arith.constant 1 : i32
    %swap3A_611 = arith.constant 0 : i32
    %swap3A_612 = arith.index_cast %swap3A_610 : i32 to index
    %swap3A_613 = arith.index_cast %swap3A_611 : i32 to index
    %swap3A_614 = arith.constant 0 : index
    %swap3A_615 = tpu.vector_load %arg14[%swap3A_612, %swap3A_613, %swap3A_614] {strides = array<i32>} : memref<3x16x16xf32, #tpu.memory_space<vmem>>, vector<16xf32>,
    tpu.vector_store %arg14[%swap3A_612, %swap3A_613, %swap3A_614], %convert_element_type3A_609 {strides = array<i32>} : memref<3x16x16xf32, #tpu.memory_space<vmem>>, vector<16xf32>,
    %swap3A_616 = arith.constant 2 : i32
    %swap3A_617 = arith.constant 0 : i32
    %swap3A_618 = arith.index_cast %swap3A_616 : i32 to index
    %swap3A_619 = arith.index_cast %swap3A_617 : i32 to index
    %swap3A_620 = arith.constant 0 : index
    %swap3A_621 = tpu.vector_load %arg14[%swap3A_618, %swap3A_619, %swap3A_620] {strides = array<i32>} : memref<3x16x16xf32, #tpu.memory_space<vmem>>, vector<16xf32>,
    tpu.vector_store %arg14[%swap3A_618, %swap3A_619, %swap3A_620], %add3A_598 {strides = array<i32>} : memref<3x16x16xf32, #tpu.memory_space<vmem>>, vector<16xf32>,
    %get3A_622 = arith.constant 16 : index
    %get3A_623 = tpu.vector_load %arg12[%get3A_622] {strides = array<i32>} : memref<2048xi32, #tpu.memory_space<vmem>>, vector<16xi32>,
    %add3A_624 = arith.addi %broadcast_in_dim3A_29, %get3A_623 : vector<16xi32>
    %get3A_625 = arith.constant 16 : index
    %get3A_626 = tpu.vector_load %arg13[%get3A_625] {strides = array<i32>} : memref<2048xf32, #tpu.memory_space<vmem>>, vector<16xf32>,
    %add3A_627 = arith.addf %broadcast_in_dim3A_27, %get3A_626 : vector<16xf32>
    %get3A_628 = arith.constant 272 : index
    %get3A_629 = tpu.vector_load %arg12[%get3A_628] {strides = array<i32>} : memref<2048xi32, #tpu.memory_space<vmem>>, vector<16xi32>,
    %add3A_630 = arith.addi %add3A_624, %get3A_629 : vector<16xi32>
    %get3A_631 = arith.constant 272 : index
    %get3A_632 = tpu.vector_load %arg13[%get3A_631] {strides = array<i32>} : memref<2048xf32, #tpu.memory_space<vmem>>, vector<16xf32>,
    %add3A_633 = arith.addf %add3A_627, %get3A_632 : vector<16xf32>
    %get3A_634 = arith.constant 528 : index
    %get3A_635 = tpu.vector_load %arg12[%get3A_634] {strides = array<i32>} : memref<2048xi32, #tpu.memory_space<vmem>>, vector<16xi32>,
    %add3A_636 = arith.addi %add3A_630, %get3A_635 : vector<16xi32>
    %get3A_637 = arith.constant 528 : index
    %get3A_638 = tpu.vector_load %arg13[%get3A_637] {strides = array<i32>} : memref<2048xf32, #tpu.memory_space<vmem>>, vector<16xf32>,
    %add3A_639 = arith.addf %add3A_633, %get3A_638 : vector<16xf32>
    %get3A_640 = arith.constant 784 : index
    %get3A_641 = tpu.vector_load %arg12[%get3A_640] {strides = array<i32>} : memref<2048xi32, #tpu.memory_space<vmem>>, vector<16xi32>,
    %add3A_642 = arith.addi %add3A_636, %get3A_641 : vector<16xi32>
    %get3A_643 = arith.constant 784 : index
    %get3A_644 = tpu.vector_load %arg13[%get3A_643] {strides = array<i32>} : memref<2048xf32, #tpu.memory_space<vmem>>, vector<16xf32>,
    %add3A_645 = arith.addf %add3A_639, %get3A_644 : vector<16xf32>
    %get3A_646 = arith.constant 1040 : index
    %get3A_647 = tpu.vector_load %arg12[%get3A_646] {strides = array<i32>} : memref<2048xi32, #tpu.memory_space<vmem>>, vector<16xi32>,
    %add3A_648 = arith.addi %add3A_642, %get3A_647 : vector<16xi32>
    %get3A_649 = arith.constant 1040 : index
    %get3A_650 = tpu.vector_load %arg13[%get3A_649] {strides = array<i32>} : memref<2048xf32, #tpu.memory_space<vmem>>, vector<16xf32>,
    %add3A_651 = arith.addf %add3A_645, %get3A_650 : vector<16xf32>
    %get3A_652 = arith.constant 1296 : index
    %get3A_653 = tpu.vector_load %arg12[%get3A_652] {strides = array<i32>} : memref<2048xi32, #tpu.memory_space<vmem>>, vector<16xi32>,
    %add3A_654 = arith.addi %add3A_648, %get3A_653 : vector<16xi32>
    %get3A_655 = arith.constant 1296 : index
    %get3A_656 = tpu.vector_load %arg13[%get3A_655] {strides = array<i32>} : memref<2048xf32, #tpu.memory_space<vmem>>, vector<16xf32>,
    %add3A_657 = arith.addf %add3A_651, %get3A_656 : vector<16xf32>
    %get3A_658 = arith.constant 1552 : index
    %get3A_659 = tpu.vector_load %arg12[%get3A_658] {strides = array<i32>} : memref<2048xi32, #tpu.memory_space<vmem>>, vector<16xi32>,
    %add3A_660 = arith.addi %add3A_654, %get3A_659 : vector<16xi32>
    %get3A_661 = arith.constant 1552 : index
    %get3A_662 = tpu.vector_load %arg13[%get3A_661] {strides = array<i32>} : memref<2048xf32, #tpu.memory_space<vmem>>, vector<16xf32>,
    %add3A_663 = arith.addf %add3A_657, %get3A_662 : vector<16xf32>
    %get3A_664 = arith.constant 1808 : index
    %get3A_665 = tpu.vector_load %arg12[%get3A_664] {strides = array<i32>} : memref<2048xi32, #tpu.memory_space<vmem>>, vector<16xi32>,
    %add3A_666 = arith.addi %add3A_660, %get3A_665 : vector<16xi32>
    %get3A_667 = arith.constant 1808 : index
    %get3A_668 = tpu.vector_load %arg13[%get3A_667] {strides = array<i32>} : memref<2048xf32, #tpu.memory_space<vmem>>, vector<16xf32>,
    %add3A_669 = arith.addf %add3A_663, %get3A_668 : vector<16xf32>
    %shift_right_arithmetic3A_670 = arith.constant 16 : i32
    %shift_right_arithmetic3A_671 = vector.broadcast %shift_right_arithmetic3A_670 : i32 to vector<16xi32>
    %shift_right_arithmetic3A_672 = arith.shrsi %add3A_666, %shift_right_arithmetic3A_671 : vector<16xi32>
    %convert_element_type3A_673 = arith.sitofp %shift_right_arithmetic3A_672 : vector<16xi32> to vector<16xf32>
    %swap3A_674 = arith.constant 0 : i32
    %swap3A_675 = arith.constant 1 : i32
    %swap3A_676 = arith.index_cast %swap3A_674 : i32 to index
    %swap3A_677 = arith.index_cast %swap3A_675 : i32 to index
    %swap3A_678 = arith.constant 0 : index
    %swap3A_679 = tpu.vector_load %arg14[%swap3A_676, %swap3A_677, %swap3A_678] {strides = array<i32>} : memref<3x16x16xf32, #tpu.memory_space<vmem>>, vector<16xf32>,
    tpu.vector_store %arg14[%swap3A_676, %swap3A_677, %swap3A_678], %convert_element_type3A_673 {strides = array<i32>} : memref<3x16x16xf32, #tpu.memory_space<vmem>>, vector<16xf32>,
    %and3A_680 = arith.constant 65535 : i32
    %and3A_681 = vector.broadcast %and3A_680 : i32 to vector<16xi32>
    %and3A_682 = arith.andi %add3A_666, %and3A_681 : vector<16xi32>
    %convert_element_type3A_683 = arith.sitofp %and3A_682 : vector<16xi32> to vector<16xf32>
    %swap3A_684 = arith.constant 1 : i32
    %swap3A_685 = arith.constant 1 : i32
    %swap3A_686 = arith.index_cast %swap3A_684 : i32 to index
    %swap3A_687 = arith.index_cast %swap3A_685 : i32 to index
    %swap3A_688 = arith.constant 0 : index
    %swap3A_689 = tpu.vector_load %arg14[%swap3A_686, %swap3A_687, %swap3A_688] {strides = array<i32>} : memref<3x16x16xf32, #tpu.memory_space<vmem>>, vector<16xf32>,
    tpu.vector_store %arg14[%swap3A_686, %swap3A_687, %swap3A_688], %convert_element_type3A_683 {strides = array<i32>} : memref<3x16x16xf32, #tpu.memory_space<vmem>>, vector<16xf32>,
    %swap3A_690 = arith.constant 2 : i32
    %swap3A_691 = arith.constant 1 : i32
    %swap3A_692 = arith.index_cast %swap3A_690 : i32 to index
    %swap3A_693 = arith.index_cast %swap3A_691 : i32 to index
    %swap3A_694 = arith.constant 0 : index
    %swap3A_695 = tpu.vector_load %arg14[%swap3A_692, %swap3A_693, %swap3A_694] {strides = array<i32>} : memref<3x16x16xf32, #tpu.memory_space<vmem>>, vector<16xf32>,
    tpu.vector_store %arg14[%swap3A_692, %swap3A_693, %swap3A_694], %add3A_669 {strides = array<i32>} : memref<3x16x16xf32, #tpu.memory_space<vmem>>, vector<16xf32>,
    %get3A_696 = arith.constant 32 : index
    %get3A_697 = tpu.vector_load %arg12[%get3A_696] {strides = array<i32>} : memref<2048xi32, #tpu.memory_space<vmem>>, vector<16xi32>,
    %add3A_698 = arith.addi %broadcast_in_dim3A_29, %get3A_697 : vector<16xi32>
    %get3A_699 = arith.constant 32 : index
    %get3A_700 = tpu.vector_load %arg13[%get3A_699] {strides = array<i32>} : memref<2048xf32, #tpu.memory_space<vmem>>, vector<16xf32>,
    %add3A_701 = arith.addf %broadcast_in_dim3A_27, %get3A_700 : vector<16xf32>
    %get3A_702 = arith.constant 288 : index
    %get3A_703 = tpu.vector_load %arg12[%get3A_702] {strides = array<i32>} : memref<2048xi32, #tpu.memory_space<vmem>>, vector<16xi32>,
    %add3A_704 = arith.addi %add3A_698, %get3A_703 : vector<16xi32>
    %get3A_705 = arith.constant 288 : index
    %get3A_706 = tpu.vector_load %arg13[%get3A_705] {strides = array<i32>} : memref<2048xf32, #tpu.memory_space<vmem>>, vector<16xf32>,
    %add3A_707 = arith.addf %add3A_701, %get3A_706 : vector<16xf32>
    %get3A_708 = arith.constant 544 : index
    %get3A_709 = tpu.vector_load %arg12[%get3A_708] {strides = array<i32>} : memref<2048xi32, #tpu.memory_space<vmem>>, vector<16xi32>,
    %add3A_710 = arith.addi %add3A_704, %get3A_709 : vector<16xi32>
    %get3A_711 = arith.constant 544 : index
    %get3A_712 = tpu.vector_load %arg13[%get3A_711] {strides = array<i32>} : memref<2048xf32, #tpu.memory_space<vmem>>, vector<16xf32>,
    %add3A_713 = arith.addf %add3A_707, %get3A_712 : vector<16xf32>
    %get3A_714 = arith.constant 800 : index
    %get3A_715 = tpu.vector_load %arg12[%get3A_714] {strides = array<i32>} : memref<2048xi32, #tpu.memory_space<vmem>>, vector<16xi32>,
    %add3A_716 = arith.addi %add3A_710, %get3A_715 : vector<16xi32>
    %get3A_717 = arith.constant 800 : index
    %get3A_718 = tpu.vector_load %arg13[%get3A_717] {strides = array<i32>} : memref<2048xf32, #tpu.memory_space<vmem>>, vector<16xf32>,
    %add3A_719 = arith.addf %add3A_713, %get3A_718 : vector<16xf32>
    %get3A_720 = arith.constant 1056 : index
    %get3A_721 = tpu.vector_load %arg12[%get3A_720] {strides = array<i32>} : memref<2048xi32, #tpu.memory_space<vmem>>, vector<16xi32>,
    %add3A_722 = arith.addi %add3A_716, %get3A_721 : vector<16xi32>
    %get3A_723 = arith.constant 1056 : index
    %get3A_724 = tpu.vector_load %arg13[%get3A_723] {strides = array<i32>} : memref<2048xf32, #tpu.memory_space<vmem>>, vector<16xf32>,
    %add3A_725 = arith.addf %add3A_719, %get3A_724 : vector<16xf32>
    %get3A_726 = arith.constant 1312 : index
    %get3A_727 = tpu.vector_load %arg12[%get3A_726] {strides = array<i32>} : memref<2048xi32, #tpu.memory_space<vmem>>, vector<16xi32>,
    %add3A_728 = arith.addi %add3A_722, %get3A_727 : vector<16xi32>
    %get3A_729 = arith.constant 1312 : index
    %get3A_730 = tpu.vector_load %arg13[%get3A_729] {strides = array<i32>} : memref<2048xf32, #tpu.memory_space<vmem>>, vector<16xf32>,
    %add3A_731 = arith.addf %add3A_725, %get3A_730 : vector<16xf32>
    %get3A_732 = arith.constant 1568 : index
    %get3A_733 = tpu.vector_load %arg12[%get3A_732] {strides = array<i32>} : memref<2048xi32, #tpu.memory_space<vmem>>, vector<16xi32>,
    %add3A_734 = arith.addi %add3A_728, %get3A_733 : vector<16xi32>
    %get3A_735 = arith.constant 1568 : index
    %get3A_736 = tpu.vector_load %arg13[%get3A_735] {strides = array<i32>} : memref<2048xf32, #tpu.memory_space<vmem>>, vector<16xf32>,
    %add3A_737 = arith.addf %add3A_731, %get3A_736 : vector<16xf32>
    %get3A_738 = arith.constant 1824 : index
    %get3A_739 = tpu.vector_load %arg12[%get3A_738] {strides = array<i32>} : memref<2048xi32, #tpu.memory_space<vmem>>, vector<16xi32>,
    %add3A_740 = arith.addi %add3A_734, %get3A_739 : vector<16xi32>
    %get3A_741 = arith.constant 1824 : index
    %get3A_742 = tpu.vector_load %arg13[%get3A_741] {strides = array<i32>} : memref<2048xf32, #tpu.memory_space<vmem>>, vector<16xf32>,
    %add3A_743 = arith.addf %add3A_737, %get3A_742 : vector<16xf32>
    %shift_right_arithmetic3A_744 = arith.constant 16 : i32
    %shift_right_arithmetic3A_745 = vector.broadcast %shift_right_arithmetic3A_744 : i32 to vector<16xi32>
    %shift_right_arithmetic3A_746 = arith.shrsi %add3A_740, %shift_right_arithmetic3A_745 : vector<16xi32>
    %convert_element_type3A_747 = arith.sitofp %shift_right_arithmetic3A_746 : vector<16xi32> to vector<16xf32>
    %swap3A_748 = arith.constant 0 : i32
    %swap3A_749 = arith.constant 2 : i32
    %swap3A_750 = arith.index_cast %swap3A_748 : i32 to index
    %swap3A_751 = arith.index_cast %swap3A_749 : i32 to index
    %swap3A_752 = arith.constant 0 : index
    %swap3A_753 = tpu.vector_load %arg14[%swap3A_750, %swap3A_751, %swap3A_752] {strides = array<i32>} : memref<3x16x16xf32, #tpu.memory_space<vmem>>, vector<16xf32>,
    tpu.vector_store %arg14[%swap3A_750, %swap3A_751, %swap3A_752], %convert_element_type3A_747 {strides = array<i32>} : memref<3x16x16xf32, #tpu.memory_space<vmem>>, vector<16xf32>,
    %and3A_754 = arith.constant 65535 : i32
    %and3A_755 = vector.broadcast %and3A_754 : i32 to vector<16xi32>
    %and3A_756 = arith.andi %add3A_740, %and3A_755 : vector<16xi32>
    %convert_element_type3A_757 = arith.sitofp %and3A_756 : vector<16xi32> to vector<16xf32>
    %swap3A_758 = arith.constant 1 : i32
    %swap3A_759 = arith.constant 2 : i32
    %swap3A_760 = arith.index_cast %swap3A_758 : i32 to index
    %swap3A_761 = arith.index_cast %swap3A_759 : i32 to index
    %swap3A_762 = arith.constant 0 : index
    %swap3A_763 = tpu.vector_load %arg14[%swap3A_760, %swap3A_761, %swap3A_762] {strides = array<i32>} : memref<3x16x16xf32, #tpu.memory_space<vmem>>, vector<16xf32>,
    tpu.vector_store %arg14[%swap3A_760, %swap3A_761, %swap3A_762], %convert_element_type3A_757 {strides = array<i32>} : memref<3x16x16xf32, #tpu.memory_space<vmem>>, vector<16xf32>,
    %swap3A_764 = arith.constant 2 : i32
    %swap3A_765 = arith.constant 2 : i32
    %swap3A_766 = arith.index_cast %swap3A_764 : i32 to index
    %swap3A_767 = arith.index_cast %swap3A_765 : i32 to index
    %swap3A_768 = arith.constant 0 : index
    %swap3A_769 = tpu.vector_load %arg14[%swap3A_766, %swap3A_767, %swap3A_768] {strides = array<i32>} : memref<3x16x16xf32, #tpu.memory_space<vmem>>, vector<16xf32>,
    tpu.vector_store %arg14[%swap3A_766, %swap3A_767, %swap3A_768], %add3A_743 {strides = array<i32>} : memref<3x16x16xf32, #tpu.memory_space<vmem>>, vector<16xf32>,
    %get3A_770 = arith.constant 48 : index
    %get3A_771 = tpu.vector_load %arg12[%get3A_770] {strides = array<i32>} : memref<2048xi32, #tpu.memory_space<vmem>>, vector<16xi32>,
    %add3A_772 = arith.addi %broadcast_in_dim3A_29, %get3A_771 : vector<16xi32>
    %get3A_773 = arith.constant 48 : index
    %get3A_774 = tpu.vector_load %arg13[%get3A_773] {strides = array<i32>} : memref<2048xf32, #tpu.memory_space<vmem>>, vector<16xf32>,
    %add3A_775 = arith.addf %broadcast_in_dim3A_27, %get3A_774 : vector<16xf32>
    %get3A_776 = arith.constant 304 : index
    %get3A_777 = tpu.vector_load %arg12[%get3A_776] {strides = array<i32>} : memref<2048xi32, #tpu.memory_space<vmem>>, vector<16xi32>,
    %add3A_778 = arith.addi %add3A_772, %get3A_777 : vector<16xi32>
    %get3A_779 = arith.constant 304 : index
    %get3A_780 = tpu.vector_load %arg13[%get3A_779] {strides = array<i32>} : memref<2048xf32, #tpu.memory_space<vmem>>, vector<16xf32>,
    %add3A_781 = arith.addf %add3A_775, %get3A_780 : vector<16xf32>
    %get3A_782 = arith.constant 560 : index
    %get3A_783 = tpu.vector_load %arg12[%get3A_782] {strides = array<i32>} : memref<2048xi32, #tpu.memory_space<vmem>>, vector<16xi32>,
    %add3A_784 = arith.addi %add3A_778, %get3A_783 : vector<16xi32>
    %get3A_785 = arith.constant 560 : index
    %get3A_786 = tpu.vector_load %arg13[%get3A_785] {strides = array<i32>} : memref<2048xf32, #tpu.memory_space<vmem>>, vector<16xf32>,
    %add3A_787 = arith.addf %add3A_781, %get3A_786 : vector<16xf32>
    %get3A_788 = arith.constant 816 : index
    %get3A_789 = tpu.vector_load %arg12[%get3A_788] {strides = array<i32>} : memref<2048xi32, #tpu.memory_space<vmem>>, vector<16xi32>,
    %add3A_790 = arith.addi %add3A_784, %get3A_789 : vector<16xi32>
    %get3A_791 = arith.constant 816 : index
    %get3A_792 = tpu.vector_load %arg13[%get3A_791] {strides = array<i32>} : memref<2048xf32, #tpu.memory_space<vmem>>, vector<16xf32>,
    %add3A_793 = arith.addf %add3A_787, %get3A_792 : vector<16xf32>
    %get3A_794 = arith.constant 1072 : index
    %get3A_795 = tpu.vector_load %arg12[%get3A_794] {strides = array<i32>} : memref<2048xi32, #tpu.memory_space<vmem>>, vector<16xi32>,
    %add3A_796 = arith.addi %add3A_790, %get3A_795 : vector<16xi32>
    %get3A_797 = arith.constant 1072 : index
    %get3A_798 = tpu.vector_load %arg13[%get3A_797] {strides = array<i32>} : memref<2048xf32, #tpu.memory_space<vmem>>, vector<16xf32>,
    %add3A_799 = arith.addf %add3A_793, %get3A_798 : vector<16xf32>
    %get3A_800 = arith.constant 1328 : index
    %get3A_801 = tpu.vector_load %arg12[%get3A_800] {strides = array<i32>} : memref<2048xi32, #tpu.memory_space<vmem>>, vector<16xi32>,
    %add3A_802 = arith.addi %add3A_796, %get3A_801 : vector<16xi32>
    %get3A_803 = arith.constant 1328 : index
    %get3A_804 = tpu.vector_load %arg13[%get3A_803] {strides = array<i32>} : memref<2048xf32, #tpu.memory_space<vmem>>, vector<16xf32>,
    %add3A_805 = arith.addf %add3A_799, %get3A_804 : vector<16xf32>
    %get3A_806 = arith.constant 1584 : index
    %get3A_807 = tpu.vector_load %arg12[%get3A_806] {strides = array<i32>} : memref<2048xi32, #tpu.memory_space<vmem>>, vector<16xi32>,
    %add3A_808 = arith.addi %add3A_802, %get3A_807 : vector<16xi32>
    %get3A_809 = arith.constant 1584 : index
    %get3A_810 = tpu.vector_load %arg13[%get3A_809] {strides = array<i32>} : memref<2048xf32, #tpu.memory_space<vmem>>, vector<16xf32>,
    %add3A_811 = arith.addf %add3A_805, %get3A_810 : vector<16xf32>
    %get3A_812 = arith.constant 1840 : index
    %get3A_813 = tpu.vector_load %arg12[%get3A_812] {strides = array<i32>} : memref<2048xi32, #tpu.memory_space<vmem>>, vector<16xi32>,
    %add3A_814 = arith.addi %add3A_808, %get3A_813 : vector<16xi32>
    %get3A_815 = arith.constant 1840 : index
    %get3A_816 = tpu.vector_load %arg13[%get3A_815] {strides = array<i32>} : memref<2048xf32, #tpu.memory_space<vmem>>, vector<16xf32>,
    %add3A_817 = arith.addf %add3A_811, %get3A_816 : vector<16xf32>
    %shift_right_arithmetic3A_818 = arith.constant 16 : i32
    %shift_right_arithmetic3A_819 = vector.broadcast %shift_right_arithmetic3A_818 : i32 to vector<16xi32>
    %shift_right_arithmetic3A_820 = arith.shrsi %add3A_814, %shift_right_arithmetic3A_819 : vector<16xi32>
    %convert_element_type3A_821 = arith.sitofp %shift_right_arithmetic3A_820 : vector<16xi32> to vector<16xf32>
    %swap3A_822 = arith.constant 0 : i32
    %swap3A_823 = arith.constant 3 : i32
    %swap3A_824 = arith.index_cast %swap3A_822 : i32 to index
    %swap3A_825 = arith.index_cast %swap3A_823 : i32 to index
    %swap3A_826 = arith.constant 0 : index
    %swap3A_827 = tpu.vector_load %arg14[%swap3A_824, %swap3A_825, %swap3A_826] {strides = array<i32>} : memref<3x16x16xf32, #tpu.memory_space<vmem>>, vector<16xf32>,
    tpu.vector_store %arg14[%swap3A_824, %swap3A_825, %swap3A_826], %convert_element_type3A_821 {strides = array<i32>} : memref<3x16x16xf32, #tpu.memory_space<vmem>>, vector<16xf32>,
    %and3A_828 = arith.constant 65535 : i32
    %and3A_829 = vector.broadcast %and3A_828 : i32 to vector<16xi32>
    %and3A_830 = arith.andi %add3A_814, %and3A_829 : vector<16xi32>
    %convert_element_type3A_831 = arith.sitofp %and3A_830 : vector<16xi32> to vector<16xf32>
    %swap3A_832 = arith.constant 1 : i32
    %swap3A_833 = arith.constant 3 : i32
    %swap3A_834 = arith.index_cast %swap3A_832 : i32 to index
    %swap3A_835 = arith.index_cast %swap3A_833 : i32 to index
    %swap3A_836 = arith.constant 0 : index
    %swap3A_837 = tpu.vector_load %arg14[%swap3A_834, %swap3A_835, %swap3A_836] {strides = array<i32>} : memref<3x16x16xf32, #tpu.memory_space<vmem>>, vector<16xf32>,
    tpu.vector_store %arg14[%swap3A_834, %swap3A_835, %swap3A_836], %convert_element_type3A_831 {strides = array<i32>} : memref<3x16x16xf32, #tpu.memory_space<vmem>>, vector<16xf32>,
    %swap3A_838 = arith.constant 2 : i32
    %swap3A_839 = arith.constant 3 : i32
    %swap3A_840 = arith.index_cast %swap3A_838 : i32 to index
    %swap3A_841 = arith.index_cast %swap3A_839 : i32 to index
    %swap3A_842 = arith.constant 0 : index
    %swap3A_843 = tpu.vector_load %arg14[%swap3A_840, %swap3A_841, %swap3A_842] {strides = array<i32>} : memref<3x16x16xf32, #tpu.memory_space<vmem>>, vector<16xf32>,
    tpu.vector_store %arg14[%swap3A_840, %swap3A_841, %swap3A_842], %add3A_817 {strides = array<i32>} : memref<3x16x16xf32, #tpu.memory_space<vmem>>, vector<16xf32>,
    %get3A_844 = arith.constant 64 : index
    %get3A_845 = tpu.vector_load %arg12[%get3A_844] {strides = array<i32>} : memref<2048xi32, #tpu.memory_space<vmem>>, vector<16xi32>,
    %add3A_846 = arith.addi %broadcast_in_dim3A_29, %get3A_845 : vector<16xi32>
    %get3A_847 = arith.constant 64 : index
    %get3A_848 = tpu.vector_load %arg13[%get3A_847] {strides = array<i32>} : memref<2048xf32, #tpu.memory_space<vmem>>, vector<16xf32>,
    %add3A_849 = arith.addf %broadcast_in_dim3A_27, %get3A_848 : vector<16xf32>
    %get3A_850 = arith.constant 320 : index
    %get3A_851 = tpu.vector_load %arg12[%get3A_850] {strides = array<i32>} : memref<2048xi32, #tpu.memory_space<vmem>>, vector<16xi32>,
    %add3A_852 = arith.addi %add3A_846, %get3A_851 : vector<16xi32>
    %get3A_853 = arith.constant 320 : index
    %get3A_854 = tpu.vector_load %arg13[%get3A_853] {strides = array<i32>} : memref<2048xf32, #tpu.memory_space<vmem>>, vector<16xf32>,
    %add3A_855 = arith.addf %add3A_849, %get3A_854 : vector<16xf32>
    %get3A_856 = arith.constant 576 : index
    %get3A_857 = tpu.vector_load %arg12[%get3A_856] {strides = array<i32>} : memref<2048xi32, #tpu.memory_space<vmem>>, vector<16xi32>,
    %add3A_858 = arith.addi %add3A_852, %get3A_857 : vector<16xi32>
    %get3A_859 = arith.constant 576 : index
    %get3A_860 = tpu.vector_load %arg13[%get3A_859] {strides = array<i32>} : memref<2048xf32, #tpu.memory_space<vmem>>, vector<16xf32>,
    %add3A_861 = arith.addf %add3A_855, %get3A_860 : vector<16xf32>
    %get3A_862 = arith.constant 832 : index
    %get3A_863 = tpu.vector_load %arg12[%get3A_862] {strides = array<i32>} : memref<2048xi32, #tpu.memory_space<vmem>>, vector<16xi32>,
    %add3A_864 = arith.addi %add3A_858, %get3A_863 : vector<16xi32>
    %get3A_865 = arith.constant 832 : index
    %get3A_866 = tpu.vector_load %arg13[%get3A_865] {strides = array<i32>} : memref<2048xf32, #tpu.memory_space<vmem>>, vector<16xf32>,
    %add3A_867 = arith.addf %add3A_861, %get3A_866 : vector<16xf32>
    %get3A_868 = arith.constant 1088 : index
    %get3A_869 = tpu.vector_load %arg12[%get3A_868] {strides = array<i32>} : memref<2048xi32, #tpu.memory_space<vmem>>, vector<16xi32>,
    %add3A_870 = arith.addi %add3A_864, %get3A_869 : vector<16xi32>
    %get3A_871 = arith.constant 1088 : index
    %get3A_872 = tpu.vector_load %arg13[%get3A_871] {strides = array<i32>} : memref<2048xf32, #tpu.memory_space<vmem>>, vector<16xf32>,
    %add3A_873 = arith.addf %add3A_867, %get3A_872 : vector<16xf32>
    %get3A_874 = arith.constant 1344 : index
    %get3A_875 = tpu.vector_load %arg12[%get3A_874] {strides = array<i32>} : memref<2048xi32, #tpu.memory_space<vmem>>, vector<16xi32>,
    %add3A_876 = arith.addi %add3A_870, %get3A_875 : vector<16xi32>
    %get3A_877 = arith.constant 1344 : index
    %get3A_878 = tpu.vector_load %arg13[%get3A_877] {strides = array<i32>} : memref<2048xf32, #tpu.memory_space<vmem>>, vector<16xf32>,
    %add3A_879 = arith.addf %add3A_873, %get3A_878 : vector<16xf32>
    %get3A_880 = arith.constant 1600 : index
    %get3A_881 = tpu.vector_load %arg12[%get3A_880] {strides = array<i32>} : memref<2048xi32, #tpu.memory_space<vmem>>, vector<16xi32>,
    %add3A_882 = arith.addi %add3A_876, %get3A_881 : vector<16xi32>
    %get3A_883 = arith.constant 1600 : index
    %get3A_884 = tpu.vector_load %arg13[%get3A_883] {strides = array<i32>} : memref<2048xf32, #tpu.memory_space<vmem>>, vector<16xf32>,
    %add3A_885 = arith.addf %add3A_879, %get3A_884 : vector<16xf32>
    %get3A_886 = arith.constant 1856 : index
    %get3A_887 = tpu.vector_load %arg12[%get3A_886] {strides = array<i32>} : memref<2048xi32, #tpu.memory_space<vmem>>, vector<16xi32>,
    %add3A_888 = arith.addi %add3A_882, %get3A_887 : vector<16xi32>
    %get3A_889 = arith.constant 1856 : index
    %get3A_890 = tpu.vector_load %arg13[%get3A_889] {strides = array<i32>} : memref<2048xf32, #tpu.memory_space<vmem>>, vector<16xf32>,
    %add3A_891 = arith.addf %add3A_885, %get3A_890 : vector<16xf32>
    %shift_right_arithmetic3A_892 = arith.constant 16 : i32
    %shift_right_arithmetic3A_893 = vector.broadcast %shift_right_arithmetic3A_892 : i32 to vector<16xi32>
    %shift_right_arithmetic3A_894 = arith.shrsi %add3A_888, %shift_right_arithmetic3A_893 : vector<16xi32>
    %convert_element_type3A_895 = arith.sitofp %shift_right_arithmetic3A_894 : vector<16xi32> to vector<16xf32>
    %swap3A_896 = arith.constant 0 : i32
    %swap3A_897 = arith.constant 4 : i32
    %swap3A_898 = arith.index_cast %swap3A_896 : i32 to index
    %swap3A_899 = arith.index_cast %swap3A_897 : i32 to index
    %swap3A_900 = arith.constant 0 : index
    %swap3A_901 = tpu.vector_load %arg14[%swap3A_898, %swap3A_899, %swap3A_900] {strides = array<i32>} : memref<3x16x16xf32, #tpu.memory_space<vmem>>, vector<16xf32>,
    tpu.vector_store %arg14[%swap3A_898, %swap3A_899, %swap3A_900], %convert_element_type3A_895 {strides = array<i32>} : memref<3x16x16xf32, #tpu.memory_space<vmem>>, vector<16xf32>,
    %and3A_902 = arith.constant 65535 : i32
    %and3A_903 = vector.broadcast %and3A_902 : i32 to vector<16xi32>
    %and3A_904 = arith.andi %add3A_888, %and3A_903 : vector<16xi32>
    %convert_element_type3A_905 = arith.sitofp %and3A_904 : vector<16xi32> to vector<16xf32>
    %swap3A_906 = arith.constant 1 : i32
    %swap3A_907 = arith.constant 4 : i32
    %swap3A_908 = arith.index_cast %swap3A_906 : i32 to index
    %swap3A_909 = arith.index_cast %swap3A_907 : i32 to index
    %swap3A_910 = arith.constant 0 : index
    %swap3A_911 = tpu.vector_load %arg14[%swap3A_908, %swap3A_909, %swap3A_910] {strides = array<i32>} : memref<3x16x16xf32, #tpu.memory_space<vmem>>, vector<16xf32>,
    tpu.vector_store %arg14[%swap3A_908, %swap3A_909, %swap3A_910], %convert_element_type3A_905 {strides = array<i32>} : memref<3x16x16xf32, #tpu.memory_space<vmem>>, vector<16xf32>,
    %swap3A_912 = arith.constant 2 : i32
    %swap3A_913 = arith.constant 4 : i32
    %swap3A_914 = arith.index_cast %swap3A_912 : i32 to index
    %swap3A_915 = arith.index_cast %swap3A_913 : i32 to index
    %swap3A_916 = arith.constant 0 : index
    %swap3A_917 = tpu.vector_load %arg14[%swap3A_914, %swap3A_915, %swap3A_916] {strides = array<i32>} : memref<3x16x16xf32, #tpu.memory_space<vmem>>, vector<16xf32>,
    tpu.vector_store %arg14[%swap3A_914, %swap3A_915, %swap3A_916], %add3A_891 {strides = array<i32>} : memref<3x16x16xf32, #tpu.memory_space<vmem>>, vector<16xf32>,
    %get3A_918 = arith.constant 80 : index
    %get3A_919 = tpu.vector_load %arg12[%get3A_918] {strides = array<i32>} : memref<2048xi32, #tpu.memory_space<vmem>>, vector<16xi32>,
    %add3A_920 = arith.addi %broadcast_in_dim3A_29, %get3A_919 : vector<16xi32>
    %get3A_921 = arith.constant 80 : index
    %get3A_922 = tpu.vector_load %arg13[%get3A_921] {strides = array<i32>} : memref<2048xf32, #tpu.memory_space<vmem>>, vector<16xf32>,
    %add3A_923 = arith.addf %broadcast_in_dim3A_27, %get3A_922 : vector<16xf32>
    %get3A_924 = arith.constant 336 : index
    %get3A_925 = tpu.vector_load %arg12[%get3A_924] {strides = array<i32>} : memref<2048xi32, #tpu.memory_space<vmem>>, vector<16xi32>,
    %add3A_926 = arith.addi %add3A_920, %get3A_925 : vector<16xi32>
    %get3A_927 = arith.constant 336 : index
    %get3A_928 = tpu.vector_load %arg13[%get3A_927] {strides = array<i32>} : memref<2048xf32, #tpu.memory_space<vmem>>, vector<16xf32>,
    %add3A_929 = arith.addf %add3A_923, %get3A_928 : vector<16xf32>
    %get3A_930 = arith.constant 592 : index
    %get3A_931 = tpu.vector_load %arg12[%get3A_930] {strides = array<i32>} : memref<2048xi32, #tpu.memory_space<vmem>>, vector<16xi32>,
    %add3A_932 = arith.addi %add3A_926, %get3A_931 : vector<16xi32>
    %get3A_933 = arith.constant 592 : index
    %get3A_934 = tpu.vector_load %arg13[%get3A_933] {strides = array<i32>} : memref<2048xf32, #tpu.memory_space<vmem>>, vector<16xf32>,
    %add3A_935 = arith.addf %add3A_929, %get3A_934 : vector<16xf32>
    %get3A_936 = arith.constant 848 : index
    %get3A_937 = tpu.vector_load %arg12[%get3A_936] {strides = array<i32>} : memref<2048xi32, #tpu.memory_space<vmem>>, vector<16xi32>,
    %add3A_938 = arith.addi %add3A_932, %get3A_937 : vector<16xi32>
    %get3A_939 = arith.constant 848 : index
    %get3A_940 = tpu.vector_load %arg13[%get3A_939] {strides = array<i32>} : memref<2048xf32, #tpu.memory_space<vmem>>, vector<16xf32>,
    %add3A_941 = arith.addf %add3A_935, %get3A_940 : vector<16xf32>
    %get3A_942 = arith.constant 1104 : index
    %get3A_943 = tpu.vector_load %arg12[%get3A_942] {strides = array<i32>} : memref<2048xi32, #tpu.memory_space<vmem>>, vector<16xi32>,
    %add3A_944 = arith.addi %add3A_938, %get3A_943 : vector<16xi32>
    %get3A_945 = arith.constant 1104 : index
    %get3A_946 = tpu.vector_load %arg13[%get3A_945] {strides = array<i32>} : memref<2048xf32, #tpu.memory_space<vmem>>, vector<16xf32>,
    %add3A_947 = arith.addf %add3A_941, %get3A_946 : vector<16xf32>
    %get3A_948 = arith.constant 1360 : index
    %get3A_949 = tpu.vector_load %arg12[%get3A_948] {strides = array<i32>} : memref<2048xi32, #tpu.memory_space<vmem>>, vector<16xi32>,
    %add3A_950 = arith.addi %add3A_944, %get3A_949 : vector<16xi32>
    %get3A_951 = arith.constant 1360 : index
    %get3A_952 = tpu.vector_load %arg13[%get3A_951] {strides = array<i32>} : memref<2048xf32, #tpu.memory_space<vmem>>, vector<16xf32>,
    %add3A_953 = arith.addf %add3A_947, %get3A_952 : vector<16xf32>
    %get3A_954 = arith.constant 1616 : index
    %get3A_955 = tpu.vector_load %arg12[%get3A_954] {strides = array<i32>} : memref<2048xi32, #tpu.memory_space<vmem>>, vector<16xi32>,
    %add3A_956 = arith.addi %add3A_950, %get3A_955 : vector<16xi32>
    %get3A_957 = arith.constant 1616 : index
    %get3A_958 = tpu.vector_load %arg13[%get3A_957] {strides = array<i32>} : memref<2048xf32, #tpu.memory_space<vmem>>, vector<16xf32>,
    %add3A_959 = arith.addf %add3A_953, %get3A_958 : vector<16xf32>
    %get3A_960 = arith.constant 1872 : index
    %get3A_961 = tpu.vector_load %arg12[%get3A_960] {strides = array<i32>} : memref<2048xi32, #tpu.memory_space<vmem>>, vector<16xi32>,
    %add3A_962 = arith.addi %add3A_956, %get3A_961 : vector<16xi32>
    %get3A_963 = arith.constant 1872 : index
    %get3A_964 = tpu.vector_load %arg13[%get3A_963] {strides = array<i32>} : memref<2048xf32, #tpu.memory_space<vmem>>, vector<16xf32>,
    %add3A_965 = arith.addf %add3A_959, %get3A_964 : vector<16xf32>
    %shift_right_arithmetic3A_966 = arith.constant 16 : i32
    %shift_right_arithmetic3A_967 = vector.broadcast %shift_right_arithmetic3A_966 : i32 to vector<16xi32>
    %shift_right_arithmetic3A_968 = arith.shrsi %add3A_962, %shift_right_arithmetic3A_967 : vector<16xi32>
    %convert_element_type3A_969 = arith.sitofp %shift_right_arithmetic3A_968 : vector<16xi32> to vector<16xf32>
    %swap3A_970 = arith.constant 0 : i32
    %swap3A_971 = arith.constant 5 : i32
    %swap3A_972 = arith.index_cast %swap3A_970 : i32 to index
    %swap3A_973 = arith.index_cast %swap3A_971 : i32 to index
    %swap3A_974 = arith.constant 0 : index
    %swap3A_975 = tpu.vector_load %arg14[%swap3A_972, %swap3A_973, %swap3A_974] {strides = array<i32>} : memref<3x16x16xf32, #tpu.memory_space<vmem>>, vector<16xf32>,
    tpu.vector_store %arg14[%swap3A_972, %swap3A_973, %swap3A_974], %convert_element_type3A_969 {strides = array<i32>} : memref<3x16x16xf32, #tpu.memory_space<vmem>>, vector<16xf32>,
    %and3A_976 = arith.constant 65535 : i32
    %and3A_977 = vector.broadcast %and3A_976 : i32 to vector<16xi32>
    %and3A_978 = arith.andi %add3A_962, %and3A_977 : vector<16xi32>
    %convert_element_type3A_979 = arith.sitofp %and3A_978 : vector<16xi32> to vector<16xf32>
    %swap3A_980 = arith.constant 1 : i32
    %swap3A_981 = arith.constant 5 : i32
    %swap3A_982 = arith.index_cast %swap3A_980 : i32 to index
    %swap3A_983 = arith.index_cast %swap3A_981 : i32 to index
    %swap3A_984 = arith.constant 0 : index
    %swap3A_985 = tpu.vector_load %arg14[%swap3A_982, %swap3A_983, %swap3A_984] {strides = array<i32>} : memref<3x16x16xf32, #tpu.memory_space<vmem>>, vector<16xf32>,
    tpu.vector_store %arg14[%swap3A_982, %swap3A_983, %swap3A_984], %convert_element_type3A_979 {strides = array<i32>} : memref<3x16x16xf32, #tpu.memory_space<vmem>>, vector<16xf32>,
    %swap3A_986 = arith.constant 2 : i32
    %swap3A_987 = arith.constant 5 : i32
    %swap3A_988 = arith.index_cast %swap3A_986 : i32 to index
    %swap3A_989 = arith.index_cast %swap3A_987 : i32 to index
    %swap3A_990 = arith.constant 0 : index
    %swap3A_991 = tpu.vector_load %arg14[%swap3A_988, %swap3A_989, %swap3A_990] {strides = array<i32>} : memref<3x16x16xf32, #tpu.memory_space<vmem>>, vector<16xf32>,
    tpu.vector_store %arg14[%swap3A_988, %swap3A_989, %swap3A_990], %add3A_965 {strides = array<i32>} : memref<3x16x16xf32, #tpu.memory_space<vmem>>, vector<16xf32>,
    %get3A_992 = arith.constant 96 : index
    %get3A_993 = tpu.vector_load %arg12[%get3A_992] {strides = array<i32>} : memref<2048xi32, #tpu.memory_space<vmem>>, vector<16xi32>,
    %add3A_994 = arith.addi %broadcast_in_dim3A_29, %get3A_993 : vector<16xi32>
    %get3A_995 = arith.constant 96 : index
    %get3A_996 = tpu.vector_load %arg13[%get3A_995] {strides = array<i32>} : memref<2048xf32, #tpu.memory_space<vmem>>, vector<16xf32>,
    %add3A_997 = arith.addf %broadcast_in_dim3A_27, %get3A_996 : vector<16xf32>
    %get3A_998 = arith.constant 352 : index
    %get3A_999 = tpu.vector_load %arg12[%get3A_998] {strides = array<i32>} : memref<2048xi32, #tpu.memory_space<vmem>>, vector<16xi32>,
    %add3A_1000 = arith.addi %add3A_994, %get3A_999 : vector<16xi32>
    %get3A_1001 = arith.constant 352 : index
    %get3A_1002 = tpu.vector_load %arg13[%get3A_1001] {strides = array<i32>} : memref<2048xf32, #tpu.memory_space<vmem>>, vector<16xf32>,
    %add3A_1003 = arith.addf %add3A_997, %get3A_1002 : vector<16xf32>
    %get3A_1004 = arith.constant 608 : index
    %get3A_1005 = tpu.vector_load %arg12[%get3A_1004] {strides = array<i32>} : memref<2048xi32, #tpu.memory_space<vmem>>, vector<16xi32>,
    %add3A_1006 = arith.addi %add3A_1000, %get3A_1005 : vector<16xi32>
    %get3A_1007 = arith.constant 608 : index
    %get3A_1008 = tpu.vector_load %arg13[%get3A_1007] {strides = array<i32>} : memref<2048xf32, #tpu.memory_space<vmem>>, vector<16xf32>,
    %add3A_1009 = arith.addf %add3A_1003, %get3A_1008 : vector<16xf32>
    %get3A_1010 = arith.constant 864 : index
    %get3A_1011 = tpu.vector_load %arg12[%get3A_1010] {strides = array<i32>} : memref<2048xi32, #tpu.memory_space<vmem>>, vector<16xi32>,
    %add3A_1012 = arith.addi %add3A_1006, %get3A_1011 : vector<16xi32>
    %get3A_1013 = arith.constant 864 : index
    %get3A_1014 = tpu.vector_load %arg13[%get3A_1013] {strides = array<i32>} : memref<2048xf32, #tpu.memory_space<vmem>>, vector<16xf32>,
    %add3A_1015 = arith.addf %add3A_1009, %get3A_1014 : vector<16xf32>
    %get3A_1016 = arith.constant 1120 : index
    %get3A_1017 = tpu.vector_load %arg12[%get3A_1016] {strides = array<i32>} : memref<2048xi32, #tpu.memory_space<vmem>>, vector<16xi32>,
    %add3A_1018 = arith.addi %add3A_1012, %get3A_1017 : vector<16xi32>
    %get3A_1019 = arith.constant 1120 : index
    %get3A_1020 = tpu.vector_load %arg13[%get3A_1019] {strides = array<i32>} : memref<2048xf32, #tpu.memory_space<vmem>>, vector<16xf32>,
    %add3A_1021 = arith.addf %add3A_1015, %get3A_1020 : vector<16xf32>
    %get3A_1022 = arith.constant 1376 : index
    %get3A_1023 = tpu.vector_load %arg12[%get3A_1022] {strides = array<i32>} : memref<2048xi32, #tpu.memory_space<vmem>>, vector<16xi32>,
    %add3A_1024 = arith.addi %add3A_1018, %get3A_1023 : vector<16xi32>
    %get3A_1025 = arith.constant 1376 : index
    %get3A_1026 = tpu.vector_load %arg13[%get3A_1025] {strides = array<i32>} : memref<2048xf32, #tpu.memory_space<vmem>>, vector<16xf32>,
    %add3A_1027 = arith.addf %add3A_1021, %get3A_1026 : vector<16xf32>
    %get3A_1028 = arith.constant 1632 : index
    %get3A_1029 = tpu.vector_load %arg12[%get3A_1028] {strides = array<i32>} : memref<2048xi32, #tpu.memory_space<vmem>>, vector<16xi32>,
    %add3A_1030 = arith.addi %add3A_1024, %get3A_1029 : vector<16xi32>
    %get3A_1031 = arith.constant 1632 : index
    %get3A_1032 = tpu.vector_load %arg13[%get3A_1031] {strides = array<i32>} : memref<2048xf32, #tpu.memory_space<vmem>>, vector<16xf32>,
    %add3A_1033 = arith.addf %add3A_1027, %get3A_1032 : vector<16xf32>
    %get3A_1034 = arith.constant 1888 : index
    %get3A_1035 = tpu.vector_load %arg12[%get3A_1034] {strides = array<i32>} : memref<2048xi32, #tpu.memory_space<vmem>>, vector<16xi32>,
    %add3A_1036 = arith.addi %add3A_1030, %get3A_1035 : vector<16xi32>
    %get3A_1037 = arith.constant 1888 : index
    %get3A_1038 = tpu.vector_load %arg13[%get3A_1037] {strides = array<i32>} : memref<2048xf32, #tpu.memory_space<vmem>>, vector<16xf32>,
    %add3A_1039 = arith.addf %add3A_1033, %get3A_1038 : vector<16xf32>
    %shift_right_arithmetic3A_1040 = arith.constant 16 : i32
    %shift_right_arithmetic3A_1041 = vector.broadcast %shift_right_arithmetic3A_1040 : i32 to vector<16xi32>
    %shift_right_arithmetic3A_1042 = arith.shrsi %add3A_1036, %shift_right_arithmetic3A_1041 : vector<16xi32>
    %convert_element_type3A_1043 = arith.sitofp %shift_right_arithmetic3A_1042 : vector<16xi32> to vector<16xf32>
    %swap3A_1044 = arith.constant 0 : i32
    %swap3A_1045 = arith.constant 6 : i32
    %swap3A_1046 = arith.index_cast %swap3A_1044 : i32 to index
    %swap3A_1047 = arith.index_cast %swap3A_1045 : i32 to index
    %swap3A_1048 = arith.constant 0 : index
    %swap3A_1049 = tpu.vector_load %arg14[%swap3A_1046, %swap3A_1047, %swap3A_1048] {strides = array<i32>} : memref<3x16x16xf32, #tpu.memory_space<vmem>>, vector<16xf32>,
    tpu.vector_store %arg14[%swap3A_1046, %swap3A_1047, %swap3A_1048], %convert_element_type3A_1043 {strides = array<i32>} : memref<3x16x16xf32, #tpu.memory_space<vmem>>, vector<16xf32>,
    %and3A_1050 = arith.constant 65535 : i32
    %and3A_1051 = vector.broadcast %and3A_1050 : i32 to vector<16xi32>
    %and3A_1052 = arith.andi %add3A_1036, %and3A_1051 : vector<16xi32>
    %convert_element_type3A_1053 = arith.sitofp %and3A_1052 : vector<16xi32> to vector<16xf32>
    %swap3A_1054 = arith.constant 1 : i32
    %swap3A_1055 = arith.constant 6 : i32
    %swap3A_1056 = arith.index_cast %swap3A_1054 : i32 to index
    %swap3A_1057 = arith.index_cast %swap3A_1055 : i32 to index
    %swap3A_1058 = arith.constant 0 : index
    %swap3A_1059 = tpu.vector_load %arg14[%swap3A_1056, %swap3A_1057, %swap3A_1058] {strides = array<i32>} : memref<3x16x16xf32, #tpu.memory_space<vmem>>, vector<16xf32>,
    tpu.vector_store %arg14[%swap3A_1056, %swap3A_1057, %swap3A_1058], %convert_element_type3A_1053 {strides = array<i32>} : memref<3x16x16xf32, #tpu.memory_space<vmem>>, vector<16xf32>,
    %swap3A_1060 = arith.constant 2 : i32
    %swap3A_1061 = arith.constant 6 : i32
    %swap3A_1062 = arith.index_cast %swap3A_1060 : i32 to index
    %swap3A_1063 = arith.index_cast %swap3A_1061 : i32 to index
    %swap3A_1064 = arith.constant 0 : index
    %swap3A_1065 = tpu.vector_load %arg14[%swap3A_1062, %swap3A_1063, %swap3A_1064] {strides = array<i32>} : memref<3x16x16xf32, #tpu.memory_space<vmem>>, vector<16xf32>,
    tpu.vector_store %arg14[%swap3A_1062, %swap3A_1063, %swap3A_1064], %add3A_1039 {strides = array<i32>} : memref<3x16x16xf32, #tpu.memory_space<vmem>>, vector<16xf32>,
    %get3A_1066 = arith.constant 112 : index
    %get3A_1067 = tpu.vector_load %arg12[%get3A_1066] {strides = array<i32>} : memref<2048xi32, #tpu.memory_space<vmem>>, vector<16xi32>,
    %add3A_1068 = arith.addi %broadcast_in_dim3A_29, %get3A_1067 : vector<16xi32>
    %get3A_1069 = arith.constant 112 : index
    %get3A_1070 = tpu.vector_load %arg13[%get3A_1069] {strides = array<i32>} : memref<2048xf32, #tpu.memory_space<vmem>>, vector<16xf32>,
    %add3A_1071 = arith.addf %broadcast_in_dim3A_27, %get3A_1070 : vector<16xf32>
    %get3A_1072 = arith.constant 368 : index
    %get3A_1073 = tpu.vector_load %arg12[%get3A_1072] {strides = array<i32>} : memref<2048xi32, #tpu.memory_space<vmem>>, vector<16xi32>,
    %add3A_1074 = arith.addi %add3A_1068, %get3A_1073 : vector<16xi32>
    %get3A_1075 = arith.constant 368 : index
    %get3A_1076 = tpu.vector_load %arg13[%get3A_1075] {strides = array<i32>} : memref<2048xf32, #tpu.memory_space<vmem>>, vector<16xf32>,
    %add3A_1077 = arith.addf %add3A_1071, %get3A_1076 : vector<16xf32>
    %get3A_1078 = arith.constant 624 : index
    %get3A_1079 = tpu.vector_load %arg12[%get3A_1078] {strides = array<i32>} : memref<2048xi32, #tpu.memory_space<vmem>>, vector<16xi32>,
    %add3A_1080 = arith.addi %add3A_1074, %get3A_1079 : vector<16xi32>
    %get3A_1081 = arith.constant 624 : index
    %get3A_1082 = tpu.vector_load %arg13[%get3A_1081] {strides = array<i32>} : memref<2048xf32, #tpu.memory_space<vmem>>, vector<16xf32>,
    %add3A_1083 = arith.addf %add3A_1077, %get3A_1082 : vector<16xf32>
    %get3A_1084 = arith.constant 880 : index
    %get3A_1085 = tpu.vector_load %arg12[%get3A_1084] {strides = array<i32>} : memref<2048xi32, #tpu.memory_space<vmem>>, vector<16xi32>,
    %add3A_1086 = arith.addi %add3A_1080, %get3A_1085 : vector<16xi32>
    %get3A_1087 = arith.constant 880 : index
    %get3A_1088 = tpu.vector_load %arg13[%get3A_1087] {strides = array<i32>} : memref<2048xf32, #tpu.memory_space<vmem>>, vector<16xf32>,
    %add3A_1089 = arith.addf %add3A_1083, %get3A_1088 : vector<16xf32>
    %get3A_1090 = arith.constant 1136 : index
    %get3A_1091 = tpu.vector_load %arg12[%get3A_1090] {strides = array<i32>} : memref<2048xi32, #tpu.memory_space<vmem>>, vector<16xi32>,
    %add3A_1092 = arith.addi %add3A_1086, %get3A_1091 : vector<16xi32>
    %get3A_1093 = arith.constant 1136 : index
    %get3A_1094 = tpu.vector_load %arg13[%get3A_1093] {strides = array<i32>} : memref<2048xf32, #tpu.memory_space<vmem>>, vector<16xf32>,
    %add3A_1095 = arith.addf %add3A_1089, %get3A_1094 : vector<16xf32>
    %get3A_1096 = arith.constant 1392 : index
    %get3A_1097 = tpu.vector_load %arg12[%get3A_1096] {strides = array<i32>} : memref<2048xi32, #tpu.memory_space<vmem>>, vector<16xi32>,
    %add3A_1098 = arith.addi %add3A_1092, %get3A_1097 : vector<16xi32>
    %get3A_1099 = arith.constant 1392 : index
    %get3A_1100 = tpu.vector_load %arg13[%get3A_1099] {strides = array<i32>} : memref<2048xf32, #tpu.memory_space<vmem>>, vector<16xf32>,
    %add3A_1101 = arith.addf %add3A_1095, %get3A_1100 : vector<16xf32>
    %get3A_1102 = arith.constant 1648 : index
    %get3A_1103 = tpu.vector_load %arg12[%get3A_1102] {strides = array<i32>} : memref<2048xi32, #tpu.memory_space<vmem>>, vector<16xi32>,
    %add3A_1104 = arith.addi %add3A_1098, %get3A_1103 : vector<16xi32>
    %get3A_1105 = arith.constant 1648 : index
    %get3A_1106 = tpu.vector_load %arg13[%get3A_1105] {strides = array<i32>} : memref<2048xf32, #tpu.memory_space<vmem>>, vector<16xf32>,
    %add3A_1107 = arith.addf %add3A_1101, %get3A_1106 : vector<16xf32>
    %get3A_1108 = arith.constant 1904 : index
    %get3A_1109 = tpu.vector_load %arg12[%get3A_1108] {strides = array<i32>} : memref<2048xi32, #tpu.memory_space<vmem>>, vector<16xi32>,
    %add3A_1110 = arith.addi %add3A_1104, %get3A_1109 : vector<16xi32>
    %get3A_1111 = arith.constant 1904 : index
    %get3A_1112 = tpu.vector_load %arg13[%get3A_1111] {strides = array<i32>} : memref<2048xf32, #tpu.memory_space<vmem>>, vector<16xf32>,
    %add3A_1113 = arith.addf %add3A_1107, %get3A_1112 : vector<16xf32>
    %shift_right_arithmetic3A_1114 = arith.constant 16 : i32
    %shift_right_arithmetic3A_1115 = vector.broadcast %shift_right_arithmetic3A_1114 : i32 to vector<16xi32>
    %shift_right_arithmetic3A_1116 = arith.shrsi %add3A_1110, %shift_right_arithmetic3A_1115 : vector<16xi32>
    %convert_element_type3A_1117 = arith.sitofp %shift_right_arithmetic3A_1116 : vector<16xi32> to vector<16xf32>
    %swap3A_1118 = arith.constant 0 : i32
    %swap3A_1119 = arith.constant 7 : i32
    %swap3A_1120 = arith.index_cast %swap3A_1118 : i32 to index
    %swap3A_1121 = arith.index_cast %swap3A_1119 : i32 to index
    %swap3A_1122 = arith.constant 0 : index
    %swap3A_1123 = tpu.vector_load %arg14[%swap3A_1120, %swap3A_1121, %swap3A_1122] {strides = array<i32>} : memref<3x16x16xf32, #tpu.memory_space<vmem>>, vector<16xf32>,
    tpu.vector_store %arg14[%swap3A_1120, %swap3A_1121, %swap3A_1122], %convert_element_type3A_1117 {strides = array<i32>} : memref<3x16x16xf32, #tpu.memory_space<vmem>>, vector<16xf32>,
    %and3A_1124 = arith.constant 65535 : i32
    %and3A_1125 = vector.broadcast %and3A_1124 : i32 to vector<16xi32>
    %and3A_1126 = arith.andi %add3A_1110, %and3A_1125 : vector<16xi32>
    %convert_element_type3A_1127 = arith.sitofp %and3A_1126 : vector<16xi32> to vector<16xf32>
    %swap3A_1128 = arith.constant 1 : i32
    %swap3A_1129 = arith.constant 7 : i32
    %swap3A_1130 = arith.index_cast %swap3A_1128 : i32 to index
    %swap3A_1131 = arith.index_cast %swap3A_1129 : i32 to index
    %swap3A_1132 = arith.constant 0 : index
    %swap3A_1133 = tpu.vector_load %arg14[%swap3A_1130, %swap3A_1131, %swap3A_1132] {strides = array<i32>} : memref<3x16x16xf32, #tpu.memory_space<vmem>>, vector<16xf32>,
    tpu.vector_store %arg14[%swap3A_1130, %swap3A_1131, %swap3A_1132], %convert_element_type3A_1127 {strides = array<i32>} : memref<3x16x16xf32, #tpu.memory_space<vmem>>, vector<16xf32>,
    %swap3A_1134 = arith.constant 2 : i32
    %swap3A_1135 = arith.constant 7 : i32
    %swap3A_1136 = arith.index_cast %swap3A_1134 : i32 to index
    %swap3A_1137 = arith.index_cast %swap3A_1135 : i32 to index
    %swap3A_1138 = arith.constant 0 : index
    %swap3A_1139 = tpu.vector_load %arg14[%swap3A_1136, %swap3A_1137, %swap3A_1138] {strides = array<i32>} : memref<3x16x16xf32, #tpu.memory_space<vmem>>, vector<16xf32>,
    tpu.vector_store %arg14[%swap3A_1136, %swap3A_1137, %swap3A_1138], %add3A_1113 {strides = array<i32>} : memref<3x16x16xf32, #tpu.memory_space<vmem>>, vector<16xf32>,
    %get3A_1140 = arith.constant 128 : index
    %get3A_1141 = tpu.vector_load %arg12[%get3A_1140] {strides = array<i32>} : memref<2048xi32, #tpu.memory_space<vmem>>, vector<16xi32>,
    %add3A_1142 = arith.addi %broadcast_in_dim3A_29, %get3A_1141 : vector<16xi32>
    %get3A_1143 = arith.constant 128 : index
    %get3A_1144 = tpu.vector_load %arg13[%get3A_1143] {strides = array<i32>} : memref<2048xf32, #tpu.memory_space<vmem>>, vector<16xf32>,
    %add3A_1145 = arith.addf %broadcast_in_dim3A_27, %get3A_1144 : vector<16xf32>
    %get3A_1146 = arith.constant 384 : index
    %get3A_1147 = tpu.vector_load %arg12[%get3A_1146] {strides = array<i32>} : memref<2048xi32, #tpu.memory_space<vmem>>, vector<16xi32>,
    %add3A_1148 = arith.addi %add3A_1142, %get3A_1147 : vector<16xi32>
    %get3A_1149 = arith.constant 384 : index
    %get3A_1150 = tpu.vector_load %arg13[%get3A_1149] {strides = array<i32>} : memref<2048xf32, #tpu.memory_space<vmem>>, vector<16xf32>,
    %add3A_1151 = arith.addf %add3A_1145, %get3A_1150 : vector<16xf32>
    %get3A_1152 = arith.constant 640 : index
    %get3A_1153 = tpu.vector_load %arg12[%get3A_1152] {strides = array<i32>} : memref<2048xi32, #tpu.memory_space<vmem>>, vector<16xi32>,
    %add3A_1154 = arith.addi %add3A_1148, %get3A_1153 : vector<16xi32>
    %get3A_1155 = arith.constant 640 : index
    %get3A_1156 = tpu.vector_load %arg13[%get3A_1155] {strides = array<i32>} : memref<2048xf32, #tpu.memory_space<vmem>>, vector<16xf32>,
    %add3A_1157 = arith.addf %add3A_1151, %get3A_1156 : vector<16xf32>
    %get3A_1158 = arith.constant 896 : index
    %get3A_1159 = tpu.vector_load %arg12[%get3A_1158] {strides = array<i32>} : memref<2048xi32, #tpu.memory_space<vmem>>, vector<16xi32>,
    %add3A_1160 = arith.addi %add3A_1154, %get3A_1159 : vector<16xi32>
    %get3A_1161 = arith.constant 896 : index
    %get3A_1162 = tpu.vector_load %arg13[%get3A_1161] {strides = array<i32>} : memref<2048xf32, #tpu.memory_space<vmem>>, vector<16xf32>,
    %add3A_1163 = arith.addf %add3A_1157, %get3A_1162 : vector<16xf32>
    %get3A_1164 = arith.constant 1152 : index
    %get3A_1165 = tpu.vector_load %arg12[%get3A_1164] {strides = array<i32>} : memref<2048xi32, #tpu.memory_space<vmem>>, vector<16xi32>,
    %add3A_1166 = arith.addi %add3A_1160, %get3A_1165 : vector<16xi32>
    %get3A_1167 = arith.constant 1152 : index
    %get3A_1168 = tpu.vector_load %arg13[%get3A_1167] {strides = array<i32>} : memref<2048xf32, #tpu.memory_space<vmem>>, vector<16xf32>,
    %add3A_1169 = arith.addf %add3A_1163, %get3A_1168 : vector<16xf32>
    %get3A_1170 = arith.constant 1408 : index
    %get3A_1171 = tpu.vector_load %arg12[%get3A_1170] {strides = array<i32>} : memref<2048xi32, #tpu.memory_space<vmem>>, vector<16xi32>,
    %add3A_1172 = arith.addi %add3A_1166, %get3A_1171 : vector<16xi32>
    %get3A_1173 = arith.constant 1408 : index
    %get3A_1174 = tpu.vector_load %arg13[%get3A_1173] {strides = array<i32>} : memref<2048xf32, #tpu.memory_space<vmem>>, vector<16xf32>,
    %add3A_1175 = arith.addf %add3A_1169, %get3A_1174 : vector<16xf32>
    %get3A_1176 = arith.constant 1664 : index
    %get3A_1177 = tpu.vector_load %arg12[%get3A_1176] {strides = array<i32>} : memref<2048xi32, #tpu.memory_space<vmem>>, vector<16xi32>,
    %add3A_1178 = arith.addi %add3A_1172, %get3A_1177 : vector<16xi32>
    %get3A_1179 = arith.constant 1664 : index
    %get3A_1180 = tpu.vector_load %arg13[%get3A_1179] {strides = array<i32>} : memref<2048xf32, #tpu.memory_space<vmem>>, vector<16xf32>,
    %add3A_1181 = arith.addf %add3A_1175, %get3A_1180 : vector<16xf32>
    %get3A_1182 = arith.constant 1920 : index
    %get3A_1183 = tpu.vector_load %arg12[%get3A_1182] {strides = array<i32>} : memref<2048xi32, #tpu.memory_space<vmem>>, vector<16xi32>,
    %add3A_1184 = arith.addi %add3A_1178, %get3A_1183 : vector<16xi32>
    %get3A_1185 = arith.constant 1920 : index
    %get3A_1186 = tpu.vector_load %arg13[%get3A_1185] {strides = array<i32>} : memref<2048xf32, #tpu.memory_space<vmem>>, vector<16xf32>,
    %add3A_1187 = arith.addf %add3A_1181, %get3A_1186 : vector<16xf32>
    %shift_right_arithmetic3A_1188 = arith.constant 16 : i32
    %shift_right_arithmetic3A_1189 = vector.broadcast %shift_right_arithmetic3A_1188 : i32 to vector<16xi32>
    %shift_right_arithmetic3A_1190 = arith.shrsi %add3A_1184, %shift_right_arithmetic3A_1189 : vector<16xi32>
    %convert_element_type3A_1191 = arith.sitofp %shift_right_arithmetic3A_1190 : vector<16xi32> to vector<16xf32>
    %swap3A_1192 = arith.constant 0 : i32
    %swap3A_1193 = arith.constant 8 : i32
    %swap3A_1194 = arith.index_cast %swap3A_1192 : i32 to index
    %swap3A_1195 = arith.index_cast %swap3A_1193 : i32 to index
    %swap3A_1196 = arith.constant 0 : index
    %swap3A_1197 = tpu.vector_load %arg14[%swap3A_1194, %swap3A_1195, %swap3A_1196] {strides = array<i32>} : memref<3x16x16xf32, #tpu.memory_space<vmem>>, vector<16xf32>,
    tpu.vector_store %arg14[%swap3A_1194, %swap3A_1195, %swap3A_1196], %convert_element_type3A_1191 {strides = array<i32>} : memref<3x16x16xf32, #tpu.memory_space<vmem>>, vector<16xf32>,
    %and3A_1198 = arith.constant 65535 : i32
    %and3A_1199 = vector.broadcast %and3A_1198 : i32 to vector<16xi32>
    %and3A_1200 = arith.andi %add3A_1184, %and3A_1199 : vector<16xi32>
    %convert_element_type3A_1201 = arith.sitofp %and3A_1200 : vector<16xi32> to vector<16xf32>
    %swap3A_1202 = arith.constant 1 : i32
    %swap3A_1203 = arith.constant 8 : i32
    %swap3A_1204 = arith.index_cast %swap3A_1202 : i32 to index
    %swap3A_1205 = arith.index_cast %swap3A_1203 : i32 to index
    %swap3A_1206 = arith.constant 0 : index
    %swap3A_1207 = tpu.vector_load %arg14[%swap3A_1204, %swap3A_1205, %swap3A_1206] {strides = array<i32>} : memref<3x16x16xf32, #tpu.memory_space<vmem>>, vector<16xf32>,
    tpu.vector_store %arg14[%swap3A_1204, %swap3A_1205, %swap3A_1206], %convert_element_type3A_1201 {strides = array<i32>} : memref<3x16x16xf32, #tpu.memory_space<vmem>>, vector<16xf32>,
    %swap3A_1208 = arith.constant 2 : i32
    %swap3A_1209 = arith.constant 8 : i32
    %swap3A_1210 = arith.index_cast %swap3A_1208 : i32 to index
    %swap3A_1211 = arith.index_cast %swap3A_1209 : i32 to index
    %swap3A_1212 = arith.constant 0 : index
    %swap3A_1213 = tpu.vector_load %arg14[%swap3A_1210, %swap3A_1211, %swap3A_1212] {strides = array<i32>} : memref<3x16x16xf32, #tpu.memory_space<vmem>>, vector<16xf32>,
    tpu.vector_store %arg14[%swap3A_1210, %swap3A_1211, %swap3A_1212], %add3A_1187 {strides = array<i32>} : memref<3x16x16xf32, #tpu.memory_space<vmem>>, vector<16xf32>,
    %get3A_1214 = arith.constant 144 : index
    %get3A_1215 = tpu.vector_load %arg12[%get3A_1214] {strides = array<i32>} : memref<2048xi32, #tpu.memory_space<vmem>>, vector<16xi32>,
    %add3A_1216 = arith.addi %broadcast_in_dim3A_29, %get3A_1215 : vector<16xi32>
    %get3A_1217 = arith.constant 144 : index
    %get3A_1218 = tpu.vector_load %arg13[%get3A_1217] {strides = array<i32>} : memref<2048xf32, #tpu.memory_space<vmem>>, vector<16xf32>,
    %add3A_1219 = arith.addf %broadcast_in_dim3A_27, %get3A_1218 : vector<16xf32>
    %get3A_1220 = arith.constant 400 : index
    %get3A_1221 = tpu.vector_load %arg12[%get3A_1220] {strides = array<i32>} : memref<2048xi32, #tpu.memory_space<vmem>>, vector<16xi32>,
    %add3A_1222 = arith.addi %add3A_1216, %get3A_1221 : vector<16xi32>
    %get3A_1223 = arith.constant 400 : index
    %get3A_1224 = tpu.vector_load %arg13[%get3A_1223] {strides = array<i32>} : memref<2048xf32, #tpu.memory_space<vmem>>, vector<16xf32>,
    %add3A_1225 = arith.addf %add3A_1219, %get3A_1224 : vector<16xf32>
    %get3A_1226 = arith.constant 656 : index
    %get3A_1227 = tpu.vector_load %arg12[%get3A_1226] {strides = array<i32>} : memref<2048xi32, #tpu.memory_space<vmem>>, vector<16xi32>,
    %add3A_1228 = arith.addi %add3A_1222, %get3A_1227 : vector<16xi32>
    %get3A_1229 = arith.constant 656 : index
    %get3A_1230 = tpu.vector_load %arg13[%get3A_1229] {strides = array<i32>} : memref<2048xf32, #tpu.memory_space<vmem>>, vector<16xf32>,
    %add3A_1231 = arith.addf %add3A_1225, %get3A_1230 : vector<16xf32>
    %get3A_1232 = arith.constant 912 : index
    %get3A_1233 = tpu.vector_load %arg12[%get3A_1232] {strides = array<i32>} : memref<2048xi32, #tpu.memory_space<vmem>>, vector<16xi32>,
    %add3A_1234 = arith.addi %add3A_1228, %get3A_1233 : vector<16xi32>
    %get3A_1235 = arith.constant 912 : index
    %get3A_1236 = tpu.vector_load %arg13[%get3A_1235] {strides = array<i32>} : memref<2048xf32, #tpu.memory_space<vmem>>, vector<16xf32>,
    %add3A_1237 = arith.addf %add3A_1231, %get3A_1236 : vector<16xf32>
    %get3A_1238 = arith.constant 1168 : index
    %get3A_1239 = tpu.vector_load %arg12[%get3A_1238] {strides = array<i32>} : memref<2048xi32, #tpu.memory_space<vmem>>, vector<16xi32>,
    %add3A_1240 = arith.addi %add3A_1234, %get3A_1239 : vector<16xi32>
    %get3A_1241 = arith.constant 1168 : index
    %get3A_1242 = tpu.vector_load %arg13[%get3A_1241] {strides = array<i32>} : memref<2048xf32, #tpu.memory_space<vmem>>, vector<16xf32>,
    %add3A_1243 = arith.addf %add3A_1237, %get3A_1242 : vector<16xf32>
    %get3A_1244 = arith.constant 1424 : index
    %get3A_1245 = tpu.vector_load %arg12[%get3A_1244] {strides = array<i32>} : memref<2048xi32, #tpu.memory_space<vmem>>, vector<16xi32>,
    %add3A_1246 = arith.addi %add3A_1240, %get3A_1245 : vector<16xi32>
    %get3A_1247 = arith.constant 1424 : index
    %get3A_1248 = tpu.vector_load %arg13[%get3A_1247] {strides = array<i32>} : memref<2048xf32, #tpu.memory_space<vmem>>, vector<16xf32>,
    %add3A_1249 = arith.addf %add3A_1243, %get3A_1248 : vector<16xf32>
    %get3A_1250 = arith.constant 1680 : index
    %get3A_1251 = tpu.vector_load %arg12[%get3A_1250] {strides = array<i32>} : memref<2048xi32, #tpu.memory_space<vmem>>, vector<16xi32>,
    %add3A_1252 = arith.addi %add3A_1246, %get3A_1251 : vector<16xi32>
    %get3A_1253 = arith.constant 1680 : index
    %get3A_1254 = tpu.vector_load %arg13[%get3A_1253] {strides = array<i32>} : memref<2048xf32, #tpu.memory_space<vmem>>, vector<16xf32>,
    %add3A_1255 = arith.addf %add3A_1249, %get3A_1254 : vector<16xf32>
    %get3A_1256 = arith.constant 1936 : index
    %get3A_1257 = tpu.vector_load %arg12[%get3A_1256] {strides = array<i32>} : memref<2048xi32, #tpu.memory_space<vmem>>, vector<16xi32>,
    %add3A_1258 = arith.addi %add3A_1252, %get3A_1257 : vector<16xi32>
    %get3A_1259 = arith.constant 1936 : index
    %get3A_1260 = tpu.vector_load %arg13[%get3A_1259] {strides = array<i32>} : memref<2048xf32, #tpu.memory_space<vmem>>, vector<16xf32>,
    %add3A_1261 = arith.addf %add3A_1255, %get3A_1260 : vector<16xf32>
    %shift_right_arithmetic3A_1262 = arith.constant 16 : i32
    %shift_right_arithmetic3A_1263 = vector.broadcast %shift_right_arithmetic3A_1262 : i32 to vector<16xi32>
    %shift_right_arithmetic3A_1264 = arith.shrsi %add3A_1258, %shift_right_arithmetic3A_1263 : vector<16xi32>
    %convert_element_type3A_1265 = arith.sitofp %shift_right_arithmetic3A_1264 : vector<16xi32> to vector<16xf32>
    %swap3A_1266 = arith.constant 0 : i32
    %swap3A_1267 = arith.constant 9 : i32
    %swap3A_1268 = arith.index_cast %swap3A_1266 : i32 to index
    %swap3A_1269 = arith.index_cast %swap3A_1267 : i32 to index
    %swap3A_1270 = arith.constant 0 : index
    %swap3A_1271 = tpu.vector_load %arg14[%swap3A_1268, %swap3A_1269, %swap3A_1270] {strides = array<i32>} : memref<3x16x16xf32, #tpu.memory_space<vmem>>, vector<16xf32>,
    tpu.vector_store %arg14[%swap3A_1268, %swap3A_1269, %swap3A_1270], %convert_element_type3A_1265 {strides = array<i32>} : memref<3x16x16xf32, #tpu.memory_space<vmem>>, vector<16xf32>,
    %and3A_1272 = arith.constant 65535 : i32
    %and3A_1273 = vector.broadcast %and3A_1272 : i32 to vector<16xi32>
    %and3A_1274 = arith.andi %add3A_1258, %and3A_1273 : vector<16xi32>
    %convert_element_type3A_1275 = arith.sitofp %and3A_1274 : vector<16xi32> to vector<16xf32>
    %swap3A_1276 = arith.constant 1 : i32
    %swap3A_1277 = arith.constant 9 : i32
    %swap3A_1278 = arith.index_cast %swap3A_1276 : i32 to index
    %swap3A_1279 = arith.index_cast %swap3A_1277 : i32 to index
    %swap3A_1280 = arith.constant 0 : index
    %swap3A_1281 = tpu.vector_load %arg14[%swap3A_1278, %swap3A_1279, %swap3A_1280] {strides = array<i32>} : memref<3x16x16xf32, #tpu.memory_space<vmem>>, vector<16xf32>,
    tpu.vector_store %arg14[%swap3A_1278, %swap3A_1279, %swap3A_1280], %convert_element_type3A_1275 {strides = array<i32>} : memref<3x16x16xf32, #tpu.memory_space<vmem>>, vector<16xf32>,
    %swap3A_1282 = arith.constant 2 : i32
    %swap3A_1283 = arith.constant 9 : i32
    %swap3A_1284 = arith.index_cast %swap3A_1282 : i32 to index
    %swap3A_1285 = arith.index_cast %swap3A_1283 : i32 to index
    %swap3A_1286 = arith.constant 0 : index
    %swap3A_1287 = tpu.vector_load %arg14[%swap3A_1284, %swap3A_1285, %swap3A_1286] {strides = array<i32>} : memref<3x16x16xf32, #tpu.memory_space<vmem>>, vector<16xf32>,
    tpu.vector_store %arg14[%swap3A_1284, %swap3A_1285, %swap3A_1286], %add3A_1261 {strides = array<i32>} : memref<3x16x16xf32, #tpu.memory_space<vmem>>, vector<16xf32>,
    %get3A_1288 = arith.constant 160 : index
    %get3A_1289 = tpu.vector_load %arg12[%get3A_1288] {strides = array<i32>} : memref<2048xi32, #tpu.memory_space<vmem>>, vector<16xi32>,
    %add3A_1290 = arith.addi %broadcast_in_dim3A_29, %get3A_1289 : vector<16xi32>
    %get3A_1291 = arith.constant 160 : index
    %get3A_1292 = tpu.vector_load %arg13[%get3A_1291] {strides = array<i32>} : memref<2048xf32, #tpu.memory_space<vmem>>, vector<16xf32>,
    %add3A_1293 = arith.addf %broadcast_in_dim3A_27, %get3A_1292 : vector<16xf32>
    %get3A_1294 = arith.constant 416 : index
    %get3A_1295 = tpu.vector_load %arg12[%get3A_1294] {strides = array<i32>} : memref<2048xi32, #tpu.memory_space<vmem>>, vector<16xi32>,
    %add3A_1296 = arith.addi %add3A_1290, %get3A_1295 : vector<16xi32>
    %get3A_1297 = arith.constant 416 : index
    %get3A_1298 = tpu.vector_load %arg13[%get3A_1297] {strides = array<i32>} : memref<2048xf32, #tpu.memory_space<vmem>>, vector<16xf32>,
    %add3A_1299 = arith.addf %add3A_1293, %get3A_1298 : vector<16xf32>
    %get3A_1300 = arith.constant 672 : index
    %get3A_1301 = tpu.vector_load %arg12[%get3A_1300] {strides = array<i32>} : memref<2048xi32, #tpu.memory_space<vmem>>, vector<16xi32>,
    %add3A_1302 = arith.addi %add3A_1296, %get3A_1301 : vector<16xi32>
    %get3A_1303 = arith.constant 672 : index
    %get3A_1304 = tpu.vector_load %arg13[%get3A_1303] {strides = array<i32>} : memref<2048xf32, #tpu.memory_space<vmem>>, vector<16xf32>,
    %add3A_1305 = arith.addf %add3A_1299, %get3A_1304 : vector<16xf32>
    %get3A_1306 = arith.constant 928 : index
    %get3A_1307 = tpu.vector_load %arg12[%get3A_1306] {strides = array<i32>} : memref<2048xi32, #tpu.memory_space<vmem>>, vector<16xi32>,
    %add3A_1308 = arith.addi %add3A_1302, %get3A_1307 : vector<16xi32>
    %get3A_1309 = arith.constant 928 : index
    %get3A_1310 = tpu.vector_load %arg13[%get3A_1309] {strides = array<i32>} : memref<2048xf32, #tpu.memory_space<vmem>>, vector<16xf32>,
    %add3A_1311 = arith.addf %add3A_1305, %get3A_1310 : vector<16xf32>
    %get3A_1312 = arith.constant 1184 : index
    %get3A_1313 = tpu.vector_load %arg12[%get3A_1312] {strides = array<i32>} : memref<2048xi32, #tpu.memory_space<vmem>>, vector<16xi32>,
    %add3A_1314 = arith.addi %add3A_1308, %get3A_1313 : vector<16xi32>
    %get3A_1315 = arith.constant 1184 : index
    %get3A_1316 = tpu.vector_load %arg13[%get3A_1315] {strides = array<i32>} : memref<2048xf32, #tpu.memory_space<vmem>>, vector<16xf32>,
    %add3A_1317 = arith.addf %add3A_1311, %get3A_1316 : vector<16xf32>
    %get3A_1318 = arith.constant 1440 : index
    %get3A_1319 = tpu.vector_load %arg12[%get3A_1318] {strides = array<i32>} : memref<2048xi32, #tpu.memory_space<vmem>>, vector<16xi32>,
    %add3A_1320 = arith.addi %add3A_1314, %get3A_1319 : vector<16xi32>
    %get3A_1321 = arith.constant 1440 : index
    %get3A_1322 = tpu.vector_load %arg13[%get3A_1321] {strides = array<i32>} : memref<2048xf32, #tpu.memory_space<vmem>>, vector<16xf32>,
    %add3A_1323 = arith.addf %add3A_1317, %get3A_1322 : vector<16xf32>
    %get3A_1324 = arith.constant 1696 : index
    %get3A_1325 = tpu.vector_load %arg12[%get3A_1324] {strides = array<i32>} : memref<2048xi32, #tpu.memory_space<vmem>>, vector<16xi32>,
    %add3A_1326 = arith.addi %add3A_1320, %get3A_1325 : vector<16xi32>
    %get3A_1327 = arith.constant 1696 : index
    %get3A_1328 = tpu.vector_load %arg13[%get3A_1327] {strides = array<i32>} : memref<2048xf32, #tpu.memory_space<vmem>>, vector<16xf32>,
    %add3A_1329 = arith.addf %add3A_1323, %get3A_1328 : vector<16xf32>
    %get3A_1330 = arith.constant 1952 : index
    %get3A_1331 = tpu.vector_load %arg12[%get3A_1330] {strides = array<i32>} : memref<2048xi32, #tpu.memory_space<vmem>>, vector<16xi32>,
    %add3A_1332 = arith.addi %add3A_1326, %get3A_1331 : vector<16xi32>
    %get3A_1333 = arith.constant 1952 : index
    %get3A_1334 = tpu.vector_load %arg13[%get3A_1333] {strides = array<i32>} : memref<2048xf32, #tpu.memory_space<vmem>>, vector<16xf32>,
    %add3A_1335 = arith.addf %add3A_1329, %get3A_1334 : vector<16xf32>
    %shift_right_arithmetic3A_1336 = arith.constant 16 : i32
    %shift_right_arithmetic3A_1337 = vector.broadcast %shift_right_arithmetic3A_1336 : i32 to vector<16xi32>
    %shift_right_arithmetic3A_1338 = arith.shrsi %add3A_1332, %shift_right_arithmetic3A_1337 : vector<16xi32>
    %convert_element_type3A_1339 = arith.sitofp %shift_right_arithmetic3A_1338 : vector<16xi32> to vector<16xf32>
    %swap3A_1340 = arith.constant 0 : i32
    %swap3A_1341 = arith.constant 10 : i32
    %swap3A_1342 = arith.index_cast %swap3A_1340 : i32 to index
    %swap3A_1343 = arith.index_cast %swap3A_1341 : i32 to index
    %swap3A_1344 = arith.constant 0 : index
    %swap3A_1345 = tpu.vector_load %arg14[%swap3A_1342, %swap3A_1343, %swap3A_1344] {strides = array<i32>} : memref<3x16x16xf32, #tpu.memory_space<vmem>>, vector<16xf32>,
    tpu.vector_store %arg14[%swap3A_1342, %swap3A_1343, %swap3A_1344], %convert_element_type3A_1339 {strides = array<i32>} : memref<3x16x16xf32, #tpu.memory_space<vmem>>, vector<16xf32>,
    %and3A_1346 = arith.constant 65535 : i32
    %and3A_1347 = vector.broadcast %and3A_1346 : i32 to vector<16xi32>
    %and3A_1348 = arith.andi %add3A_1332, %and3A_1347 : vector<16xi32>
    %convert_element_type3A_1349 = arith.sitofp %and3A_1348 : vector<16xi32> to vector<16xf32>
    %swap3A_1350 = arith.constant 1 : i32
    %swap3A_1351 = arith.constant 10 : i32
    %swap3A_1352 = arith.index_cast %swap3A_1350 : i32 to index
    %swap3A_1353 = arith.index_cast %swap3A_1351 : i32 to index
    %swap3A_1354 = arith.constant 0 : index
    %swap3A_1355 = tpu.vector_load %arg14[%swap3A_1352, %swap3A_1353, %swap3A_1354] {strides = array<i32>} : memref<3x16x16xf32, #tpu.memory_space<vmem>>, vector<16xf32>,
    tpu.vector_store %arg14[%swap3A_1352, %swap3A_1353, %swap3A_1354], %convert_element_type3A_1349 {strides = array<i32>} : memref<3x16x16xf32, #tpu.memory_space<vmem>>, vector<16xf32>,
    %swap3A_1356 = arith.constant 2 : i32
    %swap3A_1357 = arith.constant 10 : i32
    %swap3A_1358 = arith.index_cast %swap3A_1356 : i32 to index
    %swap3A_1359 = arith.index_cast %swap3A_1357 : i32 to index
    %swap3A_1360 = arith.constant 0 : index
    %swap3A_1361 = tpu.vector_load %arg14[%swap3A_1358, %swap3A_1359, %swap3A_1360] {strides = array<i32>} : memref<3x16x16xf32, #tpu.memory_space<vmem>>, vector<16xf32>,
    tpu.vector_store %arg14[%swap3A_1358, %swap3A_1359, %swap3A_1360], %add3A_1335 {strides = array<i32>} : memref<3x16x16xf32, #tpu.memory_space<vmem>>, vector<16xf32>,
    %get3A_1362 = arith.constant 176 : index
    %get3A_1363 = tpu.vector_load %arg12[%get3A_1362] {strides = array<i32>} : memref<2048xi32, #tpu.memory_space<vmem>>, vector<16xi32>,
    %add3A_1364 = arith.addi %broadcast_in_dim3A_29, %get3A_1363 : vector<16xi32>
    %get3A_1365 = arith.constant 176 : index
    %get3A_1366 = tpu.vector_load %arg13[%get3A_1365] {strides = array<i32>} : memref<2048xf32, #tpu.memory_space<vmem>>, vector<16xf32>,
    %add3A_1367 = arith.addf %broadcast_in_dim3A_27, %get3A_1366 : vector<16xf32>
    %get3A_1368 = arith.constant 432 : index
    %get3A_1369 = tpu.vector_load %arg12[%get3A_1368] {strides = array<i32>} : memref<2048xi32, #tpu.memory_space<vmem>>, vector<16xi32>,
    %add3A_1370 = arith.addi %add3A_1364, %get3A_1369 : vector<16xi32>
    %get3A_1371 = arith.constant 432 : index
    %get3A_1372 = tpu.vector_load %arg13[%get3A_1371] {strides = array<i32>} : memref<2048xf32, #tpu.memory_space<vmem>>, vector<16xf32>,
    %add3A_1373 = arith.addf %add3A_1367, %get3A_1372 : vector<16xf32>
    %get3A_1374 = arith.constant 688 : index
    %get3A_1375 = tpu.vector_load %arg12[%get3A_1374] {strides = array<i32>} : memref<2048xi32, #tpu.memory_space<vmem>>, vector<16xi32>,
    %add3A_1376 = arith.addi %add3A_1370, %get3A_1375 : vector<16xi32>
    %get3A_1377 = arith.constant 688 : index
    %get3A_1378 = tpu.vector_load %arg13[%get3A_1377] {strides = array<i32>} : memref<2048xf32, #tpu.memory_space<vmem>>, vector<16xf32>,
    %add3A_1379 = arith.addf %add3A_1373, %get3A_1378 : vector<16xf32>
    %get3A_1380 = arith.constant 944 : index
    %get3A_1381 = tpu.vector_load %arg12[%get3A_1380] {strides = array<i32>} : memref<2048xi32, #tpu.memory_space<vmem>>, vector<16xi32>,
    %add3A_1382 = arith.addi %add3A_1376, %get3A_1381 : vector<16xi32>
    %get3A_1383 = arith.constant 944 : index
    %get3A_1384 = tpu.vector_load %arg13[%get3A_1383] {strides = array<i32>} : memref<2048xf32, #tpu.memory_space<vmem>>, vector<16xf32>,
    %add3A_1385 = arith.addf %add3A_1379, %get3A_1384 : vector<16xf32>
    %get3A_1386 = arith.constant 1200 : index
    %get3A_1387 = tpu.vector_load %arg12[%get3A_1386] {strides = array<i32>} : memref<2048xi32, #tpu.memory_space<vmem>>, vector<16xi32>,
    %add3A_1388 = arith.addi %add3A_1382, %get3A_1387 : vector<16xi32>
    %get3A_1389 = arith.constant 1200 : index
    %get3A_1390 = tpu.vector_load %arg13[%get3A_1389] {strides = array<i32>} : memref<2048xf32, #tpu.memory_space<vmem>>, vector<16xf32>,
    %add3A_1391 = arith.addf %add3A_1385, %get3A_1390 : vector<16xf32>
    %get3A_1392 = arith.constant 1456 : index
    %get3A_1393 = tpu.vector_load %arg12[%get3A_1392] {strides = array<i32>} : memref<2048xi32, #tpu.memory_space<vmem>>, vector<16xi32>,
    %add3A_1394 = arith.addi %add3A_1388, %get3A_1393 : vector<16xi32>
    %get3A_1395 = arith.constant 1456 : index
    %get3A_1396 = tpu.vector_load %arg13[%get3A_1395] {strides = array<i32>} : memref<2048xf32, #tpu.memory_space<vmem>>, vector<16xf32>,
    %add3A_1397 = arith.addf %add3A_1391, %get3A_1396 : vector<16xf32>
    %get3A_1398 = arith.constant 1712 : index
    %get3A_1399 = tpu.vector_load %arg12[%get3A_1398] {strides = array<i32>} : memref<2048xi32, #tpu.memory_space<vmem>>, vector<16xi32>,
    %add3A_1400 = arith.addi %add3A_1394, %get3A_1399 : vector<16xi32>
    %get3A_1401 = arith.constant 1712 : index
    %get3A_1402 = tpu.vector_load %arg13[%get3A_1401] {strides = array<i32>} : memref<2048xf32, #tpu.memory_space<vmem>>, vector<16xf32>,
    %add3A_1403 = arith.addf %add3A_1397, %get3A_1402 : vector<16xf32>
    %get3A_1404 = arith.constant 1968 : index
    %get3A_1405 = tpu.vector_load %arg12[%get3A_1404] {strides = array<i32>} : memref<2048xi32, #tpu.memory_space<vmem>>, vector<16xi32>,
    %add3A_1406 = arith.addi %add3A_1400, %get3A_1405 : vector<16xi32>
    %get3A_1407 = arith.constant 1968 : index
    %get3A_1408 = tpu.vector_load %arg13[%get3A_1407] {strides = array<i32>} : memref<2048xf32, #tpu.memory_space<vmem>>, vector<16xf32>,
    %add3A_1409 = arith.addf %add3A_1403, %get3A_1408 : vector<16xf32>
    %shift_right_arithmetic3A_1410 = arith.constant 16 : i32
    %shift_right_arithmetic3A_1411 = vector.broadcast %shift_right_arithmetic3A_1410 : i32 to vector<16xi32>
    %shift_right_arithmetic3A_1412 = arith.shrsi %add3A_1406, %shift_right_arithmetic3A_1411 : vector<16xi32>
    %convert_element_type3A_1413 = arith.sitofp %shift_right_arithmetic3A_1412 : vector<16xi32> to vector<16xf32>
    %swap3A_1414 = arith.constant 0 : i32
    %swap3A_1415 = arith.constant 11 : i32
    %swap3A_1416 = arith.index_cast %swap3A_1414 : i32 to index
    %swap3A_1417 = arith.index_cast %swap3A_1415 : i32 to index
    %swap3A_1418 = arith.constant 0 : index
    %swap3A_1419 = tpu.vector_load %arg14[%swap3A_1416, %swap3A_1417, %swap3A_1418] {strides = array<i32>} : memref<3x16x16xf32, #tpu.memory_space<vmem>>, vector<16xf32>,
    tpu.vector_store %arg14[%swap3A_1416, %swap3A_1417, %swap3A_1418], %convert_element_type3A_1413 {strides = array<i32>} : memref<3x16x16xf32, #tpu.memory_space<vmem>>, vector<16xf32>,
    %and3A_1420 = arith.constant 65535 : i32
    %and3A_1421 = vector.broadcast %and3A_1420 : i32 to vector<16xi32>
    %and3A_1422 = arith.andi %add3A_1406, %and3A_1421 : vector<16xi32>
    %convert_element_type3A_1423 = arith.sitofp %and3A_1422 : vector<16xi32> to vector<16xf32>
    %swap3A_1424 = arith.constant 1 : i32
    %swap3A_1425 = arith.constant 11 : i32
    %swap3A_1426 = arith.index_cast %swap3A_1424 : i32 to index
    %swap3A_1427 = arith.index_cast %swap3A_1425 : i32 to index
    %swap3A_1428 = arith.constant 0 : index
    %swap3A_1429 = tpu.vector_load %arg14[%swap3A_1426, %swap3A_1427, %swap3A_1428] {strides = array<i32>} : memref<3x16x16xf32, #tpu.memory_space<vmem>>, vector<16xf32>,
    tpu.vector_store %arg14[%swap3A_1426, %swap3A_1427, %swap3A_1428], %convert_element_type3A_1423 {strides = array<i32>} : memref<3x16x16xf32, #tpu.memory_space<vmem>>, vector<16xf32>,
    %swap3A_1430 = arith.constant 2 : i32
    %swap3A_1431 = arith.constant 11 : i32
    %swap3A_1432 = arith.index_cast %swap3A_1430 : i32 to index
    %swap3A_1433 = arith.index_cast %swap3A_1431 : i32 to index
    %swap3A_1434 = arith.constant 0 : index
    %swap3A_1435 = tpu.vector_load %arg14[%swap3A_1432, %swap3A_1433, %swap3A_1434] {strides = array<i32>} : memref<3x16x16xf32, #tpu.memory_space<vmem>>, vector<16xf32>,
    tpu.vector_store %arg14[%swap3A_1432, %swap3A_1433, %swap3A_1434], %add3A_1409 {strides = array<i32>} : memref<3x16x16xf32, #tpu.memory_space<vmem>>, vector<16xf32>,
    %get3A_1436 = arith.constant 192 : index
    %get3A_1437 = tpu.vector_load %arg12[%get3A_1436] {strides = array<i32>} : memref<2048xi32, #tpu.memory_space<vmem>>, vector<16xi32>,
    %add3A_1438 = arith.addi %broadcast_in_dim3A_29, %get3A_1437 : vector<16xi32>
    %get3A_1439 = arith.constant 192 : index
    %get3A_1440 = tpu.vector_load %arg13[%get3A_1439] {strides = array<i32>} : memref<2048xf32, #tpu.memory_space<vmem>>, vector<16xf32>,
    %add3A_1441 = arith.addf %broadcast_in_dim3A_27, %get3A_1440 : vector<16xf32>
    %get3A_1442 = arith.constant 448 : index
    %get3A_1443 = tpu.vector_load %arg12[%get3A_1442] {strides = array<i32>} : memref<2048xi32, #tpu.memory_space<vmem>>, vector<16xi32>,
    %add3A_1444 = arith.addi %add3A_1438, %get3A_1443 : vector<16xi32>
    %get3A_1445 = arith.constant 448 : index
    %get3A_1446 = tpu.vector_load %arg13[%get3A_1445] {strides = array<i32>} : memref<2048xf32, #tpu.memory_space<vmem>>, vector<16xf32>,
    %add3A_1447 = arith.addf %add3A_1441, %get3A_1446 : vector<16xf32>
    %get3A_1448 = arith.constant 704 : index
    %get3A_1449 = tpu.vector_load %arg12[%get3A_1448] {strides = array<i32>} : memref<2048xi32, #tpu.memory_space<vmem>>, vector<16xi32>,
    %add3A_1450 = arith.addi %add3A_1444, %get3A_1449 : vector<16xi32>
    %get3A_1451 = arith.constant 704 : index
    %get3A_1452 = tpu.vector_load %arg13[%get3A_1451] {strides = array<i32>} : memref<2048xf32, #tpu.memory_space<vmem>>, vector<16xf32>,
    %add3A_1453 = arith.addf %add3A_1447, %get3A_1452 : vector<16xf32>
    %get3A_1454 = arith.constant 960 : index
    %get3A_1455 = tpu.vector_load %arg12[%get3A_1454] {strides = array<i32>} : memref<2048xi32, #tpu.memory_space<vmem>>, vector<16xi32>,
    %add3A_1456 = arith.addi %add3A_1450, %get3A_1455 : vector<16xi32>
    %get3A_1457 = arith.constant 960 : index
    %get3A_1458 = tpu.vector_load %arg13[%get3A_1457] {strides = array<i32>} : memref<2048xf32, #tpu.memory_space<vmem>>, vector<16xf32>,
    %add3A_1459 = arith.addf %add3A_1453, %get3A_1458 : vector<16xf32>
    %get3A_1460 = arith.constant 1216 : index
    %get3A_1461 = tpu.vector_load %arg12[%get3A_1460] {strides = array<i32>} : memref<2048xi32, #tpu.memory_space<vmem>>, vector<16xi32>,
    %add3A_1462 = arith.addi %add3A_1456, %get3A_1461 : vector<16xi32>
    %get3A_1463 = arith.constant 1216 : index
    %get3A_1464 = tpu.vector_load %arg13[%get3A_1463] {strides = array<i32>} : memref<2048xf32, #tpu.memory_space<vmem>>, vector<16xf32>,
    %add3A_1465 = arith.addf %add3A_1459, %get3A_1464 : vector<16xf32>
    %get3A_1466 = arith.constant 1472 : index
    %get3A_1467 = tpu.vector_load %arg12[%get3A_1466] {strides = array<i32>} : memref<2048xi32, #tpu.memory_space<vmem>>, vector<16xi32>,
    %add3A_1468 = arith.addi %add3A_1462, %get3A_1467 : vector<16xi32>
    %get3A_1469 = arith.constant 1472 : index
    %get3A_1470 = tpu.vector_load %arg13[%get3A_1469] {strides = array<i32>} : memref<2048xf32, #tpu.memory_space<vmem>>, vector<16xf32>,
    %add3A_1471 = arith.addf %add3A_1465, %get3A_1470 : vector<16xf32>
    %get3A_1472 = arith.constant 1728 : index
    %get3A_1473 = tpu.vector_load %arg12[%get3A_1472] {strides = array<i32>} : memref<2048xi32, #tpu.memory_space<vmem>>, vector<16xi32>,
    %add3A_1474 = arith.addi %add3A_1468, %get3A_1473 : vector<16xi32>
    %get3A_1475 = arith.constant 1728 : index
    %get3A_1476 = tpu.vector_load %arg13[%get3A_1475] {strides = array<i32>} : memref<2048xf32, #tpu.memory_space<vmem>>, vector<16xf32>,
    %add3A_1477 = arith.addf %add3A_1471, %get3A_1476 : vector<16xf32>
    %get3A_1478 = arith.constant 1984 : index
    %get3A_1479 = tpu.vector_load %arg12[%get3A_1478] {strides = array<i32>} : memref<2048xi32, #tpu.memory_space<vmem>>, vector<16xi32>,
    %add3A_1480 = arith.addi %add3A_1474, %get3A_1479 : vector<16xi32>
    %get3A_1481 = arith.constant 1984 : index
    %get3A_1482 = tpu.vector_load %arg13[%get3A_1481] {strides = array<i32>} : memref<2048xf32, #tpu.memory_space<vmem>>, vector<16xf32>,
    %add3A_1483 = arith.addf %add3A_1477, %get3A_1482 : vector<16xf32>
    %shift_right_arithmetic3A_1484 = arith.constant 16 : i32
    %shift_right_arithmetic3A_1485 = vector.broadcast %shift_right_arithmetic3A_1484 : i32 to vector<16xi32>
    %shift_right_arithmetic3A_1486 = arith.shrsi %add3A_1480, %shift_right_arithmetic3A_1485 : vector<16xi32>
    %convert_element_type3A_1487 = arith.sitofp %shift_right_arithmetic3A_1486 : vector<16xi32> to vector<16xf32>
    %swap3A_1488 = arith.constant 0 : i32
    %swap3A_1489 = arith.constant 12 : i32
    %swap3A_1490 = arith.index_cast %swap3A_1488 : i32 to index
    %swap3A_1491 = arith.index_cast %swap3A_1489 : i32 to index
    %swap3A_1492 = arith.constant 0 : index
    %swap3A_1493 = tpu.vector_load %arg14[%swap3A_1490, %swap3A_1491, %swap3A_1492] {strides = array<i32>} : memref<3x16x16xf32, #tpu.memory_space<vmem>>, vector<16xf32>,
    tpu.vector_store %arg14[%swap3A_1490, %swap3A_1491, %swap3A_1492], %convert_element_type3A_1487 {strides = array<i32>} : memref<3x16x16xf32, #tpu.memory_space<vmem>>, vector<16xf32>,
    %and3A_1494 = arith.constant 65535 : i32
    %and3A_1495 = vector.broadcast %and3A_1494 : i32 to vector<16xi32>
    %and3A_1496 = arith.andi %add3A_1480, %and3A_1495 : vector<16xi32>
    %convert_element_type3A_1497 = arith.sitofp %and3A_1496 : vector<16xi32> to vector<16xf32>
    %swap3A_1498 = arith.constant 1 : i32
    %swap3A_1499 = arith.constant 12 : i32
    %swap3A_1500 = arith.index_cast %swap3A_1498 : i32 to index
    %swap3A_1501 = arith.index_cast %swap3A_1499 : i32 to index
    %swap3A_1502 = arith.constant 0 : index
    %swap3A_1503 = tpu.vector_load %arg14[%swap3A_1500, %swap3A_1501, %swap3A_1502] {strides = array<i32>} : memref<3x16x16xf32, #tpu.memory_space<vmem>>, vector<16xf32>,
    tpu.vector_store %arg14[%swap3A_1500, %swap3A_1501, %swap3A_1502], %convert_element_type3A_1497 {strides = array<i32>} : memref<3x16x16xf32, #tpu.memory_space<vmem>>, vector<16xf32>,
    %swap3A_1504 = arith.constant 2 : i32
    %swap3A_1505 = arith.constant 12 : i32
    %swap3A_1506 = arith.index_cast %swap3A_1504 : i32 to index
    %swap3A_1507 = arith.index_cast %swap3A_1505 : i32 to index
    %swap3A_1508 = arith.constant 0 : index
    %swap3A_1509 = tpu.vector_load %arg14[%swap3A_1506, %swap3A_1507, %swap3A_1508] {strides = array<i32>} : memref<3x16x16xf32, #tpu.memory_space<vmem>>, vector<16xf32>,
    tpu.vector_store %arg14[%swap3A_1506, %swap3A_1507, %swap3A_1508], %add3A_1483 {strides = array<i32>} : memref<3x16x16xf32, #tpu.memory_space<vmem>>, vector<16xf32>,
    %get3A_1510 = arith.constant 208 : index
    %get3A_1511 = tpu.vector_load %arg12[%get3A_1510] {strides = array<i32>} : memref<2048xi32, #tpu.memory_space<vmem>>, vector<16xi32>,
    %add3A_1512 = arith.addi %broadcast_in_dim3A_29, %get3A_1511 : vector<16xi32>
    %get3A_1513 = arith.constant 208 : index
    %get3A_1514 = tpu.vector_load %arg13[%get3A_1513] {strides = array<i32>} : memref<2048xf32, #tpu.memory_space<vmem>>, vector<16xf32>,
    %add3A_1515 = arith.addf %broadcast_in_dim3A_27, %get3A_1514 : vector<16xf32>
    %get3A_1516 = arith.constant 464 : index
    %get3A_1517 = tpu.vector_load %arg12[%get3A_1516] {strides = array<i32>} : memref<2048xi32, #tpu.memory_space<vmem>>, vector<16xi32>,
    %add3A_1518 = arith.addi %add3A_1512, %get3A_1517 : vector<16xi32>
    %get3A_1519 = arith.constant 464 : index
    %get3A_1520 = tpu.vector_load %arg13[%get3A_1519] {strides = array<i32>} : memref<2048xf32, #tpu.memory_space<vmem>>, vector<16xf32>,
    %add3A_1521 = arith.addf %add3A_1515, %get3A_1520 : vector<16xf32>
    %get3A_1522 = arith.constant 720 : index
    %get3A_1523 = tpu.vector_load %arg12[%get3A_1522] {strides = array<i32>} : memref<2048xi32, #tpu.memory_space<vmem>>, vector<16xi32>,
    %add3A_1524 = arith.addi %add3A_1518, %get3A_1523 : vector<16xi32>
    %get3A_1525 = arith.constant 720 : index
    %get3A_1526 = tpu.vector_load %arg13[%get3A_1525] {strides = array<i32>} : memref<2048xf32, #tpu.memory_space<vmem>>, vector<16xf32>,
    %add3A_1527 = arith.addf %add3A_1521, %get3A_1526 : vector<16xf32>
    %get3A_1528 = arith.constant 976 : index
    %get3A_1529 = tpu.vector_load %arg12[%get3A_1528] {strides = array<i32>} : memref<2048xi32, #tpu.memory_space<vmem>>, vector<16xi32>,
    %add3A_1530 = arith.addi %add3A_1524, %get3A_1529 : vector<16xi32>
    %get3A_1531 = arith.constant 976 : index
    %get3A_1532 = tpu.vector_load %arg13[%get3A_1531] {strides = array<i32>} : memref<2048xf32, #tpu.memory_space<vmem>>, vector<16xf32>,
    %add3A_1533 = arith.addf %add3A_1527, %get3A_1532 : vector<16xf32>
    %get3A_1534 = arith.constant 1232 : index
    %get3A_1535 = tpu.vector_load %arg12[%get3A_1534] {strides = array<i32>} : memref<2048xi32, #tpu.memory_space<vmem>>, vector<16xi32>,
    %add3A_1536 = arith.addi %add3A_1530, %get3A_1535 : vector<16xi32>
    %get3A_1537 = arith.constant 1232 : index
    %get3A_1538 = tpu.vector_load %arg13[%get3A_1537] {strides = array<i32>} : memref<2048xf32, #tpu.memory_space<vmem>>, vector<16xf32>,
    %add3A_1539 = arith.addf %add3A_1533, %get3A_1538 : vector<16xf32>
    %get3A_1540 = arith.constant 1488 : index
    %get3A_1541 = tpu.vector_load %arg12[%get3A_1540] {strides = array<i32>} : memref<2048xi32, #tpu.memory_space<vmem>>, vector<16xi32>,
    %add3A_1542 = arith.addi %add3A_1536, %get3A_1541 : vector<16xi32>
    %get3A_1543 = arith.constant 1488 : index
    %get3A_1544 = tpu.vector_load %arg13[%get3A_1543] {strides = array<i32>} : memref<2048xf32, #tpu.memory_space<vmem>>, vector<16xf32>,
    %add3A_1545 = arith.addf %add3A_1539, %get3A_1544 : vector<16xf32>
    %get3A_1546 = arith.constant 1744 : index
    %get3A_1547 = tpu.vector_load %arg12[%get3A_1546] {strides = array<i32>} : memref<2048xi32, #tpu.memory_space<vmem>>, vector<16xi32>,
    %add3A_1548 = arith.addi %add3A_1542, %get3A_1547 : vector<16xi32>
    %get3A_1549 = arith.constant 1744 : index
    %get3A_1550 = tpu.vector_load %arg13[%get3A_1549] {strides = array<i32>} : memref<2048xf32, #tpu.memory_space<vmem>>, vector<16xf32>,
    %add3A_1551 = arith.addf %add3A_1545, %get3A_1550 : vector<16xf32>
    %get3A_1552 = arith.constant 2000 : index
    %get3A_1553 = tpu.vector_load %arg12[%get3A_1552] {strides = array<i32>} : memref<2048xi32, #tpu.memory_space<vmem>>, vector<16xi32>,
    %add3A_1554 = arith.addi %add3A_1548, %get3A_1553 : vector<16xi32>
    %get3A_1555 = arith.constant 2000 : index
    %get3A_1556 = tpu.vector_load %arg13[%get3A_1555] {strides = array<i32>} : memref<2048xf32, #tpu.memory_space<vmem>>, vector<16xf32>,
    %add3A_1557 = arith.addf %add3A_1551, %get3A_1556 : vector<16xf32>
    %shift_right_arithmetic3A_1558 = arith.constant 16 : i32
    %shift_right_arithmetic3A_1559 = vector.broadcast %shift_right_arithmetic3A_1558 : i32 to vector<16xi32>
    %shift_right_arithmetic3A_1560 = arith.shrsi %add3A_1554, %shift_right_arithmetic3A_1559 : vector<16xi32>
    %convert_element_type3A_1561 = arith.sitofp %shift_right_arithmetic3A_1560 : vector<16xi32> to vector<16xf32>
    %swap3A_1562 = arith.constant 0 : i32
    %swap3A_1563 = arith.constant 13 : i32
    %swap3A_1564 = arith.index_cast %swap3A_1562 : i32 to index
    %swap3A_1565 = arith.index_cast %swap3A_1563 : i32 to index
    %swap3A_1566 = arith.constant 0 : index
    %swap3A_1567 = tpu.vector_load %arg14[%swap3A_1564, %swap3A_1565, %swap3A_1566] {strides = array<i32>} : memref<3x16x16xf32, #tpu.memory_space<vmem>>, vector<16xf32>,
    tpu.vector_store %arg14[%swap3A_1564, %swap3A_1565, %swap3A_1566], %convert_element_type3A_1561 {strides = array<i32>} : memref<3x16x16xf32, #tpu.memory_space<vmem>>, vector<16xf32>,
    %and3A_1568 = arith.constant 65535 : i32
    %and3A_1569 = vector.broadcast %and3A_1568 : i32 to vector<16xi32>
    %and3A_1570 = arith.andi %add3A_1554, %and3A_1569 : vector<16xi32>
    %convert_element_type3A_1571 = arith.sitofp %and3A_1570 : vector<16xi32> to vector<16xf32>
    %swap3A_1572 = arith.constant 1 : i32
    %swap3A_1573 = arith.constant 13 : i32
    %swap3A_1574 = arith.index_cast %swap3A_1572 : i32 to index
    %swap3A_1575 = arith.index_cast %swap3A_1573 : i32 to index
    %swap3A_1576 = arith.constant 0 : index
    %swap3A_1577 = tpu.vector_load %arg14[%swap3A_1574, %swap3A_1575, %swap3A_1576] {strides = array<i32>} : memref<3x16x16xf32, #tpu.memory_space<vmem>>, vector<16xf32>,
    tpu.vector_store %arg14[%swap3A_1574, %swap3A_1575, %swap3A_1576], %convert_element_type3A_1571 {strides = array<i32>} : memref<3x16x16xf32, #tpu.memory_space<vmem>>, vector<16xf32>,
    %swap3A_1578 = arith.constant 2 : i32
    %swap3A_1579 = arith.constant 13 : i32
    %swap3A_1580 = arith.index_cast %swap3A_1578 : i32 to index
    %swap3A_1581 = arith.index_cast %swap3A_1579 : i32 to index
    %swap3A_1582 = arith.constant 0 : index
    %swap3A_1583 = tpu.vector_load %arg14[%swap3A_1580, %swap3A_1581, %swap3A_1582] {strides = array<i32>} : memref<3x16x16xf32, #tpu.memory_space<vmem>>, vector<16xf32>,
    tpu.vector_store %arg14[%swap3A_1580, %swap3A_1581, %swap3A_1582], %add3A_1557 {strides = array<i32>} : memref<3x16x16xf32, #tpu.memory_space<vmem>>, vector<16xf32>,
    %get3A_1584 = arith.constant 224 : index
    %get3A_1585 = tpu.vector_load %arg12[%get3A_1584] {strides = array<i32>} : memref<2048xi32, #tpu.memory_space<vmem>>, vector<16xi32>,
    %add3A_1586 = arith.addi %broadcast_in_dim3A_29, %get3A_1585 : vector<16xi32>
    %get3A_1587 = arith.constant 224 : index
    %get3A_1588 = tpu.vector_load %arg13[%get3A_1587] {strides = array<i32>} : memref<2048xf32, #tpu.memory_space<vmem>>, vector<16xf32>,
    %add3A_1589 = arith.addf %broadcast_in_dim3A_27, %get3A_1588 : vector<16xf32>
    %get3A_1590 = arith.constant 480 : index
    %get3A_1591 = tpu.vector_load %arg12[%get3A_1590] {strides = array<i32>} : memref<2048xi32, #tpu.memory_space<vmem>>, vector<16xi32>,
    %add3A_1592 = arith.addi %add3A_1586, %get3A_1591 : vector<16xi32>
    %get3A_1593 = arith.constant 480 : index
    %get3A_1594 = tpu.vector_load %arg13[%get3A_1593] {strides = array<i32>} : memref<2048xf32, #tpu.memory_space<vmem>>, vector<16xf32>,
    %add3A_1595 = arith.addf %add3A_1589, %get3A_1594 : vector<16xf32>
    %get3A_1596 = arith.constant 736 : index
    %get3A_1597 = tpu.vector_load %arg12[%get3A_1596] {strides = array<i32>} : memref<2048xi32, #tpu.memory_space<vmem>>, vector<16xi32>,
    %add3A_1598 = arith.addi %add3A_1592, %get3A_1597 : vector<16xi32>
    %get3A_1599 = arith.constant 736 : index
    %get3A_1600 = tpu.vector_load %arg13[%get3A_1599] {strides = array<i32>} : memref<2048xf32, #tpu.memory_space<vmem>>, vector<16xf32>,
    %add3A_1601 = arith.addf %add3A_1595, %get3A_1600 : vector<16xf32>
    %get3A_1602 = arith.constant 992 : index
    %get3A_1603 = tpu.vector_load %arg12[%get3A_1602] {strides = array<i32>} : memref<2048xi32, #tpu.memory_space<vmem>>, vector<16xi32>,
    %add3A_1604 = arith.addi %add3A_1598, %get3A_1603 : vector<16xi32>
    %get3A_1605 = arith.constant 992 : index
    %get3A_1606 = tpu.vector_load %arg13[%get3A_1605] {strides = array<i32>} : memref<2048xf32, #tpu.memory_space<vmem>>, vector<16xf32>,
    %add3A_1607 = arith.addf %add3A_1601, %get3A_1606 : vector<16xf32>
    %get3A_1608 = arith.constant 1248 : index
    %get3A_1609 = tpu.vector_load %arg12[%get3A_1608] {strides = array<i32>} : memref<2048xi32, #tpu.memory_space<vmem>>, vector<16xi32>,
    %add3A_1610 = arith.addi %add3A_1604, %get3A_1609 : vector<16xi32>
    %get3A_1611 = arith.constant 1248 : index
    %get3A_1612 = tpu.vector_load %arg13[%get3A_1611] {strides = array<i32>} : memref<2048xf32, #tpu.memory_space<vmem>>, vector<16xf32>,
    %add3A_1613 = arith.addf %add3A_1607, %get3A_1612 : vector<16xf32>
    %get3A_1614 = arith.constant 1504 : index
    %get3A_1615 = tpu.vector_load %arg12[%get3A_1614] {strides = array<i32>} : memref<2048xi32, #tpu.memory_space<vmem>>, vector<16xi32>,
    %add3A_1616 = arith.addi %add3A_1610, %get3A_1615 : vector<16xi32>
    %get3A_1617 = arith.constant 1504 : index
    %get3A_1618 = tpu.vector_load %arg13[%get3A_1617] {strides = array<i32>} : memref<2048xf32, #tpu.memory_space<vmem>>, vector<16xf32>,
    %add3A_1619 = arith.addf %add3A_1613, %get3A_1618 : vector<16xf32>
    %get3A_1620 = arith.constant 1760 : index
    %get3A_1621 = tpu.vector_load %arg12[%get3A_1620] {strides = array<i32>} : memref<2048xi32, #tpu.memory_space<vmem>>, vector<16xi32>,
    %add3A_1622 = arith.addi %add3A_1616, %get3A_1621 : vector<16xi32>
    %get3A_1623 = arith.constant 1760 : index
    %get3A_1624 = tpu.vector_load %arg13[%get3A_1623] {strides = array<i32>} : memref<2048xf32, #tpu.memory_space<vmem>>, vector<16xf32>,
    %add3A_1625 = arith.addf %add3A_1619, %get3A_1624 : vector<16xf32>
    %get3A_1626 = arith.constant 2016 : index
    %get3A_1627 = tpu.vector_load %arg12[%get3A_1626] {strides = array<i32>} : memref<2048xi32, #tpu.memory_space<vmem>>, vector<16xi32>,
    %add3A_1628 = arith.addi %add3A_1622, %get3A_1627 : vector<16xi32>
    %get3A_1629 = arith.constant 2016 : index
    %get3A_1630 = tpu.vector_load %arg13[%get3A_1629] {strides = array<i32>} : memref<2048xf32, #tpu.memory_space<vmem>>, vector<16xf32>,
    %add3A_1631 = arith.addf %add3A_1625, %get3A_1630 : vector<16xf32>
    %shift_right_arithmetic3A_1632 = arith.constant 16 : i32
    %shift_right_arithmetic3A_1633 = vector.broadcast %shift_right_arithmetic3A_1632 : i32 to vector<16xi32>
    %shift_right_arithmetic3A_1634 = arith.shrsi %add3A_1628, %shift_right_arithmetic3A_1633 : vector<16xi32>
    %convert_element_type3A_1635 = arith.sitofp %shift_right_arithmetic3A_1634 : vector<16xi32> to vector<16xf32>
    %swap3A_1636 = arith.constant 0 : i32
    %swap3A_1637 = arith.constant 14 : i32
    %swap3A_1638 = arith.index_cast %swap3A_1636 : i32 to index
    %swap3A_1639 = arith.index_cast %swap3A_1637 : i32 to index
    %swap3A_1640 = arith.constant 0 : index
    %swap3A_1641 = tpu.vector_load %arg14[%swap3A_1638, %swap3A_1639, %swap3A_1640] {strides = array<i32>} : memref<3x16x16xf32, #tpu.memory_space<vmem>>, vector<16xf32>,
    tpu.vector_store %arg14[%swap3A_1638, %swap3A_1639, %swap3A_1640], %convert_element_type3A_1635 {strides = array<i32>} : memref<3x16x16xf32, #tpu.memory_space<vmem>>, vector<16xf32>,
    %and3A_1642 = arith.constant 65535 : i32
    %and3A_1643 = vector.broadcast %and3A_1642 : i32 to vector<16xi32>
    %and3A_1644 = arith.andi %add3A_1628, %and3A_1643 : vector<16xi32>
    %convert_element_type3A_1645 = arith.sitofp %and3A_1644 : vector<16xi32> to vector<16xf32>
    %swap3A_1646 = arith.constant 1 : i32
    %swap3A_1647 = arith.constant 14 : i32
    %swap3A_1648 = arith.index_cast %swap3A_1646 : i32 to index
    %swap3A_1649 = arith.index_cast %swap3A_1647 : i32 to index
    %swap3A_1650 = arith.constant 0 : index
    %swap3A_1651 = tpu.vector_load %arg14[%swap3A_1648, %swap3A_1649, %swap3A_1650] {strides = array<i32>} : memref<3x16x16xf32, #tpu.memory_space<vmem>>, vector<16xf32>,
    tpu.vector_store %arg14[%swap3A_1648, %swap3A_1649, %swap3A_1650], %convert_element_type3A_1645 {strides = array<i32>} : memref<3x16x16xf32, #tpu.memory_space<vmem>>, vector<16xf32>,
    %swap3A_1652 = arith.constant 2 : i32
    %swap3A_1653 = arith.constant 14 : i32
    %swap3A_1654 = arith.index_cast %swap3A_1652 : i32 to index
    %swap3A_1655 = arith.index_cast %swap3A_1653 : i32 to index
    %swap3A_1656 = arith.constant 0 : index
    %swap3A_1657 = tpu.vector_load %arg14[%swap3A_1654, %swap3A_1655, %swap3A_1656] {strides = array<i32>} : memref<3x16x16xf32, #tpu.memory_space<vmem>>, vector<16xf32>,
    tpu.vector_store %arg14[%swap3A_1654, %swap3A_1655, %swap3A_1656], %add3A_1631 {strides = array<i32>} : memref<3x16x16xf32, #tpu.memory_space<vmem>>, vector<16xf32>,
    %get3A_1658 = arith.constant 240 : index
    %get3A_1659 = tpu.vector_load %arg12[%get3A_1658] {strides = array<i32>} : memref<2048xi32, #tpu.memory_space<vmem>>, vector<16xi32>,
    %add3A_1660 = arith.addi %broadcast_in_dim3A_29, %get3A_1659 : vector<16xi32>
    %get3A_1661 = arith.constant 240 : index
    %get3A_1662 = tpu.vector_load %arg13[%get3A_1661] {strides = array<i32>} : memref<2048xf32, #tpu.memory_space<vmem>>, vector<16xf32>,
    %add3A_1663 = arith.addf %broadcast_in_dim3A_27, %get3A_1662 : vector<16xf32>
    %get3A_1664 = arith.constant 496 : index
    %get3A_1665 = tpu.vector_load %arg12[%get3A_1664] {strides = array<i32>} : memref<2048xi32, #tpu.memory_space<vmem>>, vector<16xi32>,
    %add3A_1666 = arith.addi %add3A_1660, %get3A_1665 : vector<16xi32>
    %get3A_1667 = arith.constant 496 : index
    %get3A_1668 = tpu.vector_load %arg13[%get3A_1667] {strides = array<i32>} : memref<2048xf32, #tpu.memory_space<vmem>>, vector<16xf32>,
    %add3A_1669 = arith.addf %add3A_1663, %get3A_1668 : vector<16xf32>
    %get3A_1670 = arith.constant 752 : index
    %get3A_1671 = tpu.vector_load %arg12[%get3A_1670] {strides = array<i32>} : memref<2048xi32, #tpu.memory_space<vmem>>, vector<16xi32>,
    %add3A_1672 = arith.addi %add3A_1666, %get3A_1671 : vector<16xi32>
    %get3A_1673 = arith.constant 752 : index
    %get3A_1674 = tpu.vector_load %arg13[%get3A_1673] {strides = array<i32>} : memref<2048xf32, #tpu.memory_space<vmem>>, vector<16xf32>,
    %add3A_1675 = arith.addf %add3A_1669, %get3A_1674 : vector<16xf32>
    %get3A_1676 = arith.constant 1008 : index
    %get3A_1677 = tpu.vector_load %arg12[%get3A_1676] {strides = array<i32>} : memref<2048xi32, #tpu.memory_space<vmem>>, vector<16xi32>,
    %add3A_1678 = arith.addi %add3A_1672, %get3A_1677 : vector<16xi32>
    %get3A_1679 = arith.constant 1008 : index
    %get3A_1680 = tpu.vector_load %arg13[%get3A_1679] {strides = array<i32>} : memref<2048xf32, #tpu.memory_space<vmem>>, vector<16xf32>,
    %add3A_1681 = arith.addf %add3A_1675, %get3A_1680 : vector<16xf32>
    %get3A_1682 = arith.constant 1264 : index
    %get3A_1683 = tpu.vector_load %arg12[%get3A_1682] {strides = array<i32>} : memref<2048xi32, #tpu.memory_space<vmem>>, vector<16xi32>,
    %add3A_1684 = arith.addi %add3A_1678, %get3A_1683 : vector<16xi32>
    %get3A_1685 = arith.constant 1264 : index
    %get3A_1686 = tpu.vector_load %arg13[%get3A_1685] {strides = array<i32>} : memref<2048xf32, #tpu.memory_space<vmem>>, vector<16xf32>,
    %add3A_1687 = arith.addf %add3A_1681, %get3A_1686 : vector<16xf32>
    %get3A_1688 = arith.constant 1520 : index
    %get3A_1689 = tpu.vector_load %arg12[%get3A_1688] {strides = array<i32>} : memref<2048xi32, #tpu.memory_space<vmem>>, vector<16xi32>,
    %add3A_1690 = arith.addi %add3A_1684, %get3A_1689 : vector<16xi32>
    %get3A_1691 = arith.constant 1520 : index
    %get3A_1692 = tpu.vector_load %arg13[%get3A_1691] {strides = array<i32>} : memref<2048xf32, #tpu.memory_space<vmem>>, vector<16xf32>,
    %add3A_1693 = arith.addf %add3A_1687, %get3A_1692 : vector<16xf32>
    %get3A_1694 = arith.constant 1776 : index
    %get3A_1695 = tpu.vector_load %arg12[%get3A_1694] {strides = array<i32>} : memref<2048xi32, #tpu.memory_space<vmem>>, vector<16xi32>,
    %add3A_1696 = arith.addi %add3A_1690, %get3A_1695 : vector<16xi32>
    %get3A_1697 = arith.constant 1776 : index
    %get3A_1698 = tpu.vector_load %arg13[%get3A_1697] {strides = array<i32>} : memref<2048xf32, #tpu.memory_space<vmem>>, vector<16xf32>,
    %add3A_1699 = arith.addf %add3A_1693, %get3A_1698 : vector<16xf32>
    %get3A_1700 = arith.constant 2032 : index
    %get3A_1701 = tpu.vector_load %arg12[%get3A_1700] {strides = array<i32>} : memref<2048xi32, #tpu.memory_space<vmem>>, vector<16xi32>,
    %add3A_1702 = arith.addi %add3A_1696, %get3A_1701 : vector<16xi32>
    %get3A_1703 = arith.constant 2032 : index
    %get3A_1704 = tpu.vector_load %arg13[%get3A_1703] {strides = array<i32>} : memref<2048xf32, #tpu.memory_space<vmem>>, vector<16xf32>,
    %add3A_1705 = arith.addf %add3A_1699, %get3A_1704 : vector<16xf32>
    %shift_right_arithmetic3A_1706 = arith.constant 16 : i32
    %shift_right_arithmetic3A_1707 = vector.broadcast %shift_right_arithmetic3A_1706 : i32 to vector<16xi32>
    %shift_right_arithmetic3A_1708 = arith.shrsi %add3A_1702, %shift_right_arithmetic3A_1707 : vector<16xi32>
    %convert_element_type3A_1709 = arith.sitofp %shift_right_arithmetic3A_1708 : vector<16xi32> to vector<16xf32>
    %swap3A_1710 = arith.constant 0 : i32
    %swap3A_1711 = arith.constant 15 : i32
    %swap3A_1712 = arith.index_cast %swap3A_1710 : i32 to index
    %swap3A_1713 = arith.index_cast %swap3A_1711 : i32 to index
    %swap3A_1714 = arith.constant 0 : index
    %swap3A_1715 = tpu.vector_load %arg14[%swap3A_1712, %swap3A_1713, %swap3A_1714] {strides = array<i32>} : memref<3x16x16xf32, #tpu.memory_space<vmem>>, vector<16xf32>,
    tpu.vector_store %arg14[%swap3A_1712, %swap3A_1713, %swap3A_1714], %convert_element_type3A_1709 {strides = array<i32>} : memref<3x16x16xf32, #tpu.memory_space<vmem>>, vector<16xf32>,
    %and3A_1716 = arith.constant 65535 : i32
    %and3A_1717 = vector.broadcast %and3A_1716 : i32 to vector<16xi32>
    %and3A_1718 = arith.andi %add3A_1702, %and3A_1717 : vector<16xi32>
    %convert_element_type3A_1719 = arith.sitofp %and3A_1718 : vector<16xi32> to vector<16xf32>
    %swap3A_1720 = arith.constant 1 : i32
    %swap3A_1721 = arith.constant 15 : i32
    %swap3A_1722 = arith.index_cast %swap3A_1720 : i32 to index
    %swap3A_1723 = arith.index_cast %swap3A_1721 : i32 to index
    %swap3A_1724 = arith.constant 0 : index
    %swap3A_1725 = tpu.vector_load %arg14[%swap3A_1722, %swap3A_1723, %swap3A_1724] {strides = array<i32>} : memref<3x16x16xf32, #tpu.memory_space<vmem>>, vector<16xf32>,
    tpu.vector_store %arg14[%swap3A_1722, %swap3A_1723, %swap3A_1724], %convert_element_type3A_1719 {strides = array<i32>} : memref<3x16x16xf32, #tpu.memory_space<vmem>>, vector<16xf32>,
    %swap3A_1726 = arith.constant 2 : i32
    %swap3A_1727 = arith.constant 15 : i32
    %swap3A_1728 = arith.index_cast %swap3A_1726 : i32 to index
    %swap3A_1729 = arith.index_cast %swap3A_1727 : i32 to index
    %swap3A_1730 = arith.constant 0 : index
    %swap3A_1731 = tpu.vector_load %arg14[%swap3A_1728, %swap3A_1729, %swap3A_1730] {strides = array<i32>} : memref<3x16x16xf32, #tpu.memory_space<vmem>>, vector<16xf32>,
    tpu.vector_store %arg14[%swap3A_1728, %swap3A_1729, %swap3A_1730], %add3A_1705 {strides = array<i32>} : memref<3x16x16xf32, #tpu.memory_space<vmem>>, vector<16xf32>,
    "tpu.region"() ({
      %run_scoped3A = tpu.sem_alloc : memref<!tpu.dma_semaphore, #tpu.memory_space<semaphore_mem>>
      %dma_start3A_1732 = arith.constant 0 : i32
      %dma_start3A_1733 = arith.constant 0 : i32
      %dma_start3A_1734 = arith.constant 0 : i32
      %dma_start3A_1735 = tpu.memref_slice %arg5[%add3A, %dma_start3A_1732, %dma_start3A_1733, %dma_start3A_1734] : memref<32x3x16x16xf32, #tpu.memory_space<hbm>> -> memref<1x3x16x16xf32, #tpu.memory_space<hbm>>
      %dma_start3A_1736 = tpu.memref_squeeze %dma_start3A_1735 : memref<1x3x16x16xf32, #tpu.memory_space<hbm>> -> memref<3x16x16xf32, #tpu.memory_space<hbm>>
      %dma_start3A_1737 = arith.constant 0 : i32
      %dma_start3A_1738 = arith.constant 0 : i32
      %dma_start3A_1739 = arith.constant 0 : i32
      %dma_start3A_1740 = tpu.memref_slice %arg5[%add3A, %dma_start3A_1737, %dma_start3A_1738, %dma_start3A_1739] : memref<32x3x16x16xf32, #tpu.memory_space<hbm>> -> memref<1x3x16x16xf32, #tpu.memory_space<hbm>>
      %dma_start3A_1741 = tpu.memref_squeeze %dma_start3A_1740 : memref<1x3x16x16xf32, #tpu.memory_space<hbm>> -> memref<3x16x16xf32, #tpu.memory_space<hbm>>
      tpu.enqueue_dma source(%arg14 : memref<3x16x16xf32, #tpu.memory_space<vmem>>) target(%dma_start3A_1741 : memref<3x16x16xf32, #tpu.memory_space<hbm>>) target_semaphore(%run_scoped3A : memref<!tpu.dma_semaphore, #tpu.memory_space<semaphore_mem>>)
      %dma_wait3A = arith.constant 0 : i32
      %dma_wait3A_1742 = arith.constant 0 : i32
      %dma_wait3A_1743 = arith.constant 0 : i32
      %dma_wait3A_1744 = tpu.memref_slice %arg5[%add3A, %dma_wait3A, %dma_wait3A_1742, %dma_wait3A_1743] : memref<32x3x16x16xf32, #tpu.memory_space<hbm>> -> memref<1x3x16x16xf32, #tpu.memory_space<hbm>>
      %dma_wait3A_1745 = tpu.memref_squeeze %dma_wait3A_1744 : memref<1x3x16x16xf32, #tpu.memory_space<hbm>> -> memref<3x16x16xf32, #tpu.memory_space<hbm>>
      %dma_wait3A_1746 = arith.constant 0 : i32
      %dma_wait3A_1747 = arith.constant 0 : i32
      %dma_wait3A_1748 = arith.constant 0 : i32
      %dma_wait3A_1749 = tpu.memref_slice %arg5[%add3A, %dma_wait3A_1746, %dma_wait3A_1747, %dma_wait3A_1748] : memref<32x3x16x16xf32, #tpu.memory_space<hbm>> -> memref<1x3x16x16xf32, #tpu.memory_space<hbm>>
      %dma_wait3A_1750 = tpu.memref_squeeze %dma_wait3A_1749 : memref<1x3x16x16xf32, #tpu.memory_space<hbm>> -> memref<3x16x16xf32, #tpu.memory_space<hbm>>
      tpu.wait_dma2 semaphore(%run_scoped3A : memref<!tpu.dma_semaphore, #tpu.memory_space<semaphore_mem>>) src(%arg14 : memref<3x16x16xf32, #tpu.memory_space<vmem>>) dst(%dma_wait3A_1750 : memref<3x16x16xf32, #tpu.memory_space<hbm>>)
      tpu.yield
    }) : () -> ()
    return
  }
}

module attributes {stable_mosaic.version = 14 : i64} {
  func.func @_combine_body(%arg0: memref<32x3x16x16xf32, #tpu.memory_space<vmem>>, %arg1: memref<1x1xf32, #tpu.memory_space<smem>>) attributes {dimension_semantics = [], scalar_prefetch = 0 : i64, scratch_operands = 0 : i64, tpu.core_type = #tpu.core_type<tc>} {
    %get3A = arith.constant 0 : index
    %get3A_0 = arith.constant 0 : index
    %get3A_1 = arith.constant 0 : index
    %get3A_2 = arith.constant 0 : index
    %get3A_3 = vector.load %arg0[%get3A, %get3A_0, %get3A_1, %get3A_2] : memref<32x3x16x16xf32, #tpu.memory_space<vmem>>, vector<32x3x16x16xf32>
    %slice3A = vector.extract_strided_slice %get3A_3 {offsets = [0, 0, 0, 0], sizes = [32, 1, 16, 16], strides = [1, 1, 1, 1]} : vector<32x3x16x16xf32> to vector<32x1x16x16xf32>
    %squeeze3A = vector.shape_cast %slice3A : vector<32x1x16x16xf32> to vector<32x16x16xf32>
    %reduce_sum3A = arith.constant dense<0.000000e+00> : vector<16xf32>
    %reduce_sum3A_4 = vector.multi_reduction <add>, %squeeze3A, %reduce_sum3A [0, 2] : vector<32x16x16xf32> to vector<16xf32>
    %slice3A_5 = vector.extract_strided_slice %get3A_3 {offsets = [0, 1, 0, 0], sizes = [32, 1, 16, 16], strides = [1, 1, 1, 1]} : vector<32x3x16x16xf32> to vector<32x1x16x16xf32>
    %squeeze3A_6 = vector.shape_cast %slice3A_5 : vector<32x1x16x16xf32> to vector<32x16x16xf32>
    %reduce_sum3A_7 = arith.constant dense<0.000000e+00> : vector<16xf32>
    %reduce_sum3A_8 = vector.multi_reduction <add>, %squeeze3A_6, %reduce_sum3A_7 [0, 2] : vector<32x16x16xf32> to vector<16xf32>
    %slice3A_9 = vector.extract_strided_slice %get3A_3 {offsets = [0, 2, 0, 0], sizes = [32, 1, 16, 16], strides = [1, 1, 1, 1]} : vector<32x3x16x16xf32> to vector<32x1x16x16xf32>
    %squeeze3A_10 = vector.shape_cast %slice3A_9 : vector<32x1x16x16xf32> to vector<32x16x16xf32>
    %reduce_sum3A_11 = arith.constant dense<0.000000e+00> : vector<16xf32>
    %reduce_sum3A_12 = vector.multi_reduction <add>, %squeeze3A_10, %reduce_sum3A_11 [0, 2] : vector<32x16x16xf32> to vector<16xf32>
    %max3A = arith.constant 1.000000e+00 : f32
    %max3A_13 = vector.broadcast %max3A : f32 to vector<16xf32>
    %max3A_14 = arith.maximumf %reduce_sum3A_4, %max3A_13 : vector<16xf32>
    %div3A = arith.constant 0x4B800000 : f32
    %div3A_15 = vector.broadcast %div3A : f32 to vector<16xf32>
    %div3A_16 = arith.divf %reduce_sum3A_4, %div3A_15 : vector<16xf32>
    %div3A_17 = arith.divf %reduce_sum3A_8, %max3A_14 : vector<16xf32>
    %div3A_18 = arith.divf %reduce_sum3A_12, %max3A_14 : vector<16xf32>
    %sub3A = arith.subf %div3A_17, %div3A_18 : vector<16xf32>
    %abs3A = math.absf %sub3A : vector<16xf32>
    %mul3A = arith.mulf %div3A_16, %abs3A : vector<16xf32>
    %iota3A = tpu.iota {dimensions = array<i32: 1>} : vector<1x16xi32>
    %iota3A_19 = vector.shape_cast %iota3A : vector<1x16xi32> to vector<16xi32>
    %lt3A = arith.constant 15 : i32
    %lt3A_20 = vector.broadcast %lt3A : i32 to vector<16xi32>
    %lt3A_21 = arith.cmpi slt, %iota3A_19, %lt3A_20 : vector<16xi32>
    %gt3A = arith.constant 0.000000e+00 : f32
    %gt3A_22 = vector.broadcast %gt3A : f32 to vector<16xf32>
    %gt3A_23 = arith.cmpf ogt, %reduce_sum3A_4, %gt3A_22 : vector<16xf32>
    %and3A = arith.andi %lt3A_21, %gt3A_23 : vector<16xi1>
    %jit3A = arith.constant 0.000000e+00 : f32
    %broadcast_in_dim3A = vector.broadcast %jit3A : f32 to vector<16xf32>
    %select_n3A = arith.select %and3A, %mul3A, %broadcast_in_dim3A : vector<16xi1>, vector<16xf32>
    %reduce_sum3A_24 = vector.shape_cast %select_n3A : vector<16xf32> to vector<1x16xf32>
    %reduce_sum3A_25 = arith.constant dense<0.000000e+00> : vector<1xf32>
    %reduce_sum3A_26 = vector.multi_reduction <add>, %reduce_sum3A_24, %reduce_sum3A_25 [1] : vector<1x16xf32> to vector<1xf32>
    %reduce_sum3A_27 = vector.shape_cast %reduce_sum3A_26 : vector<1xf32> to vector<1x1xf32>
    %reduce_sum3A_28 = vector.extract %reduce_sum3A_27[0, 0] : f32 from vector<1x1xf32>
    %swap3A = arith.constant 0 : index
    %swap3A_29 = arith.constant 0 : index
    %swap3A_30 = memref.load %arg1[%swap3A, %swap3A_29] : memref<1x1xf32, #tpu.memory_space<smem>>
    memref.store %reduce_sum3A_28, %arg1[%swap3A, %swap3A_29] : memref<1x1xf32, #tpu.memory_space<smem>>
    return
  }
}

</mosaic_0001>

<sc_bundles>
// kernel: kernel.4.cloned.1.call-start
scs
__scs_entry_jumppad:
0x0: {  	(pc) =	sbr.rel $0x88, $3  }
0x1: {  	(tag) =	ssettag $0x0;
	lr =	simm.s32 $0x1  }
0x2: {  	[smem:$0x3F9E] =	sst lr;
	_ =	strace $0xD0000000  }
0x3: {  	_ = 	snop  }
0x4: {  	_ = 	snop  }
0x5: {  	_ = 	snop  }
0x6: {  	_ = 	snop  }
0x7: {  	_ = 	snop  }
__scs_overlays_trampoline_lowered:
0x8: {  	[smem:$0x3FAD] =	sst s0  }
0x9: {  	[smem:$0x3FAE] =	sst s1  }
0xa: {  	[smem:$0x3FAF] =	sst s2  }
0xb: {  	[smem:$0x3FB0] =	sst s3  }
0xc: {  	[smem:$0x3FB1] =	sst s4  }
0xd: {  	[smem:$0x3FB2] =	sst s5  }
0xe: {  	[smem:$0x3FB3] =	sst s6  }
0xf: {  	[smem:$0x3FB4] =	sst s7  }
0x10: {  	[smem:$0x3FB5] =	sst s8  }
0x11: {  	[smem:$0x3FB6] =	sst s9;
	s0 =	simm.s32 @!p0 $0x0  }
0x12: {  	s1 =	sld [smem:$0x3F9C];
	s0 =	simm.s32 @p0 $0x1  }
0x13: {  	[smem:$0x3FB7] =	sst s0;
	s0 =	simm.s32 @!p1 $0x0  }
0x14: {  	s2 =	sld [smem:$0x3F9B];
	s0 =	simm.s32 @p1 $0x1  }
0x15: {  	[smem:$0x3FB8] =	sst s0;
	s0 =	simm.s32 @!p2 $0x0  }
0x16: {  	s3 =	sld [smem:$0x3FDB];
	s0 =	simm.s32 @p2 $0x1  }
0x17: {  	s4 =	simm.s32 $0x1BF5;
	[smem:$0x3FBA] =	sst s0  }
0x18: {  	s0 =	sld [smem:$0x3F9D];
	_ =	swait.ge [sflag:s4], $0x0  }
0x19: {  	s7 =	sld [smem:$0x3F9E]  }
0x1a: {  	s8 =	sadd.s32 $0xFFFFE003, lr  }
0x1b: {  	s9 =	sadd.s32 $0xFFFFFEF7, lr;
	s5 =	simm.s32 $0xFFFFFFFF;
	p2 =	slt.u32 s8, $0xFFFFF086  }
0x1c: {  	p1 =	slt.u32 s9, $0xF7A;
	s5 =	simm.s32 @!p2 $0x0  }
0x1d: {  	s5 =	simm.s32 @p1 $0x1;
	p0 =	seq.s32 s7, s2  }
0x1e: {  	s7 =	smul.u32 @!p0 $0xF7A, s2;
	p2 =	seq.s32 @!p0 s5, $0x0  }
0x1f: {  	s9 =	smul.u32 $0xF7A, s1;
	s8 =	simm.s32 @!p0 $0x1BF5;
	p2 =	por !p2, p0  }
0x20: {  	[sflag:s8] =	ssyncset.s32 @!p0 $0xFFFFF086;
	s6 =	sadd.s32 @!p0 s3, s7;
	s7 =	simm.s32 @!p0 $0x108  }
0x21: {  	s3 =	sadd.s32 s3, s9;
	s6 =	sadd.s32 @!p0 $0x88, s6;
	s7 =	simm.s32 @p2 $0x1082  }
0x22: {  	[simem:s7], [sflag:s8] =	dma.local @!p0 [hbm:s6], $0xF7A  }
0x23: {  	s9 =	sor.u32 $0xD0000000, s2;
	s6 =	simm.s32 $0x108;
	_ =	swait.ge @!p0 [sflag:s8], $0x0  }
0x24: {  	s3 =	sadd.s32 $0x88, s3;
	s6 =	simm.s32 @!p1 $0x1082;
	[sflag:s4] =	ssyncset.s32 $0xFFFFF086  }
0x25: {  	[simem:s6], [sflag:s4] =	dma.local [hbm:s3], $0xF7A  }
0x26: {  	[smem:$0x3F9E] =	sst s1;
	(tag) =	ssettag s2;
	_ =	strace s9  }
0x27: {  	s1 =	sld [smem:$0x3FAE]  }
0x28: {  	s2 =	sld [smem:$0x3FAF]  }
0x29: {  	s4 =	sld [smem:$0x3FB1]  }
0x2a: {  	p0 =	seq.s32 s5, $0x0;
	s5 =	sld [smem:$0x3FB2]  }
0x2b: {  	s6 =	sld [smem:$0x3FB3]  }
0x2c: {  	s7 =	sld [smem:$0x3FB4]  }
0x2d: {  	s3 =	simm.s32 $0x108;
	s8 =	sld [smem:$0x3FB5]  }
0x2e: {  	s3 =	simm.s32 @!p0 $0x1082;
	s9 =	sld [smem:$0x3FB6]  }
0x2f: {  	lr =	sadd.s32 s0, s3;
	s0 =	sld [smem:$0x3FAD]  }
0x30: {  	s3 =	sld [smem:$0x3FB0]  }
0x31: {  	[smem:$0x3FB9] =	sst s10  }
0x32: {  	s10 =	sld [smem:$0x3FB7];
	_ =	sdelay $0x3  }
0x33: {  	p0 =	seq.s32 s10, $0x1;
	s10 =	sld [smem:$0x3FB9];
	_ =	sdelay $0x3  }
0x34: {  	[smem:$0x3FB9] =	sst s10  }
0x35: {  	s10 =	sld [smem:$0x3FB8];
	_ =	sdelay $0x3  }
0x36: {  	p1 =	seq.s32 s10, $0x1;
	s10 =	sld [smem:$0x3FB9];
	_ =	sdelay $0x3  }
0x37: {  	[smem:$0x3FB9] =	sst s10  }
0x38: {  	s10 =	sld [smem:$0x3FBA]  }
0x39: {  	_ = 	snop;
	(pc) =	sbr.ind lr, $3  }
0x3a: {  	_ = 	snop  }
0x3b: {  	_ = 	snop  }
0x3c: {  	p2 =	seq.s32 s10, $0x1;
	s10 =	sld [smem:$0x3FB9]  }
0x3d: {  	_ =	shalt  }
0x3e: {  	_ =	shalt  }
0x3f: {  	_ =	shalt  }
0x40: {  	_ =	shalt  }
0x41: {  	_ =	shalt  }
0x42: {  	_ =	shalt  }
0x43: {  	_ =	shalt  }
0x44: {  	_ =	shalt  }
0x45: {  	_ =	shalt  }
0x46: {  	_ =	shalt  }
0x47: {  	_ =	shalt  }
0x48: {  	_ =	shalt  }
0x49: {  	_ =	shalt  }
0x4a: {  	_ =	shalt  }
0x4b: {  	_ =	shalt  }
0x4c: {  	_ =	shalt  }
0x4d: {  	_ =	shalt  }
0x4e: {  	_ =	shalt  }
0x4f: {  	_ =	shalt  }
0x50: {  	_ =	shalt  }
0x51: {  	_ =	shalt  }
0x52: {  	_ =	shalt  }
0x53: {  	_ =	shalt  }
0x54: {  	_ =	shalt  }
0x55: {  	_ =	shalt  }
0x56: {  	_ =	shalt  }
0x57: {  	_ =	shalt  }
0x58: {  	_ =	shalt  }
0x59: {  	_ =	shalt  }
0x5a: {  	_ =	shalt  }
0x5b: {  	_ =	shalt  }
0x5c: {  	_ =	shalt  }
0x5d: {  	_ =	shalt  }
0x5e: {  	_ =	shalt  }
0x5f: {  	_ =	shalt  }
0x60: {  	_ =	shalt  }
0x61: {  	_ =	shalt  }
0x62: {  	_ =	shalt  }
0x63: {  	_ =	shalt  }
0x64: {  	_ =	shalt  }
0x65: {  	_ =	shalt  }
0x66: {  	_ =	shalt  }
0x67: {  	_ =	shalt  }
0x68: {  	_ =	shalt  }
0x69: {  	_ =	shalt  }
0x6a: {  	_ =	shalt  }
0x6b: {  	_ =	shalt  }
0x6c: {  	_ =	shalt  }
0x6d: {  	_ =	shalt  }
0x6e: {  	_ =	shalt  }
0x6f: {  	_ =	shalt  }
0x70: {  	_ =	shalt  }
0x71: {  	_ =	shalt  }
0x72: {  	_ =	shalt  }
0x73: {  	_ =	shalt  }
0x74: {  	_ =	shalt  }
0x75: {  	_ =	shalt  }
0x76: {  	_ =	shalt  }
0x77: {  	_ =	shalt  }
0x78: {  	_ =	shalt  }
0x79: {  	_ =	shalt  }
0x7a: {  	_ =	shalt  }
0x7b: {  	_ =	shalt  }
0x7c: {  	_ =	shalt  }
0x7d: {  	_ =	shalt  }
0x7e: {  	_ =	shalt  }
0x7f: {  	_ =	shalt  }
0x80: {  	_ =	shalt  }
0x81: {  	_ =	shalt  }
0x82: {  	_ =	shalt  }
0x83: {  	_ =	shalt  }
0x84: {  	_ =	shalt  }
0x85: {  	_ =	shalt  }
0x86: {  	_ =	shalt  }
0x87: {  	_ =	shalt  }
.Lfunc_end0:
.L_simem_size_0:
called_computation_lowered:
.L_overlay_start_0:
0x88: {  	s2 =	sld [smem:$0x3FD9]  }
0x89: {  	s3 =	sld [smem:$0x3FFE];
	_ =	sdelay $0x1  }
0x8a: {  	s1 =	srdreg.scid  }
0x8b: {  	s0 =	sand.u32 $0x1, s1  }
0x8c: {  	s17 =	sshll.u32 s0, $0xA;
	s2 =	sadd.s32 s3, s2  }
0x8d: {  	s2 =	sadd.s32 s2, s17  }
0x8e: {  	[smem:$0x3FC5] =	sst s2  }
0x8f: {  	_ = 	snop  }
0x90: {  	s2 =	sld [smem:$0x3FC9]  }
0x91: {  	s18 =	sld [smem:$0x3FC8]  }
0x92: {  	s4 =	sld [smem:$0x3FC7];
	(tm) =	ssettm $0x1  }
0x93: {  	s5 =	sld [smem:$0x3FFB];
	_ =	sdelay $0x3  }
0x94: {  	_ =	strace s5  }
0x95: {  	s5 =	sld [smem:$0x3FFC];
	_ =	sdelay $0x3  }
0x96: {  	_ =	strace s5  }
0x97: {  	s5 =	sld [smem:$0x3FFD];
	_ =	sdelay $0x3  }
0x98: {  	_ =	strace s5  }
0x99: {  	_ =	strace $0x8FFFFFFF  }
0x9a: {  	s19 =	sld [smem:$0x3FDB];
	_ =	sdelay $0x1  }
0x9b: {  	s6 =	simm.s32 $_scs_section_size  }
0x9c: {  	s7 =	simm.s32 $_size__tile_overlayer_lowered;
	s8 =	simm.s32 $_tile_overlayer_lowered  }
0x9d: {  	s22 =	simm.s32 $0x1BFF;
	s21 =	sshll.u32 s8, $0x1;
	s5 =	sadd.s32 s6, s19  }
0x9e: {  	s9 =	simm.s32 $0x0;
	s20 =	sshll.u32 s7, $0x1;
	s7 =	sadd.s32 s21, s5  }
0x9f: {  	[timem:s9], [sflag:s22] =	dma.local [hbm:s7], s20  }
0xa0: {  	_ =	swait.ge [sflag:s22], s20  }
0xa1: {  	s6 =	ssub.s32 $0x0, s20;
	[sflag:s22] =	ssyncset.done $0x0  }
0xa2: {  	[sflag:s22] =	ssyncadd.s32 s6;
	_ =	sdelay $0x1  }
0xa3: {  	s23 =	simm.s32 $0x1B8B  }
0xa4: {  	_ =	swait.ge [sflag:s23], $0x1  }
0xa5: {  	[sflag:s23] =	ssyncset.done $0x0  }
0xa6: {  	s25 =	simm.s32 $0x1B8E;
	s24 =	sld [smem:$0x3FFE];
	[sflag:s23] =	ssyncadd.s32 $0xFFFFFFFF  }
0xa7: {  	s26 =	simm.s32 $execute0_lowered;
	[smem:$0x3FD2] =	sst s25  }
0xa8: {  	s7 =	sshll.u32 s26, $0x1;
	_ =	strace $0x80000046;
	[dreg:$0x1] =	wrdreg $0xFFFFFFFF  }
0xa9: {  	s28 =	simm.s32 $_size_execute0_lowered;
	s5 =	sadd.s32 s5, s7;
	[dreg:$0x0] =	wrdreg $0x0  }
0xaa: {  	s7 =	sshll.u32 s28, $0x1;
	[dreg:$0x2] =	wrdreg s5  }
0xab: {  	[dreg:$0x3] =	wrdreg s7  }
0xac: {  	[dreg:$0x4] =	wrdreg $0xC0  }
0xad: {  	_ =	task [dreg:s9], $0x5FFFF  }
0xae: {  	[dreg:$0x1] =	wrdreg $0xFFFFFFFF  }
0xaf: {  	[dreg:$0x0] =	wrdreg $0x60  }
0xb0: {  	[dreg:$0x2] =	wrdreg s2  }
0xb1: {  	[dreg:$0x3] =	wrdreg s18  }
0xb2: {  	[dreg:$0x4] =	wrdreg s4  }
0xb3: {  	[dreg:$0x5] =	wrdreg s24  }
0xb4: {  	[dreg:$0x6] =	wrdreg $0x9  }
0xb5: {  	_ =	task.clear_ibuf [dreg:s9], $0x7FFFF;
	_ =	strace $0x90000046  }
0xb6: {  	s29 =	simm.s32 $0x9;
	_ =	strace $0x80000048  }
0xb7: {  	_ =	swait.ge [sflag:s29], $0x1  }
0xb8: {  	[sflag:s29] =	ssyncadd.s32 $0xFFFFFFFF  }
0xb9: {  	_ =	strace $0x90000048  }
0xba: {  	_ =	sfence  }
0xbb: {  	s30 =	sld [smem:$0x0];
	_ =	sdelay $0x2  }
0xbc: {  	s31 =	sshll.u32 s1, $0xD;
	s1 =	sshrl.u32 s1, $0x2  }
0xbd: {  	s3 =	sand.u32 $0x4000, s31;
	s1 =	sadd.s32 s1, s30  }
0xbe: {  	s0 =	sor.u32 s3, s0;
	s1 =	sshll.u32 s1, $0x11  }
0xbf: {  	s0 =	sor.u32 s1, s0  }
0xc0: {  	s0 =	sadd.s32 $0x8F2B, s0  }
0xc1: {  	[sflag:s0] =	ssyncadd.remote.s32 $0x1  }
0xc2: {  	_ =	sfence.sel $0xFFFF  }
0xc3: {  	[dreg:$0x0] =	wrdreg $0xFFFFFFFF;
	(pc) =	sbr.abs _section_cstart, $3  }
0xc4: {  	[dreg:$0x1] =	wrdreg $0xFFFFFFFF  }
0xc5: {  	_ =	task.clear_ibuf [dreg:s9], $0x2FFFF;
	_ =	strace $0x9FFFFFFF  }
0xc6: {  	(tm) =	ssettm $0x7FFFFFFF  }
0xc7: {  	_ =	shalt  }
tec
execute0_lowered:
.L_overlay_start_1:
0x0: {  	(tag) =	ssettag $0x1  }
0x1: {  	s1 =	rddreg [dreg:$0x0]  }
0x2: {  	s2 =	rddreg [dreg:$0x1];
	s3 =	srdreg.scid  }
0x3: {  	s0 =	stileid.u32;
	s4 =	rddreg [dreg:$0x2]  }
0x4: {  	s7 =	rddreg [dreg:$0x3];
	s5 =	simm.s32 $0x0;
	s13 =	simm.s32 $0x8000  }
0x5: {  	s14 =	simm.s32 $0x10000;
	s15 =	simm.s32 $0x4000;
	s16 =	simm.s32 $0xC000  }
0x6: {  	s17 =	simm.s32 $0x14000;
	s18 =	simm.s32 $0x1;
	s19 =	simm.s32 $0x18000  }
0x7: {  	s20 =	simm.s32 $0x18800;
	s21 =	simm.s32 $0x2;
	s22 =	simm.s32 $0x19000  }
0x8: {  	s23 =	simm.s32 $0x3;
	s6 =	sand.u32 $0x1, s3;
	s3 =	rddreg [dreg:$0x4]  }
0x9: {  	s24 =	simm.s32 $0x0;
	s29 =	sshll.u32 s0, $0x1;
	[smem:$0x7FF] =	sst s5  }
0xa: {  	s8 =	sor.u32 s6, s29;
	s6 =	ssub.s32 $0x2, s6;
	_ =	strace $0x80000047  }
0xb: {  	v1 =	vlaneseq.u32;
	s9 =	smul.u32 $0x300, s8;
	s30 =	sshrl.u32 s6, $0x1;
	s31 =	sshll.u32 s8, $0x10  }
0xc: {  	v3 =	vimm.s32 $0x10000;
	v4 =	vor.u32 $0x100, v1;
	s12 =	ssub.s32 s6, s30;
	s6 =	sshll.u32 s8, $0x13;
	s8 =	sadd.s32 s1, s31  }
0xd: {  	v5 =	vor.u32 $0x200, v1;
	v6 =	vor.u32 $0x300, v1;
	v7 =	vor.u32 $0x400, v1;
	s11 =	sadd.s32 s9, s7;
	s7 =	sadd.s32 s2, s31;
	s9 =	sadd.s32 s4, s31  }
0xe: {  	v8 =	vor.u32 $0x500, v1;
	v9 =	vor.u32 $0x600, v1;
	v10 =	vor.u32 $0x700, v1;
	s10 =	sor.u32 $0x8000, s6;
	s12 =	smax.u32 s12, $0x1;
	s11 =	sadd.s32 $0x600, s11  }
.LBB2_1:
0xf: {  	v0 =	vimm.s32 $0x0  }
0x10: {  	v2 =	vimm.f32 $0.0e+00;
	[tilespmem:$0x18000] =	vst v0  }
0x11: {  	[tilespmem:$0x18800] =	vst v2  }
0x12: {  	[tilespmem:$0x18010] =	vst v0  }
0x13: {  	[tilespmem:$0x18810] =	vst v2  }
0x14: {  	[tilespmem:$0x18020] =	vst v0  }
0x15: {  	[tilespmem:$0x18820] =	vst v2  }
0x16: {  	[tilespmem:$0x18030] =	vst v0  }
0x17: {  	[tilespmem:$0x18830] =	vst v2  }
0x18: {  	[tilespmem:$0x18040] =	vst v0  }
0x19: {  	[tilespmem:$0x18840] =	vst v2  }
0x1a: {  	[tilespmem:$0x18050] =	vst v0  }
0x1b: {  	[tilespmem:$0x18850] =	vst v2  }
0x1c: {  	[tilespmem:$0x18060] =	vst v0  }
0x1d: {  	[tilespmem:$0x18860] =	vst v2  }
0x1e: {  	[tilespmem:$0x18070] =	vst v0  }
0x1f: {  	[tilespmem:$0x18870] =	vst v2  }
0x20: {  	[tilespmem:$0x18080] =	vst v0  }
0x21: {  	[tilespmem:$0x18880] =	vst v2  }
0x22: {  	[tilespmem:$0x18090] =	vst v0  }
0x23: {  	[tilespmem:$0x18890] =	vst v2  }
0x24: {  	[tilespmem:$0x180A0] =	vst v0  }
0x25: {  	[tilespmem:$0x188A0] =	vst v2  }
0x26: {  	[tilespmem:$0x180B0] =	vst v0  }
0x27: {  	[tilespmem:$0x188B0] =	vst v2  }
0x28: {  	[tilespmem:$0x180C0] =	vst v0  }
0x29: {  	[tilespmem:$0x188C0] =	vst v2  }
0x2a: {  	[tilespmem:$0x180D0] =	vst v0  }
0x2b: {  	[tilespmem:$0x188D0] =	vst v2  }
0x2c: {  	[tilespmem:$0x180E0] =	vst v0  }
0x2d: {  	[tilespmem:$0x188E0] =	vst v2  }
0x2e: {  	[tilespmem:$0x180F0] =	vst v0  }
0x2f: {  	[tilespmem:$0x188F0] =	vst v2  }
0x30: {  	[tilespmem:$0x18100] =	vst v0  }
0x31: {  	[tilespmem:$0x18900] =	vst v2  }
0x32: {  	[tilespmem:$0x18110] =	vst v0  }
0x33: {  	[tilespmem:$0x18910] =	vst v2  }
0x34: {  	[tilespmem:$0x18120] =	vst v0  }
0x35: {  	[tilespmem:$0x18920] =	vst v2  }
0x36: {  	[tilespmem:$0x18130] =	vst v0  }
0x37: {  	[tilespmem:$0x18930] =	vst v2  }
0x38: {  	[tilespmem:$0x18140] =	vst v0  }
0x39: {  	[tilespmem:$0x18940] =	vst v2  }
0x3a: {  	[tilespmem:$0x18150] =	vst v0  }
0x3b: {  	[tilespmem:$0x18950] =	vst v2  }
0x3c: {  	[tilespmem:$0x18160] =	vst v0  }
0x3d: {  	[tilespmem:$0x18960] =	vst v2  }
0x3e: {  	[tilespmem:$0x18170] =	vst v0  }
0x3f: {  	[tilespmem:$0x18970] =	vst v2  }
0x40: {  	[tilespmem:$0x18180] =	vst v0  }
0x41: {  	[tilespmem:$0x18980] =	vst v2  }
0x42: {  	[tilespmem:$0x18190] =	vst v0  }
0x43: {  	[tilespmem:$0x18990] =	vst v2  }
0x44: {  	[tilespmem:$0x181A0] =	vst v0  }
0x45: {  	[tilespmem:$0x189A0] =	vst v2  }
0x46: {  	[tilespmem:$0x181B0] =	vst v0  }
0x47: {  	[tilespmem:$0x189B0] =	vst v2  }
0x48: {  	[tilespmem:$0x181C0] =	vst v0  }
0x49: {  	[tilespmem:$0x189C0] =	vst v2  }
0x4a: {  	[tilespmem:$0x181D0] =	vst v0  }
0x4b: {  	[tilespmem:$0x189D0] =	vst v2  }
0x4c: {  	[tilespmem:$0x181E0] =	vst v0  }
0x4d: {  	[tilespmem:$0x189E0] =	vst v2  }
0x4e: {  	[tilespmem:$0x181F0] =	vst v0  }
0x4f: {  	[tilespmem:$0x189F0] =	vst v2  }
0x50: {  	[tilespmem:$0x18200] =	vst v0  }
0x51: {  	[tilespmem:$0x18A00] =	vst v2  }
0x52: {  	[tilespmem:$0x18210] =	vst v0  }
0x53: {  	[tilespmem:$0x18A10] =	vst v2  }
0x54: {  	[tilespmem:$0x18220] =	vst v0  }
0x55: {  	[tilespmem:$0x18A20] =	vst v2  }
0x56: {  	[tilespmem:$0x18230] =	vst v0  }
0x57: {  	[tilespmem:$0x18A30] =	vst v2  }
0x58: {  	[tilespmem:$0x18240] =	vst v0  }
0x59: {  	[tilespmem:$0x18A40] =	vst v2  }
0x5a: {  	[tilespmem:$0x18250] =	vst v0  }
0x5b: {  	[tilespmem:$0x18A50] =	vst v2  }
0x5c: {  	[tilespmem:$0x18260] =	vst v0  }
0x5d: {  	[tilespmem:$0x18A60] =	vst v2  }
0x5e: {  	[tilespmem:$0x18270] =	vst v0  }
0x5f: {  	[tilespmem:$0x18A70] =	vst v2  }
0x60: {  	[tilespmem:$0x18280] =	vst v0  }
0x61: {  	[tilespmem:$0x18A80] =	vst v2  }
0x62: {  	[tilespmem:$0x18290] =	vst v0  }
0x63: {  	[tilespmem:$0x18A90] =	vst v2  }
0x64: {  	[tilespmem:$0x182A0] =	vst v0  }
0x65: {  	[tilespmem:$0x18AA0] =	vst v2  }
0x66: {  	[tilespmem:$0x182B0] =	vst v0  }
0x67: {  	[tilespmem:$0x18AB0] =	vst v2  }
0x68: {  	[tilespmem:$0x182C0] =	vst v0  }
0x69: {  	[tilespmem:$0x18AC0] =	vst v2  }
0x6a: {  	[tilespmem:$0x182D0] =	vst v0  }
0x6b: {  	[tilespmem:$0x18AD0] =	vst v2  }
0x6c: {  	[tilespmem:$0x182E0] =	vst v0  }
0x6d: {  	[tilespmem:$0x18AE0] =	vst v2  }
0x6e: {  	[tilespmem:$0x182F0] =	vst v0  }
0x6f: {  	[tilespmem:$0x18AF0] =	vst v2  }
0x70: {  	[tilespmem:$0x18300] =	vst v0  }
0x71: {  	[tilespmem:$0x18B00] =	vst v2  }
0x72: {  	[tilespmem:$0x18310] =	vst v0  }
0x73: {  	[tilespmem:$0x18B10] =	vst v2  }
0x74: {  	[tilespmem:$0x18320] =	vst v0  }
0x75: {  	[tilespmem:$0x18B20] =	vst v2  }
0x76: {  	[tilespmem:$0x18330] =	vst v0  }
0x77: {  	[tilespmem:$0x18B30] =	vst v2  }
0x78: {  	[tilespmem:$0x18340] =	vst v0  }
0x79: {  	[tilespmem:$0x18B40] =	vst v2  }
0x7a: {  	[tilespmem:$0x18350] =	vst v0  }
0x7b: {  	[tilespmem:$0x18B50] =	vst v2  }
0x7c: {  	[tilespmem:$0x18360] =	vst v0  }
0x7d: {  	[tilespmem:$0x18B60] =	vst v2  }
0x7e: {  	[tilespmem:$0x18370] =	vst v0  }
0x7f: {  	[tilespmem:$0x18B70] =	vst v2  }
0x80: {  	[tilespmem:$0x18380] =	vst v0  }
0x81: {  	[tilespmem:$0x18B80] =	vst v2  }
0x82: {  	[tilespmem:$0x18390] =	vst v0  }
0x83: {  	[tilespmem:$0x18B90] =	vst v2  }
0x84: {  	[tilespmem:$0x183A0] =	vst v0  }
0x85: {  	[tilespmem:$0x18BA0] =	vst v2  }
0x86: {  	[tilespmem:$0x183B0] =	vst v0  }
0x87: {  	[tilespmem:$0x18BB0] =	vst v2  }
0x88: {  	[tilespmem:$0x183C0] =	vst v0  }
0x89: {  	[tilespmem:$0x18BC0] =	vst v2  }
0x8a: {  	[tilespmem:$0x183D0] =	vst v0  }
0x8b: {  	[tilespmem:$0x18BD0] =	vst v2  }
0x8c: {  	[tilespmem:$0x183E0] =	vst v0  }
0x8d: {  	[tilespmem:$0x18BE0] =	vst v2  }
0x8e: {  	[tilespmem:$0x183F0] =	vst v0  }
0x8f: {  	[tilespmem:$0x18BF0] =	vst v2  }
0x90: {  	[tilespmem:$0x18400] =	vst v0  }
0x91: {  	[tilespmem:$0x18C00] =	vst v2  }
0x92: {  	[tilespmem:$0x18410] =	vst v0  }
0x93: {  	[tilespmem:$0x18C10] =	vst v2  }
0x94: {  	[tilespmem:$0x18420] =	vst v0  }
0x95: {  	[tilespmem:$0x18C20] =	vst v2  }
0x96: {  	[tilespmem:$0x18430] =	vst v0  }
0x97: {  	[tilespmem:$0x18C30] =	vst v2  }
0x98: {  	[tilespmem:$0x18440] =	vst v0  }
0x99: {  	[tilespmem:$0x18C40] =	vst v2  }
0x9a: {  	[tilespmem:$0x18450] =	vst v0  }
0x9b: {  	[tilespmem:$0x18C50] =	vst v2  }
0x9c: {  	[tilespmem:$0x18460] =	vst v0  }
0x9d: {  	[tilespmem:$0x18C60] =	vst v2  }
0x9e: {  	[tilespmem:$0x18470] =	vst v0  }
0x9f: {  	[tilespmem:$0x18C70] =	vst v2  }
0xa0: {  	[tilespmem:$0x18480] =	vst v0  }
0xa1: {  	[tilespmem:$0x18C80] =	vst v2  }
0xa2: {  	[tilespmem:$0x18490] =	vst v0  }
0xa3: {  	[tilespmem:$0x18C90] =	vst v2  }
0xa4: {  	[tilespmem:$0x184A0] =	vst v0  }
0xa5: {  	[tilespmem:$0x18CA0] =	vst v2  }
0xa6: {  	[tilespmem:$0x184B0] =	vst v0  }
0xa7: {  	[tilespmem:$0x18CB0] =	vst v2  }
0xa8: {  	[tilespmem:$0x184C0] =	vst v0  }
0xa9: {  	[tilespmem:$0x18CC0] =	vst v2  }
0xaa: {  	[tilespmem:$0x184D0] =	vst v0  }
0xab: {  	[tilespmem:$0x18CD0] =	vst v2  }
0xac: {  	[tilespmem:$0x184E0] =	vst v0  }
0xad: {  	[tilespmem:$0x18CE0] =	vst v2  }
0xae: {  	[tilespmem:$0x184F0] =	vst v0  }
0xaf: {  	[tilespmem:$0x18CF0] =	vst v2  }
0xb0: {  	[tilespmem:$0x18500] =	vst v0  }
0xb1: {  	[tilespmem:$0x18D00] =	vst v2  }
0xb2: {  	[tilespmem:$0x18510] =	vst v0  }
0xb3: {  	[tilespmem:$0x18D10] =	vst v2  }
0xb4: {  	[tilespmem:$0x18520] =	vst v0  }
0xb5: {  	[tilespmem:$0x18D20] =	vst v2  }
0xb6: {  	[tilespmem:$0x18530] =	vst v0  }
0xb7: {  	[tilespmem:$0x18D30] =	vst v2  }
0xb8: {  	[tilespmem:$0x18540] =	vst v0  }
0xb9: {  	[tilespmem:$0x18D40] =	vst v2  }
0xba: {  	[tilespmem:$0x18550] =	vst v0  }
0xbb: {  	[tilespmem:$0x18D50] =	vst v2  }
0xbc: {  	[tilespmem:$0x18560] =	vst v0  }
0xbd: {  	[tilespmem:$0x18D60] =	vst v2  }
0xbe: {  	[tilespmem:$0x18570] =	vst v0  }
0xbf: {  	[tilespmem:$0x18D70] =	vst v2  }
0xc0: {  	[tilespmem:$0x18580] =	vst v0  }
0xc1: {  	[tilespmem:$0x18D80] =	vst v2  }
0xc2: {  	[tilespmem:$0x18590] =	vst v0  }
0xc3: {  	[tilespmem:$0x18D90] =	vst v2  }
0xc4: {  	[tilespmem:$0x185A0] =	vst v0  }
0xc5: {  	[tilespmem:$0x18DA0] =	vst v2  }
0xc6: {  	[tilespmem:$0x185B0] =	vst v0  }
0xc7: {  	[tilespmem:$0x18DB0] =	vst v2  }
0xc8: {  	[tilespmem:$0x185C0] =	vst v0  }
0xc9: {  	[tilespmem:$0x18DC0] =	vst v2  }
0xca: {  	[tilespmem:$0x185D0] =	vst v0  }
0xcb: {  	[tilespmem:$0x18DD0] =	vst v2  }
0xcc: {  	[tilespmem:$0x185E0] =	vst v0  }
0xcd: {  	[tilespmem:$0x18DE0] =	vst v2  }
0xce: {  	[tilespmem:$0x185F0] =	vst v0  }
0xcf: {  	[tilespmem:$0x18DF0] =	vst v2  }
0xd0: {  	[tilespmem:$0x18600] =	vst v0  }
0xd1: {  	[tilespmem:$0x18E00] =	vst v2  }
0xd2: {  	[tilespmem:$0x18610] =	vst v0  }
0xd3: {  	[tilespmem:$0x18E10] =	vst v2  }
0xd4: {  	[tilespmem:$0x18620] =	vst v0  }
0xd5: {  	[tilespmem:$0x18E20] =	vst v2  }
0xd6: {  	[tilespmem:$0x18630] =	vst v0  }
0xd7: {  	[tilespmem:$0x18E30] =	vst v2  }
0xd8: {  	[tilespmem:$0x18640] =	vst v0  }
0xd9: {  	[tilespmem:$0x18E40] =	vst v2  }
0xda: {  	[tilespmem:$0x18650] =	vst v0  }
0xdb: {  	[tilespmem:$0x18E50] =	vst v2  }
0xdc: {  	[tilespmem:$0x18660] =	vst v0  }
0xdd: {  	[tilespmem:$0x18E60] =	vst v2  }
0xde: {  	[tilespmem:$0x18670] =	vst v0  }
0xdf: {  	[tilespmem:$0x18E70] =	vst v2  }
0xe0: {  	[tilespmem:$0x18680] =	vst v0  }
0xe1: {  	[tilespmem:$0x18E80] =	vst v2  }
0xe2: {  	[tilespmem:$0x18690] =	vst v0  }
0xe3: {  	[tilespmem:$0x18E90] =	vst v2  }
0xe4: {  	[tilespmem:$0x186A0] =	vst v0  }
0xe5: {  	[tilespmem:$0x18EA0] =	vst v2  }
0xe6: {  	[tilespmem:$0x186B0] =	vst v0  }
0xe7: {  	[tilespmem:$0x18EB0] =	vst v2  }
0xe8: {  	[tilespmem:$0x186C0] =	vst v0  }
0xe9: {  	[tilespmem:$0x18EC0] =	vst v2  }
0xea: {  	[tilespmem:$0x186D0] =	vst v0  }
0xeb: {  	[tilespmem:$0x18ED0] =	vst v2  }
0xec: {  	[tilespmem:$0x186E0] =	vst v0  }
0xed: {  	[tilespmem:$0x18EE0] =	vst v2  }
0xee: {  	[tilespmem:$0x186F0] =	vst v0  }
0xef: {  	[tilespmem:$0x18EF0] =	vst v2  }
0xf0: {  	[tilespmem:$0x18700] =	vst v0  }
0xf1: {  	[tilespmem:$0x18F00] =	vst v2  }
0xf2: {  	[tilespmem:$0x18710] =	vst v0  }
0xf3: {  	[tilespmem:$0x18F10] =	vst v2  }
0xf4: {  	[tilespmem:$0x18720] =	vst v0  }
0xf5: {  	[tilespmem:$0x18F20] =	vst v2  }
0xf6: {  	[tilespmem:$0x18730] =	vst v0  }
0xf7: {  	[tilespmem:$0x18F30] =	vst v2  }
0xf8: {  	[tilespmem:$0x18740] =	vst v0  }
0xf9: {  	[tilespmem:$0x18F40] =	vst v2  }
0xfa: {  	[tilespmem:$0x18750] =	vst v0  }
0xfb: {  	[tilespmem:$0x18F50] =	vst v2  }
0xfc: {  	[tilespmem:$0x18760] =	vst v0  }
0xfd: {  	[tilespmem:$0x18F60] =	vst v2  }
0xfe: {  	[tilespmem:$0x18770] =	vst v0  }
0xff: {  	[tilespmem:$0x18F70] =	vst v2  }
0x100: {  	[tilespmem:$0x18780] =	vst v0  }
0x101: {  	[tilespmem:$0x18F80] =	vst v2  }
0x102: {  	[tilespmem:$0x18790] =	vst v0  }
0x103: {  	[tilespmem:$0x18F90] =	vst v2  }
0x104: {  	[tilespmem:$0x187A0] =	vst v0  }
0x105: {  	[tilespmem:$0x18FA0] =	vst v2  }
0x106: {  	[tilespmem:$0x187B0] =	vst v0  }
0x107: {  	[tilespmem:$0x18FB0] =	vst v2  }
0x108: {  	[tilespmem:$0x187C0] =	vst v0  }
0x109: {  	[tilespmem:$0x18FC0] =	vst v2  }
0x10a: {  	[tilespmem:$0x187D0] =	vst v0  }
0x10b: {  	[tilespmem:$0x18FD0] =	vst v2  }
0x10c: {  	[tilespmem:$0x187E0] =	vst v0  }
0x10d: {  	[tilespmem:$0x18FE0] =	vst v2  }
0x10e: {  	[tilespmem:$0x187F0] =	vst v0  }
0x10f: {  	[tilespmem:$0x18FF0] =	vst v2  }
0x110: {  	[tilespmem:s5], [sflag:$0x1] =	stream.linear.gather [hbm4b:s7+s5], $0x4000, $0x38;
	[tilespmem:$0x1A800] =	vst v63  }
0x111: {  	_ = 	snop  }
0x112: {  	[tilespmem:s13], [sflag:$0x1] =	stream.linear.gather [hbm4b:s8+s5], $0x4000, $0x38;
	[tilespmem:$0x1A800] =	vst v63  }
0x113: {  	s25 =	simm.s32 $0x0  }
0x114: {  	[tilespmem:s14], [sflag:$0x1] =	stream.linear.gather [hbm4b:s9+s5], $0x4000, $0x38;
	[tilespmem:$0x1A800] =	vst v63  }
.LBB2_2:
0x115: {  	s26 =	sshll.u32 s25, $0xF  }
0x116: {  	s28 =	sor.u32 s26, s6  }
0x117: {  	s28 =	sshrl.u32 s28, $0x3  }
0x118: {  	s28 =	sor.u32 $0x800, s28  }
0x119: {  	s29 =	sadd.s32 s2, s28  }
0x11a: {  	[tilespmem:s15], [sflag:$0x2] =	stream.linear.gather [hbm4b:s29+s5], $0x4000, $0x38;
	[tilespmem:$0x1A800] =	vst v63  }
0x11b: {  	s29 =	sadd.s32 s1, s28  }
0x11c: {  	[tilespmem:s16], [sflag:$0x2] =	stream.linear.gather [hbm4b:s29+s5], $0x4000, $0x38;
	[tilespmem:$0x1A800] =	vst v63  }
0x11d: {  	s28 =	sadd.s32 s4, s28  }
0x11e: {  	[tilespmem:s17], [sflag:$0x2] =	stream.linear.gather [hbm4b:s28+s5], $0x4000, $0x38;
	[tilespmem:$0x1A800] =	vst v63  }
0x11f: {  	_ =	swait.ge [sflag:s18], $0x4000  }
0x120: {  	[sflag:s18] =	ssyncset.done $0x0  }
0x121: {  	[sflag:s18] =	ssyncadd.s32 $0xFFFFC000  }
0x122: {  	_ =	swait.ge [sflag:s18], $0x4000  }
0x123: {  	[sflag:s18] =	ssyncset.done $0x0  }
0x124: {  	[sflag:s18] =	ssyncadd.s32 $0xFFFFC000  }
0x125: {  	_ =	swait.ge [sflag:s18], $0x4000  }
0x126: {  	[sflag:s18] =	ssyncset.done $0x0  }
0x127: {  	s30 =	simm.s32 $0x200;
	[sflag:s18] =	ssyncadd.s32 $0xFFFFC000  }
0x128: {  	v0 =	vld [tilespmem:s30+$0x180]  }
0x129: {  	v11 =	vld [tilespmem:s30+$0xFFFFFE80]  }
0x12a: {  	v12 =	vld [tilespmem:s30+$0xFFFFFF00]  }
0x12b: {  	v13 =	vld [tilespmem:s30+$0xFFFFFF80]  }
0x12c: {  	v14 =	vld [tilespmem:s30+$0x0]  }
0x12d: {  	v16 =	vld [tilespmem:s30+$0x80];
	v15 =	vmul.f32 $2.400000000e+02, v0  }
0x12e: {  	s28 =	simm.s32 $0x8200;
	v17 =	vld [tilespmem:s30+$0x100]  }
0x12f: {  	s29 =	simm.s32 $0x10200;
	v18 =	vld [tilespmem:s28+$0x180];
	v15 =	vtrunc.f32 v15  }
0x130: {  	v19 =	vld [tilespmem:s29+$0x180];
	v15 =	vcvt.f32.s32 v15  }
0x131: {  	v20 =	vld [tilespmem:s30+$0xFFFFFE00]  }
0x132: {  	v21 =	vld [tilespmem:s28+$0xFFFFFE00];
	v15 =	vand.u32 $0xFFFFFFF0, v15  }
0x133: {  	v22 =	vld [tilespmem:s29+$0xFFFFFE00];
	v15 =	vor.u32 v1, v15  }
0x134: {  	v23 =	vld [tilespmem:s28+$0xFFFFFE80]  }
0x135: {  	v24 =	vld [tilespmem:s29+$0xFFFFFE80]  }
0x136: {  	v25 =	vld [tilespmem:s28+$0xFFFFFF80];
	vm0 =	veq.s32 v18, v19  }
0x137: {  	v28 =	vld [tilespmem:s29+$0xFFFFFF80];
	v19 =	vsel vm0, $0x10001, v3  }
0x138: {  	[tilespmem:v15+s19+$0x0] =	vst.idx.add.s32.msk $0xffff, v19  }
0x139: {  	v19 =	vmul.f32 $2.400000000e+02, v20;
	[tilespmem:v15+s20+$0x0] =	vst.idx.add.f32.msk $0xffff, v0  }
0x13a: {  	v0 =	vld [tilespmem:s30+$0x190]  }
0x13b: {  	v29 =	vld [tilespmem:s28+$0x0];
	v15 =	vtrunc.f32 v19  }
0x13c: {  	v30 =	vld [tilespmem:s29+$0x0];
	v26 =	vmul.f32 $2.400000000e+02, v11;
	v15 =	vcvt.f32.s32 v15  }
0x13d: {  	v32 =	vld [tilespmem:s28+$0x80]  }
0x13e: {  	v34 =	vld [tilespmem:s29+$0x80];
	v26 =	vtrunc.f32 v26;
	v15 =	vand.u32 $0xFFFFFFF0, v15  }
0x13f: {  	v37 =	vld [tilespmem:s28+$0x100];
	v26 =	vcvt.f32.s32 v26;
	v15 =	vor.u32 v1, v15;
	v31 =	vmul.f32 $2.400000000e+02, v0  }
0x140: {  	v18 =	vld [tilespmem:s28+$0xFFFFFF00];
	v33 =	vmul.f32 $2.400000000e+02, v12  }
0x141: {  	vm4 =	veq.s32 v21, v22;
	v26 =	vand.u32 $0xFFFFFFF0, v26;
	v19 =	vld [tilespmem:s29+$0xFFFFFF00];
	v31 =	vtrunc.f32 v31  }
0x142: {  	v33 =	vtrunc.f32 v33;
	v26 =	vor.u32 v1, v26;
	v21 =	vld [tilespmem:s28+$0x190];
	v22 =	vcvt.f32.s32 v31  }
0x143: {  	v36 =	vmul.f32 $2.400000000e+02, v13;
	v42 =	vsel vm4, $0x10001, v3;
	v33 =	vcvt.f32.s32 v33;
	v35 =	vld [tilespmem:s29+$0x190]  }
0x144: {  	v43 =	vmul.f32 $2.400000000e+02, v14;
	vm5 =	veq.s32 v23, v24;
	[tilespmem:v15+s19+$0x0] =	vst.idx.add.s32.msk $0xffff, v42;
	v22 =	vand.u32 $0xFFFFFEF0, v22  }
0x145: {  	v24 =	vtrunc.f32 v36;
	[tilespmem:v15+s20+$0x0] =	vst.idx.add.f32.msk $0xffff, v20;
	v20 =	vand.u32 $0xFFFFFFF0, v33;
	v22 =	vor.u32 v4, v22  }
0x146: {  	v44 =	vld [tilespmem:s29+$0x100];
	v15 =	vcvt.f32.s32 v24;
	v24 =	vsel vm5, $0x10001, v3;
	v20 =	vor.u32 v1, v20  }
0x147: {  	[tilespmem:v26+s19+$0x0] =	vst.idx.add.s32.msk $0xffff, v24  }
0x148: {  	vm6 =	veq.s32 v21, v35;
	v31 =	vtrunc.f32 v43;
	[tilespmem:v26+s20+$0x0] =	vst.idx.add.f32.msk $0xffff, v11  }
0x149: {  	vm7 =	veq.s32 v18, v19;
	v21 =	vcvt.f32.s32 v31;
	v11 =	vsel vm6, $0x10001, v3;
	v24 =	vld [tilespmem:s29+$0xFFFFFE90]  }
0x14a: {  	v19 =	vsel vm7, $0x10001, v3;
	v15 =	vand.u32 $0xFFFFFFF0, v15;
	[tilespmem:v22+s19+$0x0] =	vst.idx.add.s32.msk $0xffff, v11  }
0x14b: {  	v23 =	vmul.f32 $2.400000000e+02, v16;
	v21 =	vand.u32 $0xFFFFFFF0, v21;
	v15 =	vor.u32 v1, v15;
	[tilespmem:v20+s19+$0x0] =	vst.idx.add.s32.msk $0xffff, v19  }
0x14c: {  	v18 =	vor.u32 v1, v21;
	[tilespmem:v22+s20+$0x0] =	vst.idx.add.f32.msk $0xffff, v0  }
0x14d: {  	v23 =	vtrunc.f32 v23;
	[tilespmem:v20+s20+$0x0] =	vst.idx.add.f32.msk $0xffff, v12  }
0x14e: {  	vm8 =	veq.s32 v25, v28;
	v11 =	vcvt.f32.s32 v23;
	v21 =	vld [tilespmem:s30+$0x1A0]  }
0x14f: {  	vm9 =	veq.s32 v29, v30;
	v19 =	vsel vm8, $0x10001, v3;
	v20 =	vld [tilespmem:s29+$0xFFFFFE10]  }
0x150: {  	v12 =	vsel vm9, $0x10001, v3;
	v11 =	vand.u32 $0xFFFFFFF0, v11;
	[tilespmem:v15+s19+$0x0] =	vst.idx.add.s32.msk $0xffff, v19  }
0x151: {  	[tilespmem:v18+s19+$0x0] =	vst.idx.add.s32.msk $0xffff, v12;
	v11 =	vor.u32 v1, v11  }
0x152: {  	v25 =	vld [tilespmem:s28+$0xFFFFFF10]  }
0x153: {  	[tilespmem:v15+s20+$0x0] =	vst.idx.add.f32.msk $0xffff, v13;
	v12 =	vmul.f32 $2.400000000e+02, v21  }
0x154: {  	vm10 =	veq.s32 v32, v34;
	[tilespmem:v18+s20+$0x0] =	vst.idx.add.f32.msk $0xffff, v14  }
0x155: {  	v13 =	vsel vm10, $0x10001, v3;
	v14 =	vld [tilespmem:s29+$0x1A0];
	v12 =	vtrunc.f32 v12  }
0x156: {  	[tilespmem:v11+s19+$0x0] =	vst.idx.add.s32.msk $0xffff, v13;
	v12 =	vcvt.f32.s32 v12  }
0x157: {  	v13 =	vld [tilespmem:s28+$0x1A0]  }
0x158: {  	[tilespmem:v11+s20+$0x0] =	vst.idx.add.f32.msk $0xffff, v16;
	v11 =	vand.u32 $0xFFFFFDF0, v12  }
0x159: {  	v0 =	vmul.f32 $2.400000000e+02, v17;
	v26 =	vld [tilespmem:s29+$0xFFFFFF10];
	v11 =	vor.u32 v5, v11  }
0x15a: {  	v18 =	vld [tilespmem:s28+$0xFFFFFE10]  }
0x15b: {  	v0 =	vtrunc.f32 v0;
	v46 =	vld [tilespmem:s28+$0xFFFFFF90]  }
0x15c: {  	v0 =	vcvt.f32.s32 v0;
	v47 =	vld [tilespmem:s29+$0xFFFFFF90];
	vm12 =	veq.s32 v13, v14  }
0x15d: {  	v51 =	vld [tilespmem:s29+$0x10];
	v14 =	vsel vm12, $0x10001, v3  }
0x15e: {  	v0 =	vand.u32 $0xFFFFFFF0, v0;
	[tilespmem:v11+s19+$0x0] =	vst.idx.add.s32.msk $0xffff, v14  }
0x15f: {  	v0 =	vor.u32 v1, v0;
	[tilespmem:v11+s20+$0x0] =	vst.idx.add.f32.msk $0xffff, v21  }
0x160: {  	v11 =	vld [tilespmem:s30+$0x1B0]  }
0x161: {  	v16 =	vld [tilespmem:s30+$0x90]  }
0x162: {  	vm11 =	veq.s32 v37, v44;
	v52 =	vld [tilespmem:s28+$0x90]  }
0x163: {  	v15 =	vsel vm11, $0x10001, v3;
	v53 =	vld [tilespmem:s29+$0x90]  }
0x164: {  	[tilespmem:v0+s19+$0x0] =	vst.idx.add.s32.msk $0xffff, v15  }
0x165: {  	v12 =	vld [tilespmem:s30+$0xFFFFFE90];
	v19 =	vmul.f32 $2.400000000e+02, v11  }
0x166: {  	[tilespmem:v0+s20+$0x0] =	vst.idx.add.f32.msk $0xffff, v17  }
0x167: {  	v0 =	vld [tilespmem:s30+$0xFFFFFE10];
	v19 =	vtrunc.f32 v19  }
0x168: {  	v22 =	vld [tilespmem:s28+$0x1B0];
	v19 =	vcvt.f32.s32 v19  }
0x169: {  	v23 =	vld [tilespmem:s29+$0x1B0]  }
0x16a: {  	v15 =	vld [tilespmem:s30+$0x10];
	v19 =	vand.u32 $0xFFFFFCF0, v19  }
0x16b: {  	v13 =	vld [tilespmem:s30+$0xFFFFFF10];
	v19 =	vor.u32 v6, v19  }
0x16c: {  	v17 =	vld [tilespmem:s30+$0x110];
	v49 =	vmul.f32 $2.400000000e+02, v12  }
0x16d: {  	vm14 =	veq.s32 v18, v20;
	v18 =	vld [tilespmem:s28+$0x110];
	v45 =	vmul.f32 $2.400000000e+02, v0  }
0x16e: {  	v14 =	vld [tilespmem:s30+$0xFFFFFF90];
	v28 =	vtrunc.f32 v49;
	vm13 =	veq.s32 v22, v23  }
0x16f: {  	v21 =	vld [tilespmem:s28+$0xFFFFFE90];
	v28 =	vcvt.f32.s32 v28;
	v22 =	vtrunc.f32 v45;
	v48 =	vsel vm13, $0x10001, v3  }
0x170: {  	v22 =	vcvt.f32.s32 v22;
	[tilespmem:v19+s19+$0x0] =	vst.idx.add.s32.msk $0xffff, v48  }
0x171: {  	v28 =	vand.u32 $0xFFFFFEF0, v28;
	[tilespmem:v19+s20+$0x0] =	vst.idx.add.f32.msk $0xffff, v11;
	v11 =	vmul.f32 $2.400000000e+02, v13  }
0x172: {  	v55 =	vld [tilespmem:s29+$0x110];
	v20 =	vor.u32 v4, v28;
	v19 =	vand.u32 $0xFFFFFEF0, v22  }
0x173: {  	v23 =	vld [tilespmem:s28+$0x10];
	v19 =	vor.u32 v4, v19;
	v11 =	vtrunc.f32 v11  }
0x174: {  	v50 =	vmul.f32 $2.400000000e+02, v14;
	v22 =	vld [tilespmem:s30+$0x1C0];
	v11 =	vcvt.f32.s32 v11  }
0x175: {  	v57 =	vmul.f32 $2.400000000e+02, v15;
	vm15 =	veq.s32 v21, v24;
	v21 =	vld [tilespmem:s28+$0x1C0]  }
0x176: {  	v31 =	vtrunc.f32 v50;
	v58 =	vsel vm15, $0x10001, v3;
	v59 =	vld [tilespmem:s29+$0x1C0];
	v11 =	vand.u32 $0xFFFFFEF0, v11  }
0x177: {  	v54 =	vsel vm14, $0x10001, v3;
	v31 =	vcvt.f32.s32 v31;
	[tilespmem:v20+s19+$0x0] =	vst.idx.add.s32.msk $0xffff, v58;
	v11 =	vor.u32 v4, v11  }
0x178: {  	vm4 =	veq.s32 v25, v26;
	v28 =	vtrunc.f32 v57;
	[tilespmem:v19+s19+$0x0] =	vst.idx.add.s32.msk $0xffff, v54  }
0x179: {  	v24 =	vmul.f32 $2.400000000e+02, v16;
	v56 =	vmul.f32 $2.400000000e+02, v22;
	[tilespmem:v19+s20+$0x0] =	vst.idx.add.f32.msk $0xffff, v0;
	v19 =	vand.u32 $0xFFFFFEF0, v31  }
0x17a: {  	v26 =	vsel vm4, $0x10001, v3;
	v25 =	vcvt.f32.s32 v28;
	[tilespmem:v20+s20+$0x0] =	vst.idx.add.f32.msk $0xffff, v12;
	v19 =	vor.u32 v4, v19  }
0x17b: {  	v20 =	vtrunc.f32 v24;
	vm6 =	veq.s32 v21, v59;
	v21 =	vld [tilespmem:s29+$0xFFFFFEA0];
	v0 =	vtrunc.f32 v56  }
0x17c: {  	v20 =	vcvt.f32.s32 v20;
	v0 =	vcvt.f32.s32 v0;
	[tilespmem:v11+s19+$0x0] =	vst.idx.add.s32.msk $0xffff, v26  }
0x17d: {  	vm5 =	veq.s32 v46, v47;
	v12 =	vmul.f32 $2.400000000e+02, v17;
	v24 =	vand.u32 $0xFFFFFEF0, v25;
	[tilespmem:v11+s20+$0x0] =	vst.idx.add.f32.msk $0xffff, v13  }
0x17e: {  	v25 =	vsel vm5, $0x10001, v3;
	v0 =	vand.u32 $0xFFFFFBF0, v0;
	v13 =	vand.u32 $0xFFFFFEF0, v20;
	v20 =	vld [tilespmem:s28+$0xFFFFFEA0]  }
0x17f: {  	v0 =	vor.u32 v7, v0;
	[tilespmem:v19+s19+$0x0] =	vst.idx.add.s32.msk $0xffff, v25  }
0x180: {  	v11 =	vtrunc.f32 v12;
	v12 =	vor.u32 v4, v24;
	v24 =	vld [tilespmem:s29+$0xFFFFFF20]  }
0x181: {  	[tilespmem:v19+s20+$0x0] =	vst.idx.add.f32.msk $0xffff, v14  }
0x182: {  	v25 =	vld [tilespmem:s28+$0xFFFFFFA0]  }
0x183: {  	v14 =	vsel vm6, $0x10001, v3;
	v63 =	vld [tilespmem:s29+$0xFFFFFFA0]  }
0x184: {  	v11 =	vcvt.f32.s32 v11;
	[tilespmem:v0+s19+$0x0] =	vst.idx.add.s32.msk $0xffff, v14  }
0x185: {  	v13 =	vor.u32 v4, v13;
	[tilespmem:v0+s20+$0x0] =	vst.idx.add.f32.msk $0xffff, v22  }
0x186: {  	vm7 =	veq.s32 v23, v51;
	v11 =	vand.u32 $0xFFFFFEF0, v11;
	v22 =	vld [tilespmem:s28+$0xFFFFFF20]  }
0x187: {  	v0 =	vor.u32 v4, v11;
	v11 =	vsel vm7, $0x10001, v3;
	v14 =	vld [tilespmem:s30+$0x1D0]  }
0x188: {  	vm8 =	veq.s32 v52, v53;
	[tilespmem:v12+s19+$0x0] =	vst.idx.add.s32.msk $0xffff, v11  }
0x189: {  	v11 =	vsel vm8, $0x10001, v3;
	[tilespmem:v12+s20+$0x0] =	vst.idx.add.f32.msk $0xffff, v15  }
0x18a: {  	vm9 =	veq.s32 v18, v55;
	[tilespmem:v13+s19+$0x0] =	vst.idx.add.s32.msk $0xffff, v11  }
0x18b: {  	v11 =	vsel vm9, $0x10001, v3;
	v12 =	vld [tilespmem:s28+$0x1D0]  }
0x18c: {  	[tilespmem:v0+s19+$0x0] =	vst.idx.add.s32.msk $0xffff, v11;
	v11 =	vmul.f32 $2.400000000e+02, v14  }
0x18d: {  	v15 =	vld [tilespmem:s30+$0xFFFFFEA0]  }
0x18e: {  	[tilespmem:v13+s20+$0x0] =	vst.idx.add.f32.msk $0xffff, v16;
	v11 =	vtrunc.f32 v11  }
0x18f: {  	v13 =	vld [tilespmem:s29+$0x1D0];
	v11 =	vcvt.f32.s32 v11  }
0x190: {  	v16 =	vld [tilespmem:s30+$0xFFFFFF20]  }
0x191: {  	v18 =	vld [tilespmem:s30+$0x20];
	v11 =	vand.u32 $0xFFFFFAF0, v11  }
0x192: {  	v40 =	vld [tilespmem:s28+$0x20];
	v11 =	vor.u32 v8, v11  }
0x193: {  	v41 =	vld [tilespmem:s29+$0x20]  }
0x194: {  	[tilespmem:v0+s20+$0x0] =	vst.idx.add.f32.msk $0xffff, v17  }
0x195: {  	v0 =	vld [tilespmem:s30+$0xFFFFFE20];
	vm10 =	veq.s32 v12, v13  }
0x196: {  	v17 =	vld [tilespmem:s30+$0xFFFFFFA0];
	v13 =	vsel vm10, $0x10001, v3  }
0x197: {  	[tilespmem:v11+s19+$0x0] =	vst.idx.add.s32.msk $0xffff, v13  }
0x198: {  	v62 =	vmul.f32 $2.400000000e+02, v15;
	[tilespmem:v11+s20+$0x0] =	vst.idx.add.f32.msk $0xffff, v14  }
0x199: {  	v26 =	vld [tilespmem:s28+$0x1E0]  }
0x19a: {  	v30 =	vtrunc.f32 v62;
	v61 =	vld [tilespmem:s29+$0x1E0]  }
0x19b: {  	v30 =	vcvt.f32.s32 v30;
	v13 =	vld [tilespmem:s28+$0xFFFFFE20]  }
0x19c: {  	v44 =	vmul.f32 $2.400000000e+02, v17;
	v11 =	vld [tilespmem:s30+$0x1E0]  }
0x19d: {  	v42 =	vmul.f32 $2.400000000e+02, v16;
	v30 =	vand.u32 $0xFFFFFDF0, v30;
	v14 =	vld [tilespmem:s29+$0xFFFFFE20]  }
0x19e: {  	vm13 =	veq.s32 v20, v21;
	v19 =	vld [tilespmem:s30+$0xA0];
	v48 =	vtrunc.f32 v44;
	v30 =	vor.u32 v5, v30  }
0x19f: {  	v43 =	vld [tilespmem:s28+$0xA0];
	v34 =	vcvt.f32.s32 v48;
	vm11 =	veq.s32 v26, v61;
	v26 =	vtrunc.f32 v42  }
0x1a0: {  	v21 =	vsel vm13, $0x10001, v3;
	v45 =	vld [tilespmem:s29+$0xA0];
	v26 =	vcvt.f32.s32 v26  }
0x1a1: {  	v46 =	vld [tilespmem:s28+$0x120];
	v60 =	vmul.f32 $2.400000000e+02, v0;
	v34 =	vand.u32 $0xFFFFFDF0, v34;
	v23 =	vmul.f32 $2.400000000e+02, v11  }
0x1a2: {  	v49 =	vld [tilespmem:s29+$0x120];
	v20 =	vor.u32 v5, v34;
	vm12 =	veq.s32 v13, v14;
	v26 =	vand.u32 $0xFFFFFDF0, v26  }
0x1a3: {  	v12 =	vld [tilespmem:s30+$0x120];
	v23 =	vtrunc.f32 v23;
	v14 =	vor.u32 v5, v26;
	v26 =	vmul.f32 $2.400000000e+02, v19  }
0x1a4: {  	vm15 =	veq.s32 v25, v63;
	[tilespmem:v30+s19+$0x0] =	vst.idx.add.s32.msk $0xffff, v21;
	v23 =	vcvt.f32.s32 v23  }
0x1a5: {  	vm14 =	veq.s32 v22, v24;
	v28 =	vtrunc.f32 v60;
	[tilespmem:v30+s20+$0x0] =	vst.idx.add.f32.msk $0xffff, v15;
	v21 =	vtrunc.f32 v26  }
0x1a6: {  	v24 =	vld [tilespmem:s29+$0xFFFFFEB0];
	v23 =	vand.u32 $0xFFFFF9F0, v23;
	v15 =	vcvt.f32.s32 v21;
	v21 =	vsel vm15, $0x10001, v3  }
0x1a7: {  	v22 =	vsel vm14, $0x10001, v3;
	v28 =	vcvt.f32.s32 v28;
	v23 =	vor.u32 v9, v23;
	[tilespmem:v20+s19+$0x0] =	vst.idx.add.s32.msk $0xffff, v21  }
0x1a8: {  	[tilespmem:v14+s19+$0x0] =	vst.idx.add.s32.msk $0xffff, v22  }
0x1a9: {  	v28 =	vand.u32 $0xFFFFFDF0, v28;
	[tilespmem:v20+s20+$0x0] =	vst.idx.add.f32.msk $0xffff, v17  }
0x1aa: {  	v28 =	vor.u32 v5, v28;
	[tilespmem:v14+s20+$0x0] =	vst.idx.add.f32.msk $0xffff, v16  }
0x1ab: {  	v47 =	vsel vm11, $0x10001, v3;
	v51 =	vld [tilespmem:s28+$0xFFFFFFB0]  }
0x1ac: {  	[tilespmem:v23+s19+$0x0] =	vst.idx.add.s32.msk $0xffff, v47  }
0x1ad: {  	[tilespmem:v23+s20+$0x0] =	vst.idx.add.f32.msk $0xffff, v11;
	v11 =	vmul.f32 $2.400000000e+02, v18  }
0x1ae: {  	v53 =	vld [tilespmem:s29+$0xFFFFFFB0];
	v23 =	vsel vm12, $0x10001, v3  }
0x1af: {  	[tilespmem:v28+s19+$0x0] =	vst.idx.add.s32.msk $0xffff, v23;
	v11 =	vtrunc.f32 v11  }
0x1b0: {  	[tilespmem:v28+s20+$0x0] =	vst.idx.add.f32.msk $0xffff, v0;
	v0 =	vcvt.f32.s32 v11;
	v11 =	vmul.f32 $2.400000000e+02, v12  }
0x1b1: {  	v25 =	vld [tilespmem:s28+$0xFFFFFF30]  }
0x1b2: {  	v14 =	vand.u32 $0xFFFFFDF0, v15;
	v50 =	vld [tilespmem:s29+$0xFFFFFF30];
	v11 =	vtrunc.f32 v11  }
0x1b3: {  	v15 =	vor.u32 v5, v14;
	v13 =	vld [tilespmem:s30+$0x1F0];
	v0 =	vand.u32 $0xFFFFFDF0, v0;
	v11 =	vcvt.f32.s32 v11  }
0x1b4: {  	v14 =	vld [tilespmem:s28+$0x1F0];
	v0 =	vor.u32 v5, v0  }
0x1b5: {  	v16 =	vld [tilespmem:s29+$0x1F0];
	v11 =	vand.u32 $0xFFFFFDF0, v11  }
0x1b6: {  	vm5 =	veq.s32 v43, v45;
	v23 =	vld [tilespmem:s28+$0xFFFFFEB0];
	v11 =	vor.u32 v5, v11  }
0x1b7: {  	vm4 =	veq.s32 v40, v41;
	v17 =	vsel vm5, $0x10001, v3;
	v20 =	vld [tilespmem:s28+$0xFFFFFE30]  }
0x1b8: {  	v21 =	vsel vm4, $0x10001, v3;
	[tilespmem:v15+s19+$0x0] =	vst.idx.add.s32.msk $0xffff, v17  }
0x1b9: {  	vm6 =	veq.s32 v46, v49;
	[tilespmem:v0+s19+$0x0] =	vst.idx.add.s32.msk $0xffff, v21  }
0x1ba: {  	[tilespmem:v0+s20+$0x0] =	vst.idx.add.f32.msk $0xffff, v18;
	v0 =	vsel vm6, $0x10001, v3  }
0x1bb: {  	[tilespmem:v11+s19+$0x0] =	vst.idx.add.s32.msk $0xffff, v0  }
0x1bc: {  	v0 =	vld [tilespmem:s30+$0xFFFFFE30]  }
0x1bd: {  	[tilespmem:v11+s20+$0x0] =	vst.idx.add.f32.msk $0xffff, v12  }
0x1be: {  	v12 =	vld [tilespmem:s30+$0xFFFFFF30]  }
0x1bf: {  	v11 =	vld [tilespmem:s30+$0xFFFFFEB0]  }
0x1c0: {  	[tilespmem:v15+s20+$0x0] =	vst.idx.add.f32.msk $0xffff, v19  }
0x1c1: {  	v15 =	vld [tilespmem:s30+$0xFFFFFFB0];
	v22 =	vmul.f32 $2.400000000e+02, v0  }
0x1c2: {  	v58 =	vld [tilespmem:s28+$0xB0]  }
0x1c3: {  	v21 =	vld [tilespmem:s29+$0xFFFFFE30];
	v52 =	vmul.f32 $2.400000000e+02, v12;
	v22 =	vtrunc.f32 v22  }
0x1c4: {  	v18 =	vld [tilespmem:s30+$0xB0];
	v26 =	vmul.f32 $2.400000000e+02, v11;
	v22 =	vcvt.f32.s32 v22  }
0x1c5: {  	v17 =	vld [tilespmem:s30+$0x30];
	v30 =	vtrunc.f32 v52  }
0x1c6: {  	v55 =	vld [tilespmem:s28+$0x30];
	v26 =	vtrunc.f32 v26;
	v30 =	vcvt.f32.s32 v30;
	v22 =	vand.u32 $0xFFFFFCF0, v22  }
0x1c7: {  	v57 =	vld [tilespmem:s29+$0x30];
	v26 =	vcvt.f32.s32 v26;
	v22 =	vor.u32 v6, v22  }
0x1c8: {  	v19 =	vld [tilespmem:s30+$0x130];
	v30 =	vand.u32 $0xFFFFFCF0, v30  }
0x1c9: {  	vm7 =	veq.s32 v20, v21;
	v21 =	vld [tilespmem:s29+$0xB0];
	v26 =	vand.u32 $0xFFFFFCF0, v26;
	v30 =	vor.u32 v6, v30  }
0x1ca: {  	vm1 =	veq.s32 v23, v24;
	v54 =	vmul.f32 $2.400000000e+02, v15;
	v23 =	vld [tilespmem:s28+$0x130];
	v26 =	vor.u32 v6, v26  }
0x1cb: {  	v60 =	vld [tilespmem:s29+$0x130];
	v24 =	vsel vm7, $0x10001, v3  }
0x1cc: {  	vm8 =	veq.s32 v25, v50;
	v32 =	vtrunc.f32 v54;
	[tilespmem:v22+s19+$0x0] =	vst.idx.add.s32.msk $0xffff, v24  }
0x1cd: {  	v25 =	vsel vm8, $0x10001, v3;
	v20 =	vcvt.f32.s32 v32;
	[tilespmem:v22+s20+$0x0] =	vst.idx.add.f32.msk $0xffff, v0  }
0x1ce: {  	v0 =	vsel vm1, $0x10001, v3;
	[tilespmem:v30+s19+$0x0] =	vst.idx.add.s32.msk $0xffff, v25  }
0x1cf: {  	v59 =	vmul.f32 $2.400000000e+02, v18;
	v56 =	vmul.f32 $2.400000000e+02, v17;
	v20 =	vand.u32 $0xFFFFFCF0, v20;
	[tilespmem:v26+s19+$0x0] =	vst.idx.add.s32.msk $0xffff, v0  }
0x1d0: {  	v20 =	vor.u32 v6, v20;
	[tilespmem:v30+s20+$0x0] =	vst.idx.add.f32.msk $0xffff, v12  }
0x1d1: {  	v32 =	vtrunc.f32 v59;
	v34 =	vtrunc.f32 v56;
	vm11 =	veq.s32 v58, v21;
	v21 =	vld [tilespmem:s29+$0xFFFFFE40]  }
0x1d2: {  	v24 =	vmul.f32 $2.400000000e+02, v19;
	v22 =	vcvt.f32.s32 v32;
	[tilespmem:v26+s20+$0x0] =	vst.idx.add.f32.msk $0xffff, v11  }
0x1d3: {  	vm9 =	veq.s32 v51, v53;
	v34 =	vcvt.f32.s32 v34;
	v25 =	vld [tilespmem:s28+$0xFFFFFF40]  }
0x1d4: {  	v0 =	vtrunc.f32 v24;
	v11 =	vand.u32 $0xFFFFFCF0, v22;
	v22 =	vsel vm9, $0x10001, v3;
	v62 =	vld [tilespmem:s29+$0xFFFFFF40]  }
0x1d5: {  	v61 =	vand.u32 $0xFFFFFCF0, v34;
	v0 =	vcvt.f32.s32 v0;
	[tilespmem:v20+s19+$0x0] =	vst.idx.add.s32.msk $0xffff, v22  }
0x1d6: {  	vm12 =	veq.s32 v23, v60;
	v24 =	vor.u32 v6, v61;
	v23 =	vld [tilespmem:s28+$0xFFFFFEC0]  }
0x1d7: {  	v11 =	vor.u32 v6, v11;
	v0 =	vand.u32 $0xFFFFFCF0, v0;
	[tilespmem:v20+s20+$0x0] =	vst.idx.add.f32.msk $0xffff, v15  }
0x1d8: {  	v20 =	vld [tilespmem:s28+$0xFFFFFE40];
	v0 =	vor.u32 v6, v0  }
0x1d9: {  	vm10 =	veq.s32 v55, v57;
	v15 =	vld [tilespmem:s30+$0xFFFFFFC0]  }
0x1da: {  	v12 =	vsel vm10, $0x10001, v3;
	v63 =	vld [tilespmem:s28+$0xFFFFFFC0]  }
0x1db: {  	[tilespmem:v24+s19+$0x0] =	vst.idx.add.s32.msk $0xffff, v12;
	v12 =	vsel vm11, $0x10001, v3  }
0x1dc: {  	[tilespmem:v11+s19+$0x0] =	vst.idx.add.s32.msk $0xffff, v12;
	v12 =	vsel vm12, $0x10001, v3  }
0x1dd: {  	[tilespmem:v0+s19+$0x0] =	vst.idx.add.s32.msk $0xffff, v12  }
0x1de: {  	v12 =	vld [tilespmem:s30+$0xFFFFFF40]  }
0x1df: {  	[tilespmem:v0+s20+$0x0] =	vst.idx.add.f32.msk $0xffff, v19  }
0x1e0: {  	v0 =	vld [tilespmem:s30+$0xFFFFFE40]  }
0x1e1: {  	v41 =	vld [tilespmem:s29+$0xFFFFFFC0]  }
0x1e2: {  	[tilespmem:v24+s20+$0x0] =	vst.idx.add.f32.msk $0xffff, v17  }
0x1e3: {  	v24 =	vld [tilespmem:s29+$0xFFFFFEC0]  }
0x1e4: {  	[tilespmem:v11+s20+$0x0] =	vst.idx.add.f32.msk $0xffff, v18;
	v40 =	vmul.f32 $2.400000000e+02, v12  }
0x1e5: {  	v11 =	vld [tilespmem:s30+$0xFFFFFEC0];
	v22 =	vmul.f32 $2.400000000e+02, v0  }
0x1e6: {  	v17 =	vld [tilespmem:s30+$0x40];
	v30 =	vtrunc.f32 v40  }
0x1e7: {  	v43 =	vld [tilespmem:s28+$0x40];
	v22 =	vtrunc.f32 v22;
	v30 =	vcvt.f32.s32 v30  }
0x1e8: {  	v45 =	vld [tilespmem:s29+$0x40];
	v22 =	vcvt.f32.s32 v22  }
0x1e9: {  	v18 =	vld [tilespmem:s30+$0xC0];
	v30 =	vand.u32 $0xFFFFFBF0, v30  }
0x1ea: {  	v46 =	vld [tilespmem:s28+$0xC0];
	v26 =	vmul.f32 $2.400000000e+02, v11;
	v22 =	vand.u32 $0xFFFFFBF0, v22;
	v30 =	vor.u32 v7, v30  }
0x1eb: {  	vm13 =	veq.s32 v20, v21;
	v21 =	vld [tilespmem:s29+$0xC0];
	v22 =	vor.u32 v7, v22  }
0x1ec: {  	vm15 =	veq.s32 v25, v62;
	v19 =	vld [tilespmem:s30+$0x140];
	v26 =	vtrunc.f32 v26  }
0x1ed: {  	v42 =	vmul.f32 $2.400000000e+02, v15;
	vm14 =	veq.s32 v23, v24;
	v23 =	vld [tilespmem:s28+$0x140];
	v26 =	vcvt.f32.s32 v26  }
0x1ee: {  	v25 =	vsel vm15, $0x10001, v3;
	v48 =	vld [tilespmem:s29+$0x140]  }
0x1ef: {  	v32 =	vtrunc.f32 v42;
	v24 =	vsel vm13, $0x10001, v3;
	v26 =	vand.u32 $0xFFFFFBF0, v26;
	[tilespmem:v30+s19+$0x0] =	vst.idx.add.s32.msk $0xffff, v25  }
0x1f0: {  	v20 =	vcvt.f32.s32 v32;
	v26 =	vor.u32 v7, v26;
	[tilespmem:v22+s19+$0x0] =	vst.idx.add.s32.msk $0xffff, v24  }
0x1f1: {  	[tilespmem:v30+s20+$0x0] =	vst.idx.add.f32.msk $0xffff, v12  }
0x1f2: {  	v44 =	vmul.f32 $2.400000000e+02, v17;
	v47 =	vmul.f32 $2.400000000e+02, v18;
	v20 =	vand.u32 $0xFFFFFBF0, v20;
	[tilespmem:v22+s20+$0x0] =	vst.idx.add.f32.msk $0xffff, v0  }
0x1f3: {  	v20 =	vor.u32 v7, v20;
	v25 =	vld [tilespmem:s28+$0xFFFFFF50]  }
0x1f4: {  	v34 =	vtrunc.f32 v44;
	v32 =	vtrunc.f32 v47;
	v0 =	vsel vm14, $0x10001, v3;
	v50 =	vld [tilespmem:s29+$0xFFFFFF50]  }
0x1f5: {  	v24 =	vmul.f32 $2.400000000e+02, v19;
	v22 =	vcvt.f32.s32 v32;
	[tilespmem:v26+s19+$0x0] =	vst.idx.add.s32.msk $0xffff, v0  }
0x1f6: {  	vm4 =	veq.s32 v63, v41;
	vm6 =	veq.s32 v46, v21;
	v34 =	vcvt.f32.s32 v34;
	v21 =	vld [tilespmem:s29+$0xFFFFFE50]  }
0x1f7: {  	v0 =	vtrunc.f32 v24;
	[tilespmem:v26+s20+$0x0] =	vst.idx.add.f32.msk $0xffff, v11;
	v11 =	vand.u32 $0xFFFFFBF0, v22;
	v22 =	vsel vm4, $0x10001, v3  }
0x1f8: {  	v49 =	vand.u32 $0xFFFFFBF0, v34;
	v0 =	vcvt.f32.s32 v0;
	[tilespmem:v20+s19+$0x0] =	vst.idx.add.s32.msk $0xffff, v22  }
0x1f9: {  	vm7 =	veq.s32 v23, v48;
	v24 =	vor.u32 v7, v49;
	v23 =	vld [tilespmem:s28+$0xFFFFFED0]  }
0x1fa: {  	v11 =	vor.u32 v7, v11;
	v0 =	vand.u32 $0xFFFFFBF0, v0;
	[tilespmem:v20+s20+$0x0] =	vst.idx.add.f32.msk $0xffff, v15  }
0x1fb: {  	v20 =	vld [tilespmem:s28+$0xFFFFFE50];
	v0 =	vor.u32 v7, v0  }
0x1fc: {  	vm5 =	veq.s32 v43, v45;
	v15 =	vld [tilespmem:s30+$0xFFFFFFD0]  }
0x1fd: {  	v12 =	vsel vm5, $0x10001, v3;
	v51 =	vld [tilespmem:s28+$0xFFFFFFD0]  }
0x1fe: {  	[tilespmem:v24+s19+$0x0] =	vst.idx.add.s32.msk $0xffff, v12;
	v12 =	vsel vm6, $0x10001, v3  }
0x1ff: {  	[tilespmem:v11+s19+$0x0] =	vst.idx.add.s32.msk $0xffff, v12;
	v12 =	vsel vm7, $0x10001, v3  }
0x200: {  	[tilespmem:v0+s19+$0x0] =	vst.idx.add.s32.msk $0xffff, v12  }
0x201: {  	v12 =	vld [tilespmem:s30+$0xFFFFFF50]  }
0x202: {  	[tilespmem:v0+s20+$0x0] =	vst.idx.add.f32.msk $0xffff, v19  }
0x203: {  	v0 =	vld [tilespmem:s30+$0xFFFFFE50]  }
0x204: {  	v53 =	vld [tilespmem:s29+$0xFFFFFFD0]  }
0x205: {  	[tilespmem:v24+s20+$0x0] =	vst.idx.add.f32.msk $0xffff, v17  }
0x206: {  	v24 =	vld [tilespmem:s29+$0xFFFFFED0]  }
0x207: {  	[tilespmem:v11+s20+$0x0] =	vst.idx.add.f32.msk $0xffff, v18;
	v52 =	vmul.f32 $2.400000000e+02, v12  }
0x208: {  	v11 =	vld [tilespmem:s30+$0xFFFFFED0];
	v22 =	vmul.f32 $2.400000000e+02, v0  }
0x209: {  	v17 =	vld [tilespmem:s30+$0x50];
	v30 =	vtrunc.f32 v52  }
0x20a: {  	v55 =	vld [tilespmem:s28+$0x50];
	v22 =	vtrunc.f32 v22;
	v30 =	vcvt.f32.s32 v30  }
0x20b: {  	v57 =	vld [tilespmem:s29+$0x50];
	v22 =	vcvt.f32.s32 v22  }
0x20c: {  	v18 =	vld [tilespmem:s30+$0xD0];
	v30 =	vand.u32 $0xFFFFFAF0, v30  }
0x20d: {  	v58 =	vld [tilespmem:s28+$0xD0];
	v26 =	vmul.f32 $2.400000000e+02, v11;
	v22 =	vand.u32 $0xFFFFFAF0, v22;
	v30 =	vor.u32 v8, v30  }
0x20e: {  	vm8 =	veq.s32 v20, v21;
	v21 =	vld [tilespmem:s29+$0xD0];
	v22 =	vor.u32 v8, v22  }
0x20f: {  	vm10 =	veq.s32 v25, v50;
	v19 =	vld [tilespmem:s30+$0x150];
	v26 =	vtrunc.f32 v26  }
0x210: {  	v54 =	vmul.f32 $2.400000000e+02, v15;
	vm9 =	veq.s32 v23, v24;
	v23 =	vld [tilespmem:s28+$0x150];
	v26 =	vcvt.f32.s32 v26  }
0x211: {  	v25 =	vsel vm10, $0x10001, v3;
	v60 =	vld [tilespmem:s29+$0x150]  }
0x212: {  	v32 =	vtrunc.f32 v54;
	v24 =	vsel vm8, $0x10001, v3;
	v26 =	vand.u32 $0xFFFFFAF0, v26;
	[tilespmem:v30+s19+$0x0] =	vst.idx.add.s32.msk $0xffff, v25  }
0x213: {  	v20 =	vcvt.f32.s32 v32;
	v26 =	vor.u32 v8, v26;
	[tilespmem:v22+s19+$0x0] =	vst.idx.add.s32.msk $0xffff, v24  }
0x214: {  	[tilespmem:v30+s20+$0x0] =	vst.idx.add.f32.msk $0xffff, v12  }
0x215: {  	v56 =	vmul.f32 $2.400000000e+02, v17;
	v59 =	vmul.f32 $2.400000000e+02, v18;
	v20 =	vand.u32 $0xFFFFFAF0, v20;
	[tilespmem:v22+s20+$0x0] =	vst.idx.add.f32.msk $0xffff, v0  }
0x216: {  	v20 =	vor.u32 v8, v20;
	v25 =	vld [tilespmem:s28+$0xFFFFFF60]  }
0x217: {  	v34 =	vtrunc.f32 v56;
	v32 =	vtrunc.f32 v59;
	v0 =	vsel vm9, $0x10001, v3;
	v62 =	vld [tilespmem:s29+$0xFFFFFF60]  }
0x218: {  	v24 =	vmul.f32 $2.400000000e+02, v19;
	v22 =	vcvt.f32.s32 v32;
	[tilespmem:v26+s19+$0x0] =	vst.idx.add.s32.msk $0xffff, v0  }
0x219: {  	vm11 =	veq.s32 v51, v53;
	vm13 =	veq.s32 v58, v21;
	v34 =	vcvt.f32.s32 v34;
	v21 =	vld [tilespmem:s29+$0xFFFFFE60]  }
0x21a: {  	v0 =	vtrunc.f32 v24;
	[tilespmem:v26+s20+$0x0] =	vst.idx.add.f32.msk $0xffff, v11;
	v11 =	vand.u32 $0xFFFFFAF0, v22;
	v22 =	vsel vm11, $0x10001, v3  }
0x21b: {  	v61 =	vand.u32 $0xFFFFFAF0, v34;
	v0 =	vcvt.f32.s32 v0;
	[tilespmem:v20+s19+$0x0] =	vst.idx.add.s32.msk $0xffff, v22  }
0x21c: {  	vm14 =	veq.s32 v23, v60;
	v24 =	vor.u32 v8, v61;
	v23 =	vld [tilespmem:s28+$0xFFFFFEE0]  }
0x21d: {  	v11 =	vor.u32 v8, v11;
	v0 =	vand.u32 $0xFFFFFAF0, v0;
	[tilespmem:v20+s20+$0x0] =	vst.idx.add.f32.msk $0xffff, v15  }
0x21e: {  	v20 =	vld [tilespmem:s28+$0xFFFFFE60];
	v0 =	vor.u32 v8, v0  }
0x21f: {  	vm12 =	veq.s32 v55, v57;
	v15 =	vld [tilespmem:s30+$0xFFFFFFE0]  }
0x220: {  	v12 =	vsel vm12, $0x10001, v3;
	v63 =	vld [tilespmem:s28+$0xFFFFFFE0]  }
0x221: {  	[tilespmem:v24+s19+$0x0] =	vst.idx.add.s32.msk $0xffff, v12;
	v12 =	vsel vm13, $0x10001, v3  }
0x222: {  	[tilespmem:v11+s19+$0x0] =	vst.idx.add.s32.msk $0xffff, v12;
	v12 =	vsel vm14, $0x10001, v3  }
0x223: {  	[tilespmem:v0+s19+$0x0] =	vst.idx.add.s32.msk $0xffff, v12  }
0x224: {  	v12 =	vld [tilespmem:s30+$0xFFFFFF60]  }
0x225: {  	[tilespmem:v0+s20+$0x0] =	vst.idx.add.f32.msk $0xffff, v19  }
0x226: {  	v0 =	vld [tilespmem:s30+$0xFFFFFE60]  }
0x227: {  	v40 =	vld [tilespmem:s29+$0xFFFFFFE0]  }
0x228: {  	[tilespmem:v24+s20+$0x0] =	vst.idx.add.f32.msk $0xffff, v17  }
0x229: {  	v24 =	vld [tilespmem:s29+$0xFFFFFEE0]  }
0x22a: {  	v17 =	vld [tilespmem:s30+$0x60];
	v39 =	vmul.f32 $2.400000000e+02, v12  }
0x22b: {  	[tilespmem:v11+s20+$0x0] =	vst.idx.add.f32.msk $0xffff, v18;
	v22 =	vmul.f32 $2.400000000e+02, v0  }
0x22c: {  	v11 =	vld [tilespmem:s30+$0xFFFFFEE0];
	v30 =	vtrunc.f32 v39  }
0x22d: {  	v42 =	vld [tilespmem:s28+$0x60];
	v22 =	vtrunc.f32 v22;
	v30 =	vcvt.f32.s32 v30  }
0x22e: {  	v44 =	vld [tilespmem:s29+$0x60];
	v22 =	vcvt.f32.s32 v22  }
0x22f: {  	v18 =	vld [tilespmem:s30+$0xE0];
	v30 =	vand.u32 $0xFFFFF9F0, v30  }
0x230: {  	v45 =	vld [tilespmem:s28+$0xE0];
	v22 =	vand.u32 $0xFFFFF9F0, v22;
	v30 =	vor.u32 v9, v30  }
0x231: {  	vm15 =	veq.s32 v20, v21;
	v21 =	vld [tilespmem:s29+$0xE0];
	v26 =	vmul.f32 $2.400000000e+02, v11;
	v22 =	vor.u32 v9, v22  }
0x232: {  	vm5 =	veq.s32 v25, v62;
	v19 =	vld [tilespmem:s30+$0x160]  }
0x233: {  	v41 =	vmul.f32 $2.400000000e+02, v15;
	vm4 =	veq.s32 v23, v24;
	v23 =	vld [tilespmem:s28+$0x160];
	v26 =	vtrunc.f32 v26  }
0x234: {  	v25 =	vsel vm5, $0x10001, v3;
	v47 =	vld [tilespmem:s29+$0x160];
	v26 =	vcvt.f32.s32 v26  }
0x235: {  	v32 =	vtrunc.f32 v41;
	v24 =	vsel vm15, $0x10001, v3;
	[tilespmem:v30+s19+$0x0] =	vst.idx.add.s32.msk $0xffff, v25  }
0x236: {  	v20 =	vcvt.f32.s32 v32;
	v26 =	vand.u32 $0xFFFFF9F0, v26;
	[tilespmem:v22+s19+$0x0] =	vst.idx.add.s32.msk $0xffff, v24  }
0x237: {  	v26 =	vor.u32 v9, v26;
	[tilespmem:v30+s20+$0x0] =	vst.idx.add.f32.msk $0xffff, v12  }
0x238: {  	v46 =	vmul.f32 $2.400000000e+02, v18;
	v20 =	vand.u32 $0xFFFFF9F0, v20;
	[tilespmem:v22+s20+$0x0] =	vst.idx.add.f32.msk $0xffff, v0  }
0x239: {  	vm8 =	veq.s32 v45, v21;
	v20 =	vor.u32 v9, v20;
	v21 =	vld [tilespmem:s30+$0xFFFFFF70]  }
0x23a: {  	v32 =	vtrunc.f32 v46;
	v52 =	vld [tilespmem:s28+$0xFFFFFF70]  }
0x23b: {  	v43 =	vmul.f32 $2.400000000e+02, v17;
	v0 =	vsel vm4, $0x10001, v3;
	v22 =	vcvt.f32.s32 v32;
	v53 =	vld [tilespmem:s29+$0xFFFFFF70]  }
0x23c: {  	vm6 =	veq.s32 v63, v40;
	[tilespmem:v26+s19+$0x0] =	vst.idx.add.s32.msk $0xffff, v0  }
0x23d: {  	v34 =	vtrunc.f32 v43;
	[tilespmem:v26+s20+$0x0] =	vst.idx.add.f32.msk $0xffff, v11;
	v11 =	vand.u32 $0xFFFFF9F0, v22;
	v22 =	vsel vm6, $0x10001, v3  }
0x23e: {  	v34 =	vcvt.f32.s32 v34;
	[tilespmem:v20+s19+$0x0] =	vst.idx.add.s32.msk $0xffff, v22  }
0x23f: {  	v24 =	vmul.f32 $2.400000000e+02, v19;
	v26 =	vld [tilespmem:s30+$0xFFFFFEF0]  }
0x240: {  	v48 =	vand.u32 $0xFFFFF9F0, v34;
	v22 =	vld [tilespmem:s29+$0xFFFFFE70]  }
0x241: {  	v0 =	vtrunc.f32 v24;
	v24 =	vor.u32 v9, v48;
	v50 =	vld [tilespmem:s29+$0xFFFFFEF0]  }
0x242: {  	[tilespmem:v20+s20+$0x0] =	vst.idx.add.f32.msk $0xffff, v15  }
0x243: {  	v11 =	vor.u32 v9, v11;
	v20 =	vld [tilespmem:s28+$0xFFFFFE70]  }
0x244: {  	vm7 =	veq.s32 v42, v44;
	v0 =	vcvt.f32.s32 v0;
	v54 =	vld [tilespmem:s28+$0xFFFFFFF0]  }
0x245: {  	v12 =	vsel vm7, $0x10001, v3;
	v57 =	vld [tilespmem:s29+$0xFFFFFFF0]  }
0x246: {  	v0 =	vand.u32 $0xFFFFF9F0, v0;
	[tilespmem:v24+s19+$0x0] =	vst.idx.add.s32.msk $0xffff, v12  }
0x247: {  	v0 =	vor.u32 v9, v0;
	v12 =	vsel vm8, $0x10001, v3;
	[tilespmem:v24+s20+$0x0] =	vst.idx.add.f32.msk $0xffff, v17  }
0x248: {  	[tilespmem:v11+s19+$0x0] =	vst.idx.add.s32.msk $0xffff, v12  }
0x249: {  	v15 =	vld [tilespmem:s30+$0x70]  }
0x24a: {  	vm9 =	veq.s32 v23, v47;
	[tilespmem:v11+s20+$0x0] =	vst.idx.add.f32.msk $0xffff, v18  }
0x24b: {  	v12 =	vsel vm9, $0x10001, v3;
	v18 =	vld [tilespmem:s30+$0xFFFFFFF0]  }
0x24c: {  	[tilespmem:v0+s19+$0x0] =	vst.idx.add.s32.msk $0xffff, v12  }
0x24d: {  	v25 =	vmul.f32 $2.400000000e+02, v21;
	v12 =	vld [tilespmem:s30+$0xF0]  }
0x24e: {  	v17 =	vmul.f32 $2.400000000e+02, v13;
	[tilespmem:v0+s20+$0x0] =	vst.idx.add.f32.msk $0xffff, v19  }
0x24f: {  	vm10 =	veq.s32 v14, v16;
	v25 =	vtrunc.f32 v25;
	v23 =	vmul.f32 $2.400000000e+02, v26;
	v0 =	vld [tilespmem:s30+$0xFFFFFE70]  }
0x250: {  	v55 =	vsel vm10, $0x10001, v3;
	vm2 =	veq.s32 v52, v53;
	v24 =	vld [tilespmem:s28+$0xFFFFFEF0];
	v25 =	vcvt.f32.s32 v25  }
0x251: {  	v17 =	vtrunc.f32 v17;
	vm11 =	veq.s32 v20, v22;
	v23 =	vtrunc.f32 v23  }
0x252: {  	v17 =	vcvt.f32.s32 v17;
	v25 =	vand.u32 $0xFFFFF8F0, v25;
	v20 =	vcvt.f32.s32 v23;
	v11 =	vld [tilespmem:s30+$0x170]  }
0x253: {  	vm3 =	veq.s32 v54, v57;
	v51 =	vmul.f32 $2.400000000e+02, v15;
	v49 =	vmul.f32 $2.400000000e+02, v18  }
0x254: {  	v17 =	vand.u32 $0xFFFFF8F0, v17;
	v14 =	vmul.f32 $2.400000000e+02, v12;
	v19 =	vmul.f32 $2.400000000e+02, v0  }
0x255: {  	v58 =	vld [tilespmem:s29+$0x70];
	vm12 =	veq.s32 v24, v50;
	v16 =	vtrunc.f32 v51;
	v28 =	vtrunc.f32 v49  }
0x256: {  	v59 =	vld [tilespmem:s28+$0xF0];
	v17 =	vor.u32 v10, v17;
	v16 =	vcvt.f32.s32 v16;
	v19 =	vtrunc.f32 v19  }
0x257: {  	v38 =	vld [tilespmem:s29+$0xF0];
	v20 =	vand.u32 $0xFFFFF8F0, v20;
	v56 =	vmul.f32 $2.400000000e+02, v11;
	v19 =	vcvt.f32.s32 v19  }
0x258: {  	v23 =	vld [tilespmem:s28+$0x70];
	v63 =	vor.u32 v10, v20;
	v14 =	vtrunc.f32 v14;
	v28 =	vcvt.f32.s32 v28  }
0x259: {  	v62 =	vld [tilespmem:s28+$0x170];
	v14 =	vcvt.f32.s32 v14;
	v16 =	vand.u32 $0xFFFFF8F0, v16;
	v19 =	vand.u32 $0xFFFFF8F0, v19  }
0x25a: {  	v20 =	vld [tilespmem:s29+$0x170];
	v22 =	vtrunc.f32 v56;
	v60 =	vor.u32 v10, v19;
	v19 =	vand.u32 $0xFFFFF8F0, v28  }
0x25b: {  	[tilespmem:v17+s19+$0x0] =	vst.idx.add.s32.msk $0xffff, v55;
	v61 =	vcvt.f32.s32 v22;
	v14 =	vand.u32 $0xFFFFF8F0, v14;
	v22 =	vor.u32 v10, v19  }
0x25c: {  	[tilespmem:v17+s20+$0x0] =	vst.idx.add.f32.msk $0xffff, v13;
	v19 =	vor.u32 v10, v16;
	v16 =	vor.u32 v10, v14;
	v14 =	vsel vm12, $0x10001, v3  }
0x25d: {  	v24 =	vor.u32 v10, v25;
	v25 =	vsel vm2, $0x10001, v3;
	vm14 =	veq.s32 v59, v38;
	[tilespmem:v63+s19+$0x0] =	vst.idx.add.s32.msk $0xffff, v14  }
0x25e: {  	vm13 =	veq.s32 v23, v58;
	v23 =	vsel vm3, $0x10001, v3;
	v13 =	vsel vm11, $0x10001, v3;
	[tilespmem:v63+s20+$0x0] =	vst.idx.add.f32.msk $0xffff, v26  }
0x25f: {  	vm15 =	veq.s32 v62, v20;
	v20 =	vsel vm13, $0x10001, v3;
	v17 =	vand.u32 $0xFFFFF8F0, v61;
	[tilespmem:v60+s19+$0x0] =	vst.idx.add.s32.msk $0xffff, v13  }
0x260: {  	s31 =	simm.s32 $0x600;
	s30 =	simm.s32 $0x0;
	v14 =	vsel vm15, $0x10001, v3;
	v13 =	vor.u32 v10, v17;
	v17 =	vsel vm14, $0x10001, v3;
	[tilespmem:v60+s20+$0x0] =	vst.idx.add.f32.msk $0xffff, v0  }
.LBB2_3:
0x261: {  	v31 =	vld [tilespmem:s31+$0x180]  }
0x262: {  	v32 =	vld [tilespmem:s31+$0xFFFFFE80]  }
0x263: {  	v30 =	vld [tilespmem:s31+$0xFFFFFF00]  }
0x264: {  	v29 =	vld [tilespmem:s31+$0xFFFFFF80]  }
0x265: {  	v28 =	vld [tilespmem:s31+$0x0]  }
0x266: {  	v26 =	vld [tilespmem:s31+$0x80];
	v33 =	vmul.f32 $2.400000000e+02, v31  }
0x267: {  	v34 =	vmul.f32 $2.400000000e+02, v32;
	v0 =	vld [tilespmem:s31+$0x100]  }
0x268: {  	s28 =	sadd.s32 $0x400, s28;
	v35 =	vld [tilespmem:s31+$0xFFFFFE00];
	v36 =	vmul.f32 $2.400000000e+02, v30;
	v33 =	vtrunc.f32 v33  }
0x269: {  	s30 =	sadd.s32 $0x40, s30;
	s29 =	sadd.s32 $0x400, s29;
	v37 =	vmul.f32 $2.400000000e+02, v29;
	v38 =	vld [tilespmem:s28+$0x180];
	v33 =	vcvt.f32.s32 v33  }
0x26a: {  	p0 =	slt.u32 s30, $0x3C0;
	v34 =	vtrunc.f32 v34;
	v39 =	vmul.f32 $2.400000000e+02, v28;
	v40 =	vld [tilespmem:s29+$0x180]  }
0x26b: {  	v36 =	vtrunc.f32 v36;
	v41 =	vld [tilespmem:s28+$0xFFFFFE00];
	v42 =	vmul.f32 $2.400000000e+02, v26;
	v33 =	vand.u32 $0xFFFFFFF0, v33  }
0x26c: {  	v37 =	vtrunc.f32 v37;
	v43 =	vld [tilespmem:s29+$0xFFFFFE00];
	v44 =	vmul.f32 $2.400000000e+02, v0;
	v33 =	vor.u32 v1, v33  }
0x26d: {  	v39 =	vtrunc.f32 v39;
	v45 =	vmul.f32 $2.400000000e+02, v35;
	v46 =	vld [tilespmem:s28+$0xFFFFFE80]  }
0x26e: {  	v42 =	vtrunc.f32 v42;
	v47 =	vld [tilespmem:s29+$0xFFFFFE80];
	v44 =	vtrunc.f32 v44  }
0x26f: {  	v34 =	vcvt.f32.s32 v34;
	v45 =	vtrunc.f32 v45;
	v48 =	vld [tilespmem:s28+$0xFFFFFF00];
	vm0 =	veq.s32 v38, v40  }
0x270: {  	v36 =	vcvt.f32.s32 v36;
	v38 =	vcvt.f32.s32 v45;
	v40 =	vld [tilespmem:s29+$0xFFFFFF00];
	v45 =	vsel vm0, $0x10001, v3  }
0x271: {  	v34 =	vand.u32 $0xFFFFFFF0, v34;
	v37 =	vcvt.f32.s32 v37;
	v39 =	vcvt.f32.s32 v39;
	[tilespmem:v33+s19+$0x0] =	vst.idx.add.s32.msk $0xffff, v45  }
0x272: {  	v42 =	vcvt.f32.s32 v42;
	v44 =	vcvt.f32.s32 v44;
	v38 =	vand.u32 $0xFFFFFFF0, v38;
	[tilespmem:v33+s20+$0x0] =	vst.idx.add.f32.msk $0xffff, v31  }
0x273: {  	v31 =	vand.u32 $0xFFFFFFF0, v36;
	v33 =	vand.u32 $0xFFFFFFF0, v37;
	v36 =	vand.u32 $0xFFFFFFF0, v39;
	v37 =	vld [tilespmem:s31+$0x190]  }
0x274: {  	vm0 =	veq.s32 v41, v43;
	v41 =	vand.u32 $0xFFFFFFF0, v42;
	v42 =	vand.u32 $0xFFFFFFF0, v44;
	v39 =	vld [tilespmem:s28+$0xFFFFFF80]  }
0x275: {  	v38 =	vor.u32 v1, v38;
	vm1 =	veq.s32 v46, v47;
	vm2 =	veq.s32 v48, v40;
	v40 =	vld [tilespmem:s29+$0xFFFFFF80]  }
0x276: {  	v34 =	vor.u32 v1, v34;
	v31 =	vor.u32 v1, v31;
	v33 =	vor.u32 v1, v33;
	v43 =	vld [tilespmem:s28+$0x0]  }
0x277: {  	v41 =	vor.u32 v1, v41;
	v42 =	vor.u32 v1, v42;
	v36 =	vor.u32 v1, v36;
	v44 =	vld [tilespmem:s29+$0x0]  }
0x278: {  	v45 =	vsel vm0, $0x10001, v3;
	v46 =	vsel vm1, $0x10001, v3;
	v47 =	vld [tilespmem:s28+$0x80];
	v48 =	vmul.f32 $2.400000000e+02, v37  }
0x279: {  	v49 =	vsel vm2, $0x10001, v3;
	v50 =	vld [tilespmem:s29+$0x80]  }
0x27a: {  	vm0 =	veq.s32 v39, v40;
	v39 =	vld [tilespmem:s28+$0x100];
	v40 =	vtrunc.f32 v48  }
0x27b: {  	v48 =	vsel vm0, $0x10001, v3;
	v51 =	vld [tilespmem:s28+$0x190];
	v40 =	vcvt.f32.s32 v40  }
0x27c: {  	vm0 =	veq.s32 v43, v44;
	v43 =	vld [tilespmem:s29+$0x190]  }
0x27d: {  	v44 =	vsel vm0, $0x10001, v3;
	v52 =	vld [tilespmem:s29+$0x100];
	v40 =	vand.u32 $0xFFFFFEF0, v40  }
0x27e: {  	[tilespmem:v38+s19+$0x0] =	vst.idx.add.s32.msk $0xffff, v45;
	vm0 =	veq.s32 v47, v50;
	v40 =	vor.u32 v4, v40  }
0x27f: {  	[tilespmem:v38+s20+$0x0] =	vst.idx.add.f32.msk $0xffff, v35;
	v35 =	vsel vm0, $0x10001, v3  }
0x280: {  	[tilespmem:v34+s19+$0x0] =	vst.idx.add.s32.msk $0xffff, v46  }
0x281: {  	[tilespmem:v34+s20+$0x0] =	vst.idx.add.f32.msk $0xffff, v32;
	vm0 =	veq.s32 v51, v43  }
0x282: {  	[tilespmem:v31+s19+$0x0] =	vst.idx.add.s32.msk $0xffff, v49;
	vm1 =	veq.s32 v39, v52;
	v32 =	vsel vm0, $0x10001, v3  }
0x283: {  	v34 =	vsel vm1, $0x10001, v3;
	[tilespmem:v40+s19+$0x0] =	vst.idx.add.s32.msk $0xffff, v32  }
0x284: {  	[tilespmem:v40+s20+$0x0] =	vst.idx.add.f32.msk $0xffff, v37  }
0x285: {  	v32 =	vld [tilespmem:s31+$0x1A0]  }
0x286: {  	[tilespmem:v31+s20+$0x0] =	vst.idx.add.f32.msk $0xffff, v30  }
0x287: {  	[tilespmem:v33+s19+$0x0] =	vst.idx.add.s32.msk $0xffff, v48  }
0x288: {  	[tilespmem:v33+s20+$0x0] =	vst.idx.add.f32.msk $0xffff, v29  }
0x289: {  	[tilespmem:v36+s19+$0x0] =	vst.idx.add.s32.msk $0xffff, v44  }
0x28a: {  	[tilespmem:v36+s20+$0x0] =	vst.idx.add.f32.msk $0xffff, v28;
	v28 =	vmul.f32 $2.400000000e+02, v32  }
0x28b: {  	[tilespmem:v41+s19+$0x0] =	vst.idx.add.s32.msk $0xffff, v35  }
0x28c: {  	[tilespmem:v41+s20+$0x0] =	vst.idx.add.f32.msk $0xffff, v26;
	v26 =	vtrunc.f32 v28  }
0x28d: {  	v28 =	vld [tilespmem:s28+$0x1A0];
	v26 =	vcvt.f32.s32 v26  }
0x28e: {  	v29 =	vld [tilespmem:s29+$0x1A0]  }
0x28f: {  	[tilespmem:v42+s19+$0x0] =	vst.idx.add.s32.msk $0xffff, v34;
	v26 =	vand.u32 $0xFFFFFDF0, v26  }
0x290: {  	[tilespmem:v42+s20+$0x0] =	vst.idx.add.f32.msk $0xffff, v0;
	v30 =	vor.u32 v5, v26  }
0x291: {  	v31 =	vld [tilespmem:s31+$0xFFFFFE10]  }
0x292: {  	v33 =	vld [tilespmem:s31+$0xFFFFFE90]  }
0x293: {  	v26 =	vld [tilespmem:s31+$0xFFFFFF10];
	vm0 =	veq.s32 v28, v29  }
0x294: {  	v0 =	vld [tilespmem:s31+$0xFFFFFF90];
	v28 =	vsel vm0, $0x10001, v3  }
0x295: {  	[tilespmem:v30+s19+$0x0] =	vst.idx.add.s32.msk $0xffff, v28  }
0x296: {  	v28 =	vmul.f32 $2.400000000e+02, v31;
	[tilespmem:v30+s20+$0x0] =	vst.idx.add.f32.msk $0xffff, v32  }
0x297: {  	v29 =	vmul.f32 $2.400000000e+02, v33;
	v32 =	vld [tilespmem:s31+$0x1B0]  }
0x298: {  	v30 =	vtrunc.f32 v28;
	v34 =	vmul.f32 $2.400000000e+02, v26;
	v28 =	vld [tilespmem:s31+$0x10]  }
0x299: {  	v35 =	vtrunc.f32 v29;
	v36 =	vmul.f32 $2.400000000e+02, v0;
	v29 =	vld [tilespmem:s31+$0x90]  }
0x29a: {  	v37 =	vcvt.f32.s32 v30;
	v34 =	vtrunc.f32 v34;
	v30 =	vld [tilespmem:s31+$0x110]  }
0x29b: {  	v35 =	vcvt.f32.s32 v35;
	v38 =	vld [tilespmem:s28+$0xFFFFFE10];
	v36 =	vtrunc.f32 v36  }
0x29c: {  	v37 =	vand.u32 $0xFFFFFEF0, v37;
	v34 =	vcvt.f32.s32 v34;
	v39 =	vld [tilespmem:s29+$0xFFFFFE10];
	v40 =	vmul.f32 $2.400000000e+02, v32  }
0x29d: {  	v35 =	vand.u32 $0xFFFFFEF0, v35;
	v36 =	vcvt.f32.s32 v36;
	v41 =	vld [tilespmem:s28+$0xFFFFFE90];
	v42 =	vmul.f32 $2.400000000e+02, v28  }
0x29e: {  	v34 =	vand.u32 $0xFFFFFEF0, v34;
	v43 =	vld [tilespmem:s29+$0xFFFFFE90];
	v44 =	vmul.f32 $2.400000000e+02, v29;
	v40 =	vtrunc.f32 v40  }
0x29f: {  	v36 =	vand.u32 $0xFFFFFEF0, v36;
	v45 =	vmul.f32 $2.400000000e+02, v30;
	v46 =	vld [tilespmem:s28+$0x1B0];
	v40 =	vcvt.f32.s32 v40  }
0x2a0: {  	v37 =	vor.u32 v4, v37;
	v42 =	vtrunc.f32 v42;
	v44 =	vtrunc.f32 v44;
	v47 =	vld [tilespmem:s29+$0x1B0]  }
0x2a1: {  	v42 =	vcvt.f32.s32 v42;
	v48 =	vld [tilespmem:s28+$0xFFFFFF10];
	v45 =	vtrunc.f32 v45;
	v40 =	vand.u32 $0xFFFFFCF0, v40  }
0x2a2: {  	v44 =	vcvt.f32.s32 v44;
	v49 =	vld [tilespmem:s29+$0xFFFFFF10];
	v45 =	vcvt.f32.s32 v45;
	v40 =	vor.u32 v6, v40  }
0x2a3: {  	vm0 =	veq.s32 v38, v39;
	v39 =	vand.u32 $0xFFFFFEF0, v42;
	vm1 =	veq.s32 v41, v43;
	v38 =	vld [tilespmem:s28+$0xFFFFFF90]  }
0x2a4: {  	v35 =	vor.u32 v4, v35;
	v42 =	vand.u32 $0xFFFFFEF0, v44;
	v41 =	vld [tilespmem:s29+$0xFFFFFF90];
	v43 =	vand.u32 $0xFFFFFEF0, v45  }
0x2a5: {  	v34 =	vor.u32 v4, v34;
	v36 =	vor.u32 v4, v36;
	v44 =	vld [tilespmem:s28+$0x10];
	vm2 =	veq.s32 v46, v47  }
0x2a6: {  	v39 =	vor.u32 v4, v39;
	v42 =	vor.u32 v4, v42;
	v45 =	vld [tilespmem:s29+$0x10];
	v46 =	vsel vm2, $0x10001, v3  }
0x2a7: {  	v47 =	vsel vm0, $0x10001, v3;
	v43 =	vor.u32 v4, v43;
	vm0 =	veq.s32 v48, v49;
	[tilespmem:v40+s19+$0x0] =	vst.idx.add.s32.msk $0xffff, v46  }
0x2a8: {  	v46 =	vsel vm1, $0x10001, v3;
	v48 =	vsel vm0, $0x10001, v3;
	[tilespmem:v40+s20+$0x0] =	vst.idx.add.f32.msk $0xffff, v32  }
0x2a9: {  	vm0 =	veq.s32 v38, v41;
	v32 =	vld [tilespmem:s31+$0x1C0]  }
0x2aa: {  	v38 =	vsel vm0, $0x10001, v3;
	v40 =	vld [tilespmem:s28+$0x90]  }
0x2ab: {  	vm0 =	veq.s32 v44, v45;
	v41 =	vld [tilespmem:s29+$0x90]  }
0x2ac: {  	v44 =	vsel vm0, $0x10001, v3;
	v45 =	vld [tilespmem:s28+$0x110]  }
0x2ad: {  	v49 =	vld [tilespmem:s29+$0x110]  }
0x2ae: {  	[tilespmem:v37+s19+$0x0] =	vst.idx.add.s32.msk $0xffff, v47;
	v47 =	vmul.f32 $2.400000000e+02, v32  }
0x2af: {  	[tilespmem:v37+s20+$0x0] =	vst.idx.add.f32.msk $0xffff, v31  }
0x2b0: {  	[tilespmem:v35+s19+$0x0] =	vst.idx.add.s32.msk $0xffff, v46;
	vm0 =	veq.s32 v40, v41;
	v31 =	vtrunc.f32 v47  }
0x2b1: {  	v37 =	vsel vm0, $0x10001, v3;
	v40 =	vld [tilespmem:s28+$0x1C0];
	v31 =	vcvt.f32.s32 v31  }
0x2b2: {  	vm0 =	veq.s32 v45, v49;
	v41 =	vld [tilespmem:s29+$0x1C0]  }
0x2b3: {  	[tilespmem:v35+s20+$0x0] =	vst.idx.add.f32.msk $0xffff, v33;
	v33 =	vsel vm0, $0x10001, v3;
	v31 =	vand.u32 $0xFFFFFBF0, v31  }
0x2b4: {  	[tilespmem:v34+s19+$0x0] =	vst.idx.add.s32.msk $0xffff, v48;
	v31 =	vor.u32 v7, v31  }
0x2b5: {  	[tilespmem:v34+s20+$0x0] =	vst.idx.add.f32.msk $0xffff, v26  }
0x2b6: {  	[tilespmem:v36+s19+$0x0] =	vst.idx.add.s32.msk $0xffff, v38  }
0x2b7: {  	[tilespmem:v36+s20+$0x0] =	vst.idx.add.f32.msk $0xffff, v0;
	vm0 =	veq.s32 v40, v41  }
0x2b8: {  	[tilespmem:v39+s19+$0x0] =	vst.idx.add.s32.msk $0xffff, v44;
	v0 =	vsel vm0, $0x10001, v3  }
0x2b9: {  	[tilespmem:v31+s19+$0x0] =	vst.idx.add.s32.msk $0xffff, v0  }
0x2ba: {  	[tilespmem:v31+s20+$0x0] =	vst.idx.add.f32.msk $0xffff, v32  }
0x2bb: {  	v31 =	vld [tilespmem:s31+$0x1D0]  }
0x2bc: {  	[tilespmem:v39+s20+$0x0] =	vst.idx.add.f32.msk $0xffff, v28  }
0x2bd: {  	[tilespmem:v42+s19+$0x0] =	vst.idx.add.s32.msk $0xffff, v37  }
0x2be: {  	[tilespmem:v42+s20+$0x0] =	vst.idx.add.f32.msk $0xffff, v29  }
0x2bf: {  	[tilespmem:v43+s19+$0x0] =	vst.idx.add.s32.msk $0xffff, v33  }
0x2c0: {  	[tilespmem:v43+s20+$0x0] =	vst.idx.add.f32.msk $0xffff, v30;
	v0 =	vmul.f32 $2.400000000e+02, v31  }
0x2c1: {  	v30 =	vld [tilespmem:s31+$0xFFFFFE20]  }
0x2c2: {  	v32 =	vld [tilespmem:s31+$0xFFFFFEA0];
	v0 =	vtrunc.f32 v0  }
0x2c3: {  	v33 =	vld [tilespmem:s28+$0x1D0];
	v0 =	vcvt.f32.s32 v0  }
0x2c4: {  	v34 =	vld [tilespmem:s29+$0x1D0]  }
0x2c5: {  	v35 =	vld [tilespmem:s31+$0xFFFFFF20];
	v0 =	vand.u32 $0xFFFFFAF0, v0  }
0x2c6: {  	v26 =	vmul.f32 $2.400000000e+02, v30;
	v29 =	vld [tilespmem:s31+$0xFFFFFFA0];
	v36 =	vor.u32 v8, v0  }
0x2c7: {  	v0 =	vmul.f32 $2.400000000e+02, v32;
	v28 =	vld [tilespmem:s31+$0x20]  }
0x2c8: {  	v37 =	vtrunc.f32 v26;
	v26 =	vld [tilespmem:s31+$0xA0]  }
0x2c9: {  	v37 =	vcvt.f32.s32 v37;
	v38 =	vtrunc.f32 v0;
	v0 =	vld [tilespmem:s31+$0x120];
	vm0 =	veq.s32 v33, v34  }
0x2ca: {  	v33 =	vld [tilespmem:s28+$0xFFFFFE20];
	v34 =	vcvt.f32.s32 v38;
	v38 =	vmul.f32 $2.400000000e+02, v35;
	v39 =	vsel vm0, $0x10001, v3  }
0x2cb: {  	v37 =	vand.u32 $0xFFFFFDF0, v37;
	v40 =	vmul.f32 $2.400000000e+02, v29;
	[tilespmem:v36+s19+$0x0] =	vst.idx.add.s32.msk $0xffff, v39  }
0x2cc: {  	v34 =	vand.u32 $0xFFFFFDF0, v34;
	v38 =	vtrunc.f32 v38;
	v39 =	vmul.f32 $2.400000000e+02, v28;
	[tilespmem:v36+s20+$0x0] =	vst.idx.add.f32.msk $0xffff, v31  }
0x2cd: {  	v31 =	vor.u32 v5, v37;
	v36 =	vtrunc.f32 v40;
	v37 =	vmul.f32 $2.400000000e+02, v26;
	v40 =	vld [tilespmem:s31+$0x1E0]  }
0x2ce: {  	v34 =	vor.u32 v5, v34;
	v41 =	vld [tilespmem:s29+$0xFFFFFE20];
	v39 =	vtrunc.f32 v39;
	v42 =	vmul.f32 $2.400000000e+02, v0  }
0x2cf: {  	v38 =	vcvt.f32.s32 v38;
	v43 =	vld [tilespmem:s28+$0xFFFFFEA0];
	v37 =	vtrunc.f32 v37  }
0x2d0: {  	v36 =	vcvt.f32.s32 v36;
	v44 =	vld [tilespmem:s29+$0xFFFFFEA0];
	v42 =	vtrunc.f32 v42  }
0x2d1: {  	v38 =	vand.u32 $0xFFFFFDF0, v38;
	v39 =	vcvt.f32.s32 v39;
	v37 =	vcvt.f32.s32 v37;
	v45 =	vld [tilespmem:s28+$0xFFFFFF20]  }
0x2d2: {  	v36 =	vand.u32 $0xFFFFFDF0, v36;
	v42 =	vcvt.f32.s32 v42;
	v46 =	vld [tilespmem:s29+$0xFFFFFF20];
	v47 =	vmul.f32 $2.400000000e+02, v40  }
0x2d3: {  	v39 =	vand.u32 $0xFFFFFDF0, v39;
	v37 =	vand.u32 $0xFFFFFDF0, v37;
	vm0 =	veq.s32 v33, v41;
	v33 =	vld [tilespmem:s28+$0xFFFFFFA0]  }
0x2d4: {  	v38 =	vor.u32 v5, v38;
	v42 =	vand.u32 $0xFFFFFDF0, v42;
	v41 =	vld [tilespmem:s29+$0xFFFFFFA0];
	v47 =	vtrunc.f32 v47  }
0x2d5: {  	v36 =	vor.u32 v5, v36;
	vm1 =	veq.s32 v43, v44;
	v43 =	vld [tilespmem:s28+$0x1E0];
	v44 =	vcvt.f32.s32 v47  }
0x2d6: {  	v39 =	vor.u32 v5, v39;
	v37 =	vor.u32 v5, v37;
	v42 =	vor.u32 v5, v42;
	v47 =	vld [tilespmem:s29+$0x1E0]  }
0x2d7: {  	v48 =	vsel vm0, $0x10001, v3;
	vm0 =	veq.s32 v45, v46;
	v45 =	vld [tilespmem:s28+$0x20];
	v44 =	vand.u32 $0xFFFFF9F0, v44  }
0x2d8: {  	v46 =	vsel vm1, $0x10001, v3;
	v49 =	vsel vm0, $0x10001, v3;
	v50 =	vld [tilespmem:s29+$0x20];
	v44 =	vor.u32 v9, v44  }
0x2d9: {  	vm0 =	veq.s32 v33, v41;
	v33 =	vld [tilespmem:s28+$0xA0]  }
0x2da: {  	v41 =	vsel vm0, $0x10001, v3;
	v51 =	vld [tilespmem:s29+$0xA0]  }
0x2db: {  	v52 =	vld [tilespmem:s28+$0x120];
	vm0 =	veq.s32 v43, v47  }
0x2dc: {  	v43 =	vld [tilespmem:s29+$0x120];
	v47 =	vsel vm0, $0x10001, v3  }
0x2dd: {  	vm0 =	veq.s32 v45, v50;
	[tilespmem:v44+s19+$0x0] =	vst.idx.add.s32.msk $0xffff, v47  }
0x2de: {  	v45 =	vsel vm0, $0x10001, v3;
	[tilespmem:v44+s20+$0x0] =	vst.idx.add.f32.msk $0xffff, v40  }
0x2df: {  	vm0 =	veq.s32 v33, v51;
	v33 =	vld [tilespmem:s31+$0x1F0]  }
0x2e0: {  	[tilespmem:v31+s19+$0x0] =	vst.idx.add.s32.msk $0xffff, v48;
	v40 =	vsel vm0, $0x10001, v3  }
0x2e1: {  	[tilespmem:v31+s20+$0x0] =	vst.idx.add.f32.msk $0xffff, v30;
	vm0 =	veq.s32 v52, v43  }
0x2e2: {  	[tilespmem:v34+s19+$0x0] =	vst.idx.add.s32.msk $0xffff, v46;
	v30 =	vsel vm0, $0x10001, v3  }
0x2e3: {  	[tilespmem:v34+s20+$0x0] =	vst.idx.add.f32.msk $0xffff, v32  }
0x2e4: {  	[tilespmem:v38+s19+$0x0] =	vst.idx.add.s32.msk $0xffff, v49;
	v31 =	vmul.f32 $2.400000000e+02, v33  }
0x2e5: {  	[tilespmem:v38+s20+$0x0] =	vst.idx.add.f32.msk $0xffff, v35  }
0x2e6: {  	[tilespmem:v36+s19+$0x0] =	vst.idx.add.s32.msk $0xffff, v41;
	v31 =	vtrunc.f32 v31  }
0x2e7: {  	v32 =	vld [tilespmem:s28+$0x1F0];
	v31 =	vcvt.f32.s32 v31  }
0x2e8: {  	v34 =	vld [tilespmem:s29+$0x1F0]  }
0x2e9: {  	[tilespmem:v36+s20+$0x0] =	vst.idx.add.f32.msk $0xffff, v29;
	v29 =	vand.u32 $0xFFFFF8F0, v31  }
0x2ea: {  	[tilespmem:v39+s19+$0x0] =	vst.idx.add.s32.msk $0xffff, v45;
	v29 =	vor.u32 v10, v29  }
0x2eb: {  	[tilespmem:v39+s20+$0x0] =	vst.idx.add.f32.msk $0xffff, v28  }
0x2ec: {  	[tilespmem:v37+s19+$0x0] =	vst.idx.add.s32.msk $0xffff, v40  }
0x2ed: {  	[tilespmem:v37+s20+$0x0] =	vst.idx.add.f32.msk $0xffff, v26;
	vm0 =	veq.s32 v32, v34  }
0x2ee: {  	[tilespmem:v42+s19+$0x0] =	vst.idx.add.s32.msk $0xffff, v30;
	v26 =	vsel vm0, $0x10001, v3  }
0x2ef: {  	[tilespmem:v29+s19+$0x0] =	vst.idx.add.s32.msk $0xffff, v26  }
0x2f0: {  	[tilespmem:v29+s20+$0x0] =	vst.idx.add.f32.msk $0xffff, v33  }
0x2f1: {  	[tilespmem:v42+s20+$0x0] =	vst.idx.add.f32.msk $0xffff, v0  }
0x2f2: {  	v0 =	vld [tilespmem:s31+$0xFFFFFE30]  }
0x2f3: {  	v26 =	vld [tilespmem:s31+$0xFFFFFEB0]  }
0x2f4: {  	v28 =	vld [tilespmem:s31+$0xFFFFFF30]  }
0x2f5: {  	v29 =	vld [tilespmem:s31+$0xFFFFFFB0]  }
0x2f6: {  	v30 =	vld [tilespmem:s31+$0x30]  }
0x2f7: {  	v31 =	vmul.f32 $2.400000000e+02, v0;
	v32 =	vld [tilespmem:s31+$0xB0]  }
0x2f8: {  	v33 =	vmul.f32 $2.400000000e+02, v26;
	v34 =	vld [tilespmem:s31+$0x130]  }
0x2f9: {  	v35 =	vld [tilespmem:s28+$0xFFFFFE30];
	v31 =	vtrunc.f32 v31;
	v36 =	vmul.f32 $2.400000000e+02, v28  }
0x2fa: {  	v37 =	vld [tilespmem:s29+$0xFFFFFE30];
	v33 =	vtrunc.f32 v33;
	v38 =	vmul.f32 $2.400000000e+02, v29  }
0x2fb: {  	v39 =	vld [tilespmem:s28+$0xFFFFFEB0];
	v36 =	vtrunc.f32 v36;
	v40 =	vmul.f32 $2.400000000e+02, v30  }
0x2fc: {  	v41 =	vld [tilespmem:s29+$0xFFFFFEB0];
	v38 =	vtrunc.f32 v38;
	v42 =	vmul.f32 $2.400000000e+02, v32  }
0x2fd: {  	v43 =	vld [tilespmem:s28+$0xFFFFFF30];
	v40 =	vtrunc.f32 v40;
	v44 =	vmul.f32 $2.400000000e+02, v34  }
0x2fe: {  	v31 =	vcvt.f32.s32 v31;
	v45 =	vld [tilespmem:s29+$0xFFFFFF30];
	v42 =	vtrunc.f32 v42  }
0x2ff: {  	v33 =	vcvt.f32.s32 v33;
	vm0 =	veq.s32 v35, v37;
	v35 =	vld [tilespmem:s28+$0xFFFFFFB0];
	v37 =	vtrunc.f32 v44  }
0x300: {  	v31 =	vand.u32 $0xFFFFFCF0, v31;
	v36 =	vcvt.f32.s32 v36;
	v38 =	vcvt.f32.s32 v38;
	v44 =	vld [tilespmem:s29+$0xFFFFFFB0]  }
0x301: {  	v33 =	vand.u32 $0xFFFFFCF0, v33;
	v40 =	vcvt.f32.s32 v40;
	v42 =	vcvt.f32.s32 v42;
	v46 =	vld [tilespmem:s28+$0x30]  }
0x302: {  	v36 =	vand.u32 $0xFFFFFCF0, v36;
	v38 =	vand.u32 $0xFFFFFCF0, v38;
	v37 =	vcvt.f32.s32 v37;
	v47 =	vld [tilespmem:s29+$0x30]  }
0x303: {  	vm1 =	veq.s32 v39, v41;
	v39 =	vand.u32 $0xFFFFFCF0, v40;
	v41 =	vand.u32 $0xFFFFFCF0, v42;
	v40 =	vld [tilespmem:s28+$0xB0]  }
0x304: {  	v31 =	vor.u32 v6, v31;
	v37 =	vand.u32 $0xFFFFFCF0, v37;
	vm2 =	veq.s32 v43, v45;
	v42 =	vld [tilespmem:s29+$0xB0]  }
0x305: {  	v33 =	vor.u32 v6, v33;
	v36 =	vor.u32 v6, v36;
	vm3 =	veq.s32 v35, v44;
	v35 =	vld [tilespmem:s28+$0x130]  }
0x306: {  	v38 =	vor.u32 v6, v38;
	v39 =	vor.u32 v6, v39;
	v41 =	vor.u32 v6, v41;
	v43 =	vld [tilespmem:s29+$0x130]  }
0x307: {  	v37 =	vor.u32 v6, v37;
	v44 =	vsel vm0, $0x10001, v3;
	vm0 =	veq.s32 v46, v47;
	[tilespmem:v24+s19+$0x0] =	vst.idx.add.s32.msk $0xffff, v25  }
0x308: {  	v45 =	vsel vm2, $0x10001, v3;
	v25 =	vsel vm1, $0x10001, v3;
	v46 =	vsel vm3, $0x10001, v3;
	[tilespmem:v24+s20+$0x0] =	vst.idx.add.f32.msk $0xffff, v21  }
0x309: {  	v21 =	vsel vm0, $0x10001, v3;
	[tilespmem:v31+s19+$0x0] =	vst.idx.add.s32.msk $0xffff, v44;
	vm0 =	veq.s32 v40, v42  }
0x30a: {  	[tilespmem:v31+s20+$0x0] =	vst.idx.add.f32.msk $0xffff, v0;
	v0 =	vsel vm0, $0x10001, v3  }
0x30b: {  	[tilespmem:v33+s19+$0x0] =	vst.idx.add.s32.msk $0xffff, v25;
	vm0 =	veq.s32 v35, v43  }
0x30c: {  	[tilespmem:v33+s20+$0x0] =	vst.idx.add.f32.msk $0xffff, v26;
	v24 =	vsel vm0, $0x10001, v3  }
0x30d: {  	[tilespmem:v36+s19+$0x0] =	vst.idx.add.s32.msk $0xffff, v45  }
0x30e: {  	[tilespmem:v36+s20+$0x0] =	vst.idx.add.f32.msk $0xffff, v28  }
0x30f: {  	[tilespmem:v38+s19+$0x0] =	vst.idx.add.s32.msk $0xffff, v46  }
0x310: {  	[tilespmem:v38+s20+$0x0] =	vst.idx.add.f32.msk $0xffff, v29  }
0x311: {  	[tilespmem:v39+s19+$0x0] =	vst.idx.add.s32.msk $0xffff, v21  }
0x312: {  	[tilespmem:v39+s20+$0x0] =	vst.idx.add.f32.msk $0xffff, v30  }
0x313: {  	[tilespmem:v41+s19+$0x0] =	vst.idx.add.s32.msk $0xffff, v0  }
0x314: {  	[tilespmem:v41+s20+$0x0] =	vst.idx.add.f32.msk $0xffff, v32  }
0x315: {  	[tilespmem:v37+s19+$0x0] =	vst.idx.add.s32.msk $0xffff, v24  }
0x316: {  	[tilespmem:v37+s20+$0x0] =	vst.idx.add.f32.msk $0xffff, v34  }
0x317: {  	v0 =	vld [tilespmem:s31+$0xFFFFFE40]  }
0x318: {  	v21 =	vld [tilespmem:s31+$0xFFFFFEC0]  }
0x319: {  	v24 =	vld [tilespmem:s31+$0xFFFFFF40]  }
0x31a: {  	v25 =	vld [tilespmem:s31+$0xFFFFFFC0]  }
0x31b: {  	v26 =	vld [tilespmem:s31+$0x40]  }
0x31c: {  	v28 =	vmul.f32 $2.400000000e+02, v0;
	v29 =	vld [tilespmem:s31+$0xC0]  }
0x31d: {  	v30 =	vmul.f32 $2.400000000e+02, v21;
	v31 =	vld [tilespmem:s31+$0x140]  }
0x31e: {  	v32 =	vld [tilespmem:s28+$0xFFFFFE40];
	v28 =	vtrunc.f32 v28;
	v33 =	vmul.f32 $2.400000000e+02, v24  }
0x31f: {  	v34 =	vld [tilespmem:s29+$0xFFFFFE40];
	v30 =	vtrunc.f32 v30;
	v35 =	vmul.f32 $2.400000000e+02, v25  }
0x320: {  	v36 =	vld [tilespmem:s28+$0xFFFFFEC0];
	v33 =	vtrunc.f32 v33;
	v37 =	vmul.f32 $2.400000000e+02, v26  }
0x321: {  	v38 =	vld [tilespmem:s29+$0xFFFFFEC0];
	v35 =	vtrunc.f32 v35;
	v39 =	vmul.f32 $2.400000000e+02, v29  }
0x322: {  	v40 =	vld [tilespmem:s28+$0xFFFFFF40];
	v37 =	vtrunc.f32 v37;
	v41 =	vmul.f32 $2.400000000e+02, v31  }
0x323: {  	v28 =	vcvt.f32.s32 v28;
	v42 =	vld [tilespmem:s29+$0xFFFFFF40];
	v39 =	vtrunc.f32 v39  }
0x324: {  	v30 =	vcvt.f32.s32 v30;
	vm0 =	veq.s32 v32, v34;
	v32 =	vld [tilespmem:s28+$0xFFFFFFC0];
	v34 =	vtrunc.f32 v41  }
0x325: {  	v28 =	vand.u32 $0xFFFFFBF0, v28;
	v33 =	vcvt.f32.s32 v33;
	v35 =	vcvt.f32.s32 v35;
	v41 =	vld [tilespmem:s29+$0xFFFFFFC0]  }
0x326: {  	v30 =	vand.u32 $0xFFFFFBF0, v30;
	v37 =	vcvt.f32.s32 v37;
	v39 =	vcvt.f32.s32 v39;
	v43 =	vld [tilespmem:s28+$0x40]  }
0x327: {  	v33 =	vand.u32 $0xFFFFFBF0, v33;
	v35 =	vand.u32 $0xFFFFFBF0, v35;
	v34 =	vcvt.f32.s32 v34;
	v44 =	vld [tilespmem:s29+$0x40]  }
0x328: {  	vm1 =	veq.s32 v36, v38;
	v36 =	vand.u32 $0xFFFFFBF0, v37;
	v38 =	vand.u32 $0xFFFFFBF0, v39;
	v37 =	vld [tilespmem:s28+$0xC0]  }
0x329: {  	v28 =	vor.u32 v7, v28;
	v34 =	vand.u32 $0xFFFFFBF0, v34;
	vm2 =	veq.s32 v40, v42;
	v39 =	vld [tilespmem:s29+$0xC0]  }
0x32a: {  	v30 =	vor.u32 v7, v30;
	v33 =	vor.u32 v7, v33;
	vm3 =	veq.s32 v32, v41;
	v32 =	vld [tilespmem:s28+$0x140]  }
0x32b: {  	v35 =	vor.u32 v7, v35;
	v36 =	vor.u32 v7, v36;
	v38 =	vor.u32 v7, v38;
	v40 =	vld [tilespmem:s29+$0x140]  }
0x32c: {  	v34 =	vor.u32 v7, v34;
	v41 =	vsel vm0, $0x10001, v3;
	vm0 =	veq.s32 v43, v44;
	[tilespmem:v22+s19+$0x0] =	vst.idx.add.s32.msk $0xffff, v23  }
0x32d: {  	v42 =	vsel vm2, $0x10001, v3;
	v23 =	vsel vm1, $0x10001, v3;
	v43 =	vsel vm3, $0x10001, v3;
	[tilespmem:v22+s20+$0x0] =	vst.idx.add.f32.msk $0xffff, v18  }
0x32e: {  	v18 =	vsel vm0, $0x10001, v3;
	[tilespmem:v28+s19+$0x0] =	vst.idx.add.s32.msk $0xffff, v41;
	vm0 =	veq.s32 v37, v39  }
0x32f: {  	[tilespmem:v28+s20+$0x0] =	vst.idx.add.f32.msk $0xffff, v0;
	v0 =	vsel vm0, $0x10001, v3  }
0x330: {  	[tilespmem:v30+s19+$0x0] =	vst.idx.add.s32.msk $0xffff, v23;
	vm0 =	veq.s32 v32, v40  }
0x331: {  	[tilespmem:v30+s20+$0x0] =	vst.idx.add.f32.msk $0xffff, v21;
	v21 =	vsel vm0, $0x10001, v3  }
0x332: {  	[tilespmem:v33+s19+$0x0] =	vst.idx.add.s32.msk $0xffff, v42  }
0x333: {  	[tilespmem:v33+s20+$0x0] =	vst.idx.add.f32.msk $0xffff, v24  }
0x334: {  	[tilespmem:v35+s19+$0x0] =	vst.idx.add.s32.msk $0xffff, v43  }
0x335: {  	[tilespmem:v35+s20+$0x0] =	vst.idx.add.f32.msk $0xffff, v25  }
0x336: {  	[tilespmem:v36+s19+$0x0] =	vst.idx.add.s32.msk $0xffff, v18  }
0x337: {  	[tilespmem:v36+s20+$0x0] =	vst.idx.add.f32.msk $0xffff, v26  }
0x338: {  	[tilespmem:v38+s19+$0x0] =	vst.idx.add.s32.msk $0xffff, v0  }
0x339: {  	[tilespmem:v38+s20+$0x0] =	vst.idx.add.f32.msk $0xffff, v29  }
0x33a: {  	[tilespmem:v34+s19+$0x0] =	vst.idx.add.s32.msk $0xffff, v21  }
0x33b: {  	[tilespmem:v34+s20+$0x0] =	vst.idx.add.f32.msk $0xffff, v31  }
0x33c: {  	v0 =	vld [tilespmem:s31+$0xFFFFFE50]  }
0x33d: {  	v18 =	vld [tilespmem:s31+$0xFFFFFED0]  }
0x33e: {  	v21 =	vld [tilespmem:s31+$0xFFFFFF50]  }
0x33f: {  	v22 =	vld [tilespmem:s31+$0xFFFFFFD0]  }
0x340: {  	v23 =	vld [tilespmem:s31+$0x50]  }
0x341: {  	v24 =	vmul.f32 $2.400000000e+02, v0;
	v25 =	vld [tilespmem:s31+$0xD0]  }
0x342: {  	v26 =	vmul.f32 $2.400000000e+02, v18;
	v28 =	vld [tilespmem:s31+$0x150]  }
0x343: {  	v29 =	vld [tilespmem:s28+$0xFFFFFE50];
	v24 =	vtrunc.f32 v24;
	v30 =	vmul.f32 $2.400000000e+02, v21  }
0x344: {  	v31 =	vld [tilespmem:s29+$0xFFFFFE50];
	v26 =	vtrunc.f32 v26;
	v32 =	vmul.f32 $2.400000000e+02, v22  }
0x345: {  	v33 =	vld [tilespmem:s28+$0xFFFFFED0];
	v30 =	vtrunc.f32 v30;
	v34 =	vmul.f32 $2.400000000e+02, v23  }
0x346: {  	v35 =	vld [tilespmem:s29+$0xFFFFFED0];
	v32 =	vtrunc.f32 v32;
	v36 =	vmul.f32 $2.400000000e+02, v25  }
0x347: {  	v37 =	vld [tilespmem:s28+$0xFFFFFF50];
	v34 =	vtrunc.f32 v34;
	v38 =	vmul.f32 $2.400000000e+02, v28  }
0x348: {  	v24 =	vcvt.f32.s32 v24;
	v39 =	vld [tilespmem:s29+$0xFFFFFF50];
	v36 =	vtrunc.f32 v36  }
0x349: {  	v26 =	vcvt.f32.s32 v26;
	vm0 =	veq.s32 v29, v31;
	v29 =	vld [tilespmem:s28+$0xFFFFFFD0];
	v31 =	vtrunc.f32 v38  }
0x34a: {  	v24 =	vand.u32 $0xFFFFFAF0, v24;
	v30 =	vcvt.f32.s32 v30;
	v32 =	vcvt.f32.s32 v32;
	v38 =	vld [tilespmem:s29+$0xFFFFFFD0]  }
0x34b: {  	v26 =	vand.u32 $0xFFFFFAF0, v26;
	v34 =	vcvt.f32.s32 v34;
	v36 =	vcvt.f32.s32 v36;
	v40 =	vld [tilespmem:s28+$0x50]  }
0x34c: {  	v30 =	vand.u32 $0xFFFFFAF0, v30;
	v32 =	vand.u32 $0xFFFFFAF0, v32;
	v31 =	vcvt.f32.s32 v31;
	v41 =	vld [tilespmem:s29+$0x50]  }
0x34d: {  	vm1 =	veq.s32 v33, v35;
	v33 =	vand.u32 $0xFFFFFAF0, v34;
	v35 =	vand.u32 $0xFFFFFAF0, v36;
	v34 =	vld [tilespmem:s28+$0xD0]  }
0x34e: {  	v24 =	vor.u32 v8, v24;
	v31 =	vand.u32 $0xFFFFFAF0, v31;
	vm2 =	veq.s32 v37, v39;
	v36 =	vld [tilespmem:s29+$0xD0]  }
0x34f: {  	v26 =	vor.u32 v8, v26;
	v30 =	vor.u32 v8, v30;
	vm3 =	veq.s32 v29, v38;
	v29 =	vld [tilespmem:s28+$0x150]  }
0x350: {  	v32 =	vor.u32 v8, v32;
	v33 =	vor.u32 v8, v33;
	v35 =	vor.u32 v8, v35;
	v37 =	vld [tilespmem:s29+$0x150]  }
0x351: {  	v31 =	vor.u32 v8, v31;
	v38 =	vsel vm0, $0x10001, v3;
	vm0 =	veq.s32 v40, v41;
	[tilespmem:v19+s19+$0x0] =	vst.idx.add.s32.msk $0xffff, v20  }
0x352: {  	v39 =	vsel vm2, $0x10001, v3;
	v20 =	vsel vm1, $0x10001, v3;
	v40 =	vsel vm3, $0x10001, v3;
	[tilespmem:v19+s20+$0x0] =	vst.idx.add.f32.msk $0xffff, v15  }
0x353: {  	v15 =	vsel vm0, $0x10001, v3;
	[tilespmem:v24+s19+$0x0] =	vst.idx.add.s32.msk $0xffff, v38;
	vm0 =	veq.s32 v34, v36  }
0x354: {  	[tilespmem:v24+s20+$0x0] =	vst.idx.add.f32.msk $0xffff, v0;
	v0 =	vsel vm0, $0x10001, v3  }
0x355: {  	[tilespmem:v26+s19+$0x0] =	vst.idx.add.s32.msk $0xffff, v20;
	vm0 =	veq.s32 v29, v37  }
0x356: {  	[tilespmem:v26+s20+$0x0] =	vst.idx.add.f32.msk $0xffff, v18;
	v18 =	vsel vm0, $0x10001, v3  }
0x357: {  	[tilespmem:v30+s19+$0x0] =	vst.idx.add.s32.msk $0xffff, v39  }
0x358: {  	[tilespmem:v30+s20+$0x0] =	vst.idx.add.f32.msk $0xffff, v21  }
0x359: {  	[tilespmem:v32+s19+$0x0] =	vst.idx.add.s32.msk $0xffff, v40  }
0x35a: {  	[tilespmem:v32+s20+$0x0] =	vst.idx.add.f32.msk $0xffff, v22  }
0x35b: {  	[tilespmem:v33+s19+$0x0] =	vst.idx.add.s32.msk $0xffff, v15  }
0x35c: {  	[tilespmem:v33+s20+$0x0] =	vst.idx.add.f32.msk $0xffff, v23  }
0x35d: {  	[tilespmem:v35+s19+$0x0] =	vst.idx.add.s32.msk $0xffff, v0  }
0x35e: {  	[tilespmem:v35+s20+$0x0] =	vst.idx.add.f32.msk $0xffff, v25  }
0x35f: {  	[tilespmem:v31+s19+$0x0] =	vst.idx.add.s32.msk $0xffff, v18  }
0x360: {  	[tilespmem:v31+s20+$0x0] =	vst.idx.add.f32.msk $0xffff, v28  }
0x361: {  	v0 =	vld [tilespmem:s31+$0xFFFFFE60]  }
0x362: {  	v15 =	vld [tilespmem:s31+$0xFFFFFEE0]  }
0x363: {  	v18 =	vld [tilespmem:s31+$0xFFFFFF60]  }
0x364: {  	v19 =	vld [tilespmem:s31+$0xFFFFFFE0]  }
0x365: {  	v20 =	vld [tilespmem:s31+$0x60]  }
0x366: {  	v21 =	vmul.f32 $2.400000000e+02, v0;
	v22 =	vld [tilespmem:s31+$0xE0]  }
0x367: {  	v23 =	vmul.f32 $2.400000000e+02, v15;
	v24 =	vld [tilespmem:s31+$0x160]  }
0x368: {  	v25 =	vld [tilespmem:s28+$0xFFFFFE60];
	v21 =	vtrunc.f32 v21;
	v26 =	vmul.f32 $2.400000000e+02, v18  }
0x369: {  	v28 =	vld [tilespmem:s29+$0xFFFFFE60];
	v23 =	vtrunc.f32 v23;
	v29 =	vmul.f32 $2.400000000e+02, v19  }
0x36a: {  	v30 =	vld [tilespmem:s28+$0xFFFFFEE0];
	v26 =	vtrunc.f32 v26;
	v31 =	vmul.f32 $2.400000000e+02, v20  }
0x36b: {  	v32 =	vld [tilespmem:s29+$0xFFFFFEE0];
	v29 =	vtrunc.f32 v29;
	v33 =	vmul.f32 $2.400000000e+02, v22  }
0x36c: {  	v34 =	vld [tilespmem:s28+$0xFFFFFF60];
	v31 =	vtrunc.f32 v31;
	v35 =	vmul.f32 $2.400000000e+02, v24  }
0x36d: {  	v21 =	vcvt.f32.s32 v21;
	v36 =	vld [tilespmem:s29+$0xFFFFFF60];
	v33 =	vtrunc.f32 v33  }
0x36e: {  	v23 =	vcvt.f32.s32 v23;
	vm0 =	veq.s32 v25, v28;
	v25 =	vld [tilespmem:s28+$0xFFFFFFE0];
	v28 =	vtrunc.f32 v35  }
0x36f: {  	v21 =	vand.u32 $0xFFFFF9F0, v21;
	v26 =	vcvt.f32.s32 v26;
	v29 =	vcvt.f32.s32 v29;
	v35 =	vld [tilespmem:s29+$0xFFFFFFE0]  }
0x370: {  	v23 =	vand.u32 $0xFFFFF9F0, v23;
	v31 =	vcvt.f32.s32 v31;
	v33 =	vcvt.f32.s32 v33;
	v37 =	vld [tilespmem:s28+$0x60]  }
0x371: {  	v26 =	vand.u32 $0xFFFFF9F0, v26;
	v29 =	vand.u32 $0xFFFFF9F0, v29;
	v28 =	vcvt.f32.s32 v28;
	v38 =	vld [tilespmem:s29+$0x60]  }
0x372: {  	vm1 =	veq.s32 v30, v32;
	v30 =	vand.u32 $0xFFFFF9F0, v31;
	v32 =	vand.u32 $0xFFFFF9F0, v33;
	v31 =	vld [tilespmem:s28+$0xE0]  }
0x373: {  	v21 =	vor.u32 v9, v21;
	v28 =	vand.u32 $0xFFFFF9F0, v28;
	vm2 =	veq.s32 v34, v36;
	v33 =	vld [tilespmem:s29+$0xE0]  }
0x374: {  	v23 =	vor.u32 v9, v23;
	v26 =	vor.u32 v9, v26;
	vm3 =	veq.s32 v25, v35;
	v25 =	vld [tilespmem:s28+$0x160]  }
0x375: {  	v29 =	vor.u32 v9, v29;
	v30 =	vor.u32 v9, v30;
	v32 =	vor.u32 v9, v32;
	v34 =	vld [tilespmem:s29+$0x160]  }
0x376: {  	v28 =	vor.u32 v9, v28;
	v35 =	vsel vm0, $0x10001, v3;
	vm0 =	veq.s32 v37, v38;
	[tilespmem:v16+s19+$0x0] =	vst.idx.add.s32.msk $0xffff, v17  }
0x377: {  	v36 =	vsel vm2, $0x10001, v3;
	v17 =	vsel vm1, $0x10001, v3;
	v37 =	vsel vm3, $0x10001, v3;
	[tilespmem:v16+s20+$0x0] =	vst.idx.add.f32.msk $0xffff, v12  }
0x378: {  	v12 =	vsel vm0, $0x10001, v3;
	[tilespmem:v21+s19+$0x0] =	vst.idx.add.s32.msk $0xffff, v35;
	vm0 =	veq.s32 v31, v33  }
0x379: {  	[tilespmem:v21+s20+$0x0] =	vst.idx.add.f32.msk $0xffff, v0;
	v0 =	vsel vm0, $0x10001, v3  }
0x37a: {  	[tilespmem:v23+s19+$0x0] =	vst.idx.add.s32.msk $0xffff, v17;
	vm0 =	veq.s32 v25, v34  }
0x37b: {  	[tilespmem:v23+s20+$0x0] =	vst.idx.add.f32.msk $0xffff, v15;
	v15 =	vsel vm0, $0x10001, v3  }
0x37c: {  	[tilespmem:v26+s19+$0x0] =	vst.idx.add.s32.msk $0xffff, v36  }
0x37d: {  	[tilespmem:v26+s20+$0x0] =	vst.idx.add.f32.msk $0xffff, v18  }
0x37e: {  	[tilespmem:v29+s19+$0x0] =	vst.idx.add.s32.msk $0xffff, v37  }
0x37f: {  	[tilespmem:v29+s20+$0x0] =	vst.idx.add.f32.msk $0xffff, v19  }
0x380: {  	[tilespmem:v30+s19+$0x0] =	vst.idx.add.s32.msk $0xffff, v12  }
0x381: {  	[tilespmem:v30+s20+$0x0] =	vst.idx.add.f32.msk $0xffff, v20  }
0x382: {  	[tilespmem:v32+s19+$0x0] =	vst.idx.add.s32.msk $0xffff, v0  }
0x383: {  	[tilespmem:v32+s20+$0x0] =	vst.idx.add.f32.msk $0xffff, v22  }
0x384: {  	[tilespmem:v28+s19+$0x0] =	vst.idx.add.s32.msk $0xffff, v15  }
0x385: {  	[tilespmem:v28+s20+$0x0] =	vst.idx.add.f32.msk $0xffff, v24  }
0x386: {  	v0 =	vld [tilespmem:s31+$0xFFFFFE70]  }
0x387: {  	v26 =	vld [tilespmem:s31+$0xFFFFFEF0]  }
0x388: {  	v21 =	vld [tilespmem:s31+$0xFFFFFF70]  }
0x389: {  	v18 =	vld [tilespmem:s31+$0xFFFFFFF0]  }
0x38a: {  	v15 =	vld [tilespmem:s31+$0x70]  }
0x38b: {  	v16 =	vmul.f32 $2.400000000e+02, v0;
	v12 =	vld [tilespmem:s31+$0xF0]  }
0x38c: {  	v17 =	vmul.f32 $2.400000000e+02, v26;
	v20 =	vld [tilespmem:s31+$0x170]  }
0x38d: {  	v19 =	vld [tilespmem:s28+$0xFFFFFE70];
	v16 =	vtrunc.f32 v16;
	v22 =	vmul.f32 $2.400000000e+02, v21  }
0x38e: {  	v23 =	vld [tilespmem:s29+$0xFFFFFE70];
	v17 =	vtrunc.f32 v17;
	v24 =	vmul.f32 $2.400000000e+02, v18  }
0x38f: {  	v25 =	vld [tilespmem:s28+$0xFFFFFEF0];
	v22 =	vtrunc.f32 v22;
	v28 =	vmul.f32 $2.400000000e+02, v15  }
0x390: {  	v29 =	vld [tilespmem:s29+$0xFFFFFEF0];
	v24 =	vtrunc.f32 v24;
	v30 =	vmul.f32 $2.400000000e+02, v12  }
0x391: {  	v31 =	vld [tilespmem:s28+$0xFFFFFF70];
	v28 =	vtrunc.f32 v28;
	v32 =	vmul.f32 $2.400000000e+02, v20  }
0x392: {  	v16 =	vcvt.f32.s32 v16;
	v33 =	vld [tilespmem:s29+$0xFFFFFF70];
	v30 =	vtrunc.f32 v30  }
0x393: {  	v17 =	vcvt.f32.s32 v17;
	vm0 =	veq.s32 v19, v23;
	v19 =	vld [tilespmem:s28+$0xFFFFFFF0];
	v23 =	vtrunc.f32 v32  }
0x394: {  	v16 =	vand.u32 $0xFFFFF8F0, v16;
	v22 =	vcvt.f32.s32 v22;
	v24 =	vcvt.f32.s32 v24;
	v32 =	vld [tilespmem:s29+$0xFFFFFFF0]  }
0x395: {  	v17 =	vand.u32 $0xFFFFF8F0, v17;
	v28 =	vcvt.f32.s32 v28;
	v30 =	vcvt.f32.s32 v30;
	v34 =	vld [tilespmem:s28+$0x70]  }
0x396: {  	v22 =	vand.u32 $0xFFFFF8F0, v22;
	v35 =	vand.u32 $0xFFFFF8F0, v24;
	v23 =	vcvt.f32.s32 v23;
	v36 =	vld [tilespmem:s29+$0x70]  }
0x397: {  	vm1 =	veq.s32 v25, v29;
	v25 =	vand.u32 $0xFFFFF8F0, v28;
	v29 =	vand.u32 $0xFFFFF8F0, v30;
	v28 =	vld [tilespmem:s28+$0xF0]  }
0x398: {  	v30 =	vor.u32 v10, v16;
	v23 =	vand.u32 $0xFFFFF8F0, v23;
	vm2 =	veq.s32 v31, v33;
	v31 =	vld [tilespmem:s29+$0xF0]  }
0x399: {  	v24 =	vor.u32 v10, v22;
	v33 =	vor.u32 v10, v17;
	vm3 =	veq.s32 v19, v32;
	v32 =	vld [tilespmem:s28+$0x170]  }
0x39a: {  	v22 =	vor.u32 v10, v35;
	v16 =	vor.u32 v10, v29;
	v19 =	vor.u32 v10, v25;
	v29 =	vld [tilespmem:s29+$0x170]  }
0x39b: {  	v17 =	vsel vm0, $0x10001, v3;
	vm0 =	veq.s32 v34, v36;
	v34 =	vor.u32 v10, v23;
	[tilespmem:v13+s19+$0x0] =	vst.idx.add.s32.msk $0xffff, v14  }
.Ltmp0:
0x39c: {  	v25 =	vsel vm2, $0x10001, v3;
	v14 =	vsel vm1, $0x10001, v3;
	v23 =	vsel vm3, $0x10001, v3;
	[tilespmem:v13+s20+$0x0] =	vst.idx.add.f32.msk $0xffff, v11;
	v11 =	vmovc v20;
	v13 =	vmovc v34;
	(pc) =	sbr.rel @p0 .LBB2_3-.Ltmp0, $4  }
0x39d: {  	v20 =	vsel vm0, $0x10001, v3;
	[tilespmem:v30+s19+$0x0] =	vst.idx.add.s32.msk $0xffff, v17;
	vm0 =	veq.s32 v28, v31  }
0x39e: {  	[tilespmem:v30+s20+$0x0] =	vst.idx.add.f32.msk $0xffff, v0;
	v17 =	vsel vm0, $0x10001, v3  }
0x39f: {  	[tilespmem:v33+s19+$0x0] =	vst.idx.add.s32.msk $0xffff, v14;
	vm0 =	veq.s32 v32, v29  }
0x3a0: {  	s31 =	sadd.s32 $0x400, s31;
	[tilespmem:v33+s20+$0x0] =	vst.idx.add.f32.msk $0xffff, v26;
	v14 =	vsel vm0, $0x10001, v3  }
0x3a1: {  	_ =	sdelay $0x3  }
0x3a2: {  	[tilespmem:v24+s19+$0x0] =	vst.idx.add.s32.msk $0xffff, v25  }
0x3a3: {  	[tilespmem:v22+s19+$0x0] =	vst.idx.add.s32.msk $0xffff, v23  }
0x3a4: {  	[tilespmem:v19+s19+$0x0] =	vst.idx.add.s32.msk $0xffff, v20  }
0x3a5: {  	[tilespmem:v16+s19+$0x0] =	vst.idx.add.s32.msk $0xffff, v17  }
0x3a6: {  	[tilespmem:v13+s19+$0x0] =	vst.idx.add.s32.msk $0xffff, v14  }
0x3a7: {  	[tilespmem:v24+s20+$0x0] =	vst.idx.add.f32.msk $0xffff, v21  }
0x3a8: {  	p0 =	seq.s32 s25, $0xF;
	[tilespmem:v22+s20+$0x0] =	vst.idx.add.f32.msk $0xffff, v18  }
0x3a9: {  	[tilespmem:v19+s20+$0x0] =	vst.idx.add.f32.msk $0xffff, v15;
	s26 =	sadd.s32 @!p0 s26, s10  }
0x3aa: {  	[tilespmem:v16+s20+$0x0] =	vst.idx.add.f32.msk $0xffff, v12;
	s26 =	sshrl.u32 @!p0 s26, $0x3  }
0x3ab: {  	[tilespmem:v13+s20+$0x0] =	vst.idx.add.f32.msk $0xffff, v11;
	s29 =	simm.s32 @!p0 $0x0;
	s28 =	sadd.s32 @!p0 s2, s26  }
0x3ac: {  	[tilespmem:s29], [sflag:$0x1] =	stream.linear.gather @!p0 [hbm4b:s28+s29], $0x4000, $0x38;
	[tilespmem:$0x1A800] =	vst v63  }
0x3ad: {  	s30 =	simm.s32 @!p0 $0x8000;
	s28 =	sadd.s32 @!p0 s1, s26  }
0x3ae: {  	[tilespmem:s30], [sflag:$0x1] =	stream.linear.gather @!p0 [hbm4b:s28+s29], $0x4000, $0x38;
	[tilespmem:$0x1A800] =	vst v63  }
0x3af: {  	s26 =	sadd.s32 @!p0 s4, s26;
	s28 =	simm.s32 @!p0 $0x10000  }
0x3b0: {  	[tilespmem:s28], [sflag:$0x1] =	stream.linear.gather @!p0 [hbm4b:s26+s29], $0x4000, $0x38;
	[tilespmem:$0x1A800] =	vst v63  }
0x3b1: {  	_ =	swait.ge [sflag:s21], $0x4000  }
0x3b2: {  	[sflag:s21] =	ssyncset.done $0x0  }
0x3b3: {  	[sflag:s21] =	ssyncadd.s32 $0xFFFFC000  }
0x3b4: {  	_ =	swait.ge [sflag:s21], $0x4000  }
0x3b5: {  	[sflag:s21] =	ssyncset.done $0x0  }
0x3b6: {  	[sflag:s21] =	ssyncadd.s32 $0xFFFFC000  }
0x3b7: {  	_ =	swait.ge [sflag:s21], $0x4000  }
0x3b8: {  	[sflag:s21] =	ssyncset.done $0x0  }
0x3b9: {  	s29 =	simm.s32 $0x4200;
	[sflag:s21] =	ssyncadd.s32 $0xFFFFC000  }
0x3ba: {  	v0 =	vld [tilespmem:s29+$0x180]  }
0x3bb: {  	v11 =	vld [tilespmem:s29+$0xFFFFFE80]  }
0x3bc: {  	v12 =	vld [tilespmem:s29+$0xFFFFFF00]  }
0x3bd: {  	v13 =	vld [tilespmem:s29+$0xFFFFFF80]  }
0x3be: {  	v14 =	vld [tilespmem:s29+$0x0]  }
0x3bf: {  	v16 =	vld [tilespmem:s29+$0x80];
	v15 =	vmul.f32 $2.400000000e+02, v0  }
0x3c0: {  	s26 =	simm.s32 $0xC200;
	v17 =	vld [tilespmem:s29+$0x100]  }
0x3c1: {  	s28 =	simm.s32 $0x14200;
	v18 =	vld [tilespmem:s26+$0x180];
	v15 =	vtrunc.f32 v15  }
0x3c2: {  	v19 =	vld [tilespmem:s28+$0x180];
	v15 =	vcvt.f32.s32 v15  }
0x3c3: {  	v20 =	vld [tilespmem:s29+$0xFFFFFE00]  }
0x3c4: {  	v21 =	vld [tilespmem:s26+$0xFFFFFE00];
	v15 =	vand.u32 $0xFFFFFFF0, v15  }
0x3c5: {  	v22 =	vld [tilespmem:s28+$0xFFFFFE00];
	v15 =	vor.u32 v1, v15  }
0x3c6: {  	v23 =	vld [tilespmem:s26+$0xFFFFFE80]  }
0x3c7: {  	v24 =	vld [tilespmem:s28+$0xFFFFFE80]  }
0x3c8: {  	v25 =	vld [tilespmem:s26+$0xFFFFFF80];
	vm0 =	veq.s32 v18, v19  }
0x3c9: {  	v28 =	vld [tilespmem:s28+$0xFFFFFF80];
	v19 =	vsel vm0, $0x10001, v3  }
0x3ca: {  	[tilespmem:v15+s19+$0x0] =	vst.idx.add.s32.msk $0xffff, v19  }
0x3cb: {  	v19 =	vmul.f32 $2.400000000e+02, v20;
	[tilespmem:v15+s20+$0x0] =	vst.idx.add.f32.msk $0xffff, v0  }
0x3cc: {  	v0 =	vld [tilespmem:s29+$0x190]  }
0x3cd: {  	v29 =	vld [tilespmem:s26+$0x0];
	v15 =	vtrunc.f32 v19  }
0x3ce: {  	v30 =	vld [tilespmem:s28+$0x0];
	v26 =	vmul.f32 $2.400000000e+02, v11;
	v15 =	vcvt.f32.s32 v15  }
0x3cf: {  	v32 =	vld [tilespmem:s26+$0x80]  }
0x3d0: {  	v34 =	vld [tilespmem:s28+$0x80];
	v26 =	vtrunc.f32 v26;
	v15 =	vand.u32 $0xFFFFFFF0, v15  }
0x3d1: {  	v37 =	vld [tilespmem:s26+$0x100];
	v26 =	vcvt.f32.s32 v26;
	v15 =	vor.u32 v1, v15;
	v31 =	vmul.f32 $2.400000000e+02, v0  }
0x3d2: {  	v18 =	vld [tilespmem:s26+$0xFFFFFF00];
	v33 =	vmul.f32 $2.400000000e+02, v12  }
0x3d3: {  	vm4 =	veq.s32 v21, v22;
	v26 =	vand.u32 $0xFFFFFFF0, v26;
	v19 =	vld [tilespmem:s28+$0xFFFFFF00];
	v31 =	vtrunc.f32 v31  }
0x3d4: {  	v33 =	vtrunc.f32 v33;
	v26 =	vor.u32 v1, v26;
	v21 =	vld [tilespmem:s26+$0x190];
	v22 =	vcvt.f32.s32 v31  }
0x3d5: {  	v36 =	vmul.f32 $2.400000000e+02, v13;
	v42 =	vsel vm4, $0x10001, v3;
	v33 =	vcvt.f32.s32 v33;
	v35 =	vld [tilespmem:s28+$0x190]  }
0x3d6: {  	v43 =	vmul.f32 $2.400000000e+02, v14;
	vm5 =	veq.s32 v23, v24;
	[tilespmem:v15+s19+$0x0] =	vst.idx.add.s32.msk $0xffff, v42;
	v22 =	vand.u32 $0xFFFFFEF0, v22  }
0x3d7: {  	v24 =	vtrunc.f32 v36;
	[tilespmem:v15+s20+$0x0] =	vst.idx.add.f32.msk $0xffff, v20;
	v20 =	vand.u32 $0xFFFFFFF0, v33;
	v22 =	vor.u32 v4, v22  }
0x3d8: {  	v44 =	vld [tilespmem:s28+$0x100];
	v15 =	vcvt.f32.s32 v24;
	v24 =	vsel vm5, $0x10001, v3;
	v20 =	vor.u32 v1, v20  }
0x3d9: {  	[tilespmem:v26+s19+$0x0] =	vst.idx.add.s32.msk $0xffff, v24  }
0x3da: {  	vm6 =	veq.s32 v21, v35;
	v31 =	vtrunc.f32 v43;
	[tilespmem:v26+s20+$0x0] =	vst.idx.add.f32.msk $0xffff, v11  }
0x3db: {  	vm7 =	veq.s32 v18, v19;
	v21 =	vcvt.f32.s32 v31;
	v11 =	vsel vm6, $0x10001, v3;
	v24 =	vld [tilespmem:s28+$0xFFFFFE90]  }
0x3dc: {  	v19 =	vsel vm7, $0x10001, v3;
	v15 =	vand.u32 $0xFFFFFFF0, v15;
	[tilespmem:v22+s19+$0x0] =	vst.idx.add.s32.msk $0xffff, v11  }
0x3dd: {  	v23 =	vmul.f32 $2.400000000e+02, v16;
	v21 =	vand.u32 $0xFFFFFFF0, v21;
	v15 =	vor.u32 v1, v15;
	[tilespmem:v20+s19+$0x0] =	vst.idx.add.s32.msk $0xffff, v19  }
0x3de: {  	v18 =	vor.u32 v1, v21;
	[tilespmem:v22+s20+$0x0] =	vst.idx.add.f32.msk $0xffff, v0  }
0x3df: {  	v23 =	vtrunc.f32 v23;
	[tilespmem:v20+s20+$0x0] =	vst.idx.add.f32.msk $0xffff, v12  }
0x3e0: {  	vm8 =	veq.s32 v25, v28;
	v11 =	vcvt.f32.s32 v23;
	v21 =	vld [tilespmem:s29+$0x1A0]  }
0x3e1: {  	vm9 =	veq.s32 v29, v30;
	v19 =	vsel vm8, $0x10001, v3;
	v20 =	vld [tilespmem:s28+$0xFFFFFE10]  }
0x3e2: {  	v12 =	vsel vm9, $0x10001, v3;
	v11 =	vand.u32 $0xFFFFFFF0, v11;
	[tilespmem:v15+s19+$0x0] =	vst.idx.add.s32.msk $0xffff, v19  }
0x3e3: {  	[tilespmem:v18+s19+$0x0] =	vst.idx.add.s32.msk $0xffff, v12;
	v11 =	vor.u32 v1, v11  }
0x3e4: {  	v25 =	vld [tilespmem:s26+$0xFFFFFF10]  }
0x3e5: {  	[tilespmem:v15+s20+$0x0] =	vst.idx.add.f32.msk $0xffff, v13;
	v12 =	vmul.f32 $2.400000000e+02, v21  }
0x3e6: {  	vm10 =	veq.s32 v32, v34;
	[tilespmem:v18+s20+$0x0] =	vst.idx.add.f32.msk $0xffff, v14  }
0x3e7: {  	v13 =	vsel vm10, $0x10001, v3;
	v14 =	vld [tilespmem:s28+$0x1A0];
	v12 =	vtrunc.f32 v12  }
0x3e8: {  	[tilespmem:v11+s19+$0x0] =	vst.idx.add.s32.msk $0xffff, v13;
	v12 =	vcvt.f32.s32 v12  }
0x3e9: {  	v13 =	vld [tilespmem:s26+$0x1A0]  }
0x3ea: {  	[tilespmem:v11+s20+$0x0] =	vst.idx.add.f32.msk $0xffff, v16;
	v11 =	vand.u32 $0xFFFFFDF0, v12  }
0x3eb: {  	v0 =	vmul.f32 $2.400000000e+02, v17;
	v26 =	vld [tilespmem:s28+$0xFFFFFF10];
	v11 =	vor.u32 v5, v11  }
0x3ec: {  	v18 =	vld [tilespmem:s26+$0xFFFFFE10]  }
0x3ed: {  	v0 =	vtrunc.f32 v0;
	v46 =	vld [tilespmem:s26+$0xFFFFFF90]  }
0x3ee: {  	v0 =	vcvt.f32.s32 v0;
	v47 =	vld [tilespmem:s28+$0xFFFFFF90];
	vm12 =	veq.s32 v13, v14  }
0x3ef: {  	v51 =	vld [tilespmem:s28+$0x10];
	v14 =	vsel vm12, $0x10001, v3  }
0x3f0: {  	v0 =	vand.u32 $0xFFFFFFF0, v0;
	[tilespmem:v11+s19+$0x0] =	vst.idx.add.s32.msk $0xffff, v14  }
0x3f1: {  	v0 =	vor.u32 v1, v0;
	[tilespmem:v11+s20+$0x0] =	vst.idx.add.f32.msk $0xffff, v21  }
0x3f2: {  	v11 =	vld [tilespmem:s29+$0x1B0]  }
0x3f3: {  	v16 =	vld [tilespmem:s29+$0x90]  }
0x3f4: {  	vm11 =	veq.s32 v37, v44;
	v52 =	vld [tilespmem:s26+$0x90]  }
0x3f5: {  	v15 =	vsel vm11, $0x10001, v3;
	v53 =	vld [tilespmem:s28+$0x90]  }
0x3f6: {  	[tilespmem:v0+s19+$0x0] =	vst.idx.add.s32.msk $0xffff, v15  }
0x3f7: {  	v12 =	vld [tilespmem:s29+$0xFFFFFE90];
	v19 =	vmul.f32 $2.400000000e+02, v11  }
0x3f8: {  	[tilespmem:v0+s20+$0x0] =	vst.idx.add.f32.msk $0xffff, v17  }
0x3f9: {  	v0 =	vld [tilespmem:s29+$0xFFFFFE10];
	v19 =	vtrunc.f32 v19  }
0x3fa: {  	v22 =	vld [tilespmem:s26+$0x1B0];
	v19 =	vcvt.f32.s32 v19  }
0x3fb: {  	v23 =	vld [tilespmem:s28+$0x1B0]  }
0x3fc: {  	v15 =	vld [tilespmem:s29+$0x10];
	v19 =	vand.u32 $0xFFFFFCF0, v19  }
0x3fd: {  	v13 =	vld [tilespmem:s29+$0xFFFFFF10];
	v19 =	vor.u32 v6, v19  }
0x3fe: {  	v17 =	vld [tilespmem:s29+$0x110];
	v49 =	vmul.f32 $2.400000000e+02, v12  }
0x3ff: {  	vm14 =	veq.s32 v18, v20;
	v18 =	vld [tilespmem:s26+$0x110];
	v45 =	vmul.f32 $2.400000000e+02, v0  }
0x400: {  	v14 =	vld [tilespmem:s29+$0xFFFFFF90];
	v28 =	vtrunc.f32 v49;
	vm13 =	veq.s32 v22, v23  }
0x401: {  	v21 =	vld [tilespmem:s26+$0xFFFFFE90];
	v28 =	vcvt.f32.s32 v28;
	v22 =	vtrunc.f32 v45;
	v48 =	vsel vm13, $0x10001, v3  }
0x402: {  	v22 =	vcvt.f32.s32 v22;
	[tilespmem:v19+s19+$0x0] =	vst.idx.add.s32.msk $0xffff, v48  }
0x403: {  	v28 =	vand.u32 $0xFFFFFEF0, v28;
	[tilespmem:v19+s20+$0x0] =	vst.idx.add.f32.msk $0xffff, v11;
	v11 =	vmul.f32 $2.400000000e+02, v13  }
0x404: {  	v55 =	vld [tilespmem:s28+$0x110];
	v20 =	vor.u32 v4, v28;
	v19 =	vand.u32 $0xFFFFFEF0, v22  }
0x405: {  	v23 =	vld [tilespmem:s26+$0x10];
	v19 =	vor.u32 v4, v19;
	v11 =	vtrunc.f32 v11  }
0x406: {  	v50 =	vmul.f32 $2.400000000e+02, v14;
	v22 =	vld [tilespmem:s29+$0x1C0];
	v11 =	vcvt.f32.s32 v11  }
0x407: {  	v57 =	vmul.f32 $2.400000000e+02, v15;
	vm15 =	veq.s32 v21, v24;
	v21 =	vld [tilespmem:s26+$0x1C0]  }
0x408: {  	v31 =	vtrunc.f32 v50;
	v58 =	vsel vm15, $0x10001, v3;
	v59 =	vld [tilespmem:s28+$0x1C0];
	v11 =	vand.u32 $0xFFFFFEF0, v11  }
0x409: {  	v54 =	vsel vm14, $0x10001, v3;
	v31 =	vcvt.f32.s32 v31;
	[tilespmem:v20+s19+$0x0] =	vst.idx.add.s32.msk $0xffff, v58;
	v11 =	vor.u32 v4, v11  }
0x40a: {  	vm4 =	veq.s32 v25, v26;
	v28 =	vtrunc.f32 v57;
	[tilespmem:v19+s19+$0x0] =	vst.idx.add.s32.msk $0xffff, v54  }
0x40b: {  	v24 =	vmul.f32 $2.400000000e+02, v16;
	v56 =	vmul.f32 $2.400000000e+02, v22;
	[tilespmem:v19+s20+$0x0] =	vst.idx.add.f32.msk $0xffff, v0;
	v19 =	vand.u32 $0xFFFFFEF0, v31  }
0x40c: {  	v26 =	vsel vm4, $0x10001, v3;
	v25 =	vcvt.f32.s32 v28;
	[tilespmem:v20+s20+$0x0] =	vst.idx.add.f32.msk $0xffff, v12;
	v19 =	vor.u32 v4, v19  }
0x40d: {  	v20 =	vtrunc.f32 v24;
	vm6 =	veq.s32 v21, v59;
	v21 =	vld [tilespmem:s28+$0xFFFFFEA0];
	v0 =	vtrunc.f32 v56  }
0x40e: {  	v20 =	vcvt.f32.s32 v20;
	v0 =	vcvt.f32.s32 v0;
	[tilespmem:v11+s19+$0x0] =	vst.idx.add.s32.msk $0xffff, v26  }
0x40f: {  	vm5 =	veq.s32 v46, v47;
	v12 =	vmul.f32 $2.400000000e+02, v17;
	v24 =	vand.u32 $0xFFFFFEF0, v25;
	[tilespmem:v11+s20+$0x0] =	vst.idx.add.f32.msk $0xffff, v13  }
0x410: {  	v25 =	vsel vm5, $0x10001, v3;
	v0 =	vand.u32 $0xFFFFFBF0, v0;
	v13 =	vand.u32 $0xFFFFFEF0, v20;
	v20 =	vld [tilespmem:s26+$0xFFFFFEA0]  }
0x411: {  	v0 =	vor.u32 v7, v0;
	[tilespmem:v19+s19+$0x0] =	vst.idx.add.s32.msk $0xffff, v25  }
0x412: {  	v11 =	vtrunc.f32 v12;
	v12 =	vor.u32 v4, v24;
	v24 =	vld [tilespmem:s28+$0xFFFFFF20]  }
0x413: {  	[tilespmem:v19+s20+$0x0] =	vst.idx.add.f32.msk $0xffff, v14  }
0x414: {  	v25 =	vld [tilespmem:s26+$0xFFFFFFA0]  }
0x415: {  	v14 =	vsel vm6, $0x10001, v3;
	v63 =	vld [tilespmem:s28+$0xFFFFFFA0]  }
0x416: {  	v11 =	vcvt.f32.s32 v11;
	[tilespmem:v0+s19+$0x0] =	vst.idx.add.s32.msk $0xffff, v14  }
0x417: {  	v13 =	vor.u32 v4, v13;
	[tilespmem:v0+s20+$0x0] =	vst.idx.add.f32.msk $0xffff, v22  }
0x418: {  	vm7 =	veq.s32 v23, v51;
	v11 =	vand.u32 $0xFFFFFEF0, v11;
	v22 =	vld [tilespmem:s26+$0xFFFFFF20]  }
0x419: {  	v0 =	vor.u32 v4, v11;
	v11 =	vsel vm7, $0x10001, v3;
	v14 =	vld [tilespmem:s29+$0x1D0]  }
0x41a: {  	vm8 =	veq.s32 v52, v53;
	[tilespmem:v12+s19+$0x0] =	vst.idx.add.s32.msk $0xffff, v11  }
0x41b: {  	v11 =	vsel vm8, $0x10001, v3;
	[tilespmem:v12+s20+$0x0] =	vst.idx.add.f32.msk $0xffff, v15  }
0x41c: {  	vm9 =	veq.s32 v18, v55;
	[tilespmem:v13+s19+$0x0] =	vst.idx.add.s32.msk $0xffff, v11  }
0x41d: {  	v11 =	vsel vm9, $0x10001, v3;
	v12 =	vld [tilespmem:s26+$0x1D0]  }
0x41e: {  	[tilespmem:v0+s19+$0x0] =	vst.idx.add.s32.msk $0xffff, v11;
	v11 =	vmul.f32 $2.400000000e+02, v14  }
0x41f: {  	v15 =	vld [tilespmem:s29+$0xFFFFFEA0]  }
0x420: {  	[tilespmem:v13+s20+$0x0] =	vst.idx.add.f32.msk $0xffff, v16;
	v11 =	vtrunc.f32 v11  }
0x421: {  	v13 =	vld [tilespmem:s28+$0x1D0];
	v11 =	vcvt.f32.s32 v11  }
0x422: {  	v16 =	vld [tilespmem:s29+$0xFFFFFF20]  }
0x423: {  	v18 =	vld [tilespmem:s29+$0x20];
	v11 =	vand.u32 $0xFFFFFAF0, v11  }
0x424: {  	v40 =	vld [tilespmem:s26+$0x20];
	v11 =	vor.u32 v8, v11  }
0x425: {  	v41 =	vld [tilespmem:s28+$0x20]  }
0x426: {  	[tilespmem:v0+s20+$0x0] =	vst.idx.add.f32.msk $0xffff, v17  }
0x427: {  	v0 =	vld [tilespmem:s29+$0xFFFFFE20];
	vm10 =	veq.s32 v12, v13  }
0x428: {  	v17 =	vld [tilespmem:s29+$0xFFFFFFA0];
	v13 =	vsel vm10, $0x10001, v3  }
0x429: {  	[tilespmem:v11+s19+$0x0] =	vst.idx.add.s32.msk $0xffff, v13  }
0x42a: {  	v62 =	vmul.f32 $2.400000000e+02, v15;
	[tilespmem:v11+s20+$0x0] =	vst.idx.add.f32.msk $0xffff, v14  }
0x42b: {  	v26 =	vld [tilespmem:s26+$0x1E0]  }
0x42c: {  	v30 =	vtrunc.f32 v62;
	v61 =	vld [tilespmem:s28+$0x1E0]  }
0x42d: {  	v30 =	vcvt.f32.s32 v30;
	v13 =	vld [tilespmem:s26+$0xFFFFFE20]  }
0x42e: {  	v44 =	vmul.f32 $2.400000000e+02, v17;
	v11 =	vld [tilespmem:s29+$0x1E0]  }
0x42f: {  	v42 =	vmul.f32 $2.400000000e+02, v16;
	v30 =	vand.u32 $0xFFFFFDF0, v30;
	v14 =	vld [tilespmem:s28+$0xFFFFFE20]  }
0x430: {  	vm13 =	veq.s32 v20, v21;
	v19 =	vld [tilespmem:s29+$0xA0];
	v48 =	vtrunc.f32 v44;
	v30 =	vor.u32 v5, v30  }
0x431: {  	v43 =	vld [tilespmem:s26+$0xA0];
	v34 =	vcvt.f32.s32 v48;
	vm11 =	veq.s32 v26, v61;
	v26 =	vtrunc.f32 v42  }
0x432: {  	v21 =	vsel vm13, $0x10001, v3;
	v45 =	vld [tilespmem:s28+$0xA0];
	v26 =	vcvt.f32.s32 v26  }
0x433: {  	v46 =	vld [tilespmem:s26+$0x120];
	v60 =	vmul.f32 $2.400000000e+02, v0;
	v34 =	vand.u32 $0xFFFFFDF0, v34;
	v23 =	vmul.f32 $2.400000000e+02, v11  }
0x434: {  	v49 =	vld [tilespmem:s28+$0x120];
	v20 =	vor.u32 v5, v34;
	vm12 =	veq.s32 v13, v14;
	v26 =	vand.u32 $0xFFFFFDF0, v26  }
0x435: {  	v12 =	vld [tilespmem:s29+$0x120];
	v23 =	vtrunc.f32 v23;
	v14 =	vor.u32 v5, v26;
	v26 =	vmul.f32 $2.400000000e+02, v19  }
0x436: {  	vm15 =	veq.s32 v25, v63;
	[tilespmem:v30+s19+$0x0] =	vst.idx.add.s32.msk $0xffff, v21;
	v23 =	vcvt.f32.s32 v23  }
0x437: {  	vm14 =	veq.s32 v22, v24;
	v28 =	vtrunc.f32 v60;
	[tilespmem:v30+s20+$0x0] =	vst.idx.add.f32.msk $0xffff, v15;
	v21 =	vtrunc.f32 v26  }
0x438: {  	v24 =	vld [tilespmem:s28+$0xFFFFFEB0];
	v23 =	vand.u32 $0xFFFFF9F0, v23;
	v15 =	vcvt.f32.s32 v21;
	v21 =	vsel vm15, $0x10001, v3  }
0x439: {  	v22 =	vsel vm14, $0x10001, v3;
	v28 =	vcvt.f32.s32 v28;
	v23 =	vor.u32 v9, v23;
	[tilespmem:v20+s19+$0x0] =	vst.idx.add.s32.msk $0xffff, v21  }
0x43a: {  	[tilespmem:v14+s19+$0x0] =	vst.idx.add.s32.msk $0xffff, v22  }
0x43b: {  	v28 =	vand.u32 $0xFFFFFDF0, v28;
	[tilespmem:v20+s20+$0x0] =	vst.idx.add.f32.msk $0xffff, v17  }
0x43c: {  	v28 =	vor.u32 v5, v28;
	[tilespmem:v14+s20+$0x0] =	vst.idx.add.f32.msk $0xffff, v16  }
0x43d: {  	v47 =	vsel vm11, $0x10001, v3;
	v51 =	vld [tilespmem:s26+$0xFFFFFFB0]  }
0x43e: {  	[tilespmem:v23+s19+$0x0] =	vst.idx.add.s32.msk $0xffff, v47  }
0x43f: {  	[tilespmem:v23+s20+$0x0] =	vst.idx.add.f32.msk $0xffff, v11;
	v11 =	vmul.f32 $2.400000000e+02, v18  }
0x440: {  	v53 =	vld [tilespmem:s28+$0xFFFFFFB0];
	v23 =	vsel vm12, $0x10001, v3  }
0x441: {  	[tilespmem:v28+s19+$0x0] =	vst.idx.add.s32.msk $0xffff, v23;
	v11 =	vtrunc.f32 v11  }
0x442: {  	[tilespmem:v28+s20+$0x0] =	vst.idx.add.f32.msk $0xffff, v0;
	v0 =	vcvt.f32.s32 v11;
	v11 =	vmul.f32 $2.400000000e+02, v12  }
0x443: {  	v25 =	vld [tilespmem:s26+$0xFFFFFF30]  }
0x444: {  	v14 =	vand.u32 $0xFFFFFDF0, v15;
	v50 =	vld [tilespmem:s28+$0xFFFFFF30];
	v11 =	vtrunc.f32 v11  }
0x445: {  	v15 =	vor.u32 v5, v14;
	v13 =	vld [tilespmem:s29+$0x1F0];
	v0 =	vand.u32 $0xFFFFFDF0, v0;
	v11 =	vcvt.f32.s32 v11  }
0x446: {  	v14 =	vld [tilespmem:s26+$0x1F0];
	v0 =	vor.u32 v5, v0  }
0x447: {  	v16 =	vld [tilespmem:s28+$0x1F0];
	v11 =	vand.u32 $0xFFFFFDF0, v11  }
0x448: {  	vm5 =	veq.s32 v43, v45;
	v23 =	vld [tilespmem:s26+$0xFFFFFEB0];
	v11 =	vor.u32 v5, v11  }
0x449: {  	vm4 =	veq.s32 v40, v41;
	v17 =	vsel vm5, $0x10001, v3;
	v20 =	vld [tilespmem:s26+$0xFFFFFE30]  }
0x44a: {  	v21 =	vsel vm4, $0x10001, v3;
	[tilespmem:v15+s19+$0x0] =	vst.idx.add.s32.msk $0xffff, v17  }
0x44b: {  	vm6 =	veq.s32 v46, v49;
	[tilespmem:v0+s19+$0x0] =	vst.idx.add.s32.msk $0xffff, v21  }
0x44c: {  	[tilespmem:v0+s20+$0x0] =	vst.idx.add.f32.msk $0xffff, v18;
	v0 =	vsel vm6, $0x10001, v3  }
0x44d: {  	[tilespmem:v11+s19+$0x0] =	vst.idx.add.s32.msk $0xffff, v0  }
0x44e: {  	v0 =	vld [tilespmem:s29+$0xFFFFFE30]  }
0x44f: {  	[tilespmem:v11+s20+$0x0] =	vst.idx.add.f32.msk $0xffff, v12  }
0x450: {  	v12 =	vld [tilespmem:s29+$0xFFFFFF30]  }
0x451: {  	v11 =	vld [tilespmem:s29+$0xFFFFFEB0]  }
0x452: {  	[tilespmem:v15+s20+$0x0] =	vst.idx.add.f32.msk $0xffff, v19  }
0x453: {  	v15 =	vld [tilespmem:s29+$0xFFFFFFB0];
	v22 =	vmul.f32 $2.400000000e+02, v0  }
0x454: {  	v58 =	vld [tilespmem:s26+$0xB0]  }
0x455: {  	v21 =	vld [tilespmem:s28+$0xFFFFFE30];
	v52 =	vmul.f32 $2.400000000e+02, v12;
	v22 =	vtrunc.f32 v22  }
0x456: {  	v18 =	vld [tilespmem:s29+$0xB0];
	v26 =	vmul.f32 $2.400000000e+02, v11;
	v22 =	vcvt.f32.s32 v22  }
0x457: {  	v17 =	vld [tilespmem:s29+$0x30];
	v30 =	vtrunc.f32 v52  }
0x458: {  	v55 =	vld [tilespmem:s26+$0x30];
	v26 =	vtrunc.f32 v26;
	v30 =	vcvt.f32.s32 v30;
	v22 =	vand.u32 $0xFFFFFCF0, v22  }
0x459: {  	v57 =	vld [tilespmem:s28+$0x30];
	v26 =	vcvt.f32.s32 v26;
	v22 =	vor.u32 v6, v22  }
0x45a: {  	v19 =	vld [tilespmem:s29+$0x130];
	v30 =	vand.u32 $0xFFFFFCF0, v30  }
0x45b: {  	vm7 =	veq.s32 v20, v21;
	v21 =	vld [tilespmem:s28+$0xB0];
	v26 =	vand.u32 $0xFFFFFCF0, v26;
	v30 =	vor.u32 v6, v30  }
0x45c: {  	vm1 =	veq.s32 v23, v24;
	v54 =	vmul.f32 $2.400000000e+02, v15;
	v23 =	vld [tilespmem:s26+$0x130];
	v26 =	vor.u32 v6, v26  }
0x45d: {  	v60 =	vld [tilespmem:s28+$0x130];
	v24 =	vsel vm7, $0x10001, v3  }
0x45e: {  	vm8 =	veq.s32 v25, v50;
	v32 =	vtrunc.f32 v54;
	[tilespmem:v22+s19+$0x0] =	vst.idx.add.s32.msk $0xffff, v24  }
0x45f: {  	v25 =	vsel vm8, $0x10001, v3;
	v20 =	vcvt.f32.s32 v32;
	[tilespmem:v22+s20+$0x0] =	vst.idx.add.f32.msk $0xffff, v0  }
0x460: {  	v0 =	vsel vm1, $0x10001, v3;
	[tilespmem:v30+s19+$0x0] =	vst.idx.add.s32.msk $0xffff, v25  }
0x461: {  	v59 =	vmul.f32 $2.400000000e+02, v18;
	v56 =	vmul.f32 $2.400000000e+02, v17;
	v20 =	vand.u32 $0xFFFFFCF0, v20;
	[tilespmem:v26+s19+$0x0] =	vst.idx.add.s32.msk $0xffff, v0  }
0x462: {  	v20 =	vor.u32 v6, v20;
	[tilespmem:v30+s20+$0x0] =	vst.idx.add.f32.msk $0xffff, v12  }
0x463: {  	v32 =	vtrunc.f32 v59;
	v34 =	vtrunc.f32 v56;
	vm11 =	veq.s32 v58, v21;
	v21 =	vld [tilespmem:s28+$0xFFFFFE40]  }
0x464: {  	v24 =	vmul.f32 $2.400000000e+02, v19;
	v22 =	vcvt.f32.s32 v32;
	[tilespmem:v26+s20+$0x0] =	vst.idx.add.f32.msk $0xffff, v11  }
0x465: {  	vm9 =	veq.s32 v51, v53;
	v34 =	vcvt.f32.s32 v34;
	v25 =	vld [tilespmem:s26+$0xFFFFFF40]  }
0x466: {  	v0 =	vtrunc.f32 v24;
	v11 =	vand.u32 $0xFFFFFCF0, v22;
	v22 =	vsel vm9, $0x10001, v3;
	v62 =	vld [tilespmem:s28+$0xFFFFFF40]  }
0x467: {  	v61 =	vand.u32 $0xFFFFFCF0, v34;
	v0 =	vcvt.f32.s32 v0;
	[tilespmem:v20+s19+$0x0] =	vst.idx.add.s32.msk $0xffff, v22  }
0x468: {  	vm12 =	veq.s32 v23, v60;
	v24 =	vor.u32 v6, v61;
	v23 =	vld [tilespmem:s26+$0xFFFFFEC0]  }
0x469: {  	v11 =	vor.u32 v6, v11;
	v0 =	vand.u32 $0xFFFFFCF0, v0;
	[tilespmem:v20+s20+$0x0] =	vst.idx.add.f32.msk $0xffff, v15  }
0x46a: {  	v20 =	vld [tilespmem:s26+$0xFFFFFE40];
	v0 =	vor.u32 v6, v0  }
0x46b: {  	vm10 =	veq.s32 v55, v57;
	v15 =	vld [tilespmem:s29+$0xFFFFFFC0]  }
0x46c: {  	v12 =	vsel vm10, $0x10001, v3;
	v63 =	vld [tilespmem:s26+$0xFFFFFFC0]  }
0x46d: {  	[tilespmem:v24+s19+$0x0] =	vst.idx.add.s32.msk $0xffff, v12;
	v12 =	vsel vm11, $0x10001, v3  }
0x46e: {  	[tilespmem:v11+s19+$0x0] =	vst.idx.add.s32.msk $0xffff, v12;
	v12 =	vsel vm12, $0x10001, v3  }
0x46f: {  	[tilespmem:v0+s19+$0x0] =	vst.idx.add.s32.msk $0xffff, v12  }
0x470: {  	v12 =	vld [tilespmem:s29+$0xFFFFFF40]  }
0x471: {  	[tilespmem:v0+s20+$0x0] =	vst.idx.add.f32.msk $0xffff, v19  }
0x472: {  	v0 =	vld [tilespmem:s29+$0xFFFFFE40]  }
0x473: {  	v41 =	vld [tilespmem:s28+$0xFFFFFFC0]  }
0x474: {  	[tilespmem:v24+s20+$0x0] =	vst.idx.add.f32.msk $0xffff, v17  }
0x475: {  	v24 =	vld [tilespmem:s28+$0xFFFFFEC0]  }
0x476: {  	[tilespmem:v11+s20+$0x0] =	vst.idx.add.f32.msk $0xffff, v18;
	v40 =	vmul.f32 $2.400000000e+02, v12  }
0x477: {  	v11 =	vld [tilespmem:s29+$0xFFFFFEC0];
	v22 =	vmul.f32 $2.400000000e+02, v0  }
0x478: {  	v17 =	vld [tilespmem:s29+$0x40];
	v30 =	vtrunc.f32 v40  }
0x479: {  	v43 =	vld [tilespmem:s26+$0x40];
	v22 =	vtrunc.f32 v22;
	v30 =	vcvt.f32.s32 v30  }
0x47a: {  	v45 =	vld [tilespmem:s28+$0x40];
	v22 =	vcvt.f32.s32 v22  }
0x47b: {  	v18 =	vld [tilespmem:s29+$0xC0];
	v30 =	vand.u32 $0xFFFFFBF0, v30  }
0x47c: {  	v46 =	vld [tilespmem:s26+$0xC0];
	v26 =	vmul.f32 $2.400000000e+02, v11;
	v22 =	vand.u32 $0xFFFFFBF0, v22;
	v30 =	vor.u32 v7, v30  }
0x47d: {  	vm13 =	veq.s32 v20, v21;
	v21 =	vld [tilespmem:s28+$0xC0];
	v22 =	vor.u32 v7, v22  }
0x47e: {  	vm15 =	veq.s32 v25, v62;
	v19 =	vld [tilespmem:s29+$0x140];
	v26 =	vtrunc.f32 v26  }
0x47f: {  	v42 =	vmul.f32 $2.400000000e+02, v15;
	vm14 =	veq.s32 v23, v24;
	v23 =	vld [tilespmem:s26+$0x140];
	v26 =	vcvt.f32.s32 v26  }
0x480: {  	v25 =	vsel vm15, $0x10001, v3;
	v48 =	vld [tilespmem:s28+$0x140]  }
0x481: {  	v32 =	vtrunc.f32 v42;
	v24 =	vsel vm13, $0x10001, v3;
	v26 =	vand.u32 $0xFFFFFBF0, v26;
	[tilespmem:v30+s19+$0x0] =	vst.idx.add.s32.msk $0xffff, v25  }
0x482: {  	v20 =	vcvt.f32.s32 v32;
	v26 =	vor.u32 v7, v26;
	[tilespmem:v22+s19+$0x0] =	vst.idx.add.s32.msk $0xffff, v24  }
0x483: {  	[tilespmem:v30+s20+$0x0] =	vst.idx.add.f32.msk $0xffff, v12  }
0x484: {  	v44 =	vmul.f32 $2.400000000e+02, v17;
	v47 =	vmul.f32 $2.400000000e+02, v18;
	v20 =	vand.u32 $0xFFFFFBF0, v20;
	[tilespmem:v22+s20+$0x0] =	vst.idx.add.f32.msk $0xffff, v0  }
0x485: {  	v20 =	vor.u32 v7, v20;
	v25 =	vld [tilespmem:s26+$0xFFFFFF50]  }
0x486: {  	v34 =	vtrunc.f32 v44;
	v32 =	vtrunc.f32 v47;
	v0 =	vsel vm14, $0x10001, v3;
	v50 =	vld [tilespmem:s28+$0xFFFFFF50]  }
0x487: {  	v24 =	vmul.f32 $2.400000000e+02, v19;
	v22 =	vcvt.f32.s32 v32;
	[tilespmem:v26+s19+$0x0] =	vst.idx.add.s32.msk $0xffff, v0  }
0x488: {  	vm4 =	veq.s32 v63, v41;
	vm6 =	veq.s32 v46, v21;
	v34 =	vcvt.f32.s32 v34;
	v21 =	vld [tilespmem:s28+$0xFFFFFE50]  }
0x489: {  	v0 =	vtrunc.f32 v24;
	[tilespmem:v26+s20+$0x0] =	vst.idx.add.f32.msk $0xffff, v11;
	v11 =	vand.u32 $0xFFFFFBF0, v22;
	v22 =	vsel vm4, $0x10001, v3  }
0x48a: {  	v49 =	vand.u32 $0xFFFFFBF0, v34;
	v0 =	vcvt.f32.s32 v0;
	[tilespmem:v20+s19+$0x0] =	vst.idx.add.s32.msk $0xffff, v22  }
0x48b: {  	vm7 =	veq.s32 v23, v48;
	v24 =	vor.u32 v7, v49;
	v23 =	vld [tilespmem:s26+$0xFFFFFED0]  }
0x48c: {  	v11 =	vor.u32 v7, v11;
	v0 =	vand.u32 $0xFFFFFBF0, v0;
	[tilespmem:v20+s20+$0x0] =	vst.idx.add.f32.msk $0xffff, v15  }
0x48d: {  	v20 =	vld [tilespmem:s26+$0xFFFFFE50];
	v0 =	vor.u32 v7, v0  }
0x48e: {  	vm5 =	veq.s32 v43, v45;
	v15 =	vld [tilespmem:s29+$0xFFFFFFD0]  }
0x48f: {  	v12 =	vsel vm5, $0x10001, v3;
	v51 =	vld [tilespmem:s26+$0xFFFFFFD0]  }
0x490: {  	[tilespmem:v24+s19+$0x0] =	vst.idx.add.s32.msk $0xffff, v12;
	v12 =	vsel vm6, $0x10001, v3  }
0x491: {  	[tilespmem:v11+s19+$0x0] =	vst.idx.add.s32.msk $0xffff, v12;
	v12 =	vsel vm7, $0x10001, v3  }
0x492: {  	[tilespmem:v0+s19+$0x0] =	vst.idx.add.s32.msk $0xffff, v12  }
0x493: {  	v12 =	vld [tilespmem:s29+$0xFFFFFF50]  }
0x494: {  	[tilespmem:v0+s20+$0x0] =	vst.idx.add.f32.msk $0xffff, v19  }
0x495: {  	v0 =	vld [tilespmem:s29+$0xFFFFFE50]  }
0x496: {  	v53 =	vld [tilespmem:s28+$0xFFFFFFD0]  }
0x497: {  	[tilespmem:v24+s20+$0x0] =	vst.idx.add.f32.msk $0xffff, v17  }
0x498: {  	v24 =	vld [tilespmem:s28+$0xFFFFFED0]  }
0x499: {  	[tilespmem:v11+s20+$0x0] =	vst.idx.add.f32.msk $0xffff, v18;
	v52 =	vmul.f32 $2.400000000e+02, v12  }
0x49a: {  	v11 =	vld [tilespmem:s29+$0xFFFFFED0];
	v22 =	vmul.f32 $2.400000000e+02, v0  }
0x49b: {  	v17 =	vld [tilespmem:s29+$0x50];
	v30 =	vtrunc.f32 v52  }
0x49c: {  	v55 =	vld [tilespmem:s26+$0x50];
	v22 =	vtrunc.f32 v22;
	v30 =	vcvt.f32.s32 v30  }
0x49d: {  	v57 =	vld [tilespmem:s28+$0x50];
	v22 =	vcvt.f32.s32 v22  }
0x49e: {  	v18 =	vld [tilespmem:s29+$0xD0];
	v30 =	vand.u32 $0xFFFFFAF0, v30  }
0x49f: {  	v58 =	vld [tilespmem:s26+$0xD0];
	v26 =	vmul.f32 $2.400000000e+02, v11;
	v22 =	vand.u32 $0xFFFFFAF0, v22;
	v30 =	vor.u32 v8, v30  }
0x4a0: {  	vm8 =	veq.s32 v20, v21;
	v21 =	vld [tilespmem:s28+$0xD0];
	v22 =	vor.u32 v8, v22  }
0x4a1: {  	vm10 =	veq.s32 v25, v50;
	v19 =	vld [tilespmem:s29+$0x150];
	v26 =	vtrunc.f32 v26  }
0x4a2: {  	v54 =	vmul.f32 $2.400000000e+02, v15;
	vm9 =	veq.s32 v23, v24;
	v23 =	vld [tilespmem:s26+$0x150];
	v26 =	vcvt.f32.s32 v26  }
0x4a3: {  	v25 =	vsel vm10, $0x10001, v3;
	v60 =	vld [tilespmem:s28+$0x150]  }
0x4a4: {  	v32 =	vtrunc.f32 v54;
	v24 =	vsel vm8, $0x10001, v3;
	v26 =	vand.u32 $0xFFFFFAF0, v26;
	[tilespmem:v30+s19+$0x0] =	vst.idx.add.s32.msk $0xffff, v25  }
0x4a5: {  	v20 =	vcvt.f32.s32 v32;
	v26 =	vor.u32 v8, v26;
	[tilespmem:v22+s19+$0x0] =	vst.idx.add.s32.msk $0xffff, v24  }
0x4a6: {  	[tilespmem:v30+s20+$0x0] =	vst.idx.add.f32.msk $0xffff, v12  }
0x4a7: {  	v56 =	vmul.f32 $2.400000000e+02, v17;
	v59 =	vmul.f32 $2.400000000e+02, v18;
	v20 =	vand.u32 $0xFFFFFAF0, v20;
	[tilespmem:v22+s20+$0x0] =	vst.idx.add.f32.msk $0xffff, v0  }
0x4a8: {  	v20 =	vor.u32 v8, v20;
	v25 =	vld [tilespmem:s26+$0xFFFFFF60]  }
0x4a9: {  	v34 =	vtrunc.f32 v56;
	v32 =	vtrunc.f32 v59;
	v0 =	vsel vm9, $0x10001, v3;
	v62 =	vld [tilespmem:s28+$0xFFFFFF60]  }
0x4aa: {  	v24 =	vmul.f32 $2.400000000e+02, v19;
	v22 =	vcvt.f32.s32 v32;
	[tilespmem:v26+s19+$0x0] =	vst.idx.add.s32.msk $0xffff, v0  }
0x4ab: {  	vm11 =	veq.s32 v51, v53;
	vm13 =	veq.s32 v58, v21;
	v34 =	vcvt.f32.s32 v34;
	v21 =	vld [tilespmem:s28+$0xFFFFFE60]  }
0x4ac: {  	v0 =	vtrunc.f32 v24;
	[tilespmem:v26+s20+$0x0] =	vst.idx.add.f32.msk $0xffff, v11;
	v11 =	vand.u32 $0xFFFFFAF0, v22;
	v22 =	vsel vm11, $0x10001, v3  }
0x4ad: {  	v61 =	vand.u32 $0xFFFFFAF0, v34;
	v0 =	vcvt.f32.s32 v0;
	[tilespmem:v20+s19+$0x0] =	vst.idx.add.s32.msk $0xffff, v22  }
0x4ae: {  	vm14 =	veq.s32 v23, v60;
	v24 =	vor.u32 v8, v61;
	v23 =	vld [tilespmem:s26+$0xFFFFFEE0]  }
0x4af: {  	v11 =	vor.u32 v8, v11;
	v0 =	vand.u32 $0xFFFFFAF0, v0;
	[tilespmem:v20+s20+$0x0] =	vst.idx.add.f32.msk $0xffff, v15  }
0x4b0: {  	v20 =	vld [tilespmem:s26+$0xFFFFFE60];
	v0 =	vor.u32 v8, v0  }
0x4b1: {  	vm12 =	veq.s32 v55, v57;
	v15 =	vld [tilespmem:s29+$0xFFFFFFE0]  }
0x4b2: {  	v12 =	vsel vm12, $0x10001, v3;
	v63 =	vld [tilespmem:s26+$0xFFFFFFE0]  }
0x4b3: {  	[tilespmem:v24+s19+$0x0] =	vst.idx.add.s32.msk $0xffff, v12;
	v12 =	vsel vm13, $0x10001, v3  }
0x4b4: {  	[tilespmem:v11+s19+$0x0] =	vst.idx.add.s32.msk $0xffff, v12;
	v12 =	vsel vm14, $0x10001, v3  }
0x4b5: {  	[tilespmem:v0+s19+$0x0] =	vst.idx.add.s32.msk $0xffff, v12  }
0x4b6: {  	v12 =	vld [tilespmem:s29+$0xFFFFFF60]  }
0x4b7: {  	[tilespmem:v0+s20+$0x0] =	vst.idx.add.f32.msk $0xffff, v19  }
0x4b8: {  	v0 =	vld [tilespmem:s29+$0xFFFFFE60]  }
0x4b9: {  	v40 =	vld [tilespmem:s28+$0xFFFFFFE0]  }
0x4ba: {  	[tilespmem:v24+s20+$0x0] =	vst.idx.add.f32.msk $0xffff, v17  }
0x4bb: {  	v24 =	vld [tilespmem:s28+$0xFFFFFEE0]  }
0x4bc: {  	v17 =	vld [tilespmem:s29+$0x60];
	v39 =	vmul.f32 $2.400000000e+02, v12  }
0x4bd: {  	[tilespmem:v11+s20+$0x0] =	vst.idx.add.f32.msk $0xffff, v18;
	v22 =	vmul.f32 $2.400000000e+02, v0  }
0x4be: {  	v11 =	vld [tilespmem:s29+$0xFFFFFEE0];
	v30 =	vtrunc.f32 v39  }
0x4bf: {  	v42 =	vld [tilespmem:s26+$0x60];
	v22 =	vtrunc.f32 v22;
	v30 =	vcvt.f32.s32 v30  }
0x4c0: {  	v44 =	vld [tilespmem:s28+$0x60];
	v22 =	vcvt.f32.s32 v22  }
0x4c1: {  	v18 =	vld [tilespmem:s29+$0xE0];
	v30 =	vand.u32 $0xFFFFF9F0, v30  }
0x4c2: {  	v45 =	vld [tilespmem:s26+$0xE0];
	v22 =	vand.u32 $0xFFFFF9F0, v22;
	v30 =	vor.u32 v9, v30  }
0x4c3: {  	vm15 =	veq.s32 v20, v21;
	v21 =	vld [tilespmem:s28+$0xE0];
	v26 =	vmul.f32 $2.400000000e+02, v11;
	v22 =	vor.u32 v9, v22  }
0x4c4: {  	vm5 =	veq.s32 v25, v62;
	v19 =	vld [tilespmem:s29+$0x160]  }
0x4c5: {  	v41 =	vmul.f32 $2.400000000e+02, v15;
	vm4 =	veq.s32 v23, v24;
	v23 =	vld [tilespmem:s26+$0x160];
	v26 =	vtrunc.f32 v26  }
0x4c6: {  	v25 =	vsel vm5, $0x10001, v3;
	v47 =	vld [tilespmem:s28+$0x160];
	v26 =	vcvt.f32.s32 v26  }
0x4c7: {  	v32 =	vtrunc.f32 v41;
	v24 =	vsel vm15, $0x10001, v3;
	[tilespmem:v30+s19+$0x0] =	vst.idx.add.s32.msk $0xffff, v25  }
0x4c8: {  	v20 =	vcvt.f32.s32 v32;
	v26 =	vand.u32 $0xFFFFF9F0, v26;
	[tilespmem:v22+s19+$0x0] =	vst.idx.add.s32.msk $0xffff, v24  }
0x4c9: {  	v26 =	vor.u32 v9, v26;
	[tilespmem:v30+s20+$0x0] =	vst.idx.add.f32.msk $0xffff, v12  }
0x4ca: {  	v46 =	vmul.f32 $2.400000000e+02, v18;
	v20 =	vand.u32 $0xFFFFF9F0, v20;
	[tilespmem:v22+s20+$0x0] =	vst.idx.add.f32.msk $0xffff, v0  }
0x4cb: {  	vm8 =	veq.s32 v45, v21;
	v20 =	vor.u32 v9, v20;
	v21 =	vld [tilespmem:s29+$0xFFFFFF70]  }
0x4cc: {  	v32 =	vtrunc.f32 v46;
	v52 =	vld [tilespmem:s26+$0xFFFFFF70]  }
0x4cd: {  	v43 =	vmul.f32 $2.400000000e+02, v17;
	v0 =	vsel vm4, $0x10001, v3;
	v22 =	vcvt.f32.s32 v32;
	v53 =	vld [tilespmem:s28+$0xFFFFFF70]  }
0x4ce: {  	vm6 =	veq.s32 v63, v40;
	[tilespmem:v26+s19+$0x0] =	vst.idx.add.s32.msk $0xffff, v0  }
0x4cf: {  	v34 =	vtrunc.f32 v43;
	[tilespmem:v26+s20+$0x0] =	vst.idx.add.f32.msk $0xffff, v11;
	v11 =	vand.u32 $0xFFFFF9F0, v22;
	v22 =	vsel vm6, $0x10001, v3  }
0x4d0: {  	v34 =	vcvt.f32.s32 v34;
	[tilespmem:v20+s19+$0x0] =	vst.idx.add.s32.msk $0xffff, v22  }
0x4d1: {  	v24 =	vmul.f32 $2.400000000e+02, v19;
	v26 =	vld [tilespmem:s29+$0xFFFFFEF0]  }
0x4d2: {  	v48 =	vand.u32 $0xFFFFF9F0, v34;
	v22 =	vld [tilespmem:s28+$0xFFFFFE70]  }
0x4d3: {  	v0 =	vtrunc.f32 v24;
	v24 =	vor.u32 v9, v48;
	v50 =	vld [tilespmem:s28+$0xFFFFFEF0]  }
0x4d4: {  	[tilespmem:v20+s20+$0x0] =	vst.idx.add.f32.msk $0xffff, v15  }
0x4d5: {  	v11 =	vor.u32 v9, v11;
	v20 =	vld [tilespmem:s26+$0xFFFFFE70]  }
0x4d6: {  	vm7 =	veq.s32 v42, v44;
	v0 =	vcvt.f32.s32 v0;
	v54 =	vld [tilespmem:s26+$0xFFFFFFF0]  }
0x4d7: {  	v12 =	vsel vm7, $0x10001, v3;
	v57 =	vld [tilespmem:s28+$0xFFFFFFF0]  }
0x4d8: {  	v0 =	vand.u32 $0xFFFFF9F0, v0;
	[tilespmem:v24+s19+$0x0] =	vst.idx.add.s32.msk $0xffff, v12  }
0x4d9: {  	v0 =	vor.u32 v9, v0;
	v12 =	vsel vm8, $0x10001, v3;
	[tilespmem:v24+s20+$0x0] =	vst.idx.add.f32.msk $0xffff, v17  }
0x4da: {  	[tilespmem:v11+s19+$0x0] =	vst.idx.add.s32.msk $0xffff, v12  }
0x4db: {  	v15 =	vld [tilespmem:s29+$0x70]  }
0x4dc: {  	vm9 =	veq.s32 v23, v47;
	[tilespmem:v11+s20+$0x0] =	vst.idx.add.f32.msk $0xffff, v18  }
0x4dd: {  	v12 =	vsel vm9, $0x10001, v3;
	v18 =	vld [tilespmem:s29+$0xFFFFFFF0]  }
0x4de: {  	[tilespmem:v0+s19+$0x0] =	vst.idx.add.s32.msk $0xffff, v12  }
0x4df: {  	v25 =	vmul.f32 $2.400000000e+02, v21;
	v12 =	vld [tilespmem:s29+$0xF0]  }
0x4e0: {  	v17 =	vmul.f32 $2.400000000e+02, v13;
	[tilespmem:v0+s20+$0x0] =	vst.idx.add.f32.msk $0xffff, v19  }
0x4e1: {  	vm10 =	veq.s32 v14, v16;
	v25 =	vtrunc.f32 v25;
	v23 =	vmul.f32 $2.400000000e+02, v26;
	v0 =	vld [tilespmem:s29+$0xFFFFFE70]  }
0x4e2: {  	v55 =	vsel vm10, $0x10001, v3;
	vm2 =	veq.s32 v52, v53;
	v24 =	vld [tilespmem:s26+$0xFFFFFEF0];
	v25 =	vcvt.f32.s32 v25  }
0x4e3: {  	v17 =	vtrunc.f32 v17;
	vm11 =	veq.s32 v20, v22;
	v23 =	vtrunc.f32 v23  }
0x4e4: {  	v17 =	vcvt.f32.s32 v17;
	v25 =	vand.u32 $0xFFFFF8F0, v25;
	v20 =	vcvt.f32.s32 v23;
	v11 =	vld [tilespmem:s29+$0x170]  }
0x4e5: {  	vm3 =	veq.s32 v54, v57;
	v51 =	vmul.f32 $2.400000000e+02, v15;
	v49 =	vmul.f32 $2.400000000e+02, v18  }
0x4e6: {  	v17 =	vand.u32 $0xFFFFF8F0, v17;
	v14 =	vmul.f32 $2.400000000e+02, v12;
	v19 =	vmul.f32 $2.400000000e+02, v0  }
0x4e7: {  	v58 =	vld [tilespmem:s28+$0x70];
	vm12 =	veq.s32 v24, v50;
	v16 =	vtrunc.f32 v51;
	v28 =	vtrunc.f32 v49  }
0x4e8: {  	v59 =	vld [tilespmem:s26+$0xF0];
	v17 =	vor.u32 v10, v17;
	v16 =	vcvt.f32.s32 v16;
	v19 =	vtrunc.f32 v19  }
0x4e9: {  	v38 =	vld [tilespmem:s28+$0xF0];
	v20 =	vand.u32 $0xFFFFF8F0, v20;
	v56 =	vmul.f32 $2.400000000e+02, v11;
	v19 =	vcvt.f32.s32 v19  }
0x4ea: {  	v23 =	vld [tilespmem:s26+$0x70];
	v63 =	vor.u32 v10, v20;
	v14 =	vtrunc.f32 v14;
	v28 =	vcvt.f32.s32 v28  }
0x4eb: {  	v62 =	vld [tilespmem:s26+$0x170];
	v14 =	vcvt.f32.s32 v14;
	v16 =	vand.u32 $0xFFFFF8F0, v16;
	v19 =	vand.u32 $0xFFFFF8F0, v19  }
0x4ec: {  	v20 =	vld [tilespmem:s28+$0x170];
	v22 =	vtrunc.f32 v56;
	v60 =	vor.u32 v10, v19;
	v19 =	vand.u32 $0xFFFFF8F0, v28  }
0x4ed: {  	[tilespmem:v17+s19+$0x0] =	vst.idx.add.s32.msk $0xffff, v55;
	v61 =	vcvt.f32.s32 v22;
	v14 =	vand.u32 $0xFFFFF8F0, v14;
	v22 =	vor.u32 v10, v19  }
0x4ee: {  	[tilespmem:v17+s20+$0x0] =	vst.idx.add.f32.msk $0xffff, v13;
	v19 =	vor.u32 v10, v16;
	v16 =	vor.u32 v10, v14;
	v14 =	vsel vm12, $0x10001, v3  }
0x4ef: {  	v24 =	vor.u32 v10, v25;
	v25 =	vsel vm2, $0x10001, v3;
	vm14 =	veq.s32 v59, v38;
	[tilespmem:v63+s19+$0x0] =	vst.idx.add.s32.msk $0xffff, v14  }
0x4f0: {  	vm13 =	veq.s32 v23, v58;
	v23 =	vsel vm3, $0x10001, v3;
	v13 =	vsel vm11, $0x10001, v3;
	[tilespmem:v63+s20+$0x0] =	vst.idx.add.f32.msk $0xffff, v26  }
0x4f1: {  	vm15 =	veq.s32 v62, v20;
	v20 =	vsel vm13, $0x10001, v3;
	v17 =	vand.u32 $0xFFFFF8F0, v61;
	[tilespmem:v60+s19+$0x0] =	vst.idx.add.s32.msk $0xffff, v13  }
0x4f2: {  	s30 =	simm.s32 $0x4600;
	s29 =	simm.s32 $0x0;
	v14 =	vsel vm15, $0x10001, v3;
	v13 =	vor.u32 v10, v17;
	v17 =	vsel vm14, $0x10001, v3;
	[tilespmem:v60+s20+$0x0] =	vst.idx.add.f32.msk $0xffff, v0  }
.LBB2_5:
0x4f3: {  	v31 =	vld [tilespmem:s30+$0x180]  }
0x4f4: {  	v32 =	vld [tilespmem:s30+$0xFFFFFE80]  }
0x4f5: {  	v30 =	vld [tilespmem:s30+$0xFFFFFF00]  }
0x4f6: {  	v29 =	vld [tilespmem:s30+$0xFFFFFF80]  }
0x4f7: {  	v28 =	vld [tilespmem:s30+$0x0]  }
0x4f8: {  	v26 =	vld [tilespmem:s30+$0x80];
	v33 =	vmul.f32 $2.400000000e+02, v31  }
0x4f9: {  	v34 =	vmul.f32 $2.400000000e+02, v32;
	v0 =	vld [tilespmem:s30+$0x100]  }
0x4fa: {  	s26 =	sadd.s32 $0x400, s26;
	v35 =	vld [tilespmem:s30+$0xFFFFFE00];
	v36 =	vmul.f32 $2.400000000e+02, v30;
	v33 =	vtrunc.f32 v33  }
0x4fb: {  	s29 =	sadd.s32 $0x40, s29;
	s28 =	sadd.s32 $0x400, s28;
	v37 =	vmul.f32 $2.400000000e+02, v29;
	v38 =	vld [tilespmem:s26+$0x180];
	v33 =	vcvt.f32.s32 v33  }
0x4fc: {  	p0 =	slt.u32 s29, $0x3C0;
	v34 =	vtrunc.f32 v34;
	v39 =	vmul.f32 $2.400000000e+02, v28;
	v40 =	vld [tilespmem:s28+$0x180]  }
0x4fd: {  	v36 =	vtrunc.f32 v36;
	v41 =	vld [tilespmem:s26+$0xFFFFFE00];
	v42 =	vmul.f32 $2.400000000e+02, v26;
	v33 =	vand.u32 $0xFFFFFFF0, v33  }
0x4fe: {  	v37 =	vtrunc.f32 v37;
	v43 =	vld [tilespmem:s28+$0xFFFFFE00];
	v44 =	vmul.f32 $2.400000000e+02, v0;
	v33 =	vor.u32 v1, v33  }
0x4ff: {  	v39 =	vtrunc.f32 v39;
	v45 =	vmul.f32 $2.400000000e+02, v35;
	v46 =	vld [tilespmem:s26+$0xFFFFFE80]  }
0x500: {  	v42 =	vtrunc.f32 v42;
	v47 =	vld [tilespmem:s28+$0xFFFFFE80];
	v44 =	vtrunc.f32 v44  }
0x501: {  	v34 =	vcvt.f32.s32 v34;
	v45 =	vtrunc.f32 v45;
	v48 =	vld [tilespmem:s26+$0xFFFFFF00];
	vm0 =	veq.s32 v38, v40  }
0x502: {  	v36 =	vcvt.f32.s32 v36;
	v38 =	vcvt.f32.s32 v45;
	v40 =	vld [tilespmem:s28+$0xFFFFFF00];
	v45 =	vsel vm0, $0x10001, v3  }
0x503: {  	v34 =	vand.u32 $0xFFFFFFF0, v34;
	v37 =	vcvt.f32.s32 v37;
	v39 =	vcvt.f32.s32 v39;
	[tilespmem:v33+s19+$0x0] =	vst.idx.add.s32.msk $0xffff, v45  }
0x504: {  	v42 =	vcvt.f32.s32 v42;
	v44 =	vcvt.f32.s32 v44;
	v38 =	vand.u32 $0xFFFFFFF0, v38;
	[tilespmem:v33+s20+$0x0] =	vst.idx.add.f32.msk $0xffff, v31  }
0x505: {  	v31 =	vand.u32 $0xFFFFFFF0, v36;
	v33 =	vand.u32 $0xFFFFFFF0, v37;
	v36 =	vand.u32 $0xFFFFFFF0, v39;
	v37 =	vld [tilespmem:s30+$0x190]  }
0x506: {  	vm0 =	veq.s32 v41, v43;
	v41 =	vand.u32 $0xFFFFFFF0, v42;
	v42 =	vand.u32 $0xFFFFFFF0, v44;
	v39 =	vld [tilespmem:s26+$0xFFFFFF80]  }
0x507: {  	v38 =	vor.u32 v1, v38;
	vm1 =	veq.s32 v46, v47;
	vm2 =	veq.s32 v48, v40;
	v40 =	vld [tilespmem:s28+$0xFFFFFF80]  }
0x508: {  	v34 =	vor.u32 v1, v34;
	v31 =	vor.u32 v1, v31;
	v33 =	vor.u32 v1, v33;
	v43 =	vld [tilespmem:s26+$0x0]  }
0x509: {  	v41 =	vor.u32 v1, v41;
	v42 =	vor.u32 v1, v42;
	v36 =	vor.u32 v1, v36;
	v44 =	vld [tilespmem:s28+$0x0]  }
0x50a: {  	v45 =	vsel vm0, $0x10001, v3;
	v46 =	vsel vm1, $0x10001, v3;
	v47 =	vld [tilespmem:s26+$0x80];
	v48 =	vmul.f32 $2.400000000e+02, v37  }
0x50b: {  	v49 =	vsel vm2, $0x10001, v3;
	v50 =	vld [tilespmem:s28+$0x80]  }
0x50c: {  	vm0 =	veq.s32 v39, v40;
	v39 =	vld [tilespmem:s26+$0x100];
	v40 =	vtrunc.f32 v48  }
0x50d: {  	v48 =	vsel vm0, $0x10001, v3;
	v51 =	vld [tilespmem:s26+$0x190];
	v40 =	vcvt.f32.s32 v40  }
0x50e: {  	vm0 =	veq.s32 v43, v44;
	v43 =	vld [tilespmem:s28+$0x190]  }
0x50f: {  	v44 =	vsel vm0, $0x10001, v3;
	v52 =	vld [tilespmem:s28+$0x100];
	v40 =	vand.u32 $0xFFFFFEF0, v40  }
0x510: {  	[tilespmem:v38+s19+$0x0] =	vst.idx.add.s32.msk $0xffff, v45;
	vm0 =	veq.s32 v47, v50;
	v40 =	vor.u32 v4, v40  }
0x511: {  	[tilespmem:v38+s20+$0x0] =	vst.idx.add.f32.msk $0xffff, v35;
	v35 =	vsel vm0, $0x10001, v3  }
0x512: {  	[tilespmem:v34+s19+$0x0] =	vst.idx.add.s32.msk $0xffff, v46  }
0x513: {  	[tilespmem:v34+s20+$0x0] =	vst.idx.add.f32.msk $0xffff, v32;
	vm0 =	veq.s32 v51, v43  }
0x514: {  	[tilespmem:v31+s19+$0x0] =	vst.idx.add.s32.msk $0xffff, v49;
	vm1 =	veq.s32 v39, v52;
	v32 =	vsel vm0, $0x10001, v3  }
0x515: {  	v34 =	vsel vm1, $0x10001, v3;
	[tilespmem:v40+s19+$0x0] =	vst.idx.add.s32.msk $0xffff, v32  }
0x516: {  	[tilespmem:v40+s20+$0x0] =	vst.idx.add.f32.msk $0xffff, v37  }
0x517: {  	v32 =	vld [tilespmem:s30+$0x1A0]  }
0x518: {  	[tilespmem:v31+s20+$0x0] =	vst.idx.add.f32.msk $0xffff, v30  }
0x519: {  	[tilespmem:v33+s19+$0x0] =	vst.idx.add.s32.msk $0xffff, v48  }
0x51a: {  	[tilespmem:v33+s20+$0x0] =	vst.idx.add.f32.msk $0xffff, v29  }
0x51b: {  	[tilespmem:v36+s19+$0x0] =	vst.idx.add.s32.msk $0xffff, v44  }
0x51c: {  	[tilespmem:v36+s20+$0x0] =	vst.idx.add.f32.msk $0xffff, v28;
	v28 =	vmul.f32 $2.400000000e+02, v32  }
0x51d: {  	[tilespmem:v41+s19+$0x0] =	vst.idx.add.s32.msk $0xffff, v35  }
0x51e: {  	[tilespmem:v41+s20+$0x0] =	vst.idx.add.f32.msk $0xffff, v26;
	v26 =	vtrunc.f32 v28  }
0x51f: {  	v28 =	vld [tilespmem:s26+$0x1A0];
	v26 =	vcvt.f32.s32 v26  }
0x520: {  	v29 =	vld [tilespmem:s28+$0x1A0]  }
0x521: {  	[tilespmem:v42+s19+$0x0] =	vst.idx.add.s32.msk $0xffff, v34;
	v26 =	vand.u32 $0xFFFFFDF0, v26  }
0x522: {  	[tilespmem:v42+s20+$0x0] =	vst.idx.add.f32.msk $0xffff, v0;
	v30 =	vor.u32 v5, v26  }
0x523: {  	v31 =	vld [tilespmem:s30+$0xFFFFFE10]  }
0x524: {  	v33 =	vld [tilespmem:s30+$0xFFFFFE90]  }
0x525: {  	v26 =	vld [tilespmem:s30+$0xFFFFFF10];
	vm0 =	veq.s32 v28, v29  }
0x526: {  	v0 =	vld [tilespmem:s30+$0xFFFFFF90];
	v28 =	vsel vm0, $0x10001, v3  }
0x527: {  	[tilespmem:v30+s19+$0x0] =	vst.idx.add.s32.msk $0xffff, v28  }
0x528: {  	v28 =	vmul.f32 $2.400000000e+02, v31;
	[tilespmem:v30+s20+$0x0] =	vst.idx.add.f32.msk $0xffff, v32  }
0x529: {  	v29 =	vmul.f32 $2.400000000e+02, v33;
	v32 =	vld [tilespmem:s30+$0x1B0]  }
0x52a: {  	v30 =	vtrunc.f32 v28;
	v34 =	vmul.f32 $2.400000000e+02, v26;
	v28 =	vld [tilespmem:s30+$0x10]  }
0x52b: {  	v35 =	vtrunc.f32 v29;
	v36 =	vmul.f32 $2.400000000e+02, v0;
	v29 =	vld [tilespmem:s30+$0x90]  }
0x52c: {  	v37 =	vcvt.f32.s32 v30;
	v34 =	vtrunc.f32 v34;
	v30 =	vld [tilespmem:s30+$0x110]  }
0x52d: {  	v35 =	vcvt.f32.s32 v35;
	v38 =	vld [tilespmem:s26+$0xFFFFFE10];
	v36 =	vtrunc.f32 v36  }
0x52e: {  	v37 =	vand.u32 $0xFFFFFEF0, v37;
	v34 =	vcvt.f32.s32 v34;
	v39 =	vld [tilespmem:s28+$0xFFFFFE10];
	v40 =	vmul.f32 $2.400000000e+02, v32  }
0x52f: {  	v35 =	vand.u32 $0xFFFFFEF0, v35;
	v36 =	vcvt.f32.s32 v36;
	v41 =	vld [tilespmem:s26+$0xFFFFFE90];
	v42 =	vmul.f32 $2.400000000e+02, v28  }
0x530: {  	v34 =	vand.u32 $0xFFFFFEF0, v34;
	v43 =	vld [tilespmem:s28+$0xFFFFFE90];
	v44 =	vmul.f32 $2.400000000e+02, v29;
	v40 =	vtrunc.f32 v40  }
0x531: {  	v36 =	vand.u32 $0xFFFFFEF0, v36;
	v45 =	vmul.f32 $2.400000000e+02, v30;
	v46 =	vld [tilespmem:s26+$0x1B0];
	v40 =	vcvt.f32.s32 v40  }
0x532: {  	v37 =	vor.u32 v4, v37;
	v42 =	vtrunc.f32 v42;
	v44 =	vtrunc.f32 v44;
	v47 =	vld [tilespmem:s28+$0x1B0]  }
0x533: {  	v42 =	vcvt.f32.s32 v42;
	v48 =	vld [tilespmem:s26+$0xFFFFFF10];
	v45 =	vtrunc.f32 v45;
	v40 =	vand.u32 $0xFFFFFCF0, v40  }
0x534: {  	v44 =	vcvt.f32.s32 v44;
	v49 =	vld [tilespmem:s28+$0xFFFFFF10];
	v45 =	vcvt.f32.s32 v45;
	v40 =	vor.u32 v6, v40  }
0x535: {  	vm0 =	veq.s32 v38, v39;
	v39 =	vand.u32 $0xFFFFFEF0, v42;
	vm1 =	veq.s32 v41, v43;
	v38 =	vld [tilespmem:s26+$0xFFFFFF90]  }
0x536: {  	v35 =	vor.u32 v4, v35;
	v42 =	vand.u32 $0xFFFFFEF0, v44;
	v41 =	vld [tilespmem:s28+$0xFFFFFF90];
	v43 =	vand.u32 $0xFFFFFEF0, v45  }
0x537: {  	v34 =	vor.u32 v4, v34;
	v36 =	vor.u32 v4, v36;
	v44 =	vld [tilespmem:s26+$0x10];
	vm2 =	veq.s32 v46, v47  }
0x538: {  	v39 =	vor.u32 v4, v39;
	v42 =	vor.u32 v4, v42;
	v45 =	vld [tilespmem:s28+$0x10];
	v46 =	vsel vm2, $0x10001, v3  }
0x539: {  	v47 =	vsel vm0, $0x10001, v3;
	v43 =	vor.u32 v4, v43;
	vm0 =	veq.s32 v48, v49;
	[tilespmem:v40+s19+$0x0] =	vst.idx.add.s32.msk $0xffff, v46  }
0x53a: {  	v46 =	vsel vm1, $0x10001, v3;
	v48 =	vsel vm0, $0x10001, v3;
	[tilespmem:v40+s20+$0x0] =	vst.idx.add.f32.msk $0xffff, v32  }
0x53b: {  	vm0 =	veq.s32 v38, v41;
	v32 =	vld [tilespmem:s30+$0x1C0]  }
0x53c: {  	v38 =	vsel vm0, $0x10001, v3;
	v40 =	vld [tilespmem:s26+$0x90]  }
0x53d: {  	vm0 =	veq.s32 v44, v45;
	v41 =	vld [tilespmem:s28+$0x90]  }
0x53e: {  	v44 =	vsel vm0, $0x10001, v3;
	v45 =	vld [tilespmem:s26+$0x110]  }
0x53f: {  	v49 =	vld [tilespmem:s28+$0x110]  }
0x540: {  	[tilespmem:v37+s19+$0x0] =	vst.idx.add.s32.msk $0xffff, v47;
	v47 =	vmul.f32 $2.400000000e+02, v32  }
0x541: {  	[tilespmem:v37+s20+$0x0] =	vst.idx.add.f32.msk $0xffff, v31  }
0x542: {  	[tilespmem:v35+s19+$0x0] =	vst.idx.add.s32.msk $0xffff, v46;
	vm0 =	veq.s32 v40, v41;
	v31 =	vtrunc.f32 v47  }
0x543: {  	v37 =	vsel vm0, $0x10001, v3;
	v40 =	vld [tilespmem:s26+$0x1C0];
	v31 =	vcvt.f32.s32 v31  }
0x544: {  	vm0 =	veq.s32 v45, v49;
	v41 =	vld [tilespmem:s28+$0x1C0]  }
0x545: {  	[tilespmem:v35+s20+$0x0] =	vst.idx.add.f32.msk $0xffff, v33;
	v33 =	vsel vm0, $0x10001, v3;
	v31 =	vand.u32 $0xFFFFFBF0, v31  }
0x546: {  	[tilespmem:v34+s19+$0x0] =	vst.idx.add.s32.msk $0xffff, v48;
	v31 =	vor.u32 v7, v31  }
0x547: {  	[tilespmem:v34+s20+$0x0] =	vst.idx.add.f32.msk $0xffff, v26  }
0x548: {  	[tilespmem:v36+s19+$0x0] =	vst.idx.add.s32.msk $0xffff, v38  }
0x549: {  	[tilespmem:v36+s20+$0x0] =	vst.idx.add.f32.msk $0xffff, v0;
	vm0 =	veq.s32 v40, v41  }
0x54a: {  	[tilespmem:v39+s19+$0x0] =	vst.idx.add.s32.msk $0xffff, v44;
	v0 =	vsel vm0, $0x10001, v3  }
0x54b: {  	[tilespmem:v31+s19+$0x0] =	vst.idx.add.s32.msk $0xffff, v0  }
0x54c: {  	[tilespmem:v31+s20+$0x0] =	vst.idx.add.f32.msk $0xffff, v32  }
0x54d: {  	v31 =	vld [tilespmem:s30+$0x1D0]  }
0x54e: {  	[tilespmem:v39+s20+$0x0] =	vst.idx.add.f32.msk $0xffff, v28  }
0x54f: {  	[tilespmem:v42+s19+$0x0] =	vst.idx.add.s32.msk $0xffff, v37  }
0x550: {  	[tilespmem:v42+s20+$0x0] =	vst.idx.add.f32.msk $0xffff, v29  }
0x551: {  	[tilespmem:v43+s19+$0x0] =	vst.idx.add.s32.msk $0xffff, v33  }
0x552: {  	[tilespmem:v43+s20+$0x0] =	vst.idx.add.f32.msk $0xffff, v30;
	v0 =	vmul.f32 $2.400000000e+02, v31  }
0x553: {  	v30 =	vld [tilespmem:s30+$0xFFFFFE20]  }
0x554: {  	v32 =	vld [tilespmem:s30+$0xFFFFFEA0];
	v0 =	vtrunc.f32 v0  }
0x555: {  	v33 =	vld [tilespmem:s26+$0x1D0];
	v0 =	vcvt.f32.s32 v0  }
0x556: {  	v34 =	vld [tilespmem:s28+$0x1D0]  }
0x557: {  	v35 =	vld [tilespmem:s30+$0xFFFFFF20];
	v0 =	vand.u32 $0xFFFFFAF0, v0  }
0x558: {  	v26 =	vmul.f32 $2.400000000e+02, v30;
	v29 =	vld [tilespmem:s30+$0xFFFFFFA0];
	v36 =	vor.u32 v8, v0  }
0x559: {  	v0 =	vmul.f32 $2.400000000e+02, v32;
	v28 =	vld [tilespmem:s30+$0x20]  }
0x55a: {  	v37 =	vtrunc.f32 v26;
	v26 =	vld [tilespmem:s30+$0xA0]  }
0x55b: {  	v37 =	vcvt.f32.s32 v37;
	v38 =	vtrunc.f32 v0;
	v0 =	vld [tilespmem:s30+$0x120];
	vm0 =	veq.s32 v33, v34  }
0x55c: {  	v33 =	vld [tilespmem:s26+$0xFFFFFE20];
	v34 =	vcvt.f32.s32 v38;
	v38 =	vmul.f32 $2.400000000e+02, v35;
	v39 =	vsel vm0, $0x10001, v3  }
0x55d: {  	v37 =	vand.u32 $0xFFFFFDF0, v37;
	v40 =	vmul.f32 $2.400000000e+02, v29;
	[tilespmem:v36+s19+$0x0] =	vst.idx.add.s32.msk $0xffff, v39  }
0x55e: {  	v34 =	vand.u32 $0xFFFFFDF0, v34;
	v38 =	vtrunc.f32 v38;
	v39 =	vmul.f32 $2.400000000e+02, v28;
	[tilespmem:v36+s20+$0x0] =	vst.idx.add.f32.msk $0xffff, v31  }
0x55f: {  	v31 =	vor.u32 v5, v37;
	v36 =	vtrunc.f32 v40;
	v37 =	vmul.f32 $2.400000000e+02, v26;
	v40 =	vld [tilespmem:s30+$0x1E0]  }
0x560: {  	v34 =	vor.u32 v5, v34;
	v41 =	vld [tilespmem:s28+$0xFFFFFE20];
	v39 =	vtrunc.f32 v39;
	v42 =	vmul.f32 $2.400000000e+02, v0  }
0x561: {  	v38 =	vcvt.f32.s32 v38;
	v43 =	vld [tilespmem:s26+$0xFFFFFEA0];
	v37 =	vtrunc.f32 v37  }
0x562: {  	v36 =	vcvt.f32.s32 v36;
	v44 =	vld [tilespmem:s28+$0xFFFFFEA0];
	v42 =	vtrunc.f32 v42  }
0x563: {  	v38 =	vand.u32 $0xFFFFFDF0, v38;
	v39 =	vcvt.f32.s32 v39;
	v37 =	vcvt.f32.s32 v37;
	v45 =	vld [tilespmem:s26+$0xFFFFFF20]  }
0x564: {  	v36 =	vand.u32 $0xFFFFFDF0, v36;
	v42 =	vcvt.f32.s32 v42;
	v46 =	vld [tilespmem:s28+$0xFFFFFF20];
	v47 =	vmul.f32 $2.400000000e+02, v40  }
0x565: {  	v39 =	vand.u32 $0xFFFFFDF0, v39;
	v37 =	vand.u32 $0xFFFFFDF0, v37;
	vm0 =	veq.s32 v33, v41;
	v33 =	vld [tilespmem:s26+$0xFFFFFFA0]  }
0x566: {  	v38 =	vor.u32 v5, v38;
	v42 =	vand.u32 $0xFFFFFDF0, v42;
	v41 =	vld [tilespmem:s28+$0xFFFFFFA0];
	v47 =	vtrunc.f32 v47  }
0x567: {  	v36 =	vor.u32 v5, v36;
	vm1 =	veq.s32 v43, v44;
	v43 =	vld [tilespmem:s26+$0x1E0];
	v44 =	vcvt.f32.s32 v47  }
0x568: {  	v39 =	vor.u32 v5, v39;
	v37 =	vor.u32 v5, v37;
	v42 =	vor.u32 v5, v42;
	v47 =	vld [tilespmem:s28+$0x1E0]  }
0x569: {  	v48 =	vsel vm0, $0x10001, v3;
	vm0 =	veq.s32 v45, v46;
	v45 =	vld [tilespmem:s26+$0x20];
	v44 =	vand.u32 $0xFFFFF9F0, v44  }
0x56a: {  	v46 =	vsel vm1, $0x10001, v3;
	v49 =	vsel vm0, $0x10001, v3;
	v50 =	vld [tilespmem:s28+$0x20];
	v44 =	vor.u32 v9, v44  }
0x56b: {  	vm0 =	veq.s32 v33, v41;
	v33 =	vld [tilespmem:s26+$0xA0]  }
0x56c: {  	v41 =	vsel vm0, $0x10001, v3;
	v51 =	vld [tilespmem:s28+$0xA0]  }
0x56d: {  	v52 =	vld [tilespmem:s26+$0x120];
	vm0 =	veq.s32 v43, v47  }
0x56e: {  	v43 =	vld [tilespmem:s28+$0x120];
	v47 =	vsel vm0, $0x10001, v3  }
0x56f: {  	vm0 =	veq.s32 v45, v50;
	[tilespmem:v44+s19+$0x0] =	vst.idx.add.s32.msk $0xffff, v47  }
0x570: {  	v45 =	vsel vm0, $0x10001, v3;
	[tilespmem:v44+s20+$0x0] =	vst.idx.add.f32.msk $0xffff, v40  }
0x571: {  	vm0 =	veq.s32 v33, v51;
	v33 =	vld [tilespmem:s30+$0x1F0]  }
0x572: {  	[tilespmem:v31+s19+$0x0] =	vst.idx.add.s32.msk $0xffff, v48;
	v40 =	vsel vm0, $0x10001, v3  }
0x573: {  	[tilespmem:v31+s20+$0x0] =	vst.idx.add.f32.msk $0xffff, v30;
	vm0 =	veq.s32 v52, v43  }
0x574: {  	[tilespmem:v34+s19+$0x0] =	vst.idx.add.s32.msk $0xffff, v46;
	v30 =	vsel vm0, $0x10001, v3  }
0x575: {  	[tilespmem:v34+s20+$0x0] =	vst.idx.add.f32.msk $0xffff, v32  }
0x576: {  	[tilespmem:v38+s19+$0x0] =	vst.idx.add.s32.msk $0xffff, v49;
	v31 =	vmul.f32 $2.400000000e+02, v33  }
0x577: {  	[tilespmem:v38+s20+$0x0] =	vst.idx.add.f32.msk $0xffff, v35  }
0x578: {  	[tilespmem:v36+s19+$0x0] =	vst.idx.add.s32.msk $0xffff, v41;
	v31 =	vtrunc.f32 v31  }
0x579: {  	v32 =	vld [tilespmem:s26+$0x1F0];
	v31 =	vcvt.f32.s32 v31  }
0x57a: {  	v34 =	vld [tilespmem:s28+$0x1F0]  }
0x57b: {  	[tilespmem:v36+s20+$0x0] =	vst.idx.add.f32.msk $0xffff, v29;
	v29 =	vand.u32 $0xFFFFF8F0, v31  }
0x57c: {  	[tilespmem:v39+s19+$0x0] =	vst.idx.add.s32.msk $0xffff, v45;
	v29 =	vor.u32 v10, v29  }
0x57d: {  	[tilespmem:v39+s20+$0x0] =	vst.idx.add.f32.msk $0xffff, v28  }
0x57e: {  	[tilespmem:v37+s19+$0x0] =	vst.idx.add.s32.msk $0xffff, v40  }
0x57f: {  	[tilespmem:v37+s20+$0x0] =	vst.idx.add.f32.msk $0xffff, v26;
	vm0 =	veq.s32 v32, v34  }
0x580: {  	[tilespmem:v42+s19+$0x0] =	vst.idx.add.s32.msk $0xffff, v30;
	v26 =	vsel vm0, $0x10001, v3  }
0x581: {  	[tilespmem:v29+s19+$0x0] =	vst.idx.add.s32.msk $0xffff, v26  }
0x582: {  	[tilespmem:v29+s20+$0x0] =	vst.idx.add.f32.msk $0xffff, v33  }
0x583: {  	[tilespmem:v42+s20+$0x0] =	vst.idx.add.f32.msk $0xffff, v0  }
0x584: {  	v0 =	vld [tilespmem:s30+$0xFFFFFE30]  }
0x585: {  	v26 =	vld [tilespmem:s30+$0xFFFFFEB0]  }
0x586: {  	v28 =	vld [tilespmem:s30+$0xFFFFFF30]  }
0x587: {  	v29 =	vld [tilespmem:s30+$0xFFFFFFB0]  }
0x588: {  	v30 =	vld [tilespmem:s30+$0x30]  }
0x589: {  	v31 =	vmul.f32 $2.400000000e+02, v0;
	v32 =	vld [tilespmem:s30+$0xB0]  }
0x58a: {  	v33 =	vmul.f32 $2.400000000e+02, v26;
	v34 =	vld [tilespmem:s30+$0x130]  }
0x58b: {  	v35 =	vld [tilespmem:s26+$0xFFFFFE30];
	v31 =	vtrunc.f32 v31;
	v36 =	vmul.f32 $2.400000000e+02, v28  }
0x58c: {  	v37 =	vld [tilespmem:s28+$0xFFFFFE30];
	v33 =	vtrunc.f32 v33;
	v38 =	vmul.f32 $2.400000000e+02, v29  }
0x58d: {  	v39 =	vld [tilespmem:s26+$0xFFFFFEB0];
	v36 =	vtrunc.f32 v36;
	v40 =	vmul.f32 $2.400000000e+02, v30  }
0x58e: {  	v41 =	vld [tilespmem:s28+$0xFFFFFEB0];
	v38 =	vtrunc.f32 v38;
	v42 =	vmul.f32 $2.400000000e+02, v32  }
0x58f: {  	v43 =	vld [tilespmem:s26+$0xFFFFFF30];
	v40 =	vtrunc.f32 v40;
	v44 =	vmul.f32 $2.400000000e+02, v34  }
0x590: {  	v31 =	vcvt.f32.s32 v31;
	v45 =	vld [tilespmem:s28+$0xFFFFFF30];
	v42 =	vtrunc.f32 v42  }
0x591: {  	v33 =	vcvt.f32.s32 v33;
	vm0 =	veq.s32 v35, v37;
	v35 =	vld [tilespmem:s26+$0xFFFFFFB0];
	v37 =	vtrunc.f32 v44  }
0x592: {  	v31 =	vand.u32 $0xFFFFFCF0, v31;
	v36 =	vcvt.f32.s32 v36;
	v38 =	vcvt.f32.s32 v38;
	v44 =	vld [tilespmem:s28+$0xFFFFFFB0]  }
0x593: {  	v33 =	vand.u32 $0xFFFFFCF0, v33;
	v40 =	vcvt.f32.s32 v40;
	v42 =	vcvt.f32.s32 v42;
	v46 =	vld [tilespmem:s26+$0x30]  }
0x594: {  	v36 =	vand.u32 $0xFFFFFCF0, v36;
	v38 =	vand.u32 $0xFFFFFCF0, v38;
	v37 =	vcvt.f32.s32 v37;
	v47 =	vld [tilespmem:s28+$0x30]  }
0x595: {  	vm1 =	veq.s32 v39, v41;
	v39 =	vand.u32 $0xFFFFFCF0, v40;
	v41 =	vand.u32 $0xFFFFFCF0, v42;
	v40 =	vld [tilespmem:s26+$0xB0]  }
0x596: {  	v31 =	vor.u32 v6, v31;
	v37 =	vand.u32 $0xFFFFFCF0, v37;
	vm2 =	veq.s32 v43, v45;
	v42 =	vld [tilespmem:s28+$0xB0]  }
0x597: {  	v33 =	vor.u32 v6, v33;
	v36 =	vor.u32 v6, v36;
	vm3 =	veq.s32 v35, v44;
	v35 =	vld [tilespmem:s26+$0x130]  }
0x598: {  	v38 =	vor.u32 v6, v38;
	v39 =	vor.u32 v6, v39;
	v41 =	vor.u32 v6, v41;
	v43 =	vld [tilespmem:s28+$0x130]  }
0x599: {  	v37 =	vor.u32 v6, v37;
	v44 =	vsel vm0, $0x10001, v3;
	vm0 =	veq.s32 v46, v47;
	[tilespmem:v24+s19+$0x0] =	vst.idx.add.s32.msk $0xffff, v25  }
0x59a: {  	v45 =	vsel vm2, $0x10001, v3;
	v25 =	vsel vm1, $0x10001, v3;
	v46 =	vsel vm3, $0x10001, v3;
	[tilespmem:v24+s20+$0x0] =	vst.idx.add.f32.msk $0xffff, v21  }
0x59b: {  	v21 =	vsel vm0, $0x10001, v3;
	[tilespmem:v31+s19+$0x0] =	vst.idx.add.s32.msk $0xffff, v44;
	vm0 =	veq.s32 v40, v42  }
0x59c: {  	[tilespmem:v31+s20+$0x0] =	vst.idx.add.f32.msk $0xffff, v0;
	v0 =	vsel vm0, $0x10001, v3  }
0x59d: {  	[tilespmem:v33+s19+$0x0] =	vst.idx.add.s32.msk $0xffff, v25;
	vm0 =	veq.s32 v35, v43  }
0x59e: {  	[tilespmem:v33+s20+$0x0] =	vst.idx.add.f32.msk $0xffff, v26;
	v24 =	vsel vm0, $0x10001, v3  }
0x59f: {  	[tilespmem:v36+s19+$0x0] =	vst.idx.add.s32.msk $0xffff, v45  }
0x5a0: {  	[tilespmem:v36+s20+$0x0] =	vst.idx.add.f32.msk $0xffff, v28  }
0x5a1: {  	[tilespmem:v38+s19+$0x0] =	vst.idx.add.s32.msk $0xffff, v46  }
0x5a2: {  	[tilespmem:v38+s20+$0x0] =	vst.idx.add.f32.msk $0xffff, v29  }
0x5a3: {  	[tilespmem:v39+s19+$0x0] =	vst.idx.add.s32.msk $0xffff, v21  }
0x5a4: {  	[tilespmem:v39+s20+$0x0] =	vst.idx.add.f32.msk $0xffff, v30  }
0x5a5: {  	[tilespmem:v41+s19+$0x0] =	vst.idx.add.s32.msk $0xffff, v0  }
0x5a6: {  	[tilespmem:v41+s20+$0x0] =	vst.idx.add.f32.msk $0xffff, v32  }
0x5a7: {  	[tilespmem:v37+s19+$0x0] =	vst.idx.add.s32.msk $0xffff, v24  }
0x5a8: {  	[tilespmem:v37+s20+$0x0] =	vst.idx.add.f32.msk $0xffff, v34  }
0x5a9: {  	v0 =	vld [tilespmem:s30+$0xFFFFFE40]  }
0x5aa: {  	v21 =	vld [tilespmem:s30+$0xFFFFFEC0]  }
0x5ab: {  	v24 =	vld [tilespmem:s30+$0xFFFFFF40]  }
0x5ac: {  	v25 =	vld [tilespmem:s30+$0xFFFFFFC0]  }
0x5ad: {  	v26 =	vld [tilespmem:s30+$0x40]  }
0x5ae: {  	v28 =	vmul.f32 $2.400000000e+02, v0;
	v29 =	vld [tilespmem:s30+$0xC0]  }
0x5af: {  	v30 =	vmul.f32 $2.400000000e+02, v21;
	v31 =	vld [tilespmem:s30+$0x140]  }
0x5b0: {  	v32 =	vld [tilespmem:s26+$0xFFFFFE40];
	v28 =	vtrunc.f32 v28;
	v33 =	vmul.f32 $2.400000000e+02, v24  }
0x5b1: {  	v34 =	vld [tilespmem:s28+$0xFFFFFE40];
	v30 =	vtrunc.f32 v30;
	v35 =	vmul.f32 $2.400000000e+02, v25  }
0x5b2: {  	v36 =	vld [tilespmem:s26+$0xFFFFFEC0];
	v33 =	vtrunc.f32 v33;
	v37 =	vmul.f32 $2.400000000e+02, v26  }
0x5b3: {  	v38 =	vld [tilespmem:s28+$0xFFFFFEC0];
	v35 =	vtrunc.f32 v35;
	v39 =	vmul.f32 $2.400000000e+02, v29  }
0x5b4: {  	v40 =	vld [tilespmem:s26+$0xFFFFFF40];
	v37 =	vtrunc.f32 v37;
	v41 =	vmul.f32 $2.400000000e+02, v31  }
0x5b5: {  	v28 =	vcvt.f32.s32 v28;
	v42 =	vld [tilespmem:s28+$0xFFFFFF40];
	v39 =	vtrunc.f32 v39  }
0x5b6: {  	v30 =	vcvt.f32.s32 v30;
	vm0 =	veq.s32 v32, v34;
	v32 =	vld [tilespmem:s26+$0xFFFFFFC0];
	v34 =	vtrunc.f32 v41  }
0x5b7: {  	v28 =	vand.u32 $0xFFFFFBF0, v28;
	v33 =	vcvt.f32.s32 v33;
	v35 =	vcvt.f32.s32 v35;
	v41 =	vld [tilespmem:s28+$0xFFFFFFC0]  }
0x5b8: {  	v30 =	vand.u32 $0xFFFFFBF0, v30;
	v37 =	vcvt.f32.s32 v37;
	v39 =	vcvt.f32.s32 v39;
	v43 =	vld [tilespmem:s26+$0x40]  }
0x5b9: {  	v33 =	vand.u32 $0xFFFFFBF0, v33;
	v35 =	vand.u32 $0xFFFFFBF0, v35;
	v34 =	vcvt.f32.s32 v34;
	v44 =	vld [tilespmem:s28+$0x40]  }
0x5ba: {  	vm1 =	veq.s32 v36, v38;
	v36 =	vand.u32 $0xFFFFFBF0, v37;
	v38 =	vand.u32 $0xFFFFFBF0, v39;
	v37 =	vld [tilespmem:s26+$0xC0]  }
0x5bb: {  	v28 =	vor.u32 v7, v28;
	v34 =	vand.u32 $0xFFFFFBF0, v34;
	vm2 =	veq.s32 v40, v42;
	v39 =	vld [tilespmem:s28+$0xC0]  }
0x5bc: {  	v30 =	vor.u32 v7, v30;
	v33 =	vor.u32 v7, v33;
	vm3 =	veq.s32 v32, v41;
	v32 =	vld [tilespmem:s26+$0x140]  }
0x5bd: {  	v35 =	vor.u32 v7, v35;
	v36 =	vor.u32 v7, v36;
	v38 =	vor.u32 v7, v38;
	v40 =	vld [tilespmem:s28+$0x140]  }
0x5be: {  	v34 =	vor.u32 v7, v34;
	v41 =	vsel vm0, $0x10001, v3;
	vm0 =	veq.s32 v43, v44;
	[tilespmem:v22+s19+$0x0] =	vst.idx.add.s32.msk $0xffff, v23  }
0x5bf: {  	v42 =	vsel vm2, $0x10001, v3;
	v23 =	vsel vm1, $0x10001, v3;
	v43 =	vsel vm3, $0x10001, v3;
	[tilespmem:v22+s20+$0x0] =	vst.idx.add.f32.msk $0xffff, v18  }
0x5c0: {  	v18 =	vsel vm0, $0x10001, v3;
	[tilespmem:v28+s19+$0x0] =	vst.idx.add.s32.msk $0xffff, v41;
	vm0 =	veq.s32 v37, v39  }
0x5c1: {  	[tilespmem:v28+s20+$0x0] =	vst.idx.add.f32.msk $0xffff, v0;
	v0 =	vsel vm0, $0x10001, v3  }
0x5c2: {  	[tilespmem:v30+s19+$0x0] =	vst.idx.add.s32.msk $0xffff, v23;
	vm0 =	veq.s32 v32, v40  }
0x5c3: {  	[tilespmem:v30+s20+$0x0] =	vst.idx.add.f32.msk $0xffff, v21;
	v21 =	vsel vm0, $0x10001, v3  }
0x5c4: {  	[tilespmem:v33+s19+$0x0] =	vst.idx.add.s32.msk $0xffff, v42  }
0x5c5: {  	[tilespmem:v33+s20+$0x0] =	vst.idx.add.f32.msk $0xffff, v24  }
0x5c6: {  	[tilespmem:v35+s19+$0x0] =	vst.idx.add.s32.msk $0xffff, v43  }
0x5c7: {  	[tilespmem:v35+s20+$0x0] =	vst.idx.add.f32.msk $0xffff, v25  }
0x5c8: {  	[tilespmem:v36+s19+$0x0] =	vst.idx.add.s32.msk $0xffff, v18  }
0x5c9: {  	[tilespmem:v36+s20+$0x0] =	vst.idx.add.f32.msk $0xffff, v26  }
0x5ca: {  	[tilespmem:v38+s19+$0x0] =	vst.idx.add.s32.msk $0xffff, v0  }
0x5cb: {  	[tilespmem:v38+s20+$0x0] =	vst.idx.add.f32.msk $0xffff, v29  }
0x5cc: {  	[tilespmem:v34+s19+$0x0] =	vst.idx.add.s32.msk $0xffff, v21  }
0x5cd: {  	[tilespmem:v34+s20+$0x0] =	vst.idx.add.f32.msk $0xffff, v31  }
0x5ce: {  	v0 =	vld [tilespmem:s30+$0xFFFFFE50]  }
0x5cf: {  	v18 =	vld [tilespmem:s30+$0xFFFFFED0]  }
0x5d0: {  	v21 =	vld [tilespmem:s30+$0xFFFFFF50]  }
0x5d1: {  	v22 =	vld [tilespmem:s30+$0xFFFFFFD0]  }
0x5d2: {  	v23 =	vld [tilespmem:s30+$0x50]  }
0x5d3: {  	v24 =	vmul.f32 $2.400000000e+02, v0;
	v25 =	vld [tilespmem:s30+$0xD0]  }
0x5d4: {  	v26 =	vmul.f32 $2.400000000e+02, v18;
	v28 =	vld [tilespmem:s30+$0x150]  }
0x5d5: {  	v29 =	vld [tilespmem:s26+$0xFFFFFE50];
	v24 =	vtrunc.f32 v24;
	v30 =	vmul.f32 $2.400000000e+02, v21  }
0x5d6: {  	v31 =	vld [tilespmem:s28+$0xFFFFFE50];
	v26 =	vtrunc.f32 v26;
	v32 =	vmul.f32 $2.400000000e+02, v22  }
0x5d7: {  	v33 =	vld [tilespmem:s26+$0xFFFFFED0];
	v30 =	vtrunc.f32 v30;
	v34 =	vmul.f32 $2.400000000e+02, v23  }
0x5d8: {  	v35 =	vld [tilespmem:s28+$0xFFFFFED0];
	v32 =	vtrunc.f32 v32;
	v36 =	vmul.f32 $2.400000000e+02, v25  }
0x5d9: {  	v37 =	vld [tilespmem:s26+$0xFFFFFF50];
	v34 =	vtrunc.f32 v34;
	v38 =	vmul.f32 $2.400000000e+02, v28  }
0x5da: {  	v24 =	vcvt.f32.s32 v24;
	v39 =	vld [tilespmem:s28+$0xFFFFFF50];
	v36 =	vtrunc.f32 v36  }
0x5db: {  	v26 =	vcvt.f32.s32 v26;
	vm0 =	veq.s32 v29, v31;
	v29 =	vld [tilespmem:s26+$0xFFFFFFD0];
	v31 =	vtrunc.f32 v38  }
0x5dc: {  	v24 =	vand.u32 $0xFFFFFAF0, v24;
	v30 =	vcvt.f32.s32 v30;
	v32 =	vcvt.f32.s32 v32;
	v38 =	vld [tilespmem:s28+$0xFFFFFFD0]  }
0x5dd: {  	v26 =	vand.u32 $0xFFFFFAF0, v26;
	v34 =	vcvt.f32.s32 v34;
	v36 =	vcvt.f32.s32 v36;
	v40 =	vld [tilespmem:s26+$0x50]  }
0x5de: {  	v30 =	vand.u32 $0xFFFFFAF0, v30;
	v32 =	vand.u32 $0xFFFFFAF0, v32;
	v31 =	vcvt.f32.s32 v31;
	v41 =	vld [tilespmem:s28+$0x50]  }
0x5df: {  	vm1 =	veq.s32 v33, v35;
	v33 =	vand.u32 $0xFFFFFAF0, v34;
	v35 =	vand.u32 $0xFFFFFAF0, v36;
	v34 =	vld [tilespmem:s26+$0xD0]  }
0x5e0: {  	v24 =	vor.u32 v8, v24;
	v31 =	vand.u32 $0xFFFFFAF0, v31;
	vm2 =	veq.s32 v37, v39;
	v36 =	vld [tilespmem:s28+$0xD0]  }
0x5e1: {  	v26 =	vor.u32 v8, v26;
	v30 =	vor.u32 v8, v30;
	vm3 =	veq.s32 v29, v38;
	v29 =	vld [tilespmem:s26+$0x150]  }
0x5e2: {  	v32 =	vor.u32 v8, v32;
	v33 =	vor.u32 v8, v33;
	v35 =	vor.u32 v8, v35;
	v37 =	vld [tilespmem:s28+$0x150]  }
0x5e3: {  	v31 =	vor.u32 v8, v31;
	v38 =	vsel vm0, $0x10001, v3;
	vm0 =	veq.s32 v40, v41;
	[tilespmem:v19+s19+$0x0] =	vst.idx.add.s32.msk $0xffff, v20  }
0x5e4: {  	v39 =	vsel vm2, $0x10001, v3;
	v20 =	vsel vm1, $0x10001, v3;
	v40 =	vsel vm3, $0x10001, v3;
	[tilespmem:v19+s20+$0x0] =	vst.idx.add.f32.msk $0xffff, v15  }
0x5e5: {  	v15 =	vsel vm0, $0x10001, v3;
	[tilespmem:v24+s19+$0x0] =	vst.idx.add.s32.msk $0xffff, v38;
	vm0 =	veq.s32 v34, v36  }
0x5e6: {  	[tilespmem:v24+s20+$0x0] =	vst.idx.add.f32.msk $0xffff, v0;
	v0 =	vsel vm0, $0x10001, v3  }
0x5e7: {  	[tilespmem:v26+s19+$0x0] =	vst.idx.add.s32.msk $0xffff, v20;
	vm0 =	veq.s32 v29, v37  }
0x5e8: {  	[tilespmem:v26+s20+$0x0] =	vst.idx.add.f32.msk $0xffff, v18;
	v18 =	vsel vm0, $0x10001, v3  }
0x5e9: {  	[tilespmem:v30+s19+$0x0] =	vst.idx.add.s32.msk $0xffff, v39  }
0x5ea: {  	[tilespmem:v30+s20+$0x0] =	vst.idx.add.f32.msk $0xffff, v21  }
0x5eb: {  	[tilespmem:v32+s19+$0x0] =	vst.idx.add.s32.msk $0xffff, v40  }
0x5ec: {  	[tilespmem:v32+s20+$0x0] =	vst.idx.add.f32.msk $0xffff, v22  }
0x5ed: {  	[tilespmem:v33+s19+$0x0] =	vst.idx.add.s32.msk $0xffff, v15  }
0x5ee: {  	[tilespmem:v33+s20+$0x0] =	vst.idx.add.f32.msk $0xffff, v23  }
0x5ef: {  	[tilespmem:v35+s19+$0x0] =	vst.idx.add.s32.msk $0xffff, v0  }
0x5f0: {  	[tilespmem:v35+s20+$0x0] =	vst.idx.add.f32.msk $0xffff, v25  }
0x5f1: {  	[tilespmem:v31+s19+$0x0] =	vst.idx.add.s32.msk $0xffff, v18  }
0x5f2: {  	[tilespmem:v31+s20+$0x0] =	vst.idx.add.f32.msk $0xffff, v28  }
0x5f3: {  	v0 =	vld [tilespmem:s30+$0xFFFFFE60]  }
0x5f4: {  	v15 =	vld [tilespmem:s30+$0xFFFFFEE0]  }
0x5f5: {  	v18 =	vld [tilespmem:s30+$0xFFFFFF60]  }
0x5f6: {  	v19 =	vld [tilespmem:s30+$0xFFFFFFE0]  }
0x5f7: {  	v20 =	vld [tilespmem:s30+$0x60]  }
0x5f8: {  	v21 =	vmul.f32 $2.400000000e+02, v0;
	v22 =	vld [tilespmem:s30+$0xE0]  }
0x5f9: {  	v23 =	vmul.f32 $2.400000000e+02, v15;
	v24 =	vld [tilespmem:s30+$0x160]  }
0x5fa: {  	v25 =	vld [tilespmem:s26+$0xFFFFFE60];
	v21 =	vtrunc.f32 v21;
	v26 =	vmul.f32 $2.400000000e+02, v18  }
0x5fb: {  	v28 =	vld [tilespmem:s28+$0xFFFFFE60];
	v23 =	vtrunc.f32 v23;
	v29 =	vmul.f32 $2.400000000e+02, v19  }
0x5fc: {  	v30 =	vld [tilespmem:s26+$0xFFFFFEE0];
	v26 =	vtrunc.f32 v26;
	v31 =	vmul.f32 $2.400000000e+02, v20  }
0x5fd: {  	v32 =	vld [tilespmem:s28+$0xFFFFFEE0];
	v29 =	vtrunc.f32 v29;
	v33 =	vmul.f32 $2.400000000e+02, v22  }
0x5fe: {  	v34 =	vld [tilespmem:s26+$0xFFFFFF60];
	v31 =	vtrunc.f32 v31;
	v35 =	vmul.f32 $2.400000000e+02, v24  }
0x5ff: {  	v21 =	vcvt.f32.s32 v21;
	v36 =	vld [tilespmem:s28+$0xFFFFFF60];
	v33 =	vtrunc.f32 v33  }
0x600: {  	v23 =	vcvt.f32.s32 v23;
	vm0 =	veq.s32 v25, v28;
	v25 =	vld [tilespmem:s26+$0xFFFFFFE0];
	v28 =	vtrunc.f32 v35  }
0x601: {  	v21 =	vand.u32 $0xFFFFF9F0, v21;
	v26 =	vcvt.f32.s32 v26;
	v29 =	vcvt.f32.s32 v29;
	v35 =	vld [tilespmem:s28+$0xFFFFFFE0]  }
0x602: {  	v23 =	vand.u32 $0xFFFFF9F0, v23;
	v31 =	vcvt.f32.s32 v31;
	v33 =	vcvt.f32.s32 v33;
	v37 =	vld [tilespmem:s26+$0x60]  }
0x603: {  	v26 =	vand.u32 $0xFFFFF9F0, v26;
	v29 =	vand.u32 $0xFFFFF9F0, v29;
	v28 =	vcvt.f32.s32 v28;
	v38 =	vld [tilespmem:s28+$0x60]  }
0x604: {  	vm1 =	veq.s32 v30, v32;
	v30 =	vand.u32 $0xFFFFF9F0, v31;
	v32 =	vand.u32 $0xFFFFF9F0, v33;
	v31 =	vld [tilespmem:s26+$0xE0]  }
0x605: {  	v21 =	vor.u32 v9, v21;
	v28 =	vand.u32 $0xFFFFF9F0, v28;
	vm2 =	veq.s32 v34, v36;
	v33 =	vld [tilespmem:s28+$0xE0]  }
0x606: {  	v23 =	vor.u32 v9, v23;
	v26 =	vor.u32 v9, v26;
	vm3 =	veq.s32 v25, v35;
	v25 =	vld [tilespmem:s26+$0x160]  }
0x607: {  	v29 =	vor.u32 v9, v29;
	v30 =	vor.u32 v9, v30;
	v32 =	vor.u32 v9, v32;
	v34 =	vld [tilespmem:s28+$0x160]  }
0x608: {  	v28 =	vor.u32 v9, v28;
	v35 =	vsel vm0, $0x10001, v3;
	vm0 =	veq.s32 v37, v38;
	[tilespmem:v16+s19+$0x0] =	vst.idx.add.s32.msk $0xffff, v17  }
0x609: {  	v36 =	vsel vm2, $0x10001, v3;
	v17 =	vsel vm1, $0x10001, v3;
	v37 =	vsel vm3, $0x10001, v3;
	[tilespmem:v16+s20+$0x0] =	vst.idx.add.f32.msk $0xffff, v12  }
0x60a: {  	v12 =	vsel vm0, $0x10001, v3;
	[tilespmem:v21+s19+$0x0] =	vst.idx.add.s32.msk $0xffff, v35;
	vm0 =	veq.s32 v31, v33  }
0x60b: {  	[tilespmem:v21+s20+$0x0] =	vst.idx.add.f32.msk $0xffff, v0;
	v0 =	vsel vm0, $0x10001, v3  }
0x60c: {  	[tilespmem:v23+s19+$0x0] =	vst.idx.add.s32.msk $0xffff, v17;
	vm0 =	veq.s32 v25, v34  }
0x60d: {  	[tilespmem:v23+s20+$0x0] =	vst.idx.add.f32.msk $0xffff, v15;
	v15 =	vsel vm0, $0x10001, v3  }
0x60e: {  	[tilespmem:v26+s19+$0x0] =	vst.idx.add.s32.msk $0xffff, v36  }
0x60f: {  	[tilespmem:v26+s20+$0x0] =	vst.idx.add.f32.msk $0xffff, v18  }
0x610: {  	[tilespmem:v29+s19+$0x0] =	vst.idx.add.s32.msk $0xffff, v37  }
0x611: {  	[tilespmem:v29+s20+$0x0] =	vst.idx.add.f32.msk $0xffff, v19  }
0x612: {  	[tilespmem:v30+s19+$0x0] =	vst.idx.add.s32.msk $0xffff, v12  }
0x613: {  	[tilespmem:v30+s20+$0x0] =	vst.idx.add.f32.msk $0xffff, v20  }
0x614: {  	[tilespmem:v32+s19+$0x0] =	vst.idx.add.s32.msk $0xffff, v0  }
0x615: {  	[tilespmem:v32+s20+$0x0] =	vst.idx.add.f32.msk $0xffff, v22  }
0x616: {  	[tilespmem:v28+s19+$0x0] =	vst.idx.add.s32.msk $0xffff, v15  }
0x617: {  	[tilespmem:v28+s20+$0x0] =	vst.idx.add.f32.msk $0xffff, v24  }
0x618: {  	v0 =	vld [tilespmem:s30+$0xFFFFFE70]  }
0x619: {  	v26 =	vld [tilespmem:s30+$0xFFFFFEF0]  }
0x61a: {  	v21 =	vld [tilespmem:s30+$0xFFFFFF70]  }
0x61b: {  	v18 =	vld [tilespmem:s30+$0xFFFFFFF0]  }
0x61c: {  	v15 =	vld [tilespmem:s30+$0x70]  }
0x61d: {  	v16 =	vmul.f32 $2.400000000e+02, v0;
	v12 =	vld [tilespmem:s30+$0xF0]  }
0x61e: {  	v17 =	vmul.f32 $2.400000000e+02, v26;
	v20 =	vld [tilespmem:s30+$0x170]  }
0x61f: {  	v19 =	vld [tilespmem:s26+$0xFFFFFE70];
	v16 =	vtrunc.f32 v16;
	v22 =	vmul.f32 $2.400000000e+02, v21  }
0x620: {  	v23 =	vld [tilespmem:s28+$0xFFFFFE70];
	v17 =	vtrunc.f32 v17;
	v24 =	vmul.f32 $2.400000000e+02, v18  }
0x621: {  	v25 =	vld [tilespmem:s26+$0xFFFFFEF0];
	v22 =	vtrunc.f32 v22;
	v28 =	vmul.f32 $2.400000000e+02, v15  }
0x622: {  	v29 =	vld [tilespmem:s28+$0xFFFFFEF0];
	v24 =	vtrunc.f32 v24;
	v30 =	vmul.f32 $2.400000000e+02, v12  }
0x623: {  	v31 =	vld [tilespmem:s26+$0xFFFFFF70];
	v28 =	vtrunc.f32 v28;
	v32 =	vmul.f32 $2.400000000e+02, v20  }
0x624: {  	v16 =	vcvt.f32.s32 v16;
	v33 =	vld [tilespmem:s28+$0xFFFFFF70];
	v30 =	vtrunc.f32 v30  }
0x625: {  	v17 =	vcvt.f32.s32 v17;
	vm0 =	veq.s32 v19, v23;
	v19 =	vld [tilespmem:s26+$0xFFFFFFF0];
	v23 =	vtrunc.f32 v32  }
0x626: {  	v16 =	vand.u32 $0xFFFFF8F0, v16;
	v22 =	vcvt.f32.s32 v22;
	v24 =	vcvt.f32.s32 v24;
	v32 =	vld [tilespmem:s28+$0xFFFFFFF0]  }
0x627: {  	v17 =	vand.u32 $0xFFFFF8F0, v17;
	v28 =	vcvt.f32.s32 v28;
	v30 =	vcvt.f32.s32 v30;
	v34 =	vld [tilespmem:s26+$0x70]  }
0x628: {  	v22 =	vand.u32 $0xFFFFF8F0, v22;
	v35 =	vand.u32 $0xFFFFF8F0, v24;
	v23 =	vcvt.f32.s32 v23;
	v36 =	vld [tilespmem:s28+$0x70]  }
0x629: {  	vm1 =	veq.s32 v25, v29;
	v25 =	vand.u32 $0xFFFFF8F0, v28;
	v29 =	vand.u32 $0xFFFFF8F0, v30;
	v28 =	vld [tilespmem:s26+$0xF0]  }
0x62a: {  	v30 =	vor.u32 v10, v16;
	v23 =	vand.u32 $0xFFFFF8F0, v23;
	vm2 =	veq.s32 v31, v33;
	v31 =	vld [tilespmem:s28+$0xF0]  }
0x62b: {  	v24 =	vor.u32 v10, v22;
	v33 =	vor.u32 v10, v17;
	vm3 =	veq.s32 v19, v32;
	v32 =	vld [tilespmem:s26+$0x170]  }
0x62c: {  	v22 =	vor.u32 v10, v35;
	v16 =	vor.u32 v10, v29;
	v19 =	vor.u32 v10, v25;
	v29 =	vld [tilespmem:s28+$0x170]  }
0x62d: {  	v17 =	vsel vm0, $0x10001, v3;
	vm0 =	veq.s32 v34, v36;
	v34 =	vor.u32 v10, v23;
	[tilespmem:v13+s19+$0x0] =	vst.idx.add.s32.msk $0xffff, v14  }
.Ltmp1:
0x62e: {  	v25 =	vsel vm2, $0x10001, v3;
	v14 =	vsel vm1, $0x10001, v3;
	v23 =	vsel vm3, $0x10001, v3;
	[tilespmem:v13+s20+$0x0] =	vst.idx.add.f32.msk $0xffff, v11;
	v11 =	vmovc v20;
	v13 =	vmovc v34;
	(pc) =	sbr.rel @p0 .LBB2_5-.Ltmp1, $4  }
0x62f: {  	v20 =	vsel vm0, $0x10001, v3;
	[tilespmem:v30+s19+$0x0] =	vst.idx.add.s32.msk $0xffff, v17;
	vm0 =	veq.s32 v28, v31  }
0x630: {  	[tilespmem:v30+s20+$0x0] =	vst.idx.add.f32.msk $0xffff, v0;
	v17 =	vsel vm0, $0x10001, v3  }
0x631: {  	[tilespmem:v33+s19+$0x0] =	vst.idx.add.s32.msk $0xffff, v14;
	vm0 =	veq.s32 v32, v29  }
0x632: {  	s30 =	sadd.s32 $0x400, s30;
	[tilespmem:v33+s20+$0x0] =	vst.idx.add.f32.msk $0xffff, v26;
	v14 =	vsel vm0, $0x10001, v3  }
0x633: {  	_ =	sdelay $0x3  }
0x634: {  	[tilespmem:v24+s19+$0x0] =	vst.idx.add.s32.msk $0xffff, v25  }
0x635: {  	[tilespmem:v22+s19+$0x0] =	vst.idx.add.s32.msk $0xffff, v23  }
0x636: {  	[tilespmem:v19+s19+$0x0] =	vst.idx.add.s32.msk $0xffff, v20  }
0x637: {  	[tilespmem:v16+s19+$0x0] =	vst.idx.add.s32.msk $0xffff, v17;
	s25 =	sadd.s32 $0x1, s25  }
0x638: {  	[tilespmem:v13+s19+$0x0] =	vst.idx.add.s32.msk $0xffff, v14;
	p0 =	sne.s32 s25, $0x10  }
.Ltmp2:
0x639: {  	[tilespmem:v24+s20+$0x0] =	vst.idx.add.f32.msk $0xffff, v21;
	(pc) =	sbr.rel @p0 .LBB2_2-.Ltmp2, $4  }
0x63a: {  	[tilespmem:v22+s20+$0x0] =	vst.idx.add.f32.msk $0xffff, v18  }
0x63b: {  	[tilespmem:v19+s20+$0x0] =	vst.idx.add.f32.msk $0xffff, v15  }
0x63c: {  	[tilespmem:v16+s20+$0x0] =	vst.idx.add.f32.msk $0xffff, v12  }
0x63d: {  	[tilespmem:v13+s20+$0x0] =	vst.idx.add.f32.msk $0xffff, v11  }
0x63e: {  	v36 =	vld [tilespmem:$0x18000]  }
0x63f: {  	v15 =	vld [tilespmem:$0x18800]  }
0x640: {  	v26 =	vld [tilespmem:$0x18100]  }
0x641: {  	v19 =	vld [tilespmem:$0x18900]  }
0x642: {  	v33 =	vld [tilespmem:$0x18200]  }
0x643: {  	v30 =	vld [tilespmem:$0x18A00]  }
0x644: {  	v38 =	vld [tilespmem:$0x18300]  }
0x645: {  	v21 =	vld [tilespmem:$0x18B00]  }
0x646: {  	v39 =	vld [tilespmem:$0x18400]  }
0x647: {  	v31 =	vld [tilespmem:$0x18C00]  }
0x648: {  	v63 =	vld [tilespmem:$0x18500]  }
0x649: {  	v47 =	vld [tilespmem:$0x18D00]  }
0x64a: {  	v53 =	vld [tilespmem:$0x18600]  }
0x64b: {  	v40 =	vld [tilespmem:$0x18E00]  }
0x64c: {  	v0 =	vld [tilespmem:$0x18700]  }
0x64d: {  	v37 =	vld [tilespmem:$0x18010]  }
0x64e: {  	v11 =	vld [tilespmem:$0x18810]  }
0x64f: {  	v29 =	vld [tilespmem:$0x18110]  }
0x650: {  	v13 =	vld [tilespmem:$0x18910]  }
0x651: {  	v44 =	vld [tilespmem:$0x18210]  }
0x652: {  	v16 =	vld [tilespmem:$0x18A10]  }
0x653: {  	v43 =	vld [tilespmem:$0x18310]  }
0x654: {  	v22 =	vld [tilespmem:$0x18B10]  }
0x655: {  	[tilespmem:$0x1F860] =	vst v0;
	v0 =	vld [tilespmem:$0x18F00]  }
0x656: {  	v52 =	vld [tilespmem:$0x18410]  }
0x657: {  	v35 =	vld [tilespmem:$0x18C10]  }
0x658: {  	v51 =	vld [tilespmem:$0x18510]  }
0x659: {  	v55 =	vld [tilespmem:$0x18D10]  }
0x65a: {  	[tilespmem:$0x1F870] =	vst v0;
	v0 =	vld [tilespmem:$0x18E10]  }
0x65b: {  	v62 =	vld [tilespmem:$0x18610]  }
0x65c: {  	v48 =	vld [tilespmem:$0x18020]  }
0x65d: {  	v45 =	vld [tilespmem:$0x18120]  }
0x65e: {  	v2 =	vld [tilespmem:$0x18420]  }
0x65f: {  	[tilespmem:$0x1F880] =	vst v0;
	v0 =	vld [tilespmem:$0x18710]  }
0x660: {  	v12 =	vld [tilespmem:$0x18920]  }
0x661: {  	v49 =	vld [tilespmem:$0x18220]  }
0x662: {  	v17 =	vld [tilespmem:$0x18A20]  }
0x663: {  	[tilespmem:$0x1F8B0] =	vst v2;
	v2 =	vld [tilespmem:$0x18520]  }
0x664: {  	[tilespmem:$0x1F890] =	vst v0;
	v0 =	vld [tilespmem:$0x18F10]  }
0x665: {  	v60 =	vld [tilespmem:$0x18320]  }
0x666: {  	v25 =	vld [tilespmem:$0x18B20]  }
0x667: {  	v32 =	vld [tilespmem:$0x18C20]  }
0x668: {  	v57 =	vld [tilespmem:$0x18D20];
	[tilespmem:$0x1F8C0] =	vst v2  }
0x669: {  	[tilespmem:$0x1F8A0] =	vst v0;
	v0 =	vld [tilespmem:$0x18820]  }
0x66a: {  	v2 =	vld [tilespmem:$0x18620];
	_ =	sdelay $0x4  }
0x66b: {  	[tilespmem:$0x1F8D0] =	vst v2;
	v2 =	vld [tilespmem:$0x18E20];
	_ =	sdelay $0x4  }
0x66c: {  	[tilespmem:$0x1F8E0] =	vst v2;
	v2 =	vld [tilespmem:$0x18720];
	_ =	sdelay $0x4  }
0x66d: {  	[tilespmem:$0x1F920] =	vst v2;
	v2 =	vld [tilespmem:$0x18F20];
	_ =	sdelay $0x4  }
0x66e: {  	[tilespmem:$0x1F930] =	vst v2;
	v2 =	vld [tilespmem:$0x18030];
	_ =	sdelay $0x4  }
0x66f: {  	[tilespmem:$0x1F8F0] =	vst v2;
	v2 =	vld [tilespmem:$0x18130];
	_ =	sdelay $0x4  }
0x670: {  	[tilespmem:$0x1F900] =	vst v2;
	v2 =	vld [tilespmem:$0x18230];
	_ =	sdelay $0x4  }
0x671: {  	[tilespmem:$0x1F910] =	vst v2;
	v2 =	vld [tilespmem:$0x18330];
	_ =	sdelay $0x4  }
0x672: {  	[tilespmem:$0x1F940] =	vst v2;
	v2 =	vld [tilespmem:$0x18430];
	_ =	sdelay $0x4  }
0x673: {  	[tilespmem:$0x1F950] =	vst v2;
	v2 =	vld [tilespmem:$0x18C30];
	_ =	sdelay $0x4  }
0x674: {  	[tilespmem:$0x1F960] =	vst v2;
	v2 =	vld [tilespmem:$0x18530];
	_ =	sdelay $0x4  }
0x675: {  	[tilespmem:$0x1F970] =	vst v2;
	v2 =	vld [tilespmem:$0x18D30];
	_ =	sdelay $0x4  }
0x676: {  	[tilespmem:$0x1F990] =	vst v2;
	v2 =	vld [tilespmem:$0x18630];
	_ =	sdelay $0x4  }
0x677: {  	[tilespmem:$0x1F9B0] =	vst v2;
	v2 =	vld [tilespmem:$0x18E30];
	_ =	sdelay $0x4  }
0x678: {  	[tilespmem:$0x1F9D0] =	vst v2;
	v2 =	vld [tilespmem:$0x18730];
	_ =	sdelay $0x4  }
0x679: {  	[tilespmem:$0x1FA00] =	vst v2;
	v2 =	vld [tilespmem:$0x18F30];
	_ =	sdelay $0x4  }
0x67a: {  	[tilespmem:$0x1FA20] =	vst v2;
	v2 =	vld [tilespmem:$0x18040];
	_ =	sdelay $0x4  }
0x67b: {  	[tilespmem:$0x1F980] =	vst v2;
	v2 =	vld [tilespmem:$0x18240];
	_ =	sdelay $0x4  }
0x67c: {  	[tilespmem:$0x1F9A0] =	vst v2;
	v2 =	vld [tilespmem:$0x18340];
	_ =	sdelay $0x4  }
0x67d: {  	[tilespmem:$0x1F9C0] =	vst v2;
	v2 =	vld [tilespmem:$0x18440];
	_ =	sdelay $0x4  }
0x67e: {  	[tilespmem:$0x1F9E0] =	vst v2;
	v2 =	vld [tilespmem:$0x18C40];
	_ =	sdelay $0x4  }
0x67f: {  	[tilespmem:$0x1F9F0] =	vst v2;
	v2 =	vld [tilespmem:$0x18540];
	_ =	sdelay $0x4  }
0x680: {  	[tilespmem:$0x1FA10] =	vst v2;
	v2 =	vld [tilespmem:$0x18D40];
	_ =	sdelay $0x4  }
0x681: {  	[tilespmem:$0x1FA30] =	vst v2;
	v2 =	vld [tilespmem:$0x18640];
	_ =	sdelay $0x4  }
0x682: {  	[tilespmem:$0x1FA40] =	vst v2;
	v2 =	vld [tilespmem:$0x18E40];
	_ =	sdelay $0x4  }
0x683: {  	[tilespmem:$0x1FA80] =	vst v2;
	v2 =	vld [tilespmem:$0x18740];
	_ =	sdelay $0x4  }
0x684: {  	[tilespmem:$0x1FA90] =	vst v2;
	v2 =	vld [tilespmem:$0x18F40];
	_ =	sdelay $0x4  }
0x685: {  	[tilespmem:$0x1FAD0] =	vst v2;
	v2 =	vld [tilespmem:$0x18050];
	_ =	sdelay $0x4  }
0x686: {  	[tilespmem:$0x1FA50] =	vst v2;
	v2 =	vld [tilespmem:$0x18150];
	_ =	sdelay $0x4  }
0x687: {  	[tilespmem:$0x1FA60] =	vst v2;
	v2 =	vld [tilespmem:$0x18250];
	_ =	sdelay $0x4  }
0x688: {  	[tilespmem:$0x1FAA0] =	vst v2;
	v2 =	vld [tilespmem:$0x18350];
	_ =	sdelay $0x4  }
0x689: {  	[tilespmem:$0x1FAB0] =	vst v2;
	v2 =	vld [tilespmem:$0x18B50];
	_ =	sdelay $0x4  }
0x68a: {  	[tilespmem:$0x1FA70] =	vst v2;
	v2 =	vld [tilespmem:$0x18450];
	_ =	sdelay $0x4  }
0x68b: {  	[tilespmem:$0x1FAE0] =	vst v2;
	v2 =	vld [tilespmem:$0x18C50];
	_ =	sdelay $0x4  }
0x68c: {  	[tilespmem:$0x1FAC0] =	vst v2;
	v2 =	vld [tilespmem:$0x18550];
	_ =	sdelay $0x4  }
0x68d: {  	[tilespmem:$0x1FAF0] =	vst v2;
	v2 =	vld [tilespmem:$0x18D50];
	_ =	sdelay $0x4  }
0x68e: {  	[tilespmem:$0x1FB00] =	vst v2;
	v2 =	vld [tilespmem:$0x18650];
	_ =	sdelay $0x4  }
0x68f: {  	[tilespmem:$0x1FB20] =	vst v2;
	v2 =	vld [tilespmem:$0x18E50];
	_ =	sdelay $0x4  }
0x690: {  	[tilespmem:$0x1FB50] =	vst v2;
	v2 =	vld [tilespmem:$0x18750];
	_ =	sdelay $0x4  }
0x691: {  	[tilespmem:$0x1FB80] =	vst v2;
	v2 =	vld [tilespmem:$0x18F50];
	_ =	sdelay $0x4  }
0x692: {  	[tilespmem:$0x1FBB0] =	vst v2;
	v2 =	vld [tilespmem:$0x18060];
	_ =	sdelay $0x4  }
0x693: {  	[tilespmem:$0x1FB30] =	vst v2;
	v2 =	vld [tilespmem:$0x18160];
	_ =	sdelay $0x4  }
0x694: {  	[tilespmem:$0x1FB40] =	vst v2;
	v2 =	vld [tilespmem:$0x18260];
	_ =	sdelay $0x4  }
0x695: {  	[tilespmem:$0x1FB60] =	vst v2;
	v2 =	vld [tilespmem:$0x18A60];
	_ =	sdelay $0x4  }
0x696: {  	[tilespmem:$0x1FB10] =	vst v2;
	v2 =	vld [tilespmem:$0x18360];
	_ =	sdelay $0x4  }
0x697: {  	[tilespmem:$0x1FB90] =	vst v2;
	v2 =	vld [tilespmem:$0x18B60];
	_ =	sdelay $0x4  }
0x698: {  	[tilespmem:$0x1FB70] =	vst v2;
	v2 =	vld [tilespmem:$0x18460];
	_ =	sdelay $0x4  }
0x699: {  	[tilespmem:$0x1FBC0] =	vst v2;
	v2 =	vld [tilespmem:$0x18C60];
	_ =	sdelay $0x4  }
0x69a: {  	[tilespmem:$0x1FBD0] =	vst v2;
	v2 =	vld [tilespmem:$0x18560];
	_ =	sdelay $0x4  }
0x69b: {  	[tilespmem:$0x1FBE0] =	vst v2;
	v2 =	vld [tilespmem:$0x18D60];
	_ =	sdelay $0x4  }
0x69c: {  	[tilespmem:$0x1FC20] =	vst v2;
	v2 =	vld [tilespmem:$0x18660];
	_ =	sdelay $0x4  }
0x69d: {  	[tilespmem:$0x1FC30] =	vst v2;
	v2 =	vld [tilespmem:$0x18E60];
	_ =	sdelay $0x4  }
0x69e: {  	[tilespmem:$0x1FC80] =	vst v2;
	v2 =	vld [tilespmem:$0x18760];
	_ =	sdelay $0x4  }
0x69f: {  	[tilespmem:$0x1FC90] =	vst v2;
	v2 =	vld [tilespmem:$0x18F60];
	_ =	sdelay $0x4  }
0x6a0: {  	[tilespmem:$0x1FCE0] =	vst v2;
	v2 =	vld [tilespmem:$0x18070];
	_ =	sdelay $0x4  }
0x6a1: {  	[tilespmem:$0x1FBF0] =	vst v2;
	v2 =	vld [tilespmem:$0x18170];
	_ =	sdelay $0x4  }
0x6a2: {  	[tilespmem:$0x1FC00] =	vst v2;
	v2 =	vld [tilespmem:$0x18270];
	_ =	sdelay $0x4  }
0x6a3: {  	[tilespmem:$0x1FC40] =	vst v2;
	v2 =	vld [tilespmem:$0x18A70];
	_ =	sdelay $0x4  }
0x6a4: {  	[tilespmem:$0x1FBA0] =	vst v2;
	v2 =	vld [tilespmem:$0x18370];
	_ =	sdelay $0x4  }
0x6a5: {  	[tilespmem:$0x1FC50] =	vst v2;
	v2 =	vld [tilespmem:$0x18B70];
	_ =	sdelay $0x4  }
0x6a6: {  	[tilespmem:$0x1FC10] =	vst v2;
	v2 =	vld [tilespmem:$0x18470];
	_ =	sdelay $0x4  }
0x6a7: {  	[tilespmem:$0x1FCA0] =	vst v2;
	v2 =	vld [tilespmem:$0x18C70];
	_ =	sdelay $0x4  }
0x6a8: {  	[tilespmem:$0x1FC60] =	vst v2;
	v2 =	vld [tilespmem:$0x18570];
	_ =	sdelay $0x4  }
0x6a9: {  	[tilespmem:$0x1FCB0] =	vst v2;
	v2 =	vld [tilespmem:$0x18D70];
	_ =	sdelay $0x4  }
0x6aa: {  	[tilespmem:$0x1FCC0] =	vst v2;
	v2 =	vld [tilespmem:$0x18670];
	_ =	sdelay $0x4  }
0x6ab: {  	[tilespmem:$0x1FCF0] =	vst v2;
	v2 =	vld [tilespmem:$0x18E70];
	_ =	sdelay $0x4  }
0x6ac: {  	[tilespmem:$0x1FD10] =	vst v2;
	v2 =	vld [tilespmem:$0x18770];
	_ =	sdelay $0x4  }
0x6ad: {  	[tilespmem:$0x1FD50] =	vst v2;
	v2 =	vld [tilespmem:$0x18F70];
	_ =	sdelay $0x4  }
0x6ae: {  	[tilespmem:$0x1FD80] =	vst v2;
	v2 =	vld [tilespmem:$0x18080];
	_ =	sdelay $0x4  }
0x6af: {  	[tilespmem:$0x1FD20] =	vst v2;
	v2 =	vld [tilespmem:$0x18880];
	_ =	sdelay $0x4  }
0x6b0: {  	[tilespmem:$0x1FC70] =	vst v2;
	v2 =	vld [tilespmem:$0x18180];
	_ =	sdelay $0x4  }
0x6b1: {  	[tilespmem:$0x1FD30] =	vst v2;
	v2 =	vld [tilespmem:$0x18980];
	_ =	sdelay $0x4  }
0x6b2: {  	[tilespmem:$0x1FCD0] =	vst v2;
	v2 =	vld [tilespmem:$0x18280];
	_ =	sdelay $0x4  }
0x6b3: {  	[tilespmem:$0x1FD60] =	vst v2;
	v2 =	vld [tilespmem:$0x18A80];
	_ =	sdelay $0x4  }
0x6b4: {  	[tilespmem:$0x1FD40] =	vst v2;
	v2 =	vld [tilespmem:$0x18380];
	_ =	sdelay $0x4  }
0x6b5: {  	[tilespmem:$0x1FD90] =	vst v2;
	v2 =	vld [tilespmem:$0x18B80];
	_ =	sdelay $0x4  }
0x6b6: {  	[tilespmem:$0x1FDA0] =	vst v2;
	v2 =	vld [tilespmem:$0x18480];
	_ =	sdelay $0x4  }
0x6b7: {  	[tilespmem:$0x1FDB0] =	vst v2;
	v2 =	vld [tilespmem:$0x18C80];
	_ =	sdelay $0x4  }
0x6b8: {  	[tilespmem:$0x1FDD0] =	vst v2;
	v2 =	vld [tilespmem:$0x18580];
	_ =	sdelay $0x4  }
0x6b9: {  	[tilespmem:$0x1FDE0] =	vst v2;
	v2 =	vld [tilespmem:$0x18D80];
	_ =	sdelay $0x4  }
0x6ba: {  	[tilespmem:$0x1FE30] =	vst v2;
	v2 =	vld [tilespmem:$0x18680];
	_ =	sdelay $0x4  }
0x6bb: {  	[tilespmem:$0x1FE40] =	vst v2;
	v2 =	vld [tilespmem:$0x18780];
	_ =	sdelay $0x4  }
0x6bc: {  	[tilespmem:$0x1FE80] =	vst v2;
	v2 =	vld [tilespmem:$0x18F80];
	_ =	sdelay $0x4  }
0x6bd: {  	[tilespmem:$0x1FED0] =	vst v2;
	v2 =	vld [tilespmem:$0x18090];
	_ =	sdelay $0x4  }
0x6be: {  	[tilespmem:$0x1FDF0] =	vst v2;
	v2 =	vld [tilespmem:$0x18890];
	_ =	sdelay $0x4  }
0x6bf: {  	[tilespmem:$0x1FD00] =	vst v2;
	v2 =	vld [tilespmem:$0x18190];
	_ =	sdelay $0x4  }
0x6c0: {  	[tilespmem:$0x1FE00] =	vst v2;
	v2 =	vld [tilespmem:$0x18990];
	_ =	sdelay $0x4  }
0x6c1: {  	[tilespmem:$0x1FD70] =	vst v2;
	v2 =	vld [tilespmem:$0x18290];
	_ =	sdelay $0x4  }
0x6c2: {  	[tilespmem:$0x1FE10] =	vst v2;
	v2 =	vld [tilespmem:$0x18A90];
	_ =	sdelay $0x4  }
0x6c3: {  	[tilespmem:$0x1FDC0] =	vst v2;
	v2 =	vld [tilespmem:$0x18390];
	_ =	sdelay $0x4  }
0x6c4: {  	[tilespmem:$0x1FE50] =	vst v2;
	v2 =	vld [tilespmem:$0x18B90];
	_ =	sdelay $0x4  }
0x6c5: {  	[tilespmem:$0x1FE20] =	vst v2;
	v2 =	vld [tilespmem:$0x18490];
	_ =	sdelay $0x4  }
0x6c6: {  	[tilespmem:$0x1FE60] =	vst v2;
	v2 =	vld [tilespmem:$0x18C90];
	_ =	sdelay $0x4  }
0x6c7: {  	[tilespmem:$0x1FE70] =	vst v2;
	v2 =	vld [tilespmem:$0x18590];
	_ =	sdelay $0x4  }
0x6c8: {  	[tilespmem:$0x1FE90] =	vst v2;
	v2 =	vld [tilespmem:$0x18D90];
	_ =	sdelay $0x4  }
0x6c9: {  	[tilespmem:$0x1FEA0] =	vst v2;
	v2 =	vld [tilespmem:$0x180A0];
	_ =	sdelay $0x4  }
0x6ca: {  	v15 =	vadd.f32 $0.0e+00, v15;
	[tilespmem:$0x1FEB0] =	vst v2;
	v2 =	vld [tilespmem:$0x181A0];
	_ =	sdelay $0x1  }
0x6cb: {  	v15 =	vadd.f32 v19, v15;
	_ =	sdelay $0x1  }
0x6cc: {  	v15 =	vadd.f32 v30, v15;
	v30 =	vld [tilespmem:$0x18E90]  }
0x6cd: {  	[tilespmem:$0x1FEC0] =	vst v2;
	v2 =	vld [tilespmem:$0x182A0];
	_ =	sdelay $0x2  }
0x6ce: {  	v19 =	vld [tilespmem:$0x18690]  }
0x6cf: {  	[tilespmem:$0x1FF00] =	vst v30;
	v30 =	vld [tilespmem:$0x18790]  }
0x6d0: {  	[tilespmem:$0x1FEF0] =	vst v2;
	v2 =	vld [tilespmem:$0x183A0];
	_ =	sdelay $0x2  }
0x6d1: {  	[tilespmem:$0x1FEE0] =	vst v19  }
0x6d2: {  	[tilespmem:$0x1FF20] =	vst v30;
	v30 =	vadd.s32 v36, v26  }
0x6d3: {  	v11 =	vadd.f32 $0.0e+00, v11;
	v19 =	vadd.s32 v33, v30;
	[tilespmem:$0x1FF10] =	vst v2;
	v2 =	vld [tilespmem:$0x1F860]  }
0x6d4: {  	v15 =	vadd.f32 v21, v15;
	v21 =	vadd.s32 v38, v19  }
0x6d5: {  	v11 =	vadd.f32 v13, v11;
	v13 =	vadd.s32 v39, v21  }
0x6d6: {  	v13 =	vadd.s32 v63, v13  }
0x6d7: {  	v15 =	vadd.f32 v31, v15;
	v26 =	vadd.s32 v37, v29;
	v29 =	vadd.s32 v53, v13  }
0x6d8: {  	v53 =	vadd.s32 v2, v29;
	v2 =	vld [tilespmem:$0x1F870]  }
0x6d9: {  	v15 =	vadd.f32 v47, v15;
	_ =	sdelay $0x1  }
0x6da: {  	v31 =	vadd.f32 v40, v15;
	_ =	sdelay $0x1  }
0x6db: {  	v33 =	vadd.s32 v44, v26;
	v44 =	vadd.f32 v2, v31;
	v2 =	vld [tilespmem:$0x184A0];
	_ =	sdelay $0x1  }
0x6dc: {  	v11 =	vadd.f32 v16, v11;
	_ =	sdelay $0x1  }
0x6dd: {  	v11 =	vadd.f32 v22, v11  }
0x6de: {  	[tilespmem:$0x1FF30] =	vst v2;
	v2 =	vld [tilespmem:$0x1F880]  }
0x6df: {  	v11 =	vadd.f32 v35, v11;
	_ =	sdelay $0x1  }
0x6e0: {  	v11 =	vadd.f32 v55, v11;
	_ =	sdelay $0x1  }
0x6e1: {  	v11 =	vadd.f32 v2, v11;
	v2 =	vld [tilespmem:$0x18DA0];
	_ =	sdelay $0x4  }
0x6e2: {  	[tilespmem:$0x1FF60] =	vst v2;
	v2 =	vld [tilespmem:$0x1F8A0];
	_ =	sdelay $0x4  }
0x6e3: {  	v0 =	vadd.f32 $0.0e+00, v0;
	v15 =	vadd.s32 v43, v33;
	v11 =	vadd.f32 v2, v11;
	v2 =	vld [tilespmem:$0x1F8B0]  }
0x6e4: {  	v47 =	vadd.s32 v52, v15  }
0x6e5: {  	v0 =	vadd.f32 v12, v0;
	v12 =	vadd.s32 v51, v47;
	v51 =	vadd.s32 v48, v45  }
0x6e6: {  	v15 =	vadd.s32 v49, v51  }
0x6e7: {  	v12 =	vadd.s32 v62, v12;
	v62 =	vadd.s32 v60, v15  }
0x6e8: {  	v0 =	vadd.f32 v17, v0;
	[tilespmem:$0x1FF90] =	vst v11;
	v11 =	vadd.s32 v2, v62;
	v2 =	vld [tilespmem:$0x1F8C0];
	_ =	sdelay $0x1  }
0x6e9: {  	v0 =	vadd.f32 v25, v0;
	_ =	sdelay $0x1  }
0x6ea: {  	v55 =	vadd.f32 v32, v0;
	v0 =	vld [tilespmem:$0x185A0]  }
0x6eb: {  	v11 =	vadd.s32 v2, v11;
	v2 =	vld [tilespmem:$0x1F8D0];
	_ =	sdelay $0x2  }
0x6ec: {  	v18 =	vld [tilespmem:$0x18830]  }
0x6ed: {  	[tilespmem:$0x1FF50] =	vst v0;
	v0 =	vld [tilespmem:$0x1F890]  }
0x6ee: {  	v11 =	vadd.s32 v2, v11;
	v2 =	vld [tilespmem:$0x1F8E0];
	_ =	sdelay $0x2  }
0x6ef: {  	v52 =	vadd.f32 $0.0e+00, v18;
	v18 =	vadd.f32 v57, v55  }
0x6f0: {  	v21 =	vld [tilespmem:$0x1F900]  }
0x6f1: {  	v0 =	vadd.s32 v0, v12;
	v12 =	vadd.f32 v2, v18;
	v2 =	vld [tilespmem:$0x1F8F0];
	_ =	sdelay $0x4  }
0x6f2: {  	v22 =	vadd.s32 v2, v21;
	v2 =	vld [tilespmem:$0x1F910];
	_ =	sdelay $0x4  }
0x6f3: {  	v16 =	vadd.s32 v2, v22;
	v2 =	vld [tilespmem:$0x18FA0];
	_ =	sdelay $0x4  }
0x6f4: {  	[tilespmem:$0x1FF80] =	vst v2;
	v2 =	vld [tilespmem:$0x1F920];
	_ =	sdelay $0x4  }
0x6f5: {  	v11 =	vadd.s32 v2, v11;
	v2 =	vld [tilespmem:$0x1F930];
	_ =	sdelay $0x3  }
0x6f6: {  	v23 =	vld [tilespmem:$0x18930]  }
0x6f7: {  	v12 =	vadd.f32 v2, v12;
	v2 =	vld [tilespmem:$0x1F940];
	_ =	sdelay $0x4  }
0x6f8: {  	v63 =	vadd.f32 v23, v52;
	v23 =	vadd.s32 v2, v16;
	v2 =	vld [tilespmem:$0x1F950]  }
0x6f9: {  	v34 =	vld [tilespmem:$0x18A30];
	_ =	sdelay $0x1  }
0x6fa: {  	v54 =	vld [tilespmem:$0x18B30];
	_ =	sdelay $0x1  }
0x6fb: {  	[tilespmem:$0x1FFA0] =	vst v12;
	v12 =	vadd.s32 v2, v23;
	v2 =	vld [tilespmem:$0x1F960]  }
0x6fc: {  	v15 =	vadd.f32 v34, v63;
	_ =	sdelay $0x1  }
0x6fd: {  	v15 =	vadd.f32 v54, v15;
	_ =	sdelay $0x1  }
0x6fe: {  	v15 =	vadd.f32 v2, v15;
	v2 =	vld [tilespmem:$0x1F970];
	_ =	sdelay $0x3  }
0x6ff: {  	v58 =	vld [tilespmem:$0x18140]  }
0x700: {  	v12 =	vadd.s32 v2, v12;
	v2 =	vld [tilespmem:$0x1F980];
	_ =	sdelay $0x4  }
0x701: {  	v25 =	vadd.s32 v2, v58;
	v2 =	vld [tilespmem:$0x1F990];
	_ =	sdelay $0x4  }
0x702: {  	v15 =	vadd.f32 v2, v15;
	v2 =	vld [tilespmem:$0x1F9A0];
	_ =	sdelay $0x4  }
0x703: {  	v17 =	vadd.s32 v2, v25;
	v2 =	vld [tilespmem:$0x1F9B0];
	_ =	sdelay $0x4  }
0x704: {  	v12 =	vadd.s32 v2, v12;
	v2 =	vld [tilespmem:$0x1F9C0];
	_ =	sdelay $0x4  }
0x705: {  	v17 =	vadd.s32 v2, v17;
	v2 =	vld [tilespmem:$0x1F9D0];
	_ =	sdelay $0x1  }
0x706: {  	v14 =	vld [tilespmem:$0x18840]  }
0x707: {  	v24 =	vld [tilespmem:$0x18940]  }
0x708: {  	v36 =	vld [tilespmem:$0x18F90]  }
0x709: {  	v15 =	vadd.f32 v2, v15;
	v2 =	vld [tilespmem:$0x1F9E0]  }
0x70a: {  	v42 =	vld [tilespmem:$0x18A40]  }
0x70b: {  	v14 =	vadd.f32 $0.0e+00, v14  }
0x70c: {  	v61 =	vld [tilespmem:$0x18B40]  }
0x70d: {  	v14 =	vadd.f32 v24, v14  }
0x70e: {  	[tilespmem:$0x1FF40] =	vst v36;
	v36 =	vadd.s32 v2, v17;
	v2 =	vld [tilespmem:$0x1F9F0]  }
0x70f: {  	v24 =	vadd.f32 v42, v14;
	_ =	sdelay $0x1  }
0x710: {  	v16 =	vadd.f32 v61, v24;
	_ =	sdelay $0x1  }
0x711: {  	v16 =	vadd.f32 v2, v16;
	v2 =	vld [tilespmem:$0x1FA00];
	_ =	sdelay $0x4  }
0x712: {  	v17 =	vadd.s32 v2, v12;
	v2 =	vld [tilespmem:$0x1FA10];
	_ =	sdelay $0x4  }
0x713: {  	v42 =	vadd.s32 v2, v36;
	v2 =	vld [tilespmem:$0x1FA20];
	_ =	sdelay $0x4  }
0x714: {  	v2 =	vadd.f32 v2, v15  }
0x715: {  	v20 =	vld [tilespmem:$0x18850]  }
0x716: {  	[tilespmem:$0x1FFB0] =	vst v2;
	v2 =	vld [tilespmem:$0x1FA30];
	_ =	sdelay $0x1  }
0x717: {  	v27 =	vld [tilespmem:$0x18950];
	_ =	sdelay $0x1  }
0x718: {  	v50 =	vld [tilespmem:$0x18A50]  }
0x719: {  	v26 =	vadd.f32 $0.0e+00, v20;
	v47 =	vadd.f32 v2, v16;
	v2 =	vld [tilespmem:$0x1FA40];
	_ =	sdelay $0x1  }
0x71a: {  	v18 =	vadd.f32 v27, v26;
	_ =	sdelay $0x1  }
0x71b: {  	v18 =	vadd.f32 v50, v18;
	v50 =	vld [tilespmem:$0x1FA60]  }
0x71c: {  	v12 =	vadd.s32 v2, v42;
	v2 =	vld [tilespmem:$0x1FA50];
	_ =	sdelay $0x4  }
0x71d: {  	v54 =	vadd.s32 v2, v50;
	v2 =	vld [tilespmem:$0x1FA70];
	_ =	sdelay $0x4  }
0x71e: {  	v18 =	vadd.f32 v2, v18;
	v2 =	vld [tilespmem:$0x1FA80];
	_ =	sdelay $0x4  }
0x71f: {  	v57 =	vadd.f32 v2, v47;
	v2 =	vld [tilespmem:$0x1FA90];
	_ =	sdelay $0x4  }
0x720: {  	v15 =	vadd.s32 v2, v12;
	v2 =	vld [tilespmem:$0x1FAA0];
	_ =	sdelay $0x4  }
0x721: {  	v58 =	vadd.s32 v2, v54;
	v2 =	vld [tilespmem:$0x1FAB0];
	_ =	sdelay $0x4  }
0x722: {  	v12 =	vadd.s32 v2, v58;
	v2 =	vld [tilespmem:$0x1FAC0];
	_ =	sdelay $0x4  }
0x723: {  	v60 =	vadd.f32 v2, v18;
	v2 =	vld [tilespmem:$0x1FAD0];
	_ =	sdelay $0x4  }
0x724: {  	v2 =	vadd.f32 v2, v57;
	_ =	sdelay $0x1  }
0x725: {  	[tilespmem:$0x1FFC0] =	vst v2;
	v2 =	vld [tilespmem:$0x1FAE0];
	_ =	sdelay $0x4  }
0x726: {  	v12 =	vadd.s32 v2, v12;
	v2 =	vld [tilespmem:$0x1FAF0];
	_ =	sdelay $0x4  }
0x727: {  	v12 =	vadd.s32 v2, v12;
	v2 =	vld [tilespmem:$0x1FB00]  }
0x728: {  	v41 =	vld [tilespmem:$0x18860];
	_ =	sdelay $0x1  }
0x729: {  	v56 =	vld [tilespmem:$0x18960];
	_ =	sdelay $0x1  }
0x72a: {  	v16 =	vadd.f32 v2, v60;
	v2 =	vld [tilespmem:$0x1FB10]  }
0x72b: {  	v55 =	vadd.f32 $0.0e+00, v41;
	_ =	sdelay $0x1  }
0x72c: {  	v61 =	vadd.f32 v56, v55;
	_ =	sdelay $0x1  }
0x72d: {  	v18 =	vadd.f32 v2, v61;
	v2 =	vld [tilespmem:$0x1FB20];
	_ =	sdelay $0x3  }
0x72e: {  	v63 =	vld [tilespmem:$0x1FB40]  }
0x72f: {  	v12 =	vadd.s32 v2, v12;
	v2 =	vld [tilespmem:$0x1FB30];
	_ =	sdelay $0x4  }
0x730: {  	v14 =	vadd.s32 v2, v63;
	v2 =	vld [tilespmem:$0x1FB50];
	_ =	sdelay $0x4  }
0x731: {  	v16 =	vadd.f32 v2, v16;
	v2 =	vld [tilespmem:$0x1FB60];
	_ =	sdelay $0x4  }
0x732: {  	v21 =	vadd.s32 v2, v14;
	v2 =	vld [tilespmem:$0x1FB70];
	_ =	sdelay $0x4  }
0x733: {  	v24 =	vadd.f32 v2, v18;
	v2 =	vld [tilespmem:$0x1FB80];
	_ =	sdelay $0x4  }
0x734: {  	v18 =	vadd.s32 v2, v12;
	v2 =	vld [tilespmem:$0x1FB90]  }
0x735: {  	v28 =	vld [tilespmem:$0x18870];
	_ =	sdelay $0x1  }
0x736: {  	v46 =	vld [tilespmem:$0x18970];
	_ =	sdelay $0x1  }
0x737: {  	v25 =	vadd.s32 v2, v21;
	v2 =	vld [tilespmem:$0x1FBA0]  }
0x738: {  	v62 =	vadd.f32 $0.0e+00, v28;
	_ =	sdelay $0x1  }
0x739: {  	v20 =	vadd.f32 v46, v62;
	_ =	sdelay $0x1  }
0x73a: {  	v20 =	vadd.f32 v2, v20;
	v2 =	vld [tilespmem:$0x1FBB0];
	_ =	sdelay $0x4  }
0x73b: {  	v2 =	vadd.f32 v2, v16;
	_ =	sdelay $0x1  }
0x73c: {  	[tilespmem:$0x1FFD0] =	vst v2;
	v2 =	vld [tilespmem:$0x1FBC0];
	_ =	sdelay $0x4  }
0x73d: {  	v12 =	vadd.s32 v2, v25;
	v2 =	vld [tilespmem:$0x1FBD0];
	_ =	sdelay $0x4  }
0x73e: {  	v26 =	vadd.f32 v2, v24;
	v2 =	vld [tilespmem:$0x1FBE0];
	_ =	sdelay $0x3  }
0x73f: {  	v27 =	vld [tilespmem:$0x1FC00]  }
0x740: {  	v12 =	vadd.s32 v2, v12;
	v2 =	vld [tilespmem:$0x1FBF0];
	_ =	sdelay $0x4  }
0x741: {  	v28 =	vadd.s32 v2, v27;
	v2 =	vld [tilespmem:$0x1FC10];
	_ =	sdelay $0x4  }
0x742: {  	v20 =	vadd.f32 v2, v20;
	v2 =	vld [tilespmem:$0x1FC20];
	_ =	sdelay $0x4  }
0x743: {  	v16 =	vadd.f32 v2, v26;
	v2 =	vld [tilespmem:$0x1FC30];
	_ =	sdelay $0x4  }
0x744: {  	v12 =	vadd.s32 v2, v12;
	v2 =	vld [tilespmem:$0x1FC40];
	_ =	sdelay $0x4  }
0x745: {  	v21 =	vadd.s32 v2, v28;
	v2 =	vld [tilespmem:$0x1FC50];
	_ =	sdelay $0x4  }
0x746: {  	v21 =	vadd.s32 v2, v21;
	v2 =	vld [tilespmem:$0x1FC60];
	_ =	sdelay $0x4  }
0x747: {  	v20 =	vadd.f32 v2, v20;
	v2 =	vld [tilespmem:$0x1FC70];
	_ =	sdelay $0x4  }
0x748: {  	v54 =	vadd.f32 $0.0e+00, v2;
	v2 =	vld [tilespmem:$0x1FCA0];
	_ =	sdelay $0x3  }
0x749: {  	v56 =	vld [tilespmem:$0x1FC90]  }
0x74a: {  	v57 =	vadd.s32 v2, v21;
	v2 =	vld [tilespmem:$0x1FCB0];
	_ =	sdelay $0x4  }
0x74b: {  	v23 =	vadd.s32 v56, v12;
	v12 =	vadd.s32 v2, v57;
	v2 =	vld [tilespmem:$0x1FCC0];
	_ =	sdelay $0x2  }
0x74c: {  	v55 =	vld [tilespmem:$0x1FC80]  }
0x74d: {  	v28 =	vld [tilespmem:$0x1FCE0]  }
0x74e: {  	v20 =	vadd.f32 v2, v20;
	v2 =	vld [tilespmem:$0x1FCD0];
	_ =	sdelay $0x2  }
0x74f: {  	v16 =	vadd.f32 v55, v16;
	_ =	sdelay $0x1  }
0x750: {  	v58 =	vadd.f32 v2, v54;
	v2 =	vadd.f32 v28, v16;
	_ =	sdelay $0x1  }
0x751: {  	[tilespmem:$0x1FFE0] =	vst v2;
	v2 =	vld [tilespmem:$0x1FCF0];
	_ =	sdelay $0x4  }
0x752: {  	v12 =	vadd.s32 v2, v12;
	v2 =	vld [tilespmem:$0x1FD00];
	_ =	sdelay $0x4  }
0x753: {  	v54 =	vadd.f32 $0.0e+00, v2;
	v2 =	vld [tilespmem:$0x1FD10];
	_ =	sdelay $0x3  }
0x754: {  	v55 =	vld [tilespmem:$0x1FD30]  }
0x755: {  	v20 =	vadd.f32 v2, v20;
	v2 =	vld [tilespmem:$0x1FD20];
	_ =	sdelay $0x4  }
0x756: {  	v56 =	vadd.s32 v2, v55;
	v2 =	vld [tilespmem:$0x1FD40];
	_ =	sdelay $0x4  }
0x757: {  	v57 =	vadd.f32 v2, v58;
	v2 =	vld [tilespmem:$0x1FD50];
	_ =	sdelay $0x4  }
0x758: {  	v21 =	vadd.s32 v2, v12;
	v2 =	vld [tilespmem:$0x1FD60];
	_ =	sdelay $0x3  }
0x759: {  	v58 =	vld [tilespmem:$0x1FD80]  }
0x75a: {  	v28 =	vadd.s32 v2, v56;
	v2 =	vld [tilespmem:$0x1FD70];
	_ =	sdelay $0x4  }
0x75b: {  	v24 =	vadd.f32 v2, v54;
	v2 =	vadd.f32 v58, v20;
	_ =	sdelay $0x1  }
0x75c: {  	[tilespmem:$0x1FFF0] =	vst v2;
	v2 =	vld [tilespmem:$0x1FD90];
	_ =	sdelay $0x4  }
0x75d: {  	v14 =	vadd.s32 v2, v28;
	v2 =	vld [tilespmem:$0x1FDA0];
	_ =	sdelay $0x4  }
0x75e: {  	v27 =	vadd.f32 v2, v57;
	v2 =	vld [tilespmem:$0x1FDB0];
	_ =	sdelay $0x4  }
0x75f: {  	v20 =	vadd.s32 v2, v14;
	v2 =	vld [tilespmem:$0x1FDC0];
	_ =	sdelay $0x3  }
0x760: {  	v58 =	vld [tilespmem:$0x1FE00]  }
0x761: {  	v24 =	vadd.f32 v2, v24;
	v2 =	vld [tilespmem:$0x1FDF0];
	_ =	sdelay $0x4  }
0x762: {  	v13 =	vadd.s32 v2, v58;
	v2 =	vld [tilespmem:$0x1FE10];
	_ =	sdelay $0x4  }
0x763: {  	v28 =	vadd.s32 v2, v13;
	v2 =	vld [tilespmem:$0x1FE20];
	_ =	sdelay $0x4  }
0x764: {  	v24 =	vadd.f32 v2, v24;
	v2 =	vld [tilespmem:$0x1FE50]  }
0x765: {  	v59 =	vld [tilespmem:$0x18E80]  }
0x766: {  	v40 =	vld [tilespmem:$0x18BA0]  }
0x767: {  	v35 =	vld [tilespmem:$0x181B0]  }
0x768: {  	v56 =	vld [tilespmem:$0x1FDD0]  }
0x769: {  	v28 =	vadd.s32 v2, v28;
	v2 =	vld [tilespmem:$0x1FE60]  }
0x76a: {  	v37 =	vld [tilespmem:$0x182B0]  }
0x76b: {  	v30 =	vld [tilespmem:$0x189A0]  }
0x76c: {  	v19 =	vld [tilespmem:$0x188A0]  }
0x76d: {  	v27 =	vadd.f32 v56, v27;
	v56 =	vld [tilespmem:$0x1FE30]  }
0x76e: {  	v28 =	vadd.s32 v2, v28;
	v2 =	vld [tilespmem:$0x1FE70]  }
0x76f: {  	v43 =	vld [tilespmem:$0x187A0]  }
0x770: {  	v38 =	vld [tilespmem:$0x180B0]  }
0x771: {  	v33 =	vld [tilespmem:$0x184B0]  }
0x772: {  	v32 =	vld [tilespmem:$0x18EB0]  }
0x773: {  	v27 =	vadd.f32 v56, v27;
	v56 =	vadd.f32 v2, v24;
	v2 =	vld [tilespmem:$0x1FE90]  }
0x774: {  	v39 =	vld [tilespmem:$0x18AA0]  }
0x775: {  	v57 =	vld [tilespmem:$0x1FDE0]  }
0x776: {  	v45 =	vld [tilespmem:$0x18CA0]  }
0x777: {  	v48 =	vld [tilespmem:$0x186A0]  }
0x778: {  	v28 =	vadd.s32 v2, v28;
	v2 =	vld [tilespmem:$0x1FEA0]  }
0x779: {  	v41 =	vld [tilespmem:$0x185B0]  }
0x77a: {  	v20 =	vadd.s32 v57, v20;
	v57 =	vld [tilespmem:$0x1FE40]  }
0x77b: {  	v27 =	vadd.f32 v59, v27;
	v59 =	vld [tilespmem:$0x1FEC0]  }
0x77c: {  	v58 =	vld [tilespmem:$0x1FE80]  }
0x77d: {  	v56 =	vadd.f32 v2, v56;
	v2 =	vld [tilespmem:$0x1FEB0]  }
0x77e: {  	v52 =	vld [tilespmem:$0x188B0]  }
0x77f: {  	v51 =	vld [tilespmem:$0x18BB0]  }
0x780: {  	v49 =	vld [tilespmem:$0x186B0]  }
0x781: {  	v34 =	vld [tilespmem:$0x183B0];
	v19 =	vadd.f32 $0.0e+00, v19;
	v20 =	vadd.s32 v57, v20  }
0x782: {  	v24 =	vadd.s32 v58, v20;
	v20 =	vadd.s32 v2, v59;
	v2 =	vld [tilespmem:$0x1FED0]  }
0x783: {  	v35 =	vadd.s32 v38, v35;
	v38 =	vld [tilespmem:$0x184D0];
	v19 =	vadd.f32 v30, v19  }
0x784: {  	v35 =	vadd.s32 v37, v35;
	v37 =	vld [tilespmem:$0x185D0]  }
0x785: {  	v19 =	vadd.f32 v39, v19;
	v31 =	vld [tilespmem:$0x189B0]  }
0x786: {  	v29 =	vld [tilespmem:$0x18AB0]  }
0x787: {  	v19 =	vadd.f32 v40, v19;
	v40 =	vadd.f32 v2, v27;
	v2 =	vld [tilespmem:$0x1FEE0]  }
0x788: {  	v30 =	vld [tilespmem:$0x186C0];
	v52 =	vadd.f32 $0.0e+00, v52  }
0x789: {  	v39 =	vld [tilespmem:$0x18FC0]  }
0x78a: {  	[tilespmem:$0x1FF70] =	vst v44;
	v44 =	vld [tilespmem:$0x18EA0];
	v31 =	vadd.f32 v31, v52  }
0x78b: {  	v52 =	vld [tilespmem:$0x18AD0]  }
0x78c: {  	v29 =	vadd.f32 v29, v31;
	v27 =	vadd.s32 v2, v28;
	v2 =	vld [tilespmem:$0x1FEF0]  }
0x78d: {  	v31 =	vld [tilespmem:$0x18BD0]  }
0x78e: {  	v29 =	vadd.f32 v51, v29;
	v51 =	vadd.s32 v34, v35;
	v35 =	vld [tilespmem:$0x18DD0]  }
0x78f: {  	v34 =	vld [tilespmem:$0x180E0]  }
0x790: {  	v50 =	vld [tilespmem:$0x18CB0]  }
0x791: {  	v20 =	vadd.s32 v2, v20;
	v2 =	vld [tilespmem:$0x1FF00]  }
0x792: {  	v46 =	vld [tilespmem:$0x180C0]  }
0x793: {  	v47 =	vld [tilespmem:$0x18DB0]  }
0x794: {  	v62 =	vld [tilespmem:$0x18AC0]  }
0x795: {  	v22 =	vld [tilespmem:$0x183C0]  }
0x796: {  	v29 =	vadd.f32 v50, v29;
	v28 =	vadd.f32 v2, v56;
	v2 =	vld [tilespmem:$0x1FF10]  }
0x797: {  	v36 =	vld [tilespmem:$0x18FB0]  }
0x798: {  	v42 =	vld [tilespmem:$0x187B0];
	v29 =	vadd.f32 v47, v29  }
0x799: {  	v50 =	vld [tilespmem:$0x1FF90]  }
0x79a: {  	v29 =	vadd.f32 v32, v29;
	v32 =	vld [tilespmem:$0x18FD0]  }
0x79b: {  	v20 =	vadd.s32 v2, v20;
	v2 =	vld [tilespmem:$0x1FF20]  }
0x79c: {  	v29 =	vadd.f32 v36, v29;
	v36 =	vld [tilespmem:$0x185E0]  }
0x79d: {  	v25 =	vld [tilespmem:$0x181C0]  }
0x79e: {  	v26 =	vld [tilespmem:$0x182C0]  }
0x79f: {  	v60 =	vld [tilespmem:$0x188C0]  }
0x7a0: {  	v45 =	vadd.f32 v45, v19;
	v19 =	vadd.s32 v2, v27;
	v2 =	vld [tilespmem:$0x1FF30]  }
0x7a1: {  	v61 =	vld [tilespmem:$0x189C0]  }
0x7a2: {  	v63 =	vld [tilespmem:$0x18BC0];
	v25 =	vadd.s32 v46, v25  }
0x7a3: {  	v25 =	vadd.s32 v26, v25;
	v26 =	vld [tilespmem:$0x189E0]  }
0x7a4: {  	v16 =	vld [tilespmem:$0x184C0]  }
0x7a5: {  	v46 =	vand.u32 $0xFFFF, v18;
	v20 =	vadd.s32 v2, v20;
	v2 =	vld [tilespmem:$0x1FF40]  }
0x7a6: {  	[tilespmem:$0x1A080] =	vst v50;
	v50 =	vcvt.s32.f32 v46;
	v46 =	vld [tilespmem:$0x1FFE0]  }
0x7a7: {  	v58 =	vld [tilespmem:$0x188D0]  }
0x7a8: {  	v55 =	vld [tilespmem:$0x18CC0]  }
0x7a9: {  	v12 =	vld [tilespmem:$0x187C0]  }
0x7aa: {  	v27 =	vadd.f32 v2, v28;
	v2 =	vld [tilespmem:$0x1FF50]  }
0x7ab: {  	v54 =	vld [tilespmem:$0x18DC0]  }
0x7ac: {  	v47 =	vadd.f32 $0.0e+00, v58;
	v58 =	vld [tilespmem:$0x1FFD0]  }
0x7ad: {  	v14 =	vld [tilespmem:$0x185C0]  }
0x7ae: {  	v57 =	vld [tilespmem:$0x180D0]  }
0x7af: {  	v20 =	vadd.s32 v2, v20;
	v2 =	vld [tilespmem:$0x1FF60]  }
0x7b0: {  	v13 =	vld [tilespmem:$0x18EC0]  }
0x7b1: {  	[tilespmem:$0x1A280] =	vst v58;
	v58 =	vld [tilespmem:$0x181F0];
	v20 =	vadd.s32 v48, v20;
	v48 =	vshra.s32 v53, $0x10;
	v53 =	vand.u32 $0xFFFF, v53  }
0x7b2: {  	v59 =	vld [tilespmem:$0x189D0];
	v53 =	vcvt.s32.f32 v53  }
0x7b3: {  	v56 =	vld [tilespmem:$0x181D0];
	v48 =	vcvt.s32.f32 v48  }
0x7b4: {  	[tilespmem:$0x19800] =	vst v53;
	v53 =	vshra.s32 v11, $0x10;
	v28 =	vadd.f32 v2, v45;
	v45 =	vld [tilespmem:$0x182D0]  }
0x7b5: {  	[tilespmem:$0x19000] =	vst v48;
	v48 =	vshra.s32 v0, $0x10;
	v0 =	vand.u32 $0xFFFF, v0;
	v2 =	vld [tilespmem:$0x183D0];
	v53 =	vcvt.s32.f32 v53  }
0x7b6: {  	v44 =	vadd.f32 v44, v28;
	v28 =	vadd.s32 v43, v20;
	v20 =	vcvt.s32.f32 v48;
	v48 =	vld [tilespmem:$0x18CD0]  }
0x7b7: {  	v43 =	vcvt.s32.f32 v0;
	v0 =	vld [tilespmem:$0x1FF70]  }
0x7b8: {  	v60 =	vadd.f32 $0.0e+00, v60;
	[tilespmem:$0x19100] =	vst v53;
	v53 =	vld [tilespmem:$0x1FFA0]  }
0x7b9: {  	v11 =	vand.u32 $0xFFFF, v11;
	[tilespmem:$0x19880] =	vst v43;
	v43 =	vld [tilespmem:$0x186D0]  }
0x7ba: {  	v11 =	vcvt.s32.f32 v11;
	[tilespmem:$0x19080] =	vst v20;
	v20 =	vadd.s32 v33, v51;
	v33 =	vadd.f32 v61, v60;
	v61 =	vld [tilespmem:$0x1FFB0]  }
0x7bb: {  	[tilespmem:$0x1A580] =	vst v29;
	v20 =	vadd.s32 v41, v20;
	v41 =	vld [tilespmem:$0x18ED0]  }
0x7bc: {  	[tilespmem:$0x19900] =	vst v11;
	v51 =	vshra.s32 v17, $0x10;
	v33 =	vadd.f32 v62, v33;
	v62 =	vshra.s32 v18, $0x10;
	v18 =	vld [tilespmem:$0x18AE0]  }
0x7bd: {  	v17 =	vand.u32 $0xFFFF, v17;
	v11 =	vcvt.s32.f32 v51;
	v20 =	vadd.s32 v49, v20;
	v49 =	vld [tilespmem:$0x1FFC0];
	[tilespmem:$0x1A000] =	vst v0  }
0x7be: {  	v17 =	vcvt.s32.f32 v17;
	v0 =	vld [tilespmem:$0x1FF80];
	[tilespmem:$0x1A100] =	vst v53;
	v20 =	vadd.s32 v42, v20  }
0x7bf: {  	[tilespmem:$0x19180] =	vst v11;
	v11 =	vshra.s32 v15, $0x10;
	v15 =	vand.u32 $0xFFFF, v15;
	v42 =	vld [tilespmem:$0x188E0];
	v53 =	vshra.s32 v23, $0x10  }
0x7c0: {  	[tilespmem:$0x19980] =	vst v17;
	v11 =	vcvt.s32.f32 v11;
	v15 =	vcvt.s32.f32 v15;
	v60 =	vadd.f32 v63, v33;
	v33 =	vld [tilespmem:$0x181E0]  }
0x7c1: {  	v63 =	vcvt.s32.f32 v62;
	[tilespmem:$0x1A180] =	vst v61;
	v61 =	vadd.s32 v57, v56;
	v56 =	vld [tilespmem:$0x188F0];
	v57 =	vand.u32 $0xFFFF, v19  }
0x7c2: {  	[tilespmem:$0x19200] =	vst v11;
	v11 =	vadd.s32 v22, v25;
	v17 =	vadd.f32 v55, v60;
	v25 =	vld [tilespmem:$0x182E0];
	v55 =	vand.u32 $0xFFFF, v23  }
0x7c3: {  	[tilespmem:$0x19A00] =	vst v15;
	v15 =	vld [tilespmem:$0x184E0];
	v60 =	vshra.s32 v21, $0x10;
	v21 =	vand.u32 $0xFFFF, v21;
	v23 =	vadd.s32 v45, v61  }
0x7c4: {  	[tilespmem:$0x19A80] =	vst v50;
	v22 =	vld [tilespmem:$0x18CE0];
	v11 =	vadd.s32 v16, v11;
	v16 =	vadd.f32 v59, v47;
	v59 =	vcvt.s32.f32 v55  }
0x7c5: {  	[tilespmem:$0x19280] =	vst v63;
	v61 =	vld [tilespmem:$0x182F0];
	v62 =	vcvt.s32.f32 v60;
	v63 =	vcvt.s32.f32 v21;
	v47 =	vshra.s32 v24, $0x10  }
0x7c6: {  	[tilespmem:$0x1A300] =	vst v46;
	v45 =	vld [tilespmem:$0x184F0];
	v2 =	vadd.s32 v2, v23;
	v55 =	vshra.s32 v19, $0x10;
	v60 =	vshra.s32 v28, $0x10  }
0x7c7: {  	[tilespmem:$0x1A400] =	vst v40;
	v21 =	vld [tilespmem:$0x18DE0];
	v28 =	vand.u32 $0xFFFF, v28;
	v0 =	vadd.f32 v0, v44;
	v11 =	vadd.s32 v14, v11  }
0x7c8: {  	[tilespmem:$0x1A200] =	vst v49;
	v49 =	vld [tilespmem:$0x186E0];
	v51 =	vadd.f32 v54, v17;
	v54 =	vcvt.s32.f32 v53;
	v50 =	vcvt.s32.f32 v47  }
0x7c9: {  	[tilespmem:$0x1A480] =	vst v27;
	v23 =	vld [tilespmem:$0x18EE0];
	v2 =	vadd.s32 v38, v2;
	v11 =	vadd.s32 v30, v11;
	v16 =	vadd.f32 v52, v16  }
0x7ca: {  	v44 =	vld [tilespmem:$0x187D0];
	[tilespmem:$0x19B00] =	vst v59;
	v52 =	vadd.f32 $0.0e+00, v42;
	v2 =	vadd.s32 v37, v2;
	v33 =	vadd.s32 v34, v33  }
0x7cb: {  	v17 =	vld [tilespmem:$0x183E0];
	[tilespmem:$0x19380] =	vst v62;
	v62 =	vcvt.s32.f32 v28;
	v37 =	vshra.s32 v20, $0x10;
	v13 =	vadd.f32 v13, v51  }
0x7cc: {  	v53 =	vld [tilespmem:$0x1FFF0];
	[tilespmem:$0x19B80] =	vst v63;
	v11 =	vadd.s32 v12, v11;
	v51 =	vand.u32 $0xFFFF, v24;
	v2 =	vadd.s32 v43, v2  }
0x7cd: {  	v30 =	vld [tilespmem:$0x18BE0];
	[tilespmem:$0x19300] =	vst v54;
	v12 =	vcvt.s32.f32 v55;
	v43 =	vand.u32 $0xFFFF, v20;
	v16 =	vadd.f32 v31, v16  }
0x7ce: {  	v59 =	vld [tilespmem:$0x189F0];
	[tilespmem:$0x19400] =	vst v50;
	v14 =	vcvt.s32.f32 v51;
	v24 =	vadd.f32 v26, v52;
	v25 =	vadd.s32 v25, v33  }
0x7cf: {  	v54 =	vld [tilespmem:$0x180F0];
	v46 =	vcvt.s32.f32 v43;
	v13 =	vadd.f32 v39, v13;
	[tilespmem:$0x19480] =	vst v12;
	v12 =	vcvt.s32.f32 v60  }
0x7d0: {  	v38 =	vld [tilespmem:$0x183F0];
	v16 =	vadd.f32 v48, v16;
	[tilespmem:$0x19C00] =	vst v14;
	v2 =	vadd.s32 v44, v2;
	v14 =	vcvt.s32.f32 v57  }
0x7d1: {  	v63 =	vld [tilespmem:$0x18AF0];
	[tilespmem:$0x1A500] =	vst v0;
	v18 =	vadd.f32 v18, v24;
	v40 =	vadd.s32 v17, v25;
	v44 =	vadd.f32 $0.0e+00, v56  }
0x7d2: {  	v42 =	vld [tilespmem:$0x18BF0];
	[tilespmem:$0x19500] =	vst v12;
	v12 =	vadd.s32 v15, v40;
	v56 =	vshra.s32 v2, $0x10;
	v2 =	vand.u32 $0xFFFF, v2  }
0x7d3: {  	v31 =	vld [tilespmem:$0x187E0];
	[tilespmem:$0x19D00] =	vst v62;
	v16 =	vadd.f32 v35, v16;
	v18 =	vadd.f32 v30, v18;
	v0 =	vadd.s32 v36, v12  }
0x7d4: {  	v50 =	vld [tilespmem:$0x185F0];
	[tilespmem:$0x1A380] =	vst v53;
	v15 =	vadd.f32 v59, v44;
	v52 =	vadd.s32 v54, v58;
	v2 =	vcvt.s32.f32 v2  }
0x7d5: {  	v48 =	vld [tilespmem:$0x18CF0];
	[tilespmem:$0x19D80] =	vst v46;
	v0 =	vadd.s32 v49, v0;
	v49 =	vshra.s32 v11, $0x10;
	v11 =	vand.u32 $0xFFFF, v11  }
0x7d6: {  	v53 =	vld [tilespmem:$0x18DF0];
	[tilespmem:$0x1A600] =	vst v13;
	v17 =	vadd.s32 v61, v52;
	v16 =	vadd.f32 v41, v16;
	v41 =	vcvt.s32.f32 v37  }
0x7d7: {  	[tilespmem:$0x19C80] =	vst v14;
	v54 =	vld [tilespmem:$0x186F0];
	v18 =	vadd.f32 v22, v18;
	v11 =	vcvt.s32.f32 v11;
	v15 =	vadd.f32 v63, v15  }
0x7d8: {  	v57 =	vld [tilespmem:$0x187F0];
	v51 =	vcvt.s32.f32 v49;
	v17 =	vadd.s32 v38, v17;
	v0 =	vadd.s32 v31, v0;
	[tilespmem:$0x19E80] =	vst v2  }
0x7d9: {  	v59 =	vld [tilespmem:$0x18FE0];
	v60 =	vadd.s32 v45, v17;
	[tilespmem:$0x19E00] =	vst v11;
	v11 =	vcvt.s32.f32 v56;
	v58 =	vadd.f32 v42, v15  }
0x7da: {  	v61 =	vld [tilespmem:$0x18EF0];
	v62 =	vshra.s32 v0, $0x10;
	v0 =	vand.u32 $0xFFFF, v0;
	v47 =	vadd.f32 v21, v18;
	[tilespmem:$0x19580] =	vst v41  }
0x7db: {  	v16 =	vadd.f32 v32, v16;
	v13 =	vadd.s32 v50, v60;
	[tilespmem:$0x19680] =	vst v11;
	v11 =	vadd.f32 v48, v58  }
0x7dc: {  	v63 =	vld [tilespmem:$0x18FF0];
	[tilespmem:$0x19600] =	vst v51;
	v2 =	vcvt.s32.f32 v62;
	v13 =	vadd.s32 v54, v13;
	v55 =	vadd.f32 v23, v47  }
0x7dd: {  	v0 =	vcvt.s32.f32 v0;
	[tilespmem:$0x1A680] =	vst v16;
	v13 =	vadd.s32 v57, v13;
	v11 =	vadd.f32 v53, v11  }
0x7de: {  	[tilespmem:$0x19700] =	vst v2;
	v2 =	vshra.s32 v13, $0x10;
	v12 =	vadd.f32 v59, v55  }
0x7df: {  	[tilespmem:$0x19F00] =	vst v0;
	v2 =	vcvt.s32.f32 v2;
	v0 =	vadd.f32 v61, v11;
	v11 =	vand.u32 $0xFFFF, v13  }
0x7e0: {  	[tilespmem:$0x1A700] =	vst v12;
	v11 =	vcvt.s32.f32 v11  }
0x7e1: {  	s24 =	sadd.s32 $0x1, s24;
	[tilespmem:$0x19780] =	vst v2;
	v0 =	vadd.f32 v63, v0  }
0x7e2: {  	p0 =	sne.s32 s24, s12;
	[tilespmem:$0x19F80] =	vst v11  }
.Ltmp3:
0x7e3: {  	[tilespmem:$0x1A780] =	vst v0;
	(pc) =	sbr.rel @p0 .LBB2_1-.Ltmp3, $4  }
0x7e4: {  	[hbm4b:s11+s5] =	stream.linear.scatter [tilespmem:s22], [sflag:$0x3], $0x1800, $0x38;
	[tilespmem:$0x1A800] =	vst v63  }
0x7e5: {  	_ =	swait.ge [sflag:s23], $0x1800  }
0x7e6: {  	[sflag:s23] =	ssyncset.done $0x0  }
0x7e7: {  	[sflag:s23] =	ssyncadd.s32 $0xFFFFE800  }
0x7e8: {  	_ =	sfence.sel $0x180000  }
0x7e9: {  	[bflag:$0x0] =	sbarrier.arrive $0xFFFF  }
0x7ea: {  	p0 =	sne.s32 s0, $0x0;
	_ =	strace $0x90000047  }
0x7eb: {  	s0 =	sadd.s32 @!p0 $0x100000, s3;
	[bflag:$0x2] =	sbarrier.arrive $0xFFFF  }
0x7ec: {  	[sflag:s0] =	ssyncadd.tile.s32 @!p0 $0x1;
	_ =	shalt  }
.Lfunc_end2:
_tile_overlayer_lowered:
.L_overlay_start_2:
0x7ed: {  	(tag) =	ssettag $0x2  }
0x7ee: {  	s0 =	rddreg [dreg:$0x0];
	s2 =	stileid.u32  }
0x7ef: {  	s1 =	rddreg [dreg:$0x1];
	p0 =	sne.s32 s2, $0x0  }
0x7f0: {  	s3 =	rddreg [dreg:$0x2];
	[bflag:$0x3] =	sbarrier.arrive $0xFFFF;
	s2 =	simm.s32 @!p0 $0x1C03  }
0x7f1: {  	[timem:s3], [sflag:s2] =	dma.local @!p0 [hbm:s0], s1  }
0x7f2: {  	s0 =	simm.s32 @!p0 $0x3  }
0x7f3: {  	_ =	swait.ge @!p0 [sflag:s0], s1  }
0x7f4: {  	s1 =	ssub.s32 @!p0 $0x0, s1;
	[sflag:s0] =	ssyncset.done @!p0 $0x0  }
0x7f5: {  	[sflag:s0] =	ssyncadd.s32 @!p0 s1  }
0x7f6: {  	[bflag:$0x3] =	sbarrier.arrive $0xFFFF  }
0x7f7: {  	_ =	shalt  }

</sc_bundles>
